<compile_context>
chip_gen: v7x
topology: tpu7x:2x2x1
jax: 0.10.2.dev20260603
libtpu: 0.0.44.dev20260713+nightly
codegen_flags: <defaults>
</compile_context>

<pallas_src>
import jax
import jax.numpy as jnp
from jax import lax
from jax.experimental import pallas as pl
from jax.experimental.pallas import tpu as pltpu
from jax.experimental.pallas import tpu_sc as plsc

B, T, U, H = 4, 512, 64, 256
NC, NS = 2, 16
NW = NC * NS
ROWS_PER_W = (B * T) // NW
WORKERS_PER_B = T // ROWS_PER_W
L = 16
HC = H // L


def _body(f_hbm, g_hbm, lens_hbm, out_hbm, g_v, f_v, buf0, buf1, lens_v,
          sem0, sem1):
    w = lax.axis_index("s") * NC + lax.axis_index("c")
    b = w // WORKERS_PER_B
    t0 = (w % WORKERS_PER_B) * ROWS_PER_W

    pltpu.sync_copy(lens_hbm.at[w], lens_v)
    pltpu.sync_copy(g_hbm.at[b], g_v)
    pltpu.sync_copy(f_hbm.at[b, pl.ds(t0, ROWS_PER_W)], f_v)

    lv = lens_v[...]
    nt = lv[0]
    glen = lv[1]

    zero = jnp.zeros((L,), jnp.float32)

    def zrow(u, c):
        for r in range(2):
            for j in range(HC):
                buf0[r, u, pl.ds(j * L, L)] = zero
                buf1[r, u, pl.ds(j * L, L)] = zero
        return c

    lax.fori_loop(0, U, zrow, 0)

    def fill(bufk, r, t):
        @pl.when(t < nt)
        def _():
            fc = [f_v[t, pl.ds(j * L, L)] for j in range(HC)]

            def urow(u, c):
                for j in range(HC):
                    bufk[r, u, pl.ds(j * L, L)] = (
                        fc[j] + g_v[u, pl.ds(j * L, L)]
                    )
                return c

            lax.fori_loop(0, glen, urow, 0)

        @pl.when(t >= nt)
        def _():
            def uzero(u, c):
                for j in range(HC):
                    bufk[r, u, pl.ds(j * L, L)] = zero
                return c

            lax.fori_loop(0, glen, uzero, 0)

    def tquad(i, c):
        t = 4 * i

        @pl.when(i >= 1)
        def _():
            pltpu.make_async_copy(buf0, out_hbm.at[b, pl.ds(0, 2)],
                                  sem0).wait()

        fill(buf0, 0, t)
        fill(buf0, 1, t + 1)
        pltpu.async_copy(buf0, out_hbm.at[b, pl.ds(t0 + t, 2)], sem0)

        @pl.when(i >= 1)
        def _():
            pltpu.make_async_copy(buf1, out_hbm.at[b, pl.ds(0, 2)],
                                  sem1).wait()

        fill(buf1, 0, t + 2)
        fill(buf1, 1, t + 3)
        pltpu.async_copy(buf1, out_hbm.at[b, pl.ds(t0 + t + 2, 2)], sem1)
        return c

    lax.fori_loop(0, ROWS_PER_W // 4, tquad, 0)
    pltpu.make_async_copy(buf0, out_hbm.at[b, pl.ds(0, 2)], sem0).wait()
    pltpu.make_async_copy(buf1, out_hbm.at[b, pl.ds(0, 2)], sem1).wait()


def kernel(f, g, f_len, g_len):
    wids = jnp.arange(NW, dtype=jnp.int32)
    wb = wids // WORKERS_PER_B
    wt0 = (wids % WORKERS_PER_B) * ROWS_PER_W
    nt = jnp.clip(f_len.astype(jnp.int32)[wb] - wt0, 0, ROWS_PER_W)
    gl = g_len.astype(jnp.int32)[wb]
    lens = jnp.zeros((NW, 16), jnp.int32).at[:, 0].set(nt).at[:, 1].set(gl)
    mesh = plsc.VectorSubcoreMesh(
        core_axis_name="c", subcore_axis_name="s", num_cores=NC, num_subcores=NS
    )
    return pl.kernel(
        _body,
        out_type=jax.ShapeDtypeStruct((B, T, U, H), jnp.float32),
        mesh=mesh,
        scratch_types=[
            pltpu.VMEM((U, H), jnp.float32),
            pltpu.VMEM((ROWS_PER_W, H), jnp.float32),
            pltpu.VMEM((2, U, H), jnp.float32),
            pltpu.VMEM((2, U, H), jnp.float32),
            pltpu.VMEM((16,), jnp.int32),
            pltpu.SemaphoreType.DMA,
            pltpu.SemaphoreType.DMA,
        ],
    )(f, g, lens)

# --- scband reference (transcript-rebuilt; emitter-appended) ---
"""Pipeline reference for scband-transducer-joint-66915590472509 (READ-ONLY COPY).

The authoritative reference and input builder live on the scoring server;
editing this copy changes nothing except your own understanding.
"""

import jax, jax.numpy as jnp
import numpy as np

B, T, U, H = 4, 512, 64, 256

def setup_inputs(seed: int = 0) -> dict:
    key = jax.random.key(seed)
    k1, k2, k3, k4 = jax.random.split(key, 4)
    f = jax.random.normal(k1, (B, T, H), dtype=jnp.float32)
    g = jax.random.normal(k2, (B, U, H), dtype=jnp.float32)
    f_len = jax.random.randint(k3, (B,), 1, T + 1, dtype=jnp.int64)
    g_len = jax.random.randint(k4, (B,), 1, U + 1, dtype=jnp.int64)
    return {"f": f, "g": g, "f_len": f_len, "g_len": g_len}

def reference(f, g, f_len, g_len):
    # Transducer joint (pack_output=False): broadcast add over the (T, U) lattice.
    # h[b, t, u, :] = f[b, t, :] + g[b, u, :] for t < f_len[b], u < g_len[b]; 0 in don't-care region.
    Tm = f.shape[1]
    Um = g.shape[1]
    h = f[:, :, None, :] + g[:, None, :, :]
    t_mask = jnp.arange(Tm)[None, :] < f_len[:, None]  # (B, T)
    u_mask = jnp.arange(Um)[None, :] < g_len[:, None]  # (B, U)
    mask = t_mask[:, :, None] & u_mask[:, None, :]      # (B, T, U)
    h = jnp.where(mask[..., None], h, 0.0)
    return h

if __name__ == "__main__":
    import jax
    _d = setup_inputs()
    print(jax.jit(kernel)(*tuple(_d.values())))

</pallas_src>

<mosaic_0001>
#map = affine_map<(d0, d1) -> (0, 0, 0)>
#map1 = affine_map<(d0, d1) -> (0, 0)>
#map2 = affine_map<(d0, d1) -> (0, 0, 0, 0)>
module attributes {stable_mosaic.version = 14 : i64} {
  func.func @_body(%arg0: i32, %arg1: i32, %arg2: memref<4x512x256xf32, #tpu.memory_space<hbm>>, %arg3: memref<4x64x256xf32, #tpu.memory_space<hbm>>, %arg4: memref<32x16xi32, #tpu.memory_space<hbm>>, %arg5: memref<4x512x64x256xf32, #tpu.memory_space<hbm>>, %arg6: memref<64x256xf32, #tpu.memory_space<vmem>>, %arg7: memref<64x256xf32, #tpu.memory_space<vmem>>, %arg8: memref<2x64x256xf32, #tpu.memory_space<vmem>>, %arg9: memref<2x64x256xf32, #tpu.memory_space<vmem>>, %arg10: memref<16xi32, #tpu.memory_space<vmem>>, %arg11: memref<!tpu.dma_semaphore, #tpu.memory_space<semaphore_mem>>, %arg12: memref<!tpu.dma_semaphore, #tpu.memory_space<semaphore_mem>>) attributes {dimension_semantics = [#tpu.dimension_semantics<core_parallel>, #tpu.dimension_semantics<subcore_parallel>], iteration_bounds = array<i64: 2, 16>, scalar_prefetch = 0 : i64, scratch_operands = 7 : i64, tpu.core_type = #tpu.core_type<sc_vector_subcore>, window_params = [{transform_indices = #map}, {transform_indices = #map}, {transform_indices = #map1}, {transform_indices = #map2}]} {
    %mul3A = arith.constant 2 : i32
    %mul3A_0 = arith.muli %arg1, %mul3A : i32
    %add3A = arith.addi %mul3A_0, %arg0 : i32
    %jit3A = arith.constant 8 : i32
    %div3A = arith.divsi %add3A, %jit3A : i32
    %sign3A = arith.constant 0 : i32
    %sign3A_1 = arith.cmpi sgt, %add3A, %sign3A : i32
    %sign3A_2 = arith.extui %sign3A_1 : i1 to i32
    %sign3A_3 = arith.constant 0 : i32
    %sign3A_4 = arith.cmpi slt, %add3A, %sign3A_3 : i32
    %sign3A_5 = arith.extui %sign3A_4 : i1 to i32
    %sign3A_6 = arith.subi %sign3A_2, %sign3A_5 : i32
    %sign3A_7 = arith.constant 0 : i32
    %sign3A_8 = arith.cmpi sgt, %jit3A, %sign3A_7 : i32
    %sign3A_9 = arith.extui %sign3A_8 : i1 to i32
    %sign3A_10 = arith.constant 0 : i32
    %sign3A_11 = arith.cmpi slt, %jit3A, %sign3A_10 : i32
    %sign3A_12 = arith.extui %sign3A_11 : i1 to i32
    %sign3A_13 = arith.subi %sign3A_9, %sign3A_12 : i32
    %ne3A = arith.cmpi ne, %sign3A_6, %sign3A_13 : i32
    %rem3A = arith.remsi %add3A, %jit3A : i32
    %ne3A_14 = arith.constant 0 : i32
    %ne3A_15 = arith.cmpi ne, %rem3A, %ne3A_14 : i32
    %and3A = arith.andi %ne3A, %ne3A_15 : i1
    %sub3A = arith.constant 1 : i32
    %sub3A_16 = arith.subi %div3A, %sub3A : i32
    %select_n3A = arith.select %and3A, %sub3A_16, %div3A : i32
    %jit3A_17 = arith.constant 8 : i32
    %eq3A = arith.constant 0 : i32
    %eq3A_18 = arith.cmpi eq, %jit3A_17, %eq3A : i32
    %jit3A_19 = arith.constant 1 : i32
    %select_n3A_20 = arith.select %eq3A_18, %jit3A_19, %jit3A_17 : i32
    %rem3A_21 = arith.remsi %add3A, %select_n3A_20 : i32
    %ne3A_22 = arith.constant 0 : i32
    %ne3A_23 = arith.cmpi ne, %rem3A_21, %ne3A_22 : i32
    %lt3A = arith.constant 0 : i32
    %lt3A_24 = arith.cmpi slt, %rem3A_21, %lt3A : i32
    %lt3A_25 = arith.constant 0 : i32
    %lt3A_26 = arith.cmpi slt, %select_n3A_20, %lt3A_25 : i32
    %ne3A_27 = arith.xori %lt3A_24, %lt3A_26 : i1
    %and3A_28 = arith.andi %ne3A_27, %ne3A_23 : i1
    %add3A_29 = arith.addi %rem3A_21, %select_n3A_20 : i32
    %select_n3A_30 = arith.select %and3A_28, %add3A_29, %rem3A_21 : i32
    %mul3A_31 = arith.constant 64 : i32
    %mul3A_32 = arith.muli %select_n3A_30, %mul3A_31 : i32
    "tpu.region"() ({
      %run_scoped3A = tpu.sem_alloc : memref<!tpu.dma_semaphore, #tpu.memory_space<semaphore_mem>>
      %dma_start3A = arith.constant 0 : i32
      %dma_start3A_68 = tpu.memref_slice %arg4[%add3A, %dma_start3A] : memref<32x16xi32, #tpu.memory_space<hbm>> -> memref<1x16xi32, #tpu.memory_space<hbm>>
      %dma_start3A_69 = tpu.memref_squeeze %dma_start3A_68 : memref<1x16xi32, #tpu.memory_space<hbm>> -> memref<16xi32, #tpu.memory_space<hbm>>
      %dma_start3A_70 = arith.constant 0 : i32
      %dma_start3A_71 = tpu.memref_slice %arg4[%add3A, %dma_start3A_70] : memref<32x16xi32, #tpu.memory_space<hbm>> -> memref<1x16xi32, #tpu.memory_space<hbm>>
      %dma_start3A_72 = tpu.memref_squeeze %dma_start3A_71 : memref<1x16xi32, #tpu.memory_space<hbm>> -> memref<16xi32, #tpu.memory_space<hbm>>
      tpu.enqueue_dma source(%dma_start3A_72 : memref<16xi32, #tpu.memory_space<hbm>>) target(%arg10 : memref<16xi32, #tpu.memory_space<vmem>>) target_semaphore(%run_scoped3A : memref<!tpu.dma_semaphore, #tpu.memory_space<semaphore_mem>>)
      %dma_wait3A_73 = arith.constant 0 : i32
      %dma_wait3A_74 = tpu.memref_slice %arg4[%add3A, %dma_wait3A_73] : memref<32x16xi32, #tpu.memory_space<hbm>> -> memref<1x16xi32, #tpu.memory_space<hbm>>
      %dma_wait3A_75 = tpu.memref_squeeze %dma_wait3A_74 : memref<1x16xi32, #tpu.memory_space<hbm>> -> memref<16xi32, #tpu.memory_space<hbm>>
      %dma_wait3A_76 = arith.constant 0 : i32
      %dma_wait3A_77 = tpu.memref_slice %arg4[%add3A, %dma_wait3A_76] : memref<32x16xi32, #tpu.memory_space<hbm>> -> memref<1x16xi32, #tpu.memory_space<hbm>>
      %dma_wait3A_78 = tpu.memref_squeeze %dma_wait3A_77 : memref<1x16xi32, #tpu.memory_space<hbm>> -> memref<16xi32, #tpu.memory_space<hbm>>
      tpu.wait_dma2 semaphore(%run_scoped3A : memref<!tpu.dma_semaphore, #tpu.memory_space<semaphore_mem>>) src(%dma_wait3A_78 : memref<16xi32, #tpu.memory_space<hbm>>) dst(%arg10 : memref<16xi32, #tpu.memory_space<vmem>>)
      tpu.yield
    }) : () -> ()
    "tpu.region"() ({
      %run_scoped3A = tpu.sem_alloc : memref<!tpu.dma_semaphore, #tpu.memory_space<semaphore_mem>>
      %dma_start3A = arith.constant 0 : i32
      %dma_start3A_68 = arith.constant 0 : i32
      %dma_start3A_69 = tpu.memref_slice %arg3[%select_n3A, %dma_start3A, %dma_start3A_68] : memref<4x64x256xf32, #tpu.memory_space<hbm>> -> memref<1x64x256xf32, #tpu.memory_space<hbm>>
      %dma_start3A_70 = tpu.memref_squeeze %dma_start3A_69 : memref<1x64x256xf32, #tpu.memory_space<hbm>> -> memref<64x256xf32, #tpu.memory_space<hbm>>
      %dma_start3A_71 = arith.constant 0 : i32
      %dma_start3A_72 = arith.constant 0 : i32
      %dma_start3A_73 = tpu.memref_slice %arg3[%select_n3A, %dma_start3A_71, %dma_start3A_72] : memref<4x64x256xf32, #tpu.memory_space<hbm>> -> memref<1x64x256xf32, #tpu.memory_space<hbm>>
      %dma_start3A_74 = tpu.memref_squeeze %dma_start3A_73 : memref<1x64x256xf32, #tpu.memory_space<hbm>> -> memref<64x256xf32, #tpu.memory_space<hbm>>
      tpu.enqueue_dma source(%dma_start3A_74 : memref<64x256xf32, #tpu.memory_space<hbm>>) target(%arg6 : memref<64x256xf32, #tpu.memory_space<vmem>>) target_semaphore(%run_scoped3A : memref<!tpu.dma_semaphore, #tpu.memory_space<semaphore_mem>>)
      %dma_wait3A_75 = arith.constant 0 : i32
      %dma_wait3A_76 = arith.constant 0 : i32
      %dma_wait3A_77 = tpu.memref_slice %arg3[%select_n3A, %dma_wait3A_75, %dma_wait3A_76] : memref<4x64x256xf32, #tpu.memory_space<hbm>> -> memref<1x64x256xf32, #tpu.memory_space<hbm>>
      %dma_wait3A_78 = tpu.memref_squeeze %dma_wait3A_77 : memref<1x64x256xf32, #tpu.memory_space<hbm>> -> memref<64x256xf32, #tpu.memory_space<hbm>>
      %dma_wait3A_79 = arith.constant 0 : i32
      %dma_wait3A_80 = arith.constant 0 : i32
      %dma_wait3A_81 = tpu.memref_slice %arg3[%select_n3A, %dma_wait3A_79, %dma_wait3A_80] : memref<4x64x256xf32, #tpu.memory_space<hbm>> -> memref<1x64x256xf32, #tpu.memory_space<hbm>>
      %dma_wait3A_82 = tpu.memref_squeeze %dma_wait3A_81 : memref<1x64x256xf32, #tpu.memory_space<hbm>> -> memref<64x256xf32, #tpu.memory_space<hbm>>
      tpu.wait_dma2 semaphore(%run_scoped3A : memref<!tpu.dma_semaphore, #tpu.memory_space<semaphore_mem>>) src(%dma_wait3A_82 : memref<64x256xf32, #tpu.memory_space<hbm>>) dst(%arg6 : memref<64x256xf32, #tpu.memory_space<vmem>>)
      tpu.yield
    }) : () -> ()
    "tpu.region"() ({
      %run_scoped3A = tpu.sem_alloc : memref<!tpu.dma_semaphore, #tpu.memory_space<semaphore_mem>>
      %dma_start3A = arith.constant 0 : i32
      %dma_start3A_68 = tpu.memref_slice %arg2[%select_n3A, %mul3A_32, %dma_start3A] : memref<4x512x256xf32, #tpu.memory_space<hbm>> -> memref<1x64x256xf32, #tpu.memory_space<hbm>>
      %dma_start3A_69 = tpu.memref_squeeze %dma_start3A_68 : memref<1x64x256xf32, #tpu.memory_space<hbm>> -> memref<64x256xf32, #tpu.memory_space<hbm>>
      %dma_start3A_70 = arith.constant 0 : i32
      %dma_start3A_71 = tpu.memref_slice %arg2[%select_n3A, %mul3A_32, %dma_start3A_70] : memref<4x512x256xf32, #tpu.memory_space<hbm>> -> memref<1x64x256xf32, #tpu.memory_space<hbm>>
      %dma_start3A_72 = tpu.memref_squeeze %dma_start3A_71 : memref<1x64x256xf32, #tpu.memory_space<hbm>> -> memref<64x256xf32, #tpu.memory_space<hbm>>
      tpu.enqueue_dma source(%dma_start3A_72 : memref<64x256xf32, #tpu.memory_space<hbm>>) target(%arg7 : memref<64x256xf32, #tpu.memory_space<vmem>>) target_semaphore(%run_scoped3A : memref<!tpu.dma_semaphore, #tpu.memory_space<semaphore_mem>>)
      %dma_wait3A_73 = arith.constant 0 : i32
      %dma_wait3A_74 = tpu.memref_slice %arg2[%select_n3A, %mul3A_32, %dma_wait3A_73] : memref<4x512x256xf32, #tpu.memory_space<hbm>> -> memref<1x64x256xf32, #tpu.memory_space<hbm>>
      %dma_wait3A_75 = tpu.memref_squeeze %dma_wait3A_74 : memref<1x64x256xf32, #tpu.memory_space<hbm>> -> memref<64x256xf32, #tpu.memory_space<hbm>>
      %dma_wait3A_76 = arith.constant 0 : i32
      %dma_wait3A_77 = tpu.memref_slice %arg2[%select_n3A, %mul3A_32, %dma_wait3A_76] : memref<4x512x256xf32, #tpu.memory_space<hbm>> -> memref<1x64x256xf32, #tpu.memory_space<hbm>>
      %dma_wait3A_78 = tpu.memref_squeeze %dma_wait3A_77 : memref<1x64x256xf32, #tpu.memory_space<hbm>> -> memref<64x256xf32, #tpu.memory_space<hbm>>
      tpu.wait_dma2 semaphore(%run_scoped3A : memref<!tpu.dma_semaphore, #tpu.memory_space<semaphore_mem>>) src(%dma_wait3A_78 : memref<64x256xf32, #tpu.memory_space<hbm>>) dst(%arg7 : memref<64x256xf32, #tpu.memory_space<vmem>>)
      tpu.yield
    }) : () -> ()
    %get3A = arith.constant 0 : index
    %get3A_33 = tpu.vector_load %arg10[%get3A] {strides = array<i32>} : memref<16xi32, #tpu.memory_space<vmem>>, vector<16xi32>,
    %get3A_34 = vector.shape_cast %get3A_33 : vector<16xi32> to vector<16xi32>
    %slice3A = vector.extract_strided_slice %get3A_34 {offsets = [0], sizes = [1], strides = [1]} : vector<16xi32> to vector<1xi32>
    %squeeze3A = vector.extract %slice3A[0] : i32 from vector<1xi32>
    %slice3A_35 = vector.extract_strided_slice %get3A_34 {offsets = [1], sizes = [1], strides = [1]} : vector<16xi32> to vector<1xi32>
    %squeeze3A_36 = vector.extract %slice3A_35[0] : i32 from vector<1xi32>
    %broadcast_in_dim3A = arith.constant 0.000000e+00 : f32
    %broadcast_in_dim3A_37 = vector.broadcast %broadcast_in_dim3A : f32 to vector<16xf32>
    %scan3A = arith.constant 0 : i32
    %scan3A_38 = arith.constant 0 : i32
    %scan3A_39 = arith.constant 64 : i32
    %scan3A_40 = arith.addi %scan3A_38, %scan3A_39 : i32
    %scan3A_41 = arith.constant 1 : i32
    scf.for %scan3A_68 = %scan3A_38 to %scan3A_40 step %scan3A_41  : i32 {
      %swap3A = arith.constant 0 : i32
      %swap3A_69 = arith.index_cast %swap3A : i32 to index
      %swap3A_70 = arith.index_cast %scan3A_68 : i32 to index
      %swap3A_71 = arith.constant 0 : index
      %swap3A_72 = tpu.vector_load %arg8[%swap3A_69, %swap3A_70, %swap3A_71] {strides = array<i32>} : memref<2x64x256xf32, #tpu.memory_space<vmem>>, vector<1x1x16xf32>,
      %swap3A_73 = vector.shape_cast %swap3A_72 : vector<1x1x16xf32> to vector<16xf32>
      %swap3A_74 = vector.shape_cast %broadcast_in_dim3A_37 : vector<16xf32> to vector<1x1x16xf32>
      tpu.vector_store %arg8[%swap3A_69, %swap3A_70, %swap3A_71], %swap3A_74 {strides = array<i32>} : memref<2x64x256xf32, #tpu.memory_space<vmem>>, vector<1x1x16xf32>,
      %swap3A_75 = arith.constant 0 : i32
      %swap3A_76 = arith.index_cast %swap3A_75 : i32 to index
      %swap3A_77 = arith.index_cast %scan3A_68 : i32 to index
      %swap3A_78 = arith.constant 0 : index
      %swap3A_79 = tpu.vector_load %arg9[%swap3A_76, %swap3A_77, %swap3A_78] {strides = array<i32>} : memref<2x64x256xf32, #tpu.memory_space<vmem>>, vector<1x1x16xf32>,
      %swap3A_80 = vector.shape_cast %swap3A_79 : vector<1x1x16xf32> to vector<16xf32>
      %swap3A_81 = vector.shape_cast %broadcast_in_dim3A_37 : vector<16xf32> to vector<1x1x16xf32>
      tpu.vector_store %arg9[%swap3A_76, %swap3A_77, %swap3A_78], %swap3A_81 {strides = array<i32>} : memref<2x64x256xf32, #tpu.memory_space<vmem>>, vector<1x1x16xf32>,
      %swap3A_82 = arith.constant 0 : i32
      %swap3A_83 = arith.index_cast %swap3A_82 : i32 to index
      %swap3A_84 = arith.index_cast %scan3A_68 : i32 to index
      %swap3A_85 = arith.constant 16 : index
      %swap3A_86 = tpu.vector_load %arg8[%swap3A_83, %swap3A_84, %swap3A_85] {strides = array<i32>} : memref<2x64x256xf32, #tpu.memory_space<vmem>>, vector<1x1x16xf32>,
      %swap3A_87 = vector.shape_cast %swap3A_86 : vector<1x1x16xf32> to vector<16xf32>
      %swap3A_88 = vector.shape_cast %broadcast_in_dim3A_37 : vector<16xf32> to vector<1x1x16xf32>
      tpu.vector_store %arg8[%swap3A_83, %swap3A_84, %swap3A_85], %swap3A_88 {strides = array<i32>} : memref<2x64x256xf32, #tpu.memory_space<vmem>>, vector<1x1x16xf32>,
      %swap3A_89 = arith.constant 0 : i32
      %swap3A_90 = arith.index_cast %swap3A_89 : i32 to index
      %swap3A_91 = arith.index_cast %scan3A_68 : i32 to index
      %swap3A_92 = arith.constant 16 : index
      %swap3A_93 = tpu.vector_load %arg9[%swap3A_90, %swap3A_91, %swap3A_92] {strides = array<i32>} : memref<2x64x256xf32, #tpu.memory_space<vmem>>, vector<1x1x16xf32>,
      %swap3A_94 = vector.shape_cast %swap3A_93 : vector<1x1x16xf32> to vector<16xf32>
      %swap3A_95 = vector.shape_cast %broadcast_in_dim3A_37 : vector<16xf32> to vector<1x1x16xf32>
      tpu.vector_store %arg9[%swap3A_90, %swap3A_91, %swap3A_92], %swap3A_95 {strides = array<i32>} : memref<2x64x256xf32, #tpu.memory_space<vmem>>, vector<1x1x16xf32>,
      %swap3A_96 = arith.constant 0 : i32
      %swap3A_97 = arith.index_cast %swap3A_96 : i32 to index
      %swap3A_98 = arith.index_cast %scan3A_68 : i32 to index
      %swap3A_99 = arith.constant 32 : index
      %swap3A_100 = tpu.vector_load %arg8[%swap3A_97, %swap3A_98, %swap3A_99] {strides = array<i32>} : memref<2x64x256xf32, #tpu.memory_space<vmem>>, vector<1x1x16xf32>,
      %swap3A_101 = vector.shape_cast %swap3A_100 : vector<1x1x16xf32> to vector<16xf32>
      %swap3A_102 = vector.shape_cast %broadcast_in_dim3A_37 : vector<16xf32> to vector<1x1x16xf32>
      tpu.vector_store %arg8[%swap3A_97, %swap3A_98, %swap3A_99], %swap3A_102 {strides = array<i32>} : memref<2x64x256xf32, #tpu.memory_space<vmem>>, vector<1x1x16xf32>,
      %swap3A_103 = arith.constant 0 : i32
      %swap3A_104 = arith.index_cast %swap3A_103 : i32 to index
      %swap3A_105 = arith.index_cast %scan3A_68 : i32 to index
      %swap3A_106 = arith.constant 32 : index
      %swap3A_107 = tpu.vector_load %arg9[%swap3A_104, %swap3A_105, %swap3A_106] {strides = array<i32>} : memref<2x64x256xf32, #tpu.memory_space<vmem>>, vector<1x1x16xf32>,
      %swap3A_108 = vector.shape_cast %swap3A_107 : vector<1x1x16xf32> to vector<16xf32>
      %swap3A_109 = vector.shape_cast %broadcast_in_dim3A_37 : vector<16xf32> to vector<1x1x16xf32>
      tpu.vector_store %arg9[%swap3A_104, %swap3A_105, %swap3A_106], %swap3A_109 {strides = array<i32>} : memref<2x64x256xf32, #tpu.memory_space<vmem>>, vector<1x1x16xf32>,
      %swap3A_110 = arith.constant 0 : i32
      %swap3A_111 = arith.index_cast %swap3A_110 : i32 to index
      %swap3A_112 = arith.index_cast %scan3A_68 : i32 to index
      %swap3A_113 = arith.constant 48 : index
      %swap3A_114 = tpu.vector_load %arg8[%swap3A_111, %swap3A_112, %swap3A_113] {strides = array<i32>} : memref<2x64x256xf32, #tpu.memory_space<vmem>>, vector<1x1x16xf32>,
      %swap3A_115 = vector.shape_cast %swap3A_114 : vector<1x1x16xf32> to vector<16xf32>
      %swap3A_116 = vector.shape_cast %broadcast_in_dim3A_37 : vector<16xf32> to vector<1x1x16xf32>
      tpu.vector_store %arg8[%swap3A_111, %swap3A_112, %swap3A_113], %swap3A_116 {strides = array<i32>} : memref<2x64x256xf32, #tpu.memory_space<vmem>>, vector<1x1x16xf32>,
      %swap3A_117 = arith.constant 0 : i32
      %swap3A_118 = arith.index_cast %swap3A_117 : i32 to index
      %swap3A_119 = arith.index_cast %scan3A_68 : i32 to index
      %swap3A_120 = arith.constant 48 : index
      %swap3A_121 = tpu.vector_load %arg9[%swap3A_118, %swap3A_119, %swap3A_120] {strides = array<i32>} : memref<2x64x256xf32, #tpu.memory_space<vmem>>, vector<1x1x16xf32>,
      %swap3A_122 = vector.shape_cast %swap3A_121 : vector<1x1x16xf32> to vector<16xf32>
      %swap3A_123 = vector.shape_cast %broadcast_in_dim3A_37 : vector<16xf32> to vector<1x1x16xf32>
      tpu.vector_store %arg9[%swap3A_118, %swap3A_119, %swap3A_120], %swap3A_123 {strides = array<i32>} : memref<2x64x256xf32, #tpu.memory_space<vmem>>, vector<1x1x16xf32>,
      %swap3A_124 = arith.constant 0 : i32
      %swap3A_125 = arith.index_cast %swap3A_124 : i32 to index
      %swap3A_126 = arith.index_cast %scan3A_68 : i32 to index
      %swap3A_127 = arith.constant 64 : index
      %swap3A_128 = tpu.vector_load %arg8[%swap3A_125, %swap3A_126, %swap3A_127] {strides = array<i32>} : memref<2x64x256xf32, #tpu.memory_space<vmem>>, vector<1x1x16xf32>,
      %swap3A_129 = vector.shape_cast %swap3A_128 : vector<1x1x16xf32> to vector<16xf32>
      %swap3A_130 = vector.shape_cast %broadcast_in_dim3A_37 : vector<16xf32> to vector<1x1x16xf32>
      tpu.vector_store %arg8[%swap3A_125, %swap3A_126, %swap3A_127], %swap3A_130 {strides = array<i32>} : memref<2x64x256xf32, #tpu.memory_space<vmem>>, vector<1x1x16xf32>,
      %swap3A_131 = arith.constant 0 : i32
      %swap3A_132 = arith.index_cast %swap3A_131 : i32 to index
      %swap3A_133 = arith.index_cast %scan3A_68 : i32 to index
      %swap3A_134 = arith.constant 64 : index
      %swap3A_135 = tpu.vector_load %arg9[%swap3A_132, %swap3A_133, %swap3A_134] {strides = array<i32>} : memref<2x64x256xf32, #tpu.memory_space<vmem>>, vector<1x1x16xf32>,
      %swap3A_136 = vector.shape_cast %swap3A_135 : vector<1x1x16xf32> to vector<16xf32>
      %swap3A_137 = vector.shape_cast %broadcast_in_dim3A_37 : vector<16xf32> to vector<1x1x16xf32>
      tpu.vector_store %arg9[%swap3A_132, %swap3A_133, %swap3A_134], %swap3A_137 {strides = array<i32>} : memref<2x64x256xf32, #tpu.memory_space<vmem>>, vector<1x1x16xf32>,
      %swap3A_138 = arith.constant 0 : i32
      %swap3A_139 = arith.index_cast %swap3A_138 : i32 to index
      %swap3A_140 = arith.index_cast %scan3A_68 : i32 to index
      %swap3A_141 = arith.constant 80 : index
      %swap3A_142 = tpu.vector_load %arg8[%swap3A_139, %swap3A_140, %swap3A_141] {strides = array<i32>} : memref<2x64x256xf32, #tpu.memory_space<vmem>>, vector<1x1x16xf32>,
      %swap3A_143 = vector.shape_cast %swap3A_142 : vector<1x1x16xf32> to vector<16xf32>
      %swap3A_144 = vector.shape_cast %broadcast_in_dim3A_37 : vector<16xf32> to vector<1x1x16xf32>
      tpu.vector_store %arg8[%swap3A_139, %swap3A_140, %swap3A_141], %swap3A_144 {strides = array<i32>} : memref<2x64x256xf32, #tpu.memory_space<vmem>>, vector<1x1x16xf32>,
      %swap3A_145 = arith.constant 0 : i32
      %swap3A_146 = arith.index_cast %swap3A_145 : i32 to index
      %swap3A_147 = arith.index_cast %scan3A_68 : i32 to index
      %swap3A_148 = arith.constant 80 : index
      %swap3A_149 = tpu.vector_load %arg9[%swap3A_146, %swap3A_147, %swap3A_148] {strides = array<i32>} : memref<2x64x256xf32, #tpu.memory_space<vmem>>, vector<1x1x16xf32>,
      %swap3A_150 = vector.shape_cast %swap3A_149 : vector<1x1x16xf32> to vector<16xf32>
      %swap3A_151 = vector.shape_cast %broadcast_in_dim3A_37 : vector<16xf32> to vector<1x1x16xf32>
      tpu.vector_store %arg9[%swap3A_146, %swap3A_147, %swap3A_148], %swap3A_151 {strides = array<i32>} : memref<2x64x256xf32, #tpu.memory_space<vmem>>, vector<1x1x16xf32>,
      %swap3A_152 = arith.constant 0 : i32
      %swap3A_153 = arith.index_cast %swap3A_152 : i32 to index
      %swap3A_154 = arith.index_cast %scan3A_68 : i32 to index
      %swap3A_155 = arith.constant 96 : index
      %swap3A_156 = tpu.vector_load %arg8[%swap3A_153, %swap3A_154, %swap3A_155] {strides = array<i32>} : memref<2x64x256xf32, #tpu.memory_space<vmem>>, vector<1x1x16xf32>,
      %swap3A_157 = vector.shape_cast %swap3A_156 : vector<1x1x16xf32> to vector<16xf32>
      %swap3A_158 = vector.shape_cast %broadcast_in_dim3A_37 : vector<16xf32> to vector<1x1x16xf32>
      tpu.vector_store %arg8[%swap3A_153, %swap3A_154, %swap3A_155], %swap3A_158 {strides = array<i32>} : memref<2x64x256xf32, #tpu.memory_space<vmem>>, vector<1x1x16xf32>,
      %swap3A_159 = arith.constant 0 : i32
      %swap3A_160 = arith.index_cast %swap3A_159 : i32 to index
      %swap3A_161 = arith.index_cast %scan3A_68 : i32 to index
      %swap3A_162 = arith.constant 96 : index
      %swap3A_163 = tpu.vector_load %arg9[%swap3A_160, %swap3A_161, %swap3A_162] {strides = array<i32>} : memref<2x64x256xf32, #tpu.memory_space<vmem>>, vector<1x1x16xf32>,
      %swap3A_164 = vector.shape_cast %swap3A_163 : vector<1x1x16xf32> to vector<16xf32>
      %swap3A_165 = vector.shape_cast %broadcast_in_dim3A_37 : vector<16xf32> to vector<1x1x16xf32>
      tpu.vector_store %arg9[%swap3A_160, %swap3A_161, %swap3A_162], %swap3A_165 {strides = array<i32>} : memref<2x64x256xf32, #tpu.memory_space<vmem>>, vector<1x1x16xf32>,
      %swap3A_166 = arith.constant 0 : i32
      %swap3A_167 = arith.index_cast %swap3A_166 : i32 to index
      %swap3A_168 = arith.index_cast %scan3A_68 : i32 to index
      %swap3A_169 = arith.constant 112 : index
      %swap3A_170 = tpu.vector_load %arg8[%swap3A_167, %swap3A_168, %swap3A_169] {strides = array<i32>} : memref<2x64x256xf32, #tpu.memory_space<vmem>>, vector<1x1x16xf32>,
      %swap3A_171 = vector.shape_cast %swap3A_170 : vector<1x1x16xf32> to vector<16xf32>
      %swap3A_172 = vector.shape_cast %broadcast_in_dim3A_37 : vector<16xf32> to vector<1x1x16xf32>
      tpu.vector_store %arg8[%swap3A_167, %swap3A_168, %swap3A_169], %swap3A_172 {strides = array<i32>} : memref<2x64x256xf32, #tpu.memory_space<vmem>>, vector<1x1x16xf32>,
      %swap3A_173 = arith.constant 0 : i32
      %swap3A_174 = arith.index_cast %swap3A_173 : i32 to index
      %swap3A_175 = arith.index_cast %scan3A_68 : i32 to index
      %swap3A_176 = arith.constant 112 : index
      %swap3A_177 = tpu.vector_load %arg9[%swap3A_174, %swap3A_175, %swap3A_176] {strides = array<i32>} : memref<2x64x256xf32, #tpu.memory_space<vmem>>, vector<1x1x16xf32>,
      %swap3A_178 = vector.shape_cast %swap3A_177 : vector<1x1x16xf32> to vector<16xf32>
      %swap3A_179 = vector.shape_cast %broadcast_in_dim3A_37 : vector<16xf32> to vector<1x1x16xf32>
      tpu.vector_store %arg9[%swap3A_174, %swap3A_175, %swap3A_176], %swap3A_179 {strides = array<i32>} : memref<2x64x256xf32, #tpu.memory_space<vmem>>, vector<1x1x16xf32>,
      %swap3A_180 = arith.constant 0 : i32
      %swap3A_181 = arith.index_cast %swap3A_180 : i32 to index
      %swap3A_182 = arith.index_cast %scan3A_68 : i32 to index
      %swap3A_183 = arith.constant 128 : index
      %swap3A_184 = tpu.vector_load %arg8[%swap3A_181, %swap3A_182, %swap3A_183] {strides = array<i32>} : memref<2x64x256xf32, #tpu.memory_space<vmem>>, vector<1x1x16xf32>,
      %swap3A_185 = vector.shape_cast %swap3A_184 : vector<1x1x16xf32> to vector<16xf32>
      %swap3A_186 = vector.shape_cast %broadcast_in_dim3A_37 : vector<16xf32> to vector<1x1x16xf32>
      tpu.vector_store %arg8[%swap3A_181, %swap3A_182, %swap3A_183], %swap3A_186 {strides = array<i32>} : memref<2x64x256xf32, #tpu.memory_space<vmem>>, vector<1x1x16xf32>,
      %swap3A_187 = arith.constant 0 : i32
      %swap3A_188 = arith.index_cast %swap3A_187 : i32 to index
      %swap3A_189 = arith.index_cast %scan3A_68 : i32 to index
      %swap3A_190 = arith.constant 128 : index
      %swap3A_191 = tpu.vector_load %arg9[%swap3A_188, %swap3A_189, %swap3A_190] {strides = array<i32>} : memref<2x64x256xf32, #tpu.memory_space<vmem>>, vector<1x1x16xf32>,
      %swap3A_192 = vector.shape_cast %swap3A_191 : vector<1x1x16xf32> to vector<16xf32>
      %swap3A_193 = vector.shape_cast %broadcast_in_dim3A_37 : vector<16xf32> to vector<1x1x16xf32>
      tpu.vector_store %arg9[%swap3A_188, %swap3A_189, %swap3A_190], %swap3A_193 {strides = array<i32>} : memref<2x64x256xf32, #tpu.memory_space<vmem>>, vector<1x1x16xf32>,
      %swap3A_194 = arith.constant 0 : i32
      %swap3A_195 = arith.index_cast %swap3A_194 : i32 to index
      %swap3A_196 = arith.index_cast %scan3A_68 : i32 to index
      %swap3A_197 = arith.constant 144 : index
      %swap3A_198 = tpu.vector_load %arg8[%swap3A_195, %swap3A_196, %swap3A_197] {strides = array<i32>} : memref<2x64x256xf32, #tpu.memory_space<vmem>>, vector<1x1x16xf32>,
      %swap3A_199 = vector.shape_cast %swap3A_198 : vector<1x1x16xf32> to vector<16xf32>
      %swap3A_200 = vector.shape_cast %broadcast_in_dim3A_37 : vector<16xf32> to vector<1x1x16xf32>
      tpu.vector_store %arg8[%swap3A_195, %swap3A_196, %swap3A_197], %swap3A_200 {strides = array<i32>} : memref<2x64x256xf32, #tpu.memory_space<vmem>>, vector<1x1x16xf32>,
      %swap3A_201 = arith.constant 0 : i32
      %swap3A_202 = arith.index_cast %swap3A_201 : i32 to index
      %swap3A_203 = arith.index_cast %scan3A_68 : i32 to index
      %swap3A_204 = arith.constant 144 : index
      %swap3A_205 = tpu.vector_load %arg9[%swap3A_202, %swap3A_203, %swap3A_204] {strides = array<i32>} : memref<2x64x256xf32, #tpu.memory_space<vmem>>, vector<1x1x16xf32>,
      %swap3A_206 = vector.shape_cast %swap3A_205 : vector<1x1x16xf32> to vector<16xf32>
      %swap3A_207 = vector.shape_cast %broadcast_in_dim3A_37 : vector<16xf32> to vector<1x1x16xf32>
      tpu.vector_store %arg9[%swap3A_202, %swap3A_203, %swap3A_204], %swap3A_207 {strides = array<i32>} : memref<2x64x256xf32, #tpu.memory_space<vmem>>, vector<1x1x16xf32>,
      %swap3A_208 = arith.constant 0 : i32
      %swap3A_209 = arith.index_cast %swap3A_208 : i32 to index
      %swap3A_210 = arith.index_cast %scan3A_68 : i32 to index
      %swap3A_211 = arith.constant 160 : index
      %swap3A_212 = tpu.vector_load %arg8[%swap3A_209, %swap3A_210, %swap3A_211] {strides = array<i32>} : memref<2x64x256xf32, #tpu.memory_space<vmem>>, vector<1x1x16xf32>,
      %swap3A_213 = vector.shape_cast %swap3A_212 : vector<1x1x16xf32> to vector<16xf32>
      %swap3A_214 = vector.shape_cast %broadcast_in_dim3A_37 : vector<16xf32> to vector<1x1x16xf32>
      tpu.vector_store %arg8[%swap3A_209, %swap3A_210, %swap3A_211], %swap3A_214 {strides = array<i32>} : memref<2x64x256xf32, #tpu.memory_space<vmem>>, vector<1x1x16xf32>,
      %swap3A_215 = arith.constant 0 : i32
      %swap3A_216 = arith.index_cast %swap3A_215 : i32 to index
      %swap3A_217 = arith.index_cast %scan3A_68 : i32 to index
      %swap3A_218 = arith.constant 160 : index
      %swap3A_219 = tpu.vector_load %arg9[%swap3A_216, %swap3A_217, %swap3A_218] {strides = array<i32>} : memref<2x64x256xf32, #tpu.memory_space<vmem>>, vector<1x1x16xf32>,
      %swap3A_220 = vector.shape_cast %swap3A_219 : vector<1x1x16xf32> to vector<16xf32>
      %swap3A_221 = vector.shape_cast %broadcast_in_dim3A_37 : vector<16xf32> to vector<1x1x16xf32>
      tpu.vector_store %arg9[%swap3A_216, %swap3A_217, %swap3A_218], %swap3A_221 {strides = array<i32>} : memref<2x64x256xf32, #tpu.memory_space<vmem>>, vector<1x1x16xf32>,
      %swap3A_222 = arith.constant 0 : i32
      %swap3A_223 = arith.index_cast %swap3A_222 : i32 to index
      %swap3A_224 = arith.index_cast %scan3A_68 : i32 to index
      %swap3A_225 = arith.constant 176 : index
      %swap3A_226 = tpu.vector_load %arg8[%swap3A_223, %swap3A_224, %swap3A_225] {strides = array<i32>} : memref<2x64x256xf32, #tpu.memory_space<vmem>>, vector<1x1x16xf32>,
      %swap3A_227 = vector.shape_cast %swap3A_226 : vector<1x1x16xf32> to vector<16xf32>
      %swap3A_228 = vector.shape_cast %broadcast_in_dim3A_37 : vector<16xf32> to vector<1x1x16xf32>
      tpu.vector_store %arg8[%swap3A_223, %swap3A_224, %swap3A_225], %swap3A_228 {strides = array<i32>} : memref<2x64x256xf32, #tpu.memory_space<vmem>>, vector<1x1x16xf32>,
      %swap3A_229 = arith.constant 0 : i32
      %swap3A_230 = arith.index_cast %swap3A_229 : i32 to index
      %swap3A_231 = arith.index_cast %scan3A_68 : i32 to index
      %swap3A_232 = arith.constant 176 : index
      %swap3A_233 = tpu.vector_load %arg9[%swap3A_230, %swap3A_231, %swap3A_232] {strides = array<i32>} : memref<2x64x256xf32, #tpu.memory_space<vmem>>, vector<1x1x16xf32>,
      %swap3A_234 = vector.shape_cast %swap3A_233 : vector<1x1x16xf32> to vector<16xf32>
      %swap3A_235 = vector.shape_cast %broadcast_in_dim3A_37 : vector<16xf32> to vector<1x1x16xf32>
      tpu.vector_store %arg9[%swap3A_230, %swap3A_231, %swap3A_232], %swap3A_235 {strides = array<i32>} : memref<2x64x256xf32, #tpu.memory_space<vmem>>, vector<1x1x16xf32>,
      %swap3A_236 = arith.constant 0 : i32
      %swap3A_237 = arith.index_cast %swap3A_236 : i32 to index
      %swap3A_238 = arith.index_cast %scan3A_68 : i32 to index
      %swap3A_239 = arith.constant 192 : index
      %swap3A_240 = tpu.vector_load %arg8[%swap3A_237, %swap3A_238, %swap3A_239] {strides = array<i32>} : memref<2x64x256xf32, #tpu.memory_space<vmem>>, vector<1x1x16xf32>,
      %swap3A_241 = vector.shape_cast %swap3A_240 : vector<1x1x16xf32> to vector<16xf32>
      %swap3A_242 = vector.shape_cast %broadcast_in_dim3A_37 : vector<16xf32> to vector<1x1x16xf32>
      tpu.vector_store %arg8[%swap3A_237, %swap3A_238, %swap3A_239], %swap3A_242 {strides = array<i32>} : memref<2x64x256xf32, #tpu.memory_space<vmem>>, vector<1x1x16xf32>,
      %swap3A_243 = arith.constant 0 : i32
      %swap3A_244 = arith.index_cast %swap3A_243 : i32 to index
      %swap3A_245 = arith.index_cast %scan3A_68 : i32 to index
      %swap3A_246 = arith.constant 192 : index
      %swap3A_247 = tpu.vector_load %arg9[%swap3A_244, %swap3A_245, %swap3A_246] {strides = array<i32>} : memref<2x64x256xf32, #tpu.memory_space<vmem>>, vector<1x1x16xf32>,
      %swap3A_248 = vector.shape_cast %swap3A_247 : vector<1x1x16xf32> to vector<16xf32>
      %swap3A_249 = vector.shape_cast %broadcast_in_dim3A_37 : vector<16xf32> to vector<1x1x16xf32>
      tpu.vector_store %arg9[%swap3A_244, %swap3A_245, %swap3A_246], %swap3A_249 {strides = array<i32>} : memref<2x64x256xf32, #tpu.memory_space<vmem>>, vector<1x1x16xf32>,
      %swap3A_250 = arith.constant 0 : i32
      %swap3A_251 = arith.index_cast %swap3A_250 : i32 to index
      %swap3A_252 = arith.index_cast %scan3A_68 : i32 to index
      %swap3A_253 = arith.constant 208 : index
      %swap3A_254 = tpu.vector_load %arg8[%swap3A_251, %swap3A_252, %swap3A_253] {strides = array<i32>} : memref<2x64x256xf32, #tpu.memory_space<vmem>>, vector<1x1x16xf32>,
      %swap3A_255 = vector.shape_cast %swap3A_254 : vector<1x1x16xf32> to vector<16xf32>
      %swap3A_256 = vector.shape_cast %broadcast_in_dim3A_37 : vector<16xf32> to vector<1x1x16xf32>
      tpu.vector_store %arg8[%swap3A_251, %swap3A_252, %swap3A_253], %swap3A_256 {strides = array<i32>} : memref<2x64x256xf32, #tpu.memory_space<vmem>>, vector<1x1x16xf32>,
      %swap3A_257 = arith.constant 0 : i32
      %swap3A_258 = arith.index_cast %swap3A_257 : i32 to index
      %swap3A_259 = arith.index_cast %scan3A_68 : i32 to index
      %swap3A_260 = arith.constant 208 : index
      %swap3A_261 = tpu.vector_load %arg9[%swap3A_258, %swap3A_259, %swap3A_260] {strides = array<i32>} : memref<2x64x256xf32, #tpu.memory_space<vmem>>, vector<1x1x16xf32>,
      %swap3A_262 = vector.shape_cast %swap3A_261 : vector<1x1x16xf32> to vector<16xf32>
      %swap3A_263 = vector.shape_cast %broadcast_in_dim3A_37 : vector<16xf32> to vector<1x1x16xf32>
      tpu.vector_store %arg9[%swap3A_258, %swap3A_259, %swap3A_260], %swap3A_263 {strides = array<i32>} : memref<2x64x256xf32, #tpu.memory_space<vmem>>, vector<1x1x16xf32>,
      %swap3A_264 = arith.constant 0 : i32
      %swap3A_265 = arith.index_cast %swap3A_264 : i32 to index
      %swap3A_266 = arith.index_cast %scan3A_68 : i32 to index
      %swap3A_267 = arith.constant 224 : index
      %swap3A_268 = tpu.vector_load %arg8[%swap3A_265, %swap3A_266, %swap3A_267] {strides = array<i32>} : memref<2x64x256xf32, #tpu.memory_space<vmem>>, vector<1x1x16xf32>,
      %swap3A_269 = vector.shape_cast %swap3A_268 : vector<1x1x16xf32> to vector<16xf32>
      %swap3A_270 = vector.shape_cast %broadcast_in_dim3A_37 : vector<16xf32> to vector<1x1x16xf32>
      tpu.vector_store %arg8[%swap3A_265, %swap3A_266, %swap3A_267], %swap3A_270 {strides = array<i32>} : memref<2x64x256xf32, #tpu.memory_space<vmem>>, vector<1x1x16xf32>,
      %swap3A_271 = arith.constant 0 : i32
      %swap3A_272 = arith.index_cast %swap3A_271 : i32 to index
      %swap3A_273 = arith.index_cast %scan3A_68 : i32 to index
      %swap3A_274 = arith.constant 224 : index
      %swap3A_275 = tpu.vector_load %arg9[%swap3A_272, %swap3A_273, %swap3A_274] {strides = array<i32>} : memref<2x64x256xf32, #tpu.memory_space<vmem>>, vector<1x1x16xf32>,
      %swap3A_276 = vector.shape_cast %swap3A_275 : vector<1x1x16xf32> to vector<16xf32>
      %swap3A_277 = vector.shape_cast %broadcast_in_dim3A_37 : vector<16xf32> to vector<1x1x16xf32>
      tpu.vector_store %arg9[%swap3A_272, %swap3A_273, %swap3A_274], %swap3A_277 {strides = array<i32>} : memref<2x64x256xf32, #tpu.memory_space<vmem>>, vector<1x1x16xf32>,
      %swap3A_278 = arith.constant 0 : i32
      %swap3A_279 = arith.index_cast %swap3A_278 : i32 to index
      %swap3A_280 = arith.index_cast %scan3A_68 : i32 to index
      %swap3A_281 = arith.constant 240 : index
      %swap3A_282 = tpu.vector_load %arg8[%swap3A_279, %swap3A_280, %swap3A_281] {strides = array<i32>} : memref<2x64x256xf32, #tpu.memory_space<vmem>>, vector<1x1x16xf32>,
      %swap3A_283 = vector.shape_cast %swap3A_282 : vector<1x1x16xf32> to vector<16xf32>
      %swap3A_284 = vector.shape_cast %broadcast_in_dim3A_37 : vector<16xf32> to vector<1x1x16xf32>
      tpu.vector_store %arg8[%swap3A_279, %swap3A_280, %swap3A_281], %swap3A_284 {strides = array<i32>} : memref<2x64x256xf32, #tpu.memory_space<vmem>>, vector<1x1x16xf32>,
      %swap3A_285 = arith.constant 0 : i32
      %swap3A_286 = arith.index_cast %swap3A_285 : i32 to index
      %swap3A_287 = arith.index_cast %scan3A_68 : i32 to index
      %swap3A_288 = arith.constant 240 : index
      %swap3A_289 = tpu.vector_load %arg9[%swap3A_286, %swap3A_287, %swap3A_288] {strides = array<i32>} : memref<2x64x256xf32, #tpu.memory_space<vmem>>, vector<1x1x16xf32>,
      %swap3A_290 = vector.shape_cast %swap3A_289 : vector<1x1x16xf32> to vector<16xf32>
      %swap3A_291 = vector.shape_cast %broadcast_in_dim3A_37 : vector<16xf32> to vector<1x1x16xf32>
      tpu.vector_store %arg9[%swap3A_286, %swap3A_287, %swap3A_288], %swap3A_291 {strides = array<i32>} : memref<2x64x256xf32, #tpu.memory_space<vmem>>, vector<1x1x16xf32>,
      %swap3A_292 = arith.constant 1 : i32
      %swap3A_293 = arith.index_cast %swap3A_292 : i32 to index
      %swap3A_294 = arith.index_cast %scan3A_68 : i32 to index
      %swap3A_295 = arith.constant 0 : index
      %swap3A_296 = tpu.vector_load %arg8[%swap3A_293, %swap3A_294, %swap3A_295] {strides = array<i32>} : memref<2x64x256xf32, #tpu.memory_space<vmem>>, vector<1x1x16xf32>,
      %swap3A_297 = vector.shape_cast %swap3A_296 : vector<1x1x16xf32> to vector<16xf32>
      %swap3A_298 = vector.shape_cast %broadcast_in_dim3A_37 : vector<16xf32> to vector<1x1x16xf32>
      tpu.vector_store %arg8[%swap3A_293, %swap3A_294, %swap3A_295], %swap3A_298 {strides = array<i32>} : memref<2x64x256xf32, #tpu.memory_space<vmem>>, vector<1x1x16xf32>,
      %swap3A_299 = arith.constant 1 : i32
      %swap3A_300 = arith.index_cast %swap3A_299 : i32 to index
      %swap3A_301 = arith.index_cast %scan3A_68 : i32 to index
      %swap3A_302 = arith.constant 0 : index
      %swap3A_303 = tpu.vector_load %arg9[%swap3A_300, %swap3A_301, %swap3A_302] {strides = array<i32>} : memref<2x64x256xf32, #tpu.memory_space<vmem>>, vector<1x1x16xf32>,
      %swap3A_304 = vector.shape_cast %swap3A_303 : vector<1x1x16xf32> to vector<16xf32>
      %swap3A_305 = vector.shape_cast %broadcast_in_dim3A_37 : vector<16xf32> to vector<1x1x16xf32>
      tpu.vector_store %arg9[%swap3A_300, %swap3A_301, %swap3A_302], %swap3A_305 {strides = array<i32>} : memref<2x64x256xf32, #tpu.memory_space<vmem>>, vector<1x1x16xf32>,
      %swap3A_306 = arith.constant 1 : i32
      %swap3A_307 = arith.index_cast %swap3A_306 : i32 to index
      %swap3A_308 = arith.index_cast %scan3A_68 : i32 to index
      %swap3A_309 = arith.constant 16 : index
      %swap3A_310 = tpu.vector_load %arg8[%swap3A_307, %swap3A_308, %swap3A_309] {strides = array<i32>} : memref<2x64x256xf32, #tpu.memory_space<vmem>>, vector<1x1x16xf32>,
      %swap3A_311 = vector.shape_cast %swap3A_310 : vector<1x1x16xf32> to vector<16xf32>
      %swap3A_312 = vector.shape_cast %broadcast_in_dim3A_37 : vector<16xf32> to vector<1x1x16xf32>
      tpu.vector_store %arg8[%swap3A_307, %swap3A_308, %swap3A_309], %swap3A_312 {strides = array<i32>} : memref<2x64x256xf32, #tpu.memory_space<vmem>>, vector<1x1x16xf32>,
      %swap3A_313 = arith.constant 1 : i32
      %swap3A_314 = arith.index_cast %swap3A_313 : i32 to index
      %swap3A_315 = arith.index_cast %scan3A_68 : i32 to index
      %swap3A_316 = arith.constant 16 : index
      %swap3A_317 = tpu.vector_load %arg9[%swap3A_314, %swap3A_315, %swap3A_316] {strides = array<i32>} : memref<2x64x256xf32, #tpu.memory_space<vmem>>, vector<1x1x16xf32>,
      %swap3A_318 = vector.shape_cast %swap3A_317 : vector<1x1x16xf32> to vector<16xf32>
      %swap3A_319 = vector.shape_cast %broadcast_in_dim3A_37 : vector<16xf32> to vector<1x1x16xf32>
      tpu.vector_store %arg9[%swap3A_314, %swap3A_315, %swap3A_316], %swap3A_319 {strides = array<i32>} : memref<2x64x256xf32, #tpu.memory_space<vmem>>, vector<1x1x16xf32>,
      %swap3A_320 = arith.constant 1 : i32
      %swap3A_321 = arith.index_cast %swap3A_320 : i32 to index
      %swap3A_322 = arith.index_cast %scan3A_68 : i32 to index
      %swap3A_323 = arith.constant 32 : index
      %swap3A_324 = tpu.vector_load %arg8[%swap3A_321, %swap3A_322, %swap3A_323] {strides = array<i32>} : memref<2x64x256xf32, #tpu.memory_space<vmem>>, vector<1x1x16xf32>,
      %swap3A_325 = vector.shape_cast %swap3A_324 : vector<1x1x16xf32> to vector<16xf32>
      %swap3A_326 = vector.shape_cast %broadcast_in_dim3A_37 : vector<16xf32> to vector<1x1x16xf32>
      tpu.vector_store %arg8[%swap3A_321, %swap3A_322, %swap3A_323], %swap3A_326 {strides = array<i32>} : memref<2x64x256xf32, #tpu.memory_space<vmem>>, vector<1x1x16xf32>,
      %swap3A_327 = arith.constant 1 : i32
      %swap3A_328 = arith.index_cast %swap3A_327 : i32 to index
      %swap3A_329 = arith.index_cast %scan3A_68 : i32 to index
      %swap3A_330 = arith.constant 32 : index
      %swap3A_331 = tpu.vector_load %arg9[%swap3A_328, %swap3A_329, %swap3A_330] {strides = array<i32>} : memref<2x64x256xf32, #tpu.memory_space<vmem>>, vector<1x1x16xf32>,
      %swap3A_332 = vector.shape_cast %swap3A_331 : vector<1x1x16xf32> to vector<16xf32>
      %swap3A_333 = vector.shape_cast %broadcast_in_dim3A_37 : vector<16xf32> to vector<1x1x16xf32>
      tpu.vector_store %arg9[%swap3A_328, %swap3A_329, %swap3A_330], %swap3A_333 {strides = array<i32>} : memref<2x64x256xf32, #tpu.memory_space<vmem>>, vector<1x1x16xf32>,
      %swap3A_334 = arith.constant 1 : i32
      %swap3A_335 = arith.index_cast %swap3A_334 : i32 to index
      %swap3A_336 = arith.index_cast %scan3A_68 : i32 to index
      %swap3A_337 = arith.constant 48 : index
      %swap3A_338 = tpu.vector_load %arg8[%swap3A_335, %swap3A_336, %swap3A_337] {strides = array<i32>} : memref<2x64x256xf32, #tpu.memory_space<vmem>>, vector<1x1x16xf32>,
      %swap3A_339 = vector.shape_cast %swap3A_338 : vector<1x1x16xf32> to vector<16xf32>
      %swap3A_340 = vector.shape_cast %broadcast_in_dim3A_37 : vector<16xf32> to vector<1x1x16xf32>
      tpu.vector_store %arg8[%swap3A_335, %swap3A_336, %swap3A_337], %swap3A_340 {strides = array<i32>} : memref<2x64x256xf32, #tpu.memory_space<vmem>>, vector<1x1x16xf32>,
      %swap3A_341 = arith.constant 1 : i32
      %swap3A_342 = arith.index_cast %swap3A_341 : i32 to index
      %swap3A_343 = arith.index_cast %scan3A_68 : i32 to index
      %swap3A_344 = arith.constant 48 : index
      %swap3A_345 = tpu.vector_load %arg9[%swap3A_342, %swap3A_343, %swap3A_344] {strides = array<i32>} : memref<2x64x256xf32, #tpu.memory_space<vmem>>, vector<1x1x16xf32>,
      %swap3A_346 = vector.shape_cast %swap3A_345 : vector<1x1x16xf32> to vector<16xf32>
      %swap3A_347 = vector.shape_cast %broadcast_in_dim3A_37 : vector<16xf32> to vector<1x1x16xf32>
      tpu.vector_store %arg9[%swap3A_342, %swap3A_343, %swap3A_344], %swap3A_347 {strides = array<i32>} : memref<2x64x256xf32, #tpu.memory_space<vmem>>, vector<1x1x16xf32>,
      %swap3A_348 = arith.constant 1 : i32
      %swap3A_349 = arith.index_cast %swap3A_348 : i32 to index
      %swap3A_350 = arith.index_cast %scan3A_68 : i32 to index
      %swap3A_351 = arith.constant 64 : index
      %swap3A_352 = tpu.vector_load %arg8[%swap3A_349, %swap3A_350, %swap3A_351] {strides = array<i32>} : memref<2x64x256xf32, #tpu.memory_space<vmem>>, vector<1x1x16xf32>,
      %swap3A_353 = vector.shape_cast %swap3A_352 : vector<1x1x16xf32> to vector<16xf32>
      %swap3A_354 = vector.shape_cast %broadcast_in_dim3A_37 : vector<16xf32> to vector<1x1x16xf32>
      tpu.vector_store %arg8[%swap3A_349, %swap3A_350, %swap3A_351], %swap3A_354 {strides = array<i32>} : memref<2x64x256xf32, #tpu.memory_space<vmem>>, vector<1x1x16xf32>,
      %swap3A_355 = arith.constant 1 : i32
      %swap3A_356 = arith.index_cast %swap3A_355 : i32 to index
      %swap3A_357 = arith.index_cast %scan3A_68 : i32 to index
      %swap3A_358 = arith.constant 64 : index
      %swap3A_359 = tpu.vector_load %arg9[%swap3A_356, %swap3A_357, %swap3A_358] {strides = array<i32>} : memref<2x64x256xf32, #tpu.memory_space<vmem>>, vector<1x1x16xf32>,
      %swap3A_360 = vector.shape_cast %swap3A_359 : vector<1x1x16xf32> to vector<16xf32>
      %swap3A_361 = vector.shape_cast %broadcast_in_dim3A_37 : vector<16xf32> to vector<1x1x16xf32>
      tpu.vector_store %arg9[%swap3A_356, %swap3A_357, %swap3A_358], %swap3A_361 {strides = array<i32>} : memref<2x64x256xf32, #tpu.memory_space<vmem>>, vector<1x1x16xf32>,
      %swap3A_362 = arith.constant 1 : i32
      %swap3A_363 = arith.index_cast %swap3A_362 : i32 to index
      %swap3A_364 = arith.index_cast %scan3A_68 : i32 to index
      %swap3A_365 = arith.constant 80 : index
      %swap3A_366 = tpu.vector_load %arg8[%swap3A_363, %swap3A_364, %swap3A_365] {strides = array<i32>} : memref<2x64x256xf32, #tpu.memory_space<vmem>>, vector<1x1x16xf32>,
      %swap3A_367 = vector.shape_cast %swap3A_366 : vector<1x1x16xf32> to vector<16xf32>
      %swap3A_368 = vector.shape_cast %broadcast_in_dim3A_37 : vector<16xf32> to vector<1x1x16xf32>
      tpu.vector_store %arg8[%swap3A_363, %swap3A_364, %swap3A_365], %swap3A_368 {strides = array<i32>} : memref<2x64x256xf32, #tpu.memory_space<vmem>>, vector<1x1x16xf32>,
      %swap3A_369 = arith.constant 1 : i32
      %swap3A_370 = arith.index_cast %swap3A_369 : i32 to index
      %swap3A_371 = arith.index_cast %scan3A_68 : i32 to index
      %swap3A_372 = arith.constant 80 : index
      %swap3A_373 = tpu.vector_load %arg9[%swap3A_370, %swap3A_371, %swap3A_372] {strides = array<i32>} : memref<2x64x256xf32, #tpu.memory_space<vmem>>, vector<1x1x16xf32>,
      %swap3A_374 = vector.shape_cast %swap3A_373 : vector<1x1x16xf32> to vector<16xf32>
      %swap3A_375 = vector.shape_cast %broadcast_in_dim3A_37 : vector<16xf32> to vector<1x1x16xf32>
      tpu.vector_store %arg9[%swap3A_370, %swap3A_371, %swap3A_372], %swap3A_375 {strides = array<i32>} : memref<2x64x256xf32, #tpu.memory_space<vmem>>, vector<1x1x16xf32>,
      %swap3A_376 = arith.constant 1 : i32
      %swap3A_377 = arith.index_cast %swap3A_376 : i32 to index
      %swap3A_378 = arith.index_cast %scan3A_68 : i32 to index
      %swap3A_379 = arith.constant 96 : index
      %swap3A_380 = tpu.vector_load %arg8[%swap3A_377, %swap3A_378, %swap3A_379] {strides = array<i32>} : memref<2x64x256xf32, #tpu.memory_space<vmem>>, vector<1x1x16xf32>,
      %swap3A_381 = vector.shape_cast %swap3A_380 : vector<1x1x16xf32> to vector<16xf32>
      %swap3A_382 = vector.shape_cast %broadcast_in_dim3A_37 : vector<16xf32> to vector<1x1x16xf32>
      tpu.vector_store %arg8[%swap3A_377, %swap3A_378, %swap3A_379], %swap3A_382 {strides = array<i32>} : memref<2x64x256xf32, #tpu.memory_space<vmem>>, vector<1x1x16xf32>,
      %swap3A_383 = arith.constant 1 : i32
      %swap3A_384 = arith.index_cast %swap3A_383 : i32 to index
      %swap3A_385 = arith.index_cast %scan3A_68 : i32 to index
      %swap3A_386 = arith.constant 96 : index
      %swap3A_387 = tpu.vector_load %arg9[%swap3A_384, %swap3A_385, %swap3A_386] {strides = array<i32>} : memref<2x64x256xf32, #tpu.memory_space<vmem>>, vector<1x1x16xf32>,
      %swap3A_388 = vector.shape_cast %swap3A_387 : vector<1x1x16xf32> to vector<16xf32>
      %swap3A_389 = vector.shape_cast %broadcast_in_dim3A_37 : vector<16xf32> to vector<1x1x16xf32>
      tpu.vector_store %arg9[%swap3A_384, %swap3A_385, %swap3A_386], %swap3A_389 {strides = array<i32>} : memref<2x64x256xf32, #tpu.memory_space<vmem>>, vector<1x1x16xf32>,
      %swap3A_390 = arith.constant 1 : i32
      %swap3A_391 = arith.index_cast %swap3A_390 : i32 to index
      %swap3A_392 = arith.index_cast %scan3A_68 : i32 to index
      %swap3A_393 = arith.constant 112 : index
      %swap3A_394 = tpu.vector_load %arg8[%swap3A_391, %swap3A_392, %swap3A_393] {strides = array<i32>} : memref<2x64x256xf32, #tpu.memory_space<vmem>>, vector<1x1x16xf32>,
      %swap3A_395 = vector.shape_cast %swap3A_394 : vector<1x1x16xf32> to vector<16xf32>
      %swap3A_396 = vector.shape_cast %broadcast_in_dim3A_37 : vector<16xf32> to vector<1x1x16xf32>
      tpu.vector_store %arg8[%swap3A_391, %swap3A_392, %swap3A_393], %swap3A_396 {strides = array<i32>} : memref<2x64x256xf32, #tpu.memory_space<vmem>>, vector<1x1x16xf32>,
      %swap3A_397 = arith.constant 1 : i32
      %swap3A_398 = arith.index_cast %swap3A_397 : i32 to index
      %swap3A_399 = arith.index_cast %scan3A_68 : i32 to index
      %swap3A_400 = arith.constant 112 : index
      %swap3A_401 = tpu.vector_load %arg9[%swap3A_398, %swap3A_399, %swap3A_400] {strides = array<i32>} : memref<2x64x256xf32, #tpu.memory_space<vmem>>, vector<1x1x16xf32>,
      %swap3A_402 = vector.shape_cast %swap3A_401 : vector<1x1x16xf32> to vector<16xf32>
      %swap3A_403 = vector.shape_cast %broadcast_in_dim3A_37 : vector<16xf32> to vector<1x1x16xf32>
      tpu.vector_store %arg9[%swap3A_398, %swap3A_399, %swap3A_400], %swap3A_403 {strides = array<i32>} : memref<2x64x256xf32, #tpu.memory_space<vmem>>, vector<1x1x16xf32>,
      %swap3A_404 = arith.constant 1 : i32
      %swap3A_405 = arith.index_cast %swap3A_404 : i32 to index
      %swap3A_406 = arith.index_cast %scan3A_68 : i32 to index
      %swap3A_407 = arith.constant 128 : index
      %swap3A_408 = tpu.vector_load %arg8[%swap3A_405, %swap3A_406, %swap3A_407] {strides = array<i32>} : memref<2x64x256xf32, #tpu.memory_space<vmem>>, vector<1x1x16xf32>,
      %swap3A_409 = vector.shape_cast %swap3A_408 : vector<1x1x16xf32> to vector<16xf32>
      %swap3A_410 = vector.shape_cast %broadcast_in_dim3A_37 : vector<16xf32> to vector<1x1x16xf32>
      tpu.vector_store %arg8[%swap3A_405, %swap3A_406, %swap3A_407], %swap3A_410 {strides = array<i32>} : memref<2x64x256xf32, #tpu.memory_space<vmem>>, vector<1x1x16xf32>,
      %swap3A_411 = arith.constant 1 : i32
      %swap3A_412 = arith.index_cast %swap3A_411 : i32 to index
      %swap3A_413 = arith.index_cast %scan3A_68 : i32 to index
      %swap3A_414 = arith.constant 128 : index
      %swap3A_415 = tpu.vector_load %arg9[%swap3A_412, %swap3A_413, %swap3A_414] {strides = array<i32>} : memref<2x64x256xf32, #tpu.memory_space<vmem>>, vector<1x1x16xf32>,
      %swap3A_416 = vector.shape_cast %swap3A_415 : vector<1x1x16xf32> to vector<16xf32>
      %swap3A_417 = vector.shape_cast %broadcast_in_dim3A_37 : vector<16xf32> to vector<1x1x16xf32>
      tpu.vector_store %arg9[%swap3A_412, %swap3A_413, %swap3A_414], %swap3A_417 {strides = array<i32>} : memref<2x64x256xf32, #tpu.memory_space<vmem>>, vector<1x1x16xf32>,
      %swap3A_418 = arith.constant 1 : i32
      %swap3A_419 = arith.index_cast %swap3A_418 : i32 to index
      %swap3A_420 = arith.index_cast %scan3A_68 : i32 to index
      %swap3A_421 = arith.constant 144 : index
      %swap3A_422 = tpu.vector_load %arg8[%swap3A_419, %swap3A_420, %swap3A_421] {strides = array<i32>} : memref<2x64x256xf32, #tpu.memory_space<vmem>>, vector<1x1x16xf32>,
      %swap3A_423 = vector.shape_cast %swap3A_422 : vector<1x1x16xf32> to vector<16xf32>
      %swap3A_424 = vector.shape_cast %broadcast_in_dim3A_37 : vector<16xf32> to vector<1x1x16xf32>
      tpu.vector_store %arg8[%swap3A_419, %swap3A_420, %swap3A_421], %swap3A_424 {strides = array<i32>} : memref<2x64x256xf32, #tpu.memory_space<vmem>>, vector<1x1x16xf32>,
      %swap3A_425 = arith.constant 1 : i32
      %swap3A_426 = arith.index_cast %swap3A_425 : i32 to index
      %swap3A_427 = arith.index_cast %scan3A_68 : i32 to index
      %swap3A_428 = arith.constant 144 : index
      %swap3A_429 = tpu.vector_load %arg9[%swap3A_426, %swap3A_427, %swap3A_428] {strides = array<i32>} : memref<2x64x256xf32, #tpu.memory_space<vmem>>, vector<1x1x16xf32>,
      %swap3A_430 = vector.shape_cast %swap3A_429 : vector<1x1x16xf32> to vector<16xf32>
      %swap3A_431 = vector.shape_cast %broadcast_in_dim3A_37 : vector<16xf32> to vector<1x1x16xf32>
      tpu.vector_store %arg9[%swap3A_426, %swap3A_427, %swap3A_428], %swap3A_431 {strides = array<i32>} : memref<2x64x256xf32, #tpu.memory_space<vmem>>, vector<1x1x16xf32>,
      %swap3A_432 = arith.constant 1 : i32
      %swap3A_433 = arith.index_cast %swap3A_432 : i32 to index
      %swap3A_434 = arith.index_cast %scan3A_68 : i32 to index
      %swap3A_435 = arith.constant 160 : index
      %swap3A_436 = tpu.vector_load %arg8[%swap3A_433, %swap3A_434, %swap3A_435] {strides = array<i32>} : memref<2x64x256xf32, #tpu.memory_space<vmem>>, vector<1x1x16xf32>,
      %swap3A_437 = vector.shape_cast %swap3A_436 : vector<1x1x16xf32> to vector<16xf32>
      %swap3A_438 = vector.shape_cast %broadcast_in_dim3A_37 : vector<16xf32> to vector<1x1x16xf32>
      tpu.vector_store %arg8[%swap3A_433, %swap3A_434, %swap3A_435], %swap3A_438 {strides = array<i32>} : memref<2x64x256xf32, #tpu.memory_space<vmem>>, vector<1x1x16xf32>,
      %swap3A_439 = arith.constant 1 : i32
      %swap3A_440 = arith.index_cast %swap3A_439 : i32 to index
      %swap3A_441 = arith.index_cast %scan3A_68 : i32 to index
      %swap3A_442 = arith.constant 160 : index
      %swap3A_443 = tpu.vector_load %arg9[%swap3A_440, %swap3A_441, %swap3A_442] {strides = array<i32>} : memref<2x64x256xf32, #tpu.memory_space<vmem>>, vector<1x1x16xf32>,
      %swap3A_444 = vector.shape_cast %swap3A_443 : vector<1x1x16xf32> to vector<16xf32>
      %swap3A_445 = vector.shape_cast %broadcast_in_dim3A_37 : vector<16xf32> to vector<1x1x16xf32>
      tpu.vector_store %arg9[%swap3A_440, %swap3A_441, %swap3A_442], %swap3A_445 {strides = array<i32>} : memref<2x64x256xf32, #tpu.memory_space<vmem>>, vector<1x1x16xf32>,
      %swap3A_446 = arith.constant 1 : i32
      %swap3A_447 = arith.index_cast %swap3A_446 : i32 to index
      %swap3A_448 = arith.index_cast %scan3A_68 : i32 to index
      %swap3A_449 = arith.constant 176 : index
      %swap3A_450 = tpu.vector_load %arg8[%swap3A_447, %swap3A_448, %swap3A_449] {strides = array<i32>} : memref<2x64x256xf32, #tpu.memory_space<vmem>>, vector<1x1x16xf32>,
      %swap3A_451 = vector.shape_cast %swap3A_450 : vector<1x1x16xf32> to vector<16xf32>
      %swap3A_452 = vector.shape_cast %broadcast_in_dim3A_37 : vector<16xf32> to vector<1x1x16xf32>
      tpu.vector_store %arg8[%swap3A_447, %swap3A_448, %swap3A_449], %swap3A_452 {strides = array<i32>} : memref<2x64x256xf32, #tpu.memory_space<vmem>>, vector<1x1x16xf32>,
      %swap3A_453 = arith.constant 1 : i32
      %swap3A_454 = arith.index_cast %swap3A_453 : i32 to index
      %swap3A_455 = arith.index_cast %scan3A_68 : i32 to index
      %swap3A_456 = arith.constant 176 : index
      %swap3A_457 = tpu.vector_load %arg9[%swap3A_454, %swap3A_455, %swap3A_456] {strides = array<i32>} : memref<2x64x256xf32, #tpu.memory_space<vmem>>, vector<1x1x16xf32>,
      %swap3A_458 = vector.shape_cast %swap3A_457 : vector<1x1x16xf32> to vector<16xf32>
      %swap3A_459 = vector.shape_cast %broadcast_in_dim3A_37 : vector<16xf32> to vector<1x1x16xf32>
      tpu.vector_store %arg9[%swap3A_454, %swap3A_455, %swap3A_456], %swap3A_459 {strides = array<i32>} : memref<2x64x256xf32, #tpu.memory_space<vmem>>, vector<1x1x16xf32>,
      %swap3A_460 = arith.constant 1 : i32
      %swap3A_461 = arith.index_cast %swap3A_460 : i32 to index
      %swap3A_462 = arith.index_cast %scan3A_68 : i32 to index
      %swap3A_463 = arith.constant 192 : index
      %swap3A_464 = tpu.vector_load %arg8[%swap3A_461, %swap3A_462, %swap3A_463] {strides = array<i32>} : memref<2x64x256xf32, #tpu.memory_space<vmem>>, vector<1x1x16xf32>,
      %swap3A_465 = vector.shape_cast %swap3A_464 : vector<1x1x16xf32> to vector<16xf32>
      %swap3A_466 = vector.shape_cast %broadcast_in_dim3A_37 : vector<16xf32> to vector<1x1x16xf32>
      tpu.vector_store %arg8[%swap3A_461, %swap3A_462, %swap3A_463], %swap3A_466 {strides = array<i32>} : memref<2x64x256xf32, #tpu.memory_space<vmem>>, vector<1x1x16xf32>,
      %swap3A_467 = arith.constant 1 : i32
      %swap3A_468 = arith.index_cast %swap3A_467 : i32 to index
      %swap3A_469 = arith.index_cast %scan3A_68 : i32 to index
      %swap3A_470 = arith.constant 192 : index
      %swap3A_471 = tpu.vector_load %arg9[%swap3A_468, %swap3A_469, %swap3A_470] {strides = array<i32>} : memref<2x64x256xf32, #tpu.memory_space<vmem>>, vector<1x1x16xf32>,
      %swap3A_472 = vector.shape_cast %swap3A_471 : vector<1x1x16xf32> to vector<16xf32>
      %swap3A_473 = vector.shape_cast %broadcast_in_dim3A_37 : vector<16xf32> to vector<1x1x16xf32>
      tpu.vector_store %arg9[%swap3A_468, %swap3A_469, %swap3A_470], %swap3A_473 {strides = array<i32>} : memref<2x64x256xf32, #tpu.memory_space<vmem>>, vector<1x1x16xf32>,
      %swap3A_474 = arith.constant 1 : i32
      %swap3A_475 = arith.index_cast %swap3A_474 : i32 to index
      %swap3A_476 = arith.index_cast %scan3A_68 : i32 to index
      %swap3A_477 = arith.constant 208 : index
      %swap3A_478 = tpu.vector_load %arg8[%swap3A_475, %swap3A_476, %swap3A_477] {strides = array<i32>} : memref<2x64x256xf32, #tpu.memory_space<vmem>>, vector<1x1x16xf32>,
      %swap3A_479 = vector.shape_cast %swap3A_478 : vector<1x1x16xf32> to vector<16xf32>
      %swap3A_480 = vector.shape_cast %broadcast_in_dim3A_37 : vector<16xf32> to vector<1x1x16xf32>
      tpu.vector_store %arg8[%swap3A_475, %swap3A_476, %swap3A_477], %swap3A_480 {strides = array<i32>} : memref<2x64x256xf32, #tpu.memory_space<vmem>>, vector<1x1x16xf32>,
      %swap3A_481 = arith.constant 1 : i32
      %swap3A_482 = arith.index_cast %swap3A_481 : i32 to index
      %swap3A_483 = arith.index_cast %scan3A_68 : i32 to index
      %swap3A_484 = arith.constant 208 : index
      %swap3A_485 = tpu.vector_load %arg9[%swap3A_482, %swap3A_483, %swap3A_484] {strides = array<i32>} : memref<2x64x256xf32, #tpu.memory_space<vmem>>, vector<1x1x16xf32>,
      %swap3A_486 = vector.shape_cast %swap3A_485 : vector<1x1x16xf32> to vector<16xf32>
      %swap3A_487 = vector.shape_cast %broadcast_in_dim3A_37 : vector<16xf32> to vector<1x1x16xf32>
      tpu.vector_store %arg9[%swap3A_482, %swap3A_483, %swap3A_484], %swap3A_487 {strides = array<i32>} : memref<2x64x256xf32, #tpu.memory_space<vmem>>, vector<1x1x16xf32>,
      %swap3A_488 = arith.constant 1 : i32
      %swap3A_489 = arith.index_cast %swap3A_488 : i32 to index
      %swap3A_490 = arith.index_cast %scan3A_68 : i32 to index
      %swap3A_491 = arith.constant 224 : index
      %swap3A_492 = tpu.vector_load %arg8[%swap3A_489, %swap3A_490, %swap3A_491] {strides = array<i32>} : memref<2x64x256xf32, #tpu.memory_space<vmem>>, vector<1x1x16xf32>,
      %swap3A_493 = vector.shape_cast %swap3A_492 : vector<1x1x16xf32> to vector<16xf32>
      %swap3A_494 = vector.shape_cast %broadcast_in_dim3A_37 : vector<16xf32> to vector<1x1x16xf32>
      tpu.vector_store %arg8[%swap3A_489, %swap3A_490, %swap3A_491], %swap3A_494 {strides = array<i32>} : memref<2x64x256xf32, #tpu.memory_space<vmem>>, vector<1x1x16xf32>,
      %swap3A_495 = arith.constant 1 : i32
      %swap3A_496 = arith.index_cast %swap3A_495 : i32 to index
      %swap3A_497 = arith.index_cast %scan3A_68 : i32 to index
      %swap3A_498 = arith.constant 224 : index
      %swap3A_499 = tpu.vector_load %arg9[%swap3A_496, %swap3A_497, %swap3A_498] {strides = array<i32>} : memref<2x64x256xf32, #tpu.memory_space<vmem>>, vector<1x1x16xf32>,
      %swap3A_500 = vector.shape_cast %swap3A_499 : vector<1x1x16xf32> to vector<16xf32>
      %swap3A_501 = vector.shape_cast %broadcast_in_dim3A_37 : vector<16xf32> to vector<1x1x16xf32>
      tpu.vector_store %arg9[%swap3A_496, %swap3A_497, %swap3A_498], %swap3A_501 {strides = array<i32>} : memref<2x64x256xf32, #tpu.memory_space<vmem>>, vector<1x1x16xf32>,
      %swap3A_502 = arith.constant 1 : i32
      %swap3A_503 = arith.index_cast %swap3A_502 : i32 to index
      %swap3A_504 = arith.index_cast %scan3A_68 : i32 to index
      %swap3A_505 = arith.constant 240 : index
      %swap3A_506 = tpu.vector_load %arg8[%swap3A_503, %swap3A_504, %swap3A_505] {strides = array<i32>} : memref<2x64x256xf32, #tpu.memory_space<vmem>>, vector<1x1x16xf32>,
      %swap3A_507 = vector.shape_cast %swap3A_506 : vector<1x1x16xf32> to vector<16xf32>
      %swap3A_508 = vector.shape_cast %broadcast_in_dim3A_37 : vector<16xf32> to vector<1x1x16xf32>
      tpu.vector_store %arg8[%swap3A_503, %swap3A_504, %swap3A_505], %swap3A_508 {strides = array<i32>} : memref<2x64x256xf32, #tpu.memory_space<vmem>>, vector<1x1x16xf32>,
      %swap3A_509 = arith.constant 1 : i32
      %swap3A_510 = arith.index_cast %swap3A_509 : i32 to index
      %swap3A_511 = arith.index_cast %scan3A_68 : i32 to index
      %swap3A_512 = arith.constant 240 : index
      %swap3A_513 = tpu.vector_load %arg9[%swap3A_510, %swap3A_511, %swap3A_512] {strides = array<i32>} : memref<2x64x256xf32, #tpu.memory_space<vmem>>, vector<1x1x16xf32>,
      %swap3A_514 = vector.shape_cast %swap3A_513 : vector<1x1x16xf32> to vector<16xf32>
      %swap3A_515 = vector.shape_cast %broadcast_in_dim3A_37 : vector<16xf32> to vector<1x1x16xf32>
      tpu.vector_store %arg9[%swap3A_510, %swap3A_511, %swap3A_512], %swap3A_515 {strides = array<i32>} : memref<2x64x256xf32, #tpu.memory_space<vmem>>, vector<1x1x16xf32>,
    }
    %scan3A_42 = arith.constant 64 : i32
    %scan3A_43 = arith.constant 0 : i32
    %scan3A_44 = arith.constant 0 : i32
    %scan3A_45 = arith.constant 16 : i32
    %scan3A_46 = arith.addi %scan3A_44, %scan3A_45 : i32
    %scan3A_47 = arith.constant 1 : i32
    scf.for %scan3A_68 = %scan3A_44 to %scan3A_46 step %scan3A_47  : i32 {
      %mul3A_69 = arith.constant 4 : i32
      %mul3A_70 = arith.muli %mul3A_69, %scan3A_68 : i32
      %ge3A = arith.constant 1 : i32
      %ge3A_71 = arith.cmpi sge, %scan3A_68, %ge3A : i32
      %convert_element_type3A = arith.extui %ge3A_71 : i1 to i32
      %cond3A = arith.constant 0 : i32
      %cond3A_72 = arith.cmpi ne, %convert_element_type3A, %cond3A : i32
      scf.if %cond3A_72 {
        %dma_wait3A_135 = arith.constant 0 : i32
        %dma_wait3A_136 = arith.constant 0 : i32
        %dma_wait3A_137 = arith.constant 0 : i32
        %dma_wait3A_138 = tpu.memref_slice %arg5[%select_n3A, %dma_wait3A_135, %dma_wait3A_136, %dma_wait3A_137] : memref<4x512x64x256xf32, #tpu.memory_space<hbm>> -> memref<1x2x64x256xf32, #tpu.memory_space<hbm>>
        %dma_wait3A_139 = tpu.memref_squeeze %dma_wait3A_138 : memref<1x2x64x256xf32, #tpu.memory_space<hbm>> -> memref<2x64x256xf32, #tpu.memory_space<hbm>>
        %dma_wait3A_140 = arith.constant 0 : i32
        %dma_wait3A_141 = arith.constant 0 : i32
        %dma_wait3A_142 = arith.constant 0 : i32
        %dma_wait3A_143 = tpu.memref_slice %arg5[%select_n3A, %dma_wait3A_140, %dma_wait3A_141, %dma_wait3A_142] : memref<4x512x64x256xf32, #tpu.memory_space<hbm>> -> memref<1x2x64x256xf32, #tpu.memory_space<hbm>>
        %dma_wait3A_144 = tpu.memref_squeeze %dma_wait3A_143 : memref<1x2x64x256xf32, #tpu.memory_space<hbm>> -> memref<2x64x256xf32, #tpu.memory_space<hbm>>
        tpu.wait_dma2 semaphore(%arg11 : memref<!tpu.dma_semaphore, #tpu.memory_space<semaphore_mem>>) src(%arg8 : memref<2x64x256xf32, #tpu.memory_space<vmem>>) dst(%dma_wait3A_144 : memref<2x64x256xf32, #tpu.memory_space<hbm>>)
      } else {
      }
      %lt3A_73 = arith.cmpi slt, %mul3A_70, %squeeze3A : i32
      %convert_element_type3A_74 = arith.extui %lt3A_73 : i1 to i32
      %cond3A_75 = arith.constant 0 : i32
      %cond3A_76 = arith.cmpi ne, %convert_element_type3A_74, %cond3A_75 : i32
      scf.if %cond3A_76 {
        %get3A_135 = arith.index_cast %mul3A_70 : i32 to index
        %get3A_136 = arith.constant 0 : index
        %get3A_137 = tpu.vector_load %arg7[%get3A_135, %get3A_136] {strides = array<i32>} : memref<64x256xf32, #tpu.memory_space<vmem>>, vector<1x16xf32>,
        %get3A_138 = vector.shape_cast %get3A_137 : vector<1x16xf32> to vector<16xf32>
        %get3A_139 = arith.index_cast %mul3A_70 : i32 to index
        %get3A_140 = arith.constant 16 : index
        %get3A_141 = tpu.vector_load %arg7[%get3A_139, %get3A_140] {strides = array<i32>} : memref<64x256xf32, #tpu.memory_space<vmem>>, vector<1x16xf32>,
        %get3A_142 = vector.shape_cast %get3A_141 : vector<1x16xf32> to vector<16xf32>
        %get3A_143 = arith.index_cast %mul3A_70 : i32 to index
        %get3A_144 = arith.constant 32 : index
        %get3A_145 = tpu.vector_load %arg7[%get3A_143, %get3A_144] {strides = array<i32>} : memref<64x256xf32, #tpu.memory_space<vmem>>, vector<1x16xf32>,
        %get3A_146 = vector.shape_cast %get3A_145 : vector<1x16xf32> to vector<16xf32>
        %get3A_147 = arith.index_cast %mul3A_70 : i32 to index
        %get3A_148 = arith.constant 48 : index
        %get3A_149 = tpu.vector_load %arg7[%get3A_147, %get3A_148] {strides = array<i32>} : memref<64x256xf32, #tpu.memory_space<vmem>>, vector<1x16xf32>,
        %get3A_150 = vector.shape_cast %get3A_149 : vector<1x16xf32> to vector<16xf32>
        %get3A_151 = arith.index_cast %mul3A_70 : i32 to index
        %get3A_152 = arith.constant 64 : index
        %get3A_153 = tpu.vector_load %arg7[%get3A_151, %get3A_152] {strides = array<i32>} : memref<64x256xf32, #tpu.memory_space<vmem>>, vector<1x16xf32>,
        %get3A_154 = vector.shape_cast %get3A_153 : vector<1x16xf32> to vector<16xf32>
        %get3A_155 = arith.index_cast %mul3A_70 : i32 to index
        %get3A_156 = arith.constant 80 : index
        %get3A_157 = tpu.vector_load %arg7[%get3A_155, %get3A_156] {strides = array<i32>} : memref<64x256xf32, #tpu.memory_space<vmem>>, vector<1x16xf32>,
        %get3A_158 = vector.shape_cast %get3A_157 : vector<1x16xf32> to vector<16xf32>
        %get3A_159 = arith.index_cast %mul3A_70 : i32 to index
        %get3A_160 = arith.constant 96 : index
        %get3A_161 = tpu.vector_load %arg7[%get3A_159, %get3A_160] {strides = array<i32>} : memref<64x256xf32, #tpu.memory_space<vmem>>, vector<1x16xf32>,
        %get3A_162 = vector.shape_cast %get3A_161 : vector<1x16xf32> to vector<16xf32>
        %get3A_163 = arith.index_cast %mul3A_70 : i32 to index
        %get3A_164 = arith.constant 112 : index
        %get3A_165 = tpu.vector_load %arg7[%get3A_163, %get3A_164] {strides = array<i32>} : memref<64x256xf32, #tpu.memory_space<vmem>>, vector<1x16xf32>,
        %get3A_166 = vector.shape_cast %get3A_165 : vector<1x16xf32> to vector<16xf32>
        %get3A_167 = arith.index_cast %mul3A_70 : i32 to index
        %get3A_168 = arith.constant 128 : index
        %get3A_169 = tpu.vector_load %arg7[%get3A_167, %get3A_168] {strides = array<i32>} : memref<64x256xf32, #tpu.memory_space<vmem>>, vector<1x16xf32>,
        %get3A_170 = vector.shape_cast %get3A_169 : vector<1x16xf32> to vector<16xf32>
        %get3A_171 = arith.index_cast %mul3A_70 : i32 to index
        %get3A_172 = arith.constant 144 : index
        %get3A_173 = tpu.vector_load %arg7[%get3A_171, %get3A_172] {strides = array<i32>} : memref<64x256xf32, #tpu.memory_space<vmem>>, vector<1x16xf32>,
        %get3A_174 = vector.shape_cast %get3A_173 : vector<1x16xf32> to vector<16xf32>
        %get3A_175 = arith.index_cast %mul3A_70 : i32 to index
        %get3A_176 = arith.constant 160 : index
        %get3A_177 = tpu.vector_load %arg7[%get3A_175, %get3A_176] {strides = array<i32>} : memref<64x256xf32, #tpu.memory_space<vmem>>, vector<1x16xf32>,
        %get3A_178 = vector.shape_cast %get3A_177 : vector<1x16xf32> to vector<16xf32>
        %get3A_179 = arith.index_cast %mul3A_70 : i32 to index
        %get3A_180 = arith.constant 176 : index
        %get3A_181 = tpu.vector_load %arg7[%get3A_179, %get3A_180] {strides = array<i32>} : memref<64x256xf32, #tpu.memory_space<vmem>>, vector<1x16xf32>,
        %get3A_182 = vector.shape_cast %get3A_181 : vector<1x16xf32> to vector<16xf32>
        %get3A_183 = arith.index_cast %mul3A_70 : i32 to index
        %get3A_184 = arith.constant 192 : index
        %get3A_185 = tpu.vector_load %arg7[%get3A_183, %get3A_184] {strides = array<i32>} : memref<64x256xf32, #tpu.memory_space<vmem>>, vector<1x16xf32>,
        %get3A_186 = vector.shape_cast %get3A_185 : vector<1x16xf32> to vector<16xf32>
        %get3A_187 = arith.index_cast %mul3A_70 : i32 to index
        %get3A_188 = arith.constant 208 : index
        %get3A_189 = tpu.vector_load %arg7[%get3A_187, %get3A_188] {strides = array<i32>} : memref<64x256xf32, #tpu.memory_space<vmem>>, vector<1x16xf32>,
        %get3A_190 = vector.shape_cast %get3A_189 : vector<1x16xf32> to vector<16xf32>
        %get3A_191 = arith.index_cast %mul3A_70 : i32 to index
        %get3A_192 = arith.constant 224 : index
        %get3A_193 = tpu.vector_load %arg7[%get3A_191, %get3A_192] {strides = array<i32>} : memref<64x256xf32, #tpu.memory_space<vmem>>, vector<1x16xf32>,
        %get3A_194 = vector.shape_cast %get3A_193 : vector<1x16xf32> to vector<16xf32>
        %get3A_195 = arith.index_cast %mul3A_70 : i32 to index
        %get3A_196 = arith.constant 240 : index
        %get3A_197 = tpu.vector_load %arg7[%get3A_195, %get3A_196] {strides = array<i32>} : memref<64x256xf32, #tpu.memory_space<vmem>>, vector<1x16xf32>,
        %get3A_198 = vector.shape_cast %get3A_197 : vector<1x16xf32> to vector<16xf32>
        %while3A = arith.constant 0 : i32
        %while3A_199 = arith.constant 0 : i32
        %while3A_200 = arith.subi %squeeze3A_36, %while3A_199 : i32
        %while3A_201 = arith.addi %while3A_199, %while3A_200 : i32
        %while3A_202 = arith.constant 1 : i32
        %while3A_203 = arith.divsi %while3A_200, %while3A_202 : i32
        %while3A_204 = arith.muli %while3A_203, %while3A_202 : i32
        %while3A_205 = arith.addi %while3A_199, %while3A_204 : i32
        %while3A_206 = arith.constant 1 : i32
        scf.for %while3A_208 = %while3A_199 to %while3A_205 step %while3A_206  : i32 {
          %get3A_209 = arith.index_cast %while3A_208 : i32 to index
          %get3A_210 = arith.constant 0 : index
          %get3A_211 = tpu.vector_load %arg6[%get3A_209, %get3A_210] {strides = array<i32>} : memref<64x256xf32, #tpu.memory_space<vmem>>, vector<1x16xf32>,
          %get3A_212 = vector.shape_cast %get3A_211 : vector<1x16xf32> to vector<16xf32>
          %add3A_213 = arith.addf %get3A_138, %get3A_212 : vector<16xf32>
          %swap3A = arith.constant 0 : i32
          %swap3A_214 = arith.index_cast %swap3A : i32 to index
          %swap3A_215 = arith.index_cast %while3A_208 : i32 to index
          %swap3A_216 = arith.constant 0 : index
          %swap3A_217 = tpu.vector_load %arg8[%swap3A_214, %swap3A_215, %swap3A_216] {strides = array<i32>} : memref<2x64x256xf32, #tpu.memory_space<vmem>>, vector<1x1x16xf32>,
          %swap3A_218 = vector.shape_cast %swap3A_217 : vector<1x1x16xf32> to vector<16xf32>
          %swap3A_219 = vector.shape_cast %add3A_213 : vector<16xf32> to vector<1x1x16xf32>
          tpu.vector_store %arg8[%swap3A_214, %swap3A_215, %swap3A_216], %swap3A_219 {strides = array<i32>} : memref<2x64x256xf32, #tpu.memory_space<vmem>>, vector<1x1x16xf32>,
          %get3A_220 = arith.index_cast %while3A_208 : i32 to index
          %get3A_221 = arith.constant 16 : index
          %get3A_222 = tpu.vector_load %arg6[%get3A_220, %get3A_221] {strides = array<i32>} : memref<64x256xf32, #tpu.memory_space<vmem>>, vector<1x16xf32>,
          %get3A_223 = vector.shape_cast %get3A_222 : vector<1x16xf32> to vector<16xf32>
          %add3A_224 = arith.addf %get3A_142, %get3A_223 : vector<16xf32>
          %swap3A_225 = arith.constant 0 : i32
          %swap3A_226 = arith.index_cast %swap3A_225 : i32 to index
          %swap3A_227 = arith.index_cast %while3A_208 : i32 to index
          %swap3A_228 = arith.constant 16 : index
          %swap3A_229 = tpu.vector_load %arg8[%swap3A_226, %swap3A_227, %swap3A_228] {strides = array<i32>} : memref<2x64x256xf32, #tpu.memory_space<vmem>>, vector<1x1x16xf32>,
          %swap3A_230 = vector.shape_cast %swap3A_229 : vector<1x1x16xf32> to vector<16xf32>
          %swap3A_231 = vector.shape_cast %add3A_224 : vector<16xf32> to vector<1x1x16xf32>
          tpu.vector_store %arg8[%swap3A_226, %swap3A_227, %swap3A_228], %swap3A_231 {strides = array<i32>} : memref<2x64x256xf32, #tpu.memory_space<vmem>>, vector<1x1x16xf32>,
          %get3A_232 = arith.index_cast %while3A_208 : i32 to index
          %get3A_233 = arith.constant 32 : index
          %get3A_234 = tpu.vector_load %arg6[%get3A_232, %get3A_233] {strides = array<i32>} : memref<64x256xf32, #tpu.memory_space<vmem>>, vector<1x16xf32>,
          %get3A_235 = vector.shape_cast %get3A_234 : vector<1x16xf32> to vector<16xf32>
          %add3A_236 = arith.addf %get3A_146, %get3A_235 : vector<16xf32>
          %swap3A_237 = arith.constant 0 : i32
          %swap3A_238 = arith.index_cast %swap3A_237 : i32 to index
          %swap3A_239 = arith.index_cast %while3A_208 : i32 to index
          %swap3A_240 = arith.constant 32 : index
          %swap3A_241 = tpu.vector_load %arg8[%swap3A_238, %swap3A_239, %swap3A_240] {strides = array<i32>} : memref<2x64x256xf32, #tpu.memory_space<vmem>>, vector<1x1x16xf32>,
          %swap3A_242 = vector.shape_cast %swap3A_241 : vector<1x1x16xf32> to vector<16xf32>
          %swap3A_243 = vector.shape_cast %add3A_236 : vector<16xf32> to vector<1x1x16xf32>
          tpu.vector_store %arg8[%swap3A_238, %swap3A_239, %swap3A_240], %swap3A_243 {strides = array<i32>} : memref<2x64x256xf32, #tpu.memory_space<vmem>>, vector<1x1x16xf32>,
          %get3A_244 = arith.index_cast %while3A_208 : i32 to index
          %get3A_245 = arith.constant 48 : index
          %get3A_246 = tpu.vector_load %arg6[%get3A_244, %get3A_245] {strides = array<i32>} : memref<64x256xf32, #tpu.memory_space<vmem>>, vector<1x16xf32>,
          %get3A_247 = vector.shape_cast %get3A_246 : vector<1x16xf32> to vector<16xf32>
          %add3A_248 = arith.addf %get3A_150, %get3A_247 : vector<16xf32>
          %swap3A_249 = arith.constant 0 : i32
          %swap3A_250 = arith.index_cast %swap3A_249 : i32 to index
          %swap3A_251 = arith.index_cast %while3A_208 : i32 to index
          %swap3A_252 = arith.constant 48 : index
          %swap3A_253 = tpu.vector_load %arg8[%swap3A_250, %swap3A_251, %swap3A_252] {strides = array<i32>} : memref<2x64x256xf32, #tpu.memory_space<vmem>>, vector<1x1x16xf32>,
          %swap3A_254 = vector.shape_cast %swap3A_253 : vector<1x1x16xf32> to vector<16xf32>
          %swap3A_255 = vector.shape_cast %add3A_248 : vector<16xf32> to vector<1x1x16xf32>
          tpu.vector_store %arg8[%swap3A_250, %swap3A_251, %swap3A_252], %swap3A_255 {strides = array<i32>} : memref<2x64x256xf32, #tpu.memory_space<vmem>>, vector<1x1x16xf32>,
          %get3A_256 = arith.index_cast %while3A_208 : i32 to index
          %get3A_257 = arith.constant 64 : index
          %get3A_258 = tpu.vector_load %arg6[%get3A_256, %get3A_257] {strides = array<i32>} : memref<64x256xf32, #tpu.memory_space<vmem>>, vector<1x16xf32>,
          %get3A_259 = vector.shape_cast %get3A_258 : vector<1x16xf32> to vector<16xf32>
          %add3A_260 = arith.addf %get3A_154, %get3A_259 : vector<16xf32>
          %swap3A_261 = arith.constant 0 : i32
          %swap3A_262 = arith.index_cast %swap3A_261 : i32 to index
          %swap3A_263 = arith.index_cast %while3A_208 : i32 to index
          %swap3A_264 = arith.constant 64 : index
          %swap3A_265 = tpu.vector_load %arg8[%swap3A_262, %swap3A_263, %swap3A_264] {strides = array<i32>} : memref<2x64x256xf32, #tpu.memory_space<vmem>>, vector<1x1x16xf32>,
          %swap3A_266 = vector.shape_cast %swap3A_265 : vector<1x1x16xf32> to vector<16xf32>
          %swap3A_267 = vector.shape_cast %add3A_260 : vector<16xf32> to vector<1x1x16xf32>
          tpu.vector_store %arg8[%swap3A_262, %swap3A_263, %swap3A_264], %swap3A_267 {strides = array<i32>} : memref<2x64x256xf32, #tpu.memory_space<vmem>>, vector<1x1x16xf32>,
          %get3A_268 = arith.index_cast %while3A_208 : i32 to index
          %get3A_269 = arith.constant 80 : index
          %get3A_270 = tpu.vector_load %arg6[%get3A_268, %get3A_269] {strides = array<i32>} : memref<64x256xf32, #tpu.memory_space<vmem>>, vector<1x16xf32>,
          %get3A_271 = vector.shape_cast %get3A_270 : vector<1x16xf32> to vector<16xf32>
          %add3A_272 = arith.addf %get3A_158, %get3A_271 : vector<16xf32>
          %swap3A_273 = arith.constant 0 : i32
          %swap3A_274 = arith.index_cast %swap3A_273 : i32 to index
          %swap3A_275 = arith.index_cast %while3A_208 : i32 to index
          %swap3A_276 = arith.constant 80 : index
          %swap3A_277 = tpu.vector_load %arg8[%swap3A_274, %swap3A_275, %swap3A_276] {strides = array<i32>} : memref<2x64x256xf32, #tpu.memory_space<vmem>>, vector<1x1x16xf32>,
          %swap3A_278 = vector.shape_cast %swap3A_277 : vector<1x1x16xf32> to vector<16xf32>
          %swap3A_279 = vector.shape_cast %add3A_272 : vector<16xf32> to vector<1x1x16xf32>
          tpu.vector_store %arg8[%swap3A_274, %swap3A_275, %swap3A_276], %swap3A_279 {strides = array<i32>} : memref<2x64x256xf32, #tpu.memory_space<vmem>>, vector<1x1x16xf32>,
          %get3A_280 = arith.index_cast %while3A_208 : i32 to index
          %get3A_281 = arith.constant 96 : index
          %get3A_282 = tpu.vector_load %arg6[%get3A_280, %get3A_281] {strides = array<i32>} : memref<64x256xf32, #tpu.memory_space<vmem>>, vector<1x16xf32>,
          %get3A_283 = vector.shape_cast %get3A_282 : vector<1x16xf32> to vector<16xf32>
          %add3A_284 = arith.addf %get3A_162, %get3A_283 : vector<16xf32>
          %swap3A_285 = arith.constant 0 : i32
          %swap3A_286 = arith.index_cast %swap3A_285 : i32 to index
          %swap3A_287 = arith.index_cast %while3A_208 : i32 to index
          %swap3A_288 = arith.constant 96 : index
          %swap3A_289 = tpu.vector_load %arg8[%swap3A_286, %swap3A_287, %swap3A_288] {strides = array<i32>} : memref<2x64x256xf32, #tpu.memory_space<vmem>>, vector<1x1x16xf32>,
          %swap3A_290 = vector.shape_cast %swap3A_289 : vector<1x1x16xf32> to vector<16xf32>
          %swap3A_291 = vector.shape_cast %add3A_284 : vector<16xf32> to vector<1x1x16xf32>
          tpu.vector_store %arg8[%swap3A_286, %swap3A_287, %swap3A_288], %swap3A_291 {strides = array<i32>} : memref<2x64x256xf32, #tpu.memory_space<vmem>>, vector<1x1x16xf32>,
          %get3A_292 = arith.index_cast %while3A_208 : i32 to index
          %get3A_293 = arith.constant 112 : index
          %get3A_294 = tpu.vector_load %arg6[%get3A_292, %get3A_293] {strides = array<i32>} : memref<64x256xf32, #tpu.memory_space<vmem>>, vector<1x16xf32>,
          %get3A_295 = vector.shape_cast %get3A_294 : vector<1x16xf32> to vector<16xf32>
          %add3A_296 = arith.addf %get3A_166, %get3A_295 : vector<16xf32>
          %swap3A_297 = arith.constant 0 : i32
          %swap3A_298 = arith.index_cast %swap3A_297 : i32 to index
          %swap3A_299 = arith.index_cast %while3A_208 : i32 to index
          %swap3A_300 = arith.constant 112 : index
          %swap3A_301 = tpu.vector_load %arg8[%swap3A_298, %swap3A_299, %swap3A_300] {strides = array<i32>} : memref<2x64x256xf32, #tpu.memory_space<vmem>>, vector<1x1x16xf32>,
          %swap3A_302 = vector.shape_cast %swap3A_301 : vector<1x1x16xf32> to vector<16xf32>
          %swap3A_303 = vector.shape_cast %add3A_296 : vector<16xf32> to vector<1x1x16xf32>
          tpu.vector_store %arg8[%swap3A_298, %swap3A_299, %swap3A_300], %swap3A_303 {strides = array<i32>} : memref<2x64x256xf32, #tpu.memory_space<vmem>>, vector<1x1x16xf32>,
          %get3A_304 = arith.index_cast %while3A_208 : i32 to index
          %get3A_305 = arith.constant 128 : index
          %get3A_306 = tpu.vector_load %arg6[%get3A_304, %get3A_305] {strides = array<i32>} : memref<64x256xf32, #tpu.memory_space<vmem>>, vector<1x16xf32>,
          %get3A_307 = vector.shape_cast %get3A_306 : vector<1x16xf32> to vector<16xf32>
          %add3A_308 = arith.addf %get3A_170, %get3A_307 : vector<16xf32>
          %swap3A_309 = arith.constant 0 : i32
          %swap3A_310 = arith.index_cast %swap3A_309 : i32 to index
          %swap3A_311 = arith.index_cast %while3A_208 : i32 to index
          %swap3A_312 = arith.constant 128 : index
          %swap3A_313 = tpu.vector_load %arg8[%swap3A_310, %swap3A_311, %swap3A_312] {strides = array<i32>} : memref<2x64x256xf32, #tpu.memory_space<vmem>>, vector<1x1x16xf32>,
          %swap3A_314 = vector.shape_cast %swap3A_313 : vector<1x1x16xf32> to vector<16xf32>
          %swap3A_315 = vector.shape_cast %add3A_308 : vector<16xf32> to vector<1x1x16xf32>
          tpu.vector_store %arg8[%swap3A_310, %swap3A_311, %swap3A_312], %swap3A_315 {strides = array<i32>} : memref<2x64x256xf32, #tpu.memory_space<vmem>>, vector<1x1x16xf32>,
          %get3A_316 = arith.index_cast %while3A_208 : i32 to index
          %get3A_317 = arith.constant 144 : index
          %get3A_318 = tpu.vector_load %arg6[%get3A_316, %get3A_317] {strides = array<i32>} : memref<64x256xf32, #tpu.memory_space<vmem>>, vector<1x16xf32>,
          %get3A_319 = vector.shape_cast %get3A_318 : vector<1x16xf32> to vector<16xf32>
          %add3A_320 = arith.addf %get3A_174, %get3A_319 : vector<16xf32>
          %swap3A_321 = arith.constant 0 : i32
          %swap3A_322 = arith.index_cast %swap3A_321 : i32 to index
          %swap3A_323 = arith.index_cast %while3A_208 : i32 to index
          %swap3A_324 = arith.constant 144 : index
          %swap3A_325 = tpu.vector_load %arg8[%swap3A_322, %swap3A_323, %swap3A_324] {strides = array<i32>} : memref<2x64x256xf32, #tpu.memory_space<vmem>>, vector<1x1x16xf32>,
          %swap3A_326 = vector.shape_cast %swap3A_325 : vector<1x1x16xf32> to vector<16xf32>
          %swap3A_327 = vector.shape_cast %add3A_320 : vector<16xf32> to vector<1x1x16xf32>
          tpu.vector_store %arg8[%swap3A_322, %swap3A_323, %swap3A_324], %swap3A_327 {strides = array<i32>} : memref<2x64x256xf32, #tpu.memory_space<vmem>>, vector<1x1x16xf32>,
          %get3A_328 = arith.index_cast %while3A_208 : i32 to index
          %get3A_329 = arith.constant 160 : index
          %get3A_330 = tpu.vector_load %arg6[%get3A_328, %get3A_329] {strides = array<i32>} : memref<64x256xf32, #tpu.memory_space<vmem>>, vector<1x16xf32>,
          %get3A_331 = vector.shape_cast %get3A_330 : vector<1x16xf32> to vector<16xf32>
          %add3A_332 = arith.addf %get3A_178, %get3A_331 : vector<16xf32>
          %swap3A_333 = arith.constant 0 : i32
          %swap3A_334 = arith.index_cast %swap3A_333 : i32 to index
          %swap3A_335 = arith.index_cast %while3A_208 : i32 to index
          %swap3A_336 = arith.constant 160 : index
          %swap3A_337 = tpu.vector_load %arg8[%swap3A_334, %swap3A_335, %swap3A_336] {strides = array<i32>} : memref<2x64x256xf32, #tpu.memory_space<vmem>>, vector<1x1x16xf32>,
          %swap3A_338 = vector.shape_cast %swap3A_337 : vector<1x1x16xf32> to vector<16xf32>
          %swap3A_339 = vector.shape_cast %add3A_332 : vector<16xf32> to vector<1x1x16xf32>
          tpu.vector_store %arg8[%swap3A_334, %swap3A_335, %swap3A_336], %swap3A_339 {strides = array<i32>} : memref<2x64x256xf32, #tpu.memory_space<vmem>>, vector<1x1x16xf32>,
          %get3A_340 = arith.index_cast %while3A_208 : i32 to index
          %get3A_341 = arith.constant 176 : index
          %get3A_342 = tpu.vector_load %arg6[%get3A_340, %get3A_341] {strides = array<i32>} : memref<64x256xf32, #tpu.memory_space<vmem>>, vector<1x16xf32>,
          %get3A_343 = vector.shape_cast %get3A_342 : vector<1x16xf32> to vector<16xf32>
          %add3A_344 = arith.addf %get3A_182, %get3A_343 : vector<16xf32>
          %swap3A_345 = arith.constant 0 : i32
          %swap3A_346 = arith.index_cast %swap3A_345 : i32 to index
          %swap3A_347 = arith.index_cast %while3A_208 : i32 to index
          %swap3A_348 = arith.constant 176 : index
          %swap3A_349 = tpu.vector_load %arg8[%swap3A_346, %swap3A_347, %swap3A_348] {strides = array<i32>} : memref<2x64x256xf32, #tpu.memory_space<vmem>>, vector<1x1x16xf32>,
          %swap3A_350 = vector.shape_cast %swap3A_349 : vector<1x1x16xf32> to vector<16xf32>
          %swap3A_351 = vector.shape_cast %add3A_344 : vector<16xf32> to vector<1x1x16xf32>
          tpu.vector_store %arg8[%swap3A_346, %swap3A_347, %swap3A_348], %swap3A_351 {strides = array<i32>} : memref<2x64x256xf32, #tpu.memory_space<vmem>>, vector<1x1x16xf32>,
          %get3A_352 = arith.index_cast %while3A_208 : i32 to index
          %get3A_353 = arith.constant 192 : index
          %get3A_354 = tpu.vector_load %arg6[%get3A_352, %get3A_353] {strides = array<i32>} : memref<64x256xf32, #tpu.memory_space<vmem>>, vector<1x16xf32>,
          %get3A_355 = vector.shape_cast %get3A_354 : vector<1x16xf32> to vector<16xf32>
          %add3A_356 = arith.addf %get3A_186, %get3A_355 : vector<16xf32>
          %swap3A_357 = arith.constant 0 : i32
          %swap3A_358 = arith.index_cast %swap3A_357 : i32 to index
          %swap3A_359 = arith.index_cast %while3A_208 : i32 to index
          %swap3A_360 = arith.constant 192 : index
          %swap3A_361 = tpu.vector_load %arg8[%swap3A_358, %swap3A_359, %swap3A_360] {strides = array<i32>} : memref<2x64x256xf32, #tpu.memory_space<vmem>>, vector<1x1x16xf32>,
          %swap3A_362 = vector.shape_cast %swap3A_361 : vector<1x1x16xf32> to vector<16xf32>
          %swap3A_363 = vector.shape_cast %add3A_356 : vector<16xf32> to vector<1x1x16xf32>
          tpu.vector_store %arg8[%swap3A_358, %swap3A_359, %swap3A_360], %swap3A_363 {strides = array<i32>} : memref<2x64x256xf32, #tpu.memory_space<vmem>>, vector<1x1x16xf32>,
          %get3A_364 = arith.index_cast %while3A_208 : i32 to index
          %get3A_365 = arith.constant 208 : index
          %get3A_366 = tpu.vector_load %arg6[%get3A_364, %get3A_365] {strides = array<i32>} : memref<64x256xf32, #tpu.memory_space<vmem>>, vector<1x16xf32>,
          %get3A_367 = vector.shape_cast %get3A_366 : vector<1x16xf32> to vector<16xf32>
          %add3A_368 = arith.addf %get3A_190, %get3A_367 : vector<16xf32>
          %swap3A_369 = arith.constant 0 : i32
          %swap3A_370 = arith.index_cast %swap3A_369 : i32 to index
          %swap3A_371 = arith.index_cast %while3A_208 : i32 to index
          %swap3A_372 = arith.constant 208 : index
          %swap3A_373 = tpu.vector_load %arg8[%swap3A_370, %swap3A_371, %swap3A_372] {strides = array<i32>} : memref<2x64x256xf32, #tpu.memory_space<vmem>>, vector<1x1x16xf32>,
          %swap3A_374 = vector.shape_cast %swap3A_373 : vector<1x1x16xf32> to vector<16xf32>
          %swap3A_375 = vector.shape_cast %add3A_368 : vector<16xf32> to vector<1x1x16xf32>
          tpu.vector_store %arg8[%swap3A_370, %swap3A_371, %swap3A_372], %swap3A_375 {strides = array<i32>} : memref<2x64x256xf32, #tpu.memory_space<vmem>>, vector<1x1x16xf32>,
          %get3A_376 = arith.index_cast %while3A_208 : i32 to index
          %get3A_377 = arith.constant 224 : index
          %get3A_378 = tpu.vector_load %arg6[%get3A_376, %get3A_377] {strides = array<i32>} : memref<64x256xf32, #tpu.memory_space<vmem>>, vector<1x16xf32>,
          %get3A_379 = vector.shape_cast %get3A_378 : vector<1x16xf32> to vector<16xf32>
          %add3A_380 = arith.addf %get3A_194, %get3A_379 : vector<16xf32>
          %swap3A_381 = arith.constant 0 : i32
          %swap3A_382 = arith.index_cast %swap3A_381 : i32 to index
          %swap3A_383 = arith.index_cast %while3A_208 : i32 to index
          %swap3A_384 = arith.constant 224 : index
          %swap3A_385 = tpu.vector_load %arg8[%swap3A_382, %swap3A_383, %swap3A_384] {strides = array<i32>} : memref<2x64x256xf32, #tpu.memory_space<vmem>>, vector<1x1x16xf32>,
          %swap3A_386 = vector.shape_cast %swap3A_385 : vector<1x1x16xf32> to vector<16xf32>
          %swap3A_387 = vector.shape_cast %add3A_380 : vector<16xf32> to vector<1x1x16xf32>
          tpu.vector_store %arg8[%swap3A_382, %swap3A_383, %swap3A_384], %swap3A_387 {strides = array<i32>} : memref<2x64x256xf32, #tpu.memory_space<vmem>>, vector<1x1x16xf32>,
          %get3A_388 = arith.index_cast %while3A_208 : i32 to index
          %get3A_389 = arith.constant 240 : index
          %get3A_390 = tpu.vector_load %arg6[%get3A_388, %get3A_389] {strides = array<i32>} : memref<64x256xf32, #tpu.memory_space<vmem>>, vector<1x16xf32>,
          %get3A_391 = vector.shape_cast %get3A_390 : vector<1x16xf32> to vector<16xf32>
          %add3A_392 = arith.addf %get3A_198, %get3A_391 : vector<16xf32>
          %swap3A_393 = arith.constant 0 : i32
          %swap3A_394 = arith.index_cast %swap3A_393 : i32 to index
          %swap3A_395 = arith.index_cast %while3A_208 : i32 to index
          %swap3A_396 = arith.constant 240 : index
          %swap3A_397 = tpu.vector_load %arg8[%swap3A_394, %swap3A_395, %swap3A_396] {strides = array<i32>} : memref<2x64x256xf32, #tpu.memory_space<vmem>>, vector<1x1x16xf32>,
          %swap3A_398 = vector.shape_cast %swap3A_397 : vector<1x1x16xf32> to vector<16xf32>
          %swap3A_399 = vector.shape_cast %add3A_392 : vector<16xf32> to vector<1x1x16xf32>
          tpu.vector_store %arg8[%swap3A_394, %swap3A_395, %swap3A_396], %swap3A_399 {strides = array<i32>} : memref<2x64x256xf32, #tpu.memory_space<vmem>>, vector<1x1x16xf32>,
        }
        %while3A_207 = arith.constant 1 : i32
        scf.for %while3A_208 = %while3A_205 to %while3A_201 step %while3A_207  : i32 {
          %get3A_209 = arith.index_cast %while3A_208 : i32 to index
          %get3A_210 = arith.constant 0 : index
          %get3A_211 = tpu.vector_load %arg6[%get3A_209, %get3A_210] {strides = array<i32>} : memref<64x256xf32, #tpu.memory_space<vmem>>, vector<1x16xf32>,
          %get3A_212 = vector.shape_cast %get3A_211 : vector<1x16xf32> to vector<16xf32>
          %add3A_213 = arith.addf %get3A_138, %get3A_212 : vector<16xf32>
          %swap3A = arith.constant 0 : i32
          %swap3A_214 = arith.index_cast %swap3A : i32 to index
          %swap3A_215 = arith.index_cast %while3A_208 : i32 to index
          %swap3A_216 = arith.constant 0 : index
          %swap3A_217 = tpu.vector_load %arg8[%swap3A_214, %swap3A_215, %swap3A_216] {strides = array<i32>} : memref<2x64x256xf32, #tpu.memory_space<vmem>>, vector<1x1x16xf32>,
          %swap3A_218 = vector.shape_cast %swap3A_217 : vector<1x1x16xf32> to vector<16xf32>
          %swap3A_219 = vector.shape_cast %add3A_213 : vector<16xf32> to vector<1x1x16xf32>
          tpu.vector_store %arg8[%swap3A_214, %swap3A_215, %swap3A_216], %swap3A_219 {strides = array<i32>} : memref<2x64x256xf32, #tpu.memory_space<vmem>>, vector<1x1x16xf32>,
          %get3A_220 = arith.index_cast %while3A_208 : i32 to index
          %get3A_221 = arith.constant 16 : index
          %get3A_222 = tpu.vector_load %arg6[%get3A_220, %get3A_221] {strides = array<i32>} : memref<64x256xf32, #tpu.memory_space<vmem>>, vector<1x16xf32>,
          %get3A_223 = vector.shape_cast %get3A_222 : vector<1x16xf32> to vector<16xf32>
          %add3A_224 = arith.addf %get3A_142, %get3A_223 : vector<16xf32>
          %swap3A_225 = arith.constant 0 : i32
          %swap3A_226 = arith.index_cast %swap3A_225 : i32 to index
          %swap3A_227 = arith.index_cast %while3A_208 : i32 to index
          %swap3A_228 = arith.constant 16 : index
          %swap3A_229 = tpu.vector_load %arg8[%swap3A_226, %swap3A_227, %swap3A_228] {strides = array<i32>} : memref<2x64x256xf32, #tpu.memory_space<vmem>>, vector<1x1x16xf32>,
          %swap3A_230 = vector.shape_cast %swap3A_229 : vector<1x1x16xf32> to vector<16xf32>
          %swap3A_231 = vector.shape_cast %add3A_224 : vector<16xf32> to vector<1x1x16xf32>
          tpu.vector_store %arg8[%swap3A_226, %swap3A_227, %swap3A_228], %swap3A_231 {strides = array<i32>} : memref<2x64x256xf32, #tpu.memory_space<vmem>>, vector<1x1x16xf32>,
          %get3A_232 = arith.index_cast %while3A_208 : i32 to index
          %get3A_233 = arith.constant 32 : index
          %get3A_234 = tpu.vector_load %arg6[%get3A_232, %get3A_233] {strides = array<i32>} : memref<64x256xf32, #tpu.memory_space<vmem>>, vector<1x16xf32>,
          %get3A_235 = vector.shape_cast %get3A_234 : vector<1x16xf32> to vector<16xf32>
          %add3A_236 = arith.addf %get3A_146, %get3A_235 : vector<16xf32>
          %swap3A_237 = arith.constant 0 : i32
          %swap3A_238 = arith.index_cast %swap3A_237 : i32 to index
          %swap3A_239 = arith.index_cast %while3A_208 : i32 to index
          %swap3A_240 = arith.constant 32 : index
          %swap3A_241 = tpu.vector_load %arg8[%swap3A_238, %swap3A_239, %swap3A_240] {strides = array<i32>} : memref<2x64x256xf32, #tpu.memory_space<vmem>>, vector<1x1x16xf32>,
          %swap3A_242 = vector.shape_cast %swap3A_241 : vector<1x1x16xf32> to vector<16xf32>
          %swap3A_243 = vector.shape_cast %add3A_236 : vector<16xf32> to vector<1x1x16xf32>
          tpu.vector_store %arg8[%swap3A_238, %swap3A_239, %swap3A_240], %swap3A_243 {strides = array<i32>} : memref<2x64x256xf32, #tpu.memory_space<vmem>>, vector<1x1x16xf32>,
          %get3A_244 = arith.index_cast %while3A_208 : i32 to index
          %get3A_245 = arith.constant 48 : index
          %get3A_246 = tpu.vector_load %arg6[%get3A_244, %get3A_245] {strides = array<i32>} : memref<64x256xf32, #tpu.memory_space<vmem>>, vector<1x16xf32>,
          %get3A_247 = vector.shape_cast %get3A_246 : vector<1x16xf32> to vector<16xf32>
          %add3A_248 = arith.addf %get3A_150, %get3A_247 : vector<16xf32>
          %swap3A_249 = arith.constant 0 : i32
          %swap3A_250 = arith.index_cast %swap3A_249 : i32 to index
          %swap3A_251 = arith.index_cast %while3A_208 : i32 to index
          %swap3A_252 = arith.constant 48 : index
          %swap3A_253 = tpu.vector_load %arg8[%swap3A_250, %swap3A_251, %swap3A_252] {strides = array<i32>} : memref<2x64x256xf32, #tpu.memory_space<vmem>>, vector<1x1x16xf32>,
          %swap3A_254 = vector.shape_cast %swap3A_253 : vector<1x1x16xf32> to vector<16xf32>
          %swap3A_255 = vector.shape_cast %add3A_248 : vector<16xf32> to vector<1x1x16xf32>
          tpu.vector_store %arg8[%swap3A_250, %swap3A_251, %swap3A_252], %swap3A_255 {strides = array<i32>} : memref<2x64x256xf32, #tpu.memory_space<vmem>>, vector<1x1x16xf32>,
          %get3A_256 = arith.index_cast %while3A_208 : i32 to index
          %get3A_257 = arith.constant 64 : index
          %get3A_258 = tpu.vector_load %arg6[%get3A_256, %get3A_257] {strides = array<i32>} : memref<64x256xf32, #tpu.memory_space<vmem>>, vector<1x16xf32>,
          %get3A_259 = vector.shape_cast %get3A_258 : vector<1x16xf32> to vector<16xf32>
          %add3A_260 = arith.addf %get3A_154, %get3A_259 : vector<16xf32>
          %swap3A_261 = arith.constant 0 : i32
          %swap3A_262 = arith.index_cast %swap3A_261 : i32 to index
          %swap3A_263 = arith.index_cast %while3A_208 : i32 to index
          %swap3A_264 = arith.constant 64 : index
          %swap3A_265 = tpu.vector_load %arg8[%swap3A_262, %swap3A_263, %swap3A_264] {strides = array<i32>} : memref<2x64x256xf32, #tpu.memory_space<vmem>>, vector<1x1x16xf32>,
          %swap3A_266 = vector.shape_cast %swap3A_265 : vector<1x1x16xf32> to vector<16xf32>
          %swap3A_267 = vector.shape_cast %add3A_260 : vector<16xf32> to vector<1x1x16xf32>
          tpu.vector_store %arg8[%swap3A_262, %swap3A_263, %swap3A_264], %swap3A_267 {strides = array<i32>} : memref<2x64x256xf32, #tpu.memory_space<vmem>>, vector<1x1x16xf32>,
          %get3A_268 = arith.index_cast %while3A_208 : i32 to index
          %get3A_269 = arith.constant 80 : index
          %get3A_270 = tpu.vector_load %arg6[%get3A_268, %get3A_269] {strides = array<i32>} : memref<64x256xf32, #tpu.memory_space<vmem>>, vector<1x16xf32>,
          %get3A_271 = vector.shape_cast %get3A_270 : vector<1x16xf32> to vector<16xf32>
          %add3A_272 = arith.addf %get3A_158, %get3A_271 : vector<16xf32>
          %swap3A_273 = arith.constant 0 : i32
          %swap3A_274 = arith.index_cast %swap3A_273 : i32 to index
          %swap3A_275 = arith.index_cast %while3A_208 : i32 to index
          %swap3A_276 = arith.constant 80 : index
          %swap3A_277 = tpu.vector_load %arg8[%swap3A_274, %swap3A_275, %swap3A_276] {strides = array<i32>} : memref<2x64x256xf32, #tpu.memory_space<vmem>>, vector<1x1x16xf32>,
          %swap3A_278 = vector.shape_cast %swap3A_277 : vector<1x1x16xf32> to vector<16xf32>
          %swap3A_279 = vector.shape_cast %add3A_272 : vector<16xf32> to vector<1x1x16xf32>
          tpu.vector_store %arg8[%swap3A_274, %swap3A_275, %swap3A_276], %swap3A_279 {strides = array<i32>} : memref<2x64x256xf32, #tpu.memory_space<vmem>>, vector<1x1x16xf32>,
          %get3A_280 = arith.index_cast %while3A_208 : i32 to index
          %get3A_281 = arith.constant 96 : index
          %get3A_282 = tpu.vector_load %arg6[%get3A_280, %get3A_281] {strides = array<i32>} : memref<64x256xf32, #tpu.memory_space<vmem>>, vector<1x16xf32>,
          %get3A_283 = vector.shape_cast %get3A_282 : vector<1x16xf32> to vector<16xf32>
          %add3A_284 = arith.addf %get3A_162, %get3A_283 : vector<16xf32>
          %swap3A_285 = arith.constant 0 : i32
          %swap3A_286 = arith.index_cast %swap3A_285 : i32 to index
          %swap3A_287 = arith.index_cast %while3A_208 : i32 to index
          %swap3A_288 = arith.constant 96 : index
          %swap3A_289 = tpu.vector_load %arg8[%swap3A_286, %swap3A_287, %swap3A_288] {strides = array<i32>} : memref<2x64x256xf32, #tpu.memory_space<vmem>>, vector<1x1x16xf32>,
          %swap3A_290 = vector.shape_cast %swap3A_289 : vector<1x1x16xf32> to vector<16xf32>
          %swap3A_291 = vector.shape_cast %add3A_284 : vector<16xf32> to vector<1x1x16xf32>
          tpu.vector_store %arg8[%swap3A_286, %swap3A_287, %swap3A_288], %swap3A_291 {strides = array<i32>} : memref<2x64x256xf32, #tpu.memory_space<vmem>>, vector<1x1x16xf32>,
          %get3A_292 = arith.index_cast %while3A_208 : i32 to index
          %get3A_293 = arith.constant 112 : index
          %get3A_294 = tpu.vector_load %arg6[%get3A_292, %get3A_293] {strides = array<i32>} : memref<64x256xf32, #tpu.memory_space<vmem>>, vector<1x16xf32>,
          %get3A_295 = vector.shape_cast %get3A_294 : vector<1x16xf32> to vector<16xf32>
          %add3A_296 = arith.addf %get3A_166, %get3A_295 : vector<16xf32>
          %swap3A_297 = arith.constant 0 : i32
          %swap3A_298 = arith.index_cast %swap3A_297 : i32 to index
          %swap3A_299 = arith.index_cast %while3A_208 : i32 to index
          %swap3A_300 = arith.constant 112 : index
          %swap3A_301 = tpu.vector_load %arg8[%swap3A_298, %swap3A_299, %swap3A_300] {strides = array<i32>} : memref<2x64x256xf32, #tpu.memory_space<vmem>>, vector<1x1x16xf32>,
          %swap3A_302 = vector.shape_cast %swap3A_301 : vector<1x1x16xf32> to vector<16xf32>
          %swap3A_303 = vector.shape_cast %add3A_296 : vector<16xf32> to vector<1x1x16xf32>
          tpu.vector_store %arg8[%swap3A_298, %swap3A_299, %swap3A_300], %swap3A_303 {strides = array<i32>} : memref<2x64x256xf32, #tpu.memory_space<vmem>>, vector<1x1x16xf32>,
          %get3A_304 = arith.index_cast %while3A_208 : i32 to index
          %get3A_305 = arith.constant 128 : index
          %get3A_306 = tpu.vector_load %arg6[%get3A_304, %get3A_305] {strides = array<i32>} : memref<64x256xf32, #tpu.memory_space<vmem>>, vector<1x16xf32>,
          %get3A_307 = vector.shape_cast %get3A_306 : vector<1x16xf32> to vector<16xf32>
          %add3A_308 = arith.addf %get3A_170, %get3A_307 : vector<16xf32>
          %swap3A_309 = arith.constant 0 : i32
          %swap3A_310 = arith.index_cast %swap3A_309 : i32 to index
          %swap3A_311 = arith.index_cast %while3A_208 : i32 to index
          %swap3A_312 = arith.constant 128 : index
          %swap3A_313 = tpu.vector_load %arg8[%swap3A_310, %swap3A_311, %swap3A_312] {strides = array<i32>} : memref<2x64x256xf32, #tpu.memory_space<vmem>>, vector<1x1x16xf32>,
          %swap3A_314 = vector.shape_cast %swap3A_313 : vector<1x1x16xf32> to vector<16xf32>
          %swap3A_315 = vector.shape_cast %add3A_308 : vector<16xf32> to vector<1x1x16xf32>
          tpu.vector_store %arg8[%swap3A_310, %swap3A_311, %swap3A_312], %swap3A_315 {strides = array<i32>} : memref<2x64x256xf32, #tpu.memory_space<vmem>>, vector<1x1x16xf32>,
          %get3A_316 = arith.index_cast %while3A_208 : i32 to index
          %get3A_317 = arith.constant 144 : index
          %get3A_318 = tpu.vector_load %arg6[%get3A_316, %get3A_317] {strides = array<i32>} : memref<64x256xf32, #tpu.memory_space<vmem>>, vector<1x16xf32>,
          %get3A_319 = vector.shape_cast %get3A_318 : vector<1x16xf32> to vector<16xf32>
          %add3A_320 = arith.addf %get3A_174, %get3A_319 : vector<16xf32>
          %swap3A_321 = arith.constant 0 : i32
          %swap3A_322 = arith.index_cast %swap3A_321 : i32 to index
          %swap3A_323 = arith.index_cast %while3A_208 : i32 to index
          %swap3A_324 = arith.constant 144 : index
          %swap3A_325 = tpu.vector_load %arg8[%swap3A_322, %swap3A_323, %swap3A_324] {strides = array<i32>} : memref<2x64x256xf32, #tpu.memory_space<vmem>>, vector<1x1x16xf32>,
          %swap3A_326 = vector.shape_cast %swap3A_325 : vector<1x1x16xf32> to vector<16xf32>
          %swap3A_327 = vector.shape_cast %add3A_320 : vector<16xf32> to vector<1x1x16xf32>
          tpu.vector_store %arg8[%swap3A_322, %swap3A_323, %swap3A_324], %swap3A_327 {strides = array<i32>} : memref<2x64x256xf32, #tpu.memory_space<vmem>>, vector<1x1x16xf32>,
          %get3A_328 = arith.index_cast %while3A_208 : i32 to index
          %get3A_329 = arith.constant 160 : index
          %get3A_330 = tpu.vector_load %arg6[%get3A_328, %get3A_329] {strides = array<i32>} : memref<64x256xf32, #tpu.memory_space<vmem>>, vector<1x16xf32>,
          %get3A_331 = vector.shape_cast %get3A_330 : vector<1x16xf32> to vector<16xf32>
          %add3A_332 = arith.addf %get3A_178, %get3A_331 : vector<16xf32>
          %swap3A_333 = arith.constant 0 : i32
          %swap3A_334 = arith.index_cast %swap3A_333 : i32 to index
          %swap3A_335 = arith.index_cast %while3A_208 : i32 to index
          %swap3A_336 = arith.constant 160 : index
          %swap3A_337 = tpu.vector_load %arg8[%swap3A_334, %swap3A_335, %swap3A_336] {strides = array<i32>} : memref<2x64x256xf32, #tpu.memory_space<vmem>>, vector<1x1x16xf32>,
          %swap3A_338 = vector.shape_cast %swap3A_337 : vector<1x1x16xf32> to vector<16xf32>
          %swap3A_339 = vector.shape_cast %add3A_332 : vector<16xf32> to vector<1x1x16xf32>
          tpu.vector_store %arg8[%swap3A_334, %swap3A_335, %swap3A_336], %swap3A_339 {strides = array<i32>} : memref<2x64x256xf32, #tpu.memory_space<vmem>>, vector<1x1x16xf32>,
          %get3A_340 = arith.index_cast %while3A_208 : i32 to index
          %get3A_341 = arith.constant 176 : index
          %get3A_342 = tpu.vector_load %arg6[%get3A_340, %get3A_341] {strides = array<i32>} : memref<64x256xf32, #tpu.memory_space<vmem>>, vector<1x16xf32>,
          %get3A_343 = vector.shape_cast %get3A_342 : vector<1x16xf32> to vector<16xf32>
          %add3A_344 = arith.addf %get3A_182, %get3A_343 : vector<16xf32>
          %swap3A_345 = arith.constant 0 : i32
          %swap3A_346 = arith.index_cast %swap3A_345 : i32 to index
          %swap3A_347 = arith.index_cast %while3A_208 : i32 to index
          %swap3A_348 = arith.constant 176 : index
          %swap3A_349 = tpu.vector_load %arg8[%swap3A_346, %swap3A_347, %swap3A_348] {strides = array<i32>} : memref<2x64x256xf32, #tpu.memory_space<vmem>>, vector<1x1x16xf32>,
          %swap3A_350 = vector.shape_cast %swap3A_349 : vector<1x1x16xf32> to vector<16xf32>
          %swap3A_351 = vector.shape_cast %add3A_344 : vector<16xf32> to vector<1x1x16xf32>
          tpu.vector_store %arg8[%swap3A_346, %swap3A_347, %swap3A_348], %swap3A_351 {strides = array<i32>} : memref<2x64x256xf32, #tpu.memory_space<vmem>>, vector<1x1x16xf32>,
          %get3A_352 = arith.index_cast %while3A_208 : i32 to index
          %get3A_353 = arith.constant 192 : index
          %get3A_354 = tpu.vector_load %arg6[%get3A_352, %get3A_353] {strides = array<i32>} : memref<64x256xf32, #tpu.memory_space<vmem>>, vector<1x16xf32>,
          %get3A_355 = vector.shape_cast %get3A_354 : vector<1x16xf32> to vector<16xf32>
          %add3A_356 = arith.addf %get3A_186, %get3A_355 : vector<16xf32>
          %swap3A_357 = arith.constant 0 : i32
          %swap3A_358 = arith.index_cast %swap3A_357 : i32 to index
          %swap3A_359 = arith.index_cast %while3A_208 : i32 to index
          %swap3A_360 = arith.constant 192 : index
          %swap3A_361 = tpu.vector_load %arg8[%swap3A_358, %swap3A_359, %swap3A_360] {strides = array<i32>} : memref<2x64x256xf32, #tpu.memory_space<vmem>>, vector<1x1x16xf32>,
          %swap3A_362 = vector.shape_cast %swap3A_361 : vector<1x1x16xf32> to vector<16xf32>
          %swap3A_363 = vector.shape_cast %add3A_356 : vector<16xf32> to vector<1x1x16xf32>
          tpu.vector_store %arg8[%swap3A_358, %swap3A_359, %swap3A_360], %swap3A_363 {strides = array<i32>} : memref<2x64x256xf32, #tpu.memory_space<vmem>>, vector<1x1x16xf32>,
          %get3A_364 = arith.index_cast %while3A_208 : i32 to index
          %get3A_365 = arith.constant 208 : index
          %get3A_366 = tpu.vector_load %arg6[%get3A_364, %get3A_365] {strides = array<i32>} : memref<64x256xf32, #tpu.memory_space<vmem>>, vector<1x16xf32>,
          %get3A_367 = vector.shape_cast %get3A_366 : vector<1x16xf32> to vector<16xf32>
          %add3A_368 = arith.addf %get3A_190, %get3A_367 : vector<16xf32>
          %swap3A_369 = arith.constant 0 : i32
          %swap3A_370 = arith.index_cast %swap3A_369 : i32 to index
          %swap3A_371 = arith.index_cast %while3A_208 : i32 to index
          %swap3A_372 = arith.constant 208 : index
          %swap3A_373 = tpu.vector_load %arg8[%swap3A_370, %swap3A_371, %swap3A_372] {strides = array<i32>} : memref<2x64x256xf32, #tpu.memory_space<vmem>>, vector<1x1x16xf32>,
          %swap3A_374 = vector.shape_cast %swap3A_373 : vector<1x1x16xf32> to vector<16xf32>
          %swap3A_375 = vector.shape_cast %add3A_368 : vector<16xf32> to vector<1x1x16xf32>
          tpu.vector_store %arg8[%swap3A_370, %swap3A_371, %swap3A_372], %swap3A_375 {strides = array<i32>} : memref<2x64x256xf32, #tpu.memory_space<vmem>>, vector<1x1x16xf32>,
          %get3A_376 = arith.index_cast %while3A_208 : i32 to index
          %get3A_377 = arith.constant 224 : index
          %get3A_378 = tpu.vector_load %arg6[%get3A_376, %get3A_377] {strides = array<i32>} : memref<64x256xf32, #tpu.memory_space<vmem>>, vector<1x16xf32>,
          %get3A_379 = vector.shape_cast %get3A_378 : vector<1x16xf32> to vector<16xf32>
          %add3A_380 = arith.addf %get3A_194, %get3A_379 : vector<16xf32>
          %swap3A_381 = arith.constant 0 : i32
          %swap3A_382 = arith.index_cast %swap3A_381 : i32 to index
          %swap3A_383 = arith.index_cast %while3A_208 : i32 to index
          %swap3A_384 = arith.constant 224 : index
          %swap3A_385 = tpu.vector_load %arg8[%swap3A_382, %swap3A_383, %swap3A_384] {strides = array<i32>} : memref<2x64x256xf32, #tpu.memory_space<vmem>>, vector<1x1x16xf32>,
          %swap3A_386 = vector.shape_cast %swap3A_385 : vector<1x1x16xf32> to vector<16xf32>
          %swap3A_387 = vector.shape_cast %add3A_380 : vector<16xf32> to vector<1x1x16xf32>
          tpu.vector_store %arg8[%swap3A_382, %swap3A_383, %swap3A_384], %swap3A_387 {strides = array<i32>} : memref<2x64x256xf32, #tpu.memory_space<vmem>>, vector<1x1x16xf32>,
          %get3A_388 = arith.index_cast %while3A_208 : i32 to index
          %get3A_389 = arith.constant 240 : index
          %get3A_390 = tpu.vector_load %arg6[%get3A_388, %get3A_389] {strides = array<i32>} : memref<64x256xf32, #tpu.memory_space<vmem>>, vector<1x16xf32>,
          %get3A_391 = vector.shape_cast %get3A_390 : vector<1x16xf32> to vector<16xf32>
          %add3A_392 = arith.addf %get3A_198, %get3A_391 : vector<16xf32>
          %swap3A_393 = arith.constant 0 : i32
          %swap3A_394 = arith.index_cast %swap3A_393 : i32 to index
          %swap3A_395 = arith.index_cast %while3A_208 : i32 to index
          %swap3A_396 = arith.constant 240 : index
          %swap3A_397 = tpu.vector_load %arg8[%swap3A_394, %swap3A_395, %swap3A_396] {strides = array<i32>} : memref<2x64x256xf32, #tpu.memory_space<vmem>>, vector<1x1x16xf32>,
          %swap3A_398 = vector.shape_cast %swap3A_397 : vector<1x1x16xf32> to vector<16xf32>
          %swap3A_399 = vector.shape_cast %add3A_392 : vector<16xf32> to vector<1x1x16xf32>
          tpu.vector_store %arg8[%swap3A_394, %swap3A_395, %swap3A_396], %swap3A_399 {strides = array<i32>} : memref<2x64x256xf32, #tpu.memory_space<vmem>>, vector<1x1x16xf32>,
        }
      } else {
      }
      %ge3A_77 = arith.cmpi sge, %mul3A_70, %squeeze3A : i32
      %convert_element_type3A_78 = arith.extui %ge3A_77 : i1 to i32
      %cond3A_79 = arith.constant 0 : i32
      %cond3A_80 = arith.cmpi ne, %convert_element_type3A_78, %cond3A_79 : i32
      scf.if %cond3A_80 {
        %while3A = arith.constant 0 : i32
        %while3A_135 = arith.constant 0 : i32
        %while3A_136 = arith.subi %squeeze3A_36, %while3A_135 : i32
        %while3A_137 = arith.addi %while3A_135, %while3A_136 : i32
        %while3A_138 = arith.constant 1 : i32
        %while3A_139 = arith.divsi %while3A_136, %while3A_138 : i32
        %while3A_140 = arith.muli %while3A_139, %while3A_138 : i32
        %while3A_141 = arith.addi %while3A_135, %while3A_140 : i32
        %while3A_142 = arith.constant 1 : i32
        scf.for %while3A_144 = %while3A_135 to %while3A_141 step %while3A_142  : i32 {
          %swap3A = arith.constant 0 : i32
          %swap3A_145 = arith.index_cast %swap3A : i32 to index
          %swap3A_146 = arith.index_cast %while3A_144 : i32 to index
          %swap3A_147 = arith.constant 0 : index
          %swap3A_148 = tpu.vector_load %arg8[%swap3A_145, %swap3A_146, %swap3A_147] {strides = array<i32>} : memref<2x64x256xf32, #tpu.memory_space<vmem>>, vector<1x1x16xf32>,
          %swap3A_149 = vector.shape_cast %swap3A_148 : vector<1x1x16xf32> to vector<16xf32>
          %swap3A_150 = vector.shape_cast %broadcast_in_dim3A_37 : vector<16xf32> to vector<1x1x16xf32>
          tpu.vector_store %arg8[%swap3A_145, %swap3A_146, %swap3A_147], %swap3A_150 {strides = array<i32>} : memref<2x64x256xf32, #tpu.memory_space<vmem>>, vector<1x1x16xf32>,
          %swap3A_151 = arith.constant 0 : i32
          %swap3A_152 = arith.index_cast %swap3A_151 : i32 to index
          %swap3A_153 = arith.index_cast %while3A_144 : i32 to index
          %swap3A_154 = arith.constant 16 : index
          %swap3A_155 = tpu.vector_load %arg8[%swap3A_152, %swap3A_153, %swap3A_154] {strides = array<i32>} : memref<2x64x256xf32, #tpu.memory_space<vmem>>, vector<1x1x16xf32>,
          %swap3A_156 = vector.shape_cast %swap3A_155 : vector<1x1x16xf32> to vector<16xf32>
          %swap3A_157 = vector.shape_cast %broadcast_in_dim3A_37 : vector<16xf32> to vector<1x1x16xf32>
          tpu.vector_store %arg8[%swap3A_152, %swap3A_153, %swap3A_154], %swap3A_157 {strides = array<i32>} : memref<2x64x256xf32, #tpu.memory_space<vmem>>, vector<1x1x16xf32>,
          %swap3A_158 = arith.constant 0 : i32
          %swap3A_159 = arith.index_cast %swap3A_158 : i32 to index
          %swap3A_160 = arith.index_cast %while3A_144 : i32 to index
          %swap3A_161 = arith.constant 32 : index
          %swap3A_162 = tpu.vector_load %arg8[%swap3A_159, %swap3A_160, %swap3A_161] {strides = array<i32>} : memref<2x64x256xf32, #tpu.memory_space<vmem>>, vector<1x1x16xf32>,
          %swap3A_163 = vector.shape_cast %swap3A_162 : vector<1x1x16xf32> to vector<16xf32>
          %swap3A_164 = vector.shape_cast %broadcast_in_dim3A_37 : vector<16xf32> to vector<1x1x16xf32>
          tpu.vector_store %arg8[%swap3A_159, %swap3A_160, %swap3A_161], %swap3A_164 {strides = array<i32>} : memref<2x64x256xf32, #tpu.memory_space<vmem>>, vector<1x1x16xf32>,
          %swap3A_165 = arith.constant 0 : i32
          %swap3A_166 = arith.index_cast %swap3A_165 : i32 to index
          %swap3A_167 = arith.index_cast %while3A_144 : i32 to index
          %swap3A_168 = arith.constant 48 : index
          %swap3A_169 = tpu.vector_load %arg8[%swap3A_166, %swap3A_167, %swap3A_168] {strides = array<i32>} : memref<2x64x256xf32, #tpu.memory_space<vmem>>, vector<1x1x16xf32>,
          %swap3A_170 = vector.shape_cast %swap3A_169 : vector<1x1x16xf32> to vector<16xf32>
          %swap3A_171 = vector.shape_cast %broadcast_in_dim3A_37 : vector<16xf32> to vector<1x1x16xf32>
          tpu.vector_store %arg8[%swap3A_166, %swap3A_167, %swap3A_168], %swap3A_171 {strides = array<i32>} : memref<2x64x256xf32, #tpu.memory_space<vmem>>, vector<1x1x16xf32>,
          %swap3A_172 = arith.constant 0 : i32
          %swap3A_173 = arith.index_cast %swap3A_172 : i32 to index
          %swap3A_174 = arith.index_cast %while3A_144 : i32 to index
          %swap3A_175 = arith.constant 64 : index
          %swap3A_176 = tpu.vector_load %arg8[%swap3A_173, %swap3A_174, %swap3A_175] {strides = array<i32>} : memref<2x64x256xf32, #tpu.memory_space<vmem>>, vector<1x1x16xf32>,
          %swap3A_177 = vector.shape_cast %swap3A_176 : vector<1x1x16xf32> to vector<16xf32>
          %swap3A_178 = vector.shape_cast %broadcast_in_dim3A_37 : vector<16xf32> to vector<1x1x16xf32>
          tpu.vector_store %arg8[%swap3A_173, %swap3A_174, %swap3A_175], %swap3A_178 {strides = array<i32>} : memref<2x64x256xf32, #tpu.memory_space<vmem>>, vector<1x1x16xf32>,
          %swap3A_179 = arith.constant 0 : i32
          %swap3A_180 = arith.index_cast %swap3A_179 : i32 to index
          %swap3A_181 = arith.index_cast %while3A_144 : i32 to index
          %swap3A_182 = arith.constant 80 : index
          %swap3A_183 = tpu.vector_load %arg8[%swap3A_180, %swap3A_181, %swap3A_182] {strides = array<i32>} : memref<2x64x256xf32, #tpu.memory_space<vmem>>, vector<1x1x16xf32>,
          %swap3A_184 = vector.shape_cast %swap3A_183 : vector<1x1x16xf32> to vector<16xf32>
          %swap3A_185 = vector.shape_cast %broadcast_in_dim3A_37 : vector<16xf32> to vector<1x1x16xf32>
          tpu.vector_store %arg8[%swap3A_180, %swap3A_181, %swap3A_182], %swap3A_185 {strides = array<i32>} : memref<2x64x256xf32, #tpu.memory_space<vmem>>, vector<1x1x16xf32>,
          %swap3A_186 = arith.constant 0 : i32
          %swap3A_187 = arith.index_cast %swap3A_186 : i32 to index
          %swap3A_188 = arith.index_cast %while3A_144 : i32 to index
          %swap3A_189 = arith.constant 96 : index
          %swap3A_190 = tpu.vector_load %arg8[%swap3A_187, %swap3A_188, %swap3A_189] {strides = array<i32>} : memref<2x64x256xf32, #tpu.memory_space<vmem>>, vector<1x1x16xf32>,
          %swap3A_191 = vector.shape_cast %swap3A_190 : vector<1x1x16xf32> to vector<16xf32>
          %swap3A_192 = vector.shape_cast %broadcast_in_dim3A_37 : vector<16xf32> to vector<1x1x16xf32>
          tpu.vector_store %arg8[%swap3A_187, %swap3A_188, %swap3A_189], %swap3A_192 {strides = array<i32>} : memref<2x64x256xf32, #tpu.memory_space<vmem>>, vector<1x1x16xf32>,
          %swap3A_193 = arith.constant 0 : i32
          %swap3A_194 = arith.index_cast %swap3A_193 : i32 to index
          %swap3A_195 = arith.index_cast %while3A_144 : i32 to index
          %swap3A_196 = arith.constant 112 : index
          %swap3A_197 = tpu.vector_load %arg8[%swap3A_194, %swap3A_195, %swap3A_196] {strides = array<i32>} : memref<2x64x256xf32, #tpu.memory_space<vmem>>, vector<1x1x16xf32>,
          %swap3A_198 = vector.shape_cast %swap3A_197 : vector<1x1x16xf32> to vector<16xf32>
          %swap3A_199 = vector.shape_cast %broadcast_in_dim3A_37 : vector<16xf32> to vector<1x1x16xf32>
          tpu.vector_store %arg8[%swap3A_194, %swap3A_195, %swap3A_196], %swap3A_199 {strides = array<i32>} : memref<2x64x256xf32, #tpu.memory_space<vmem>>, vector<1x1x16xf32>,
          %swap3A_200 = arith.constant 0 : i32
          %swap3A_201 = arith.index_cast %swap3A_200 : i32 to index
          %swap3A_202 = arith.index_cast %while3A_144 : i32 to index
          %swap3A_203 = arith.constant 128 : index
          %swap3A_204 = tpu.vector_load %arg8[%swap3A_201, %swap3A_202, %swap3A_203] {strides = array<i32>} : memref<2x64x256xf32, #tpu.memory_space<vmem>>, vector<1x1x16xf32>,
          %swap3A_205 = vector.shape_cast %swap3A_204 : vector<1x1x16xf32> to vector<16xf32>
          %swap3A_206 = vector.shape_cast %broadcast_in_dim3A_37 : vector<16xf32> to vector<1x1x16xf32>
          tpu.vector_store %arg8[%swap3A_201, %swap3A_202, %swap3A_203], %swap3A_206 {strides = array<i32>} : memref<2x64x256xf32, #tpu.memory_space<vmem>>, vector<1x1x16xf32>,
          %swap3A_207 = arith.constant 0 : i32
          %swap3A_208 = arith.index_cast %swap3A_207 : i32 to index
          %swap3A_209 = arith.index_cast %while3A_144 : i32 to index
          %swap3A_210 = arith.constant 144 : index
          %swap3A_211 = tpu.vector_load %arg8[%swap3A_208, %swap3A_209, %swap3A_210] {strides = array<i32>} : memref<2x64x256xf32, #tpu.memory_space<vmem>>, vector<1x1x16xf32>,
          %swap3A_212 = vector.shape_cast %swap3A_211 : vector<1x1x16xf32> to vector<16xf32>
          %swap3A_213 = vector.shape_cast %broadcast_in_dim3A_37 : vector<16xf32> to vector<1x1x16xf32>
          tpu.vector_store %arg8[%swap3A_208, %swap3A_209, %swap3A_210], %swap3A_213 {strides = array<i32>} : memref<2x64x256xf32, #tpu.memory_space<vmem>>, vector<1x1x16xf32>,
          %swap3A_214 = arith.constant 0 : i32
          %swap3A_215 = arith.index_cast %swap3A_214 : i32 to index
          %swap3A_216 = arith.index_cast %while3A_144 : i32 to index
          %swap3A_217 = arith.constant 160 : index
          %swap3A_218 = tpu.vector_load %arg8[%swap3A_215, %swap3A_216, %swap3A_217] {strides = array<i32>} : memref<2x64x256xf32, #tpu.memory_space<vmem>>, vector<1x1x16xf32>,
          %swap3A_219 = vector.shape_cast %swap3A_218 : vector<1x1x16xf32> to vector<16xf32>
          %swap3A_220 = vector.shape_cast %broadcast_in_dim3A_37 : vector<16xf32> to vector<1x1x16xf32>
          tpu.vector_store %arg8[%swap3A_215, %swap3A_216, %swap3A_217], %swap3A_220 {strides = array<i32>} : memref<2x64x256xf32, #tpu.memory_space<vmem>>, vector<1x1x16xf32>,
          %swap3A_221 = arith.constant 0 : i32
          %swap3A_222 = arith.index_cast %swap3A_221 : i32 to index
          %swap3A_223 = arith.index_cast %while3A_144 : i32 to index
          %swap3A_224 = arith.constant 176 : index
          %swap3A_225 = tpu.vector_load %arg8[%swap3A_222, %swap3A_223, %swap3A_224] {strides = array<i32>} : memref<2x64x256xf32, #tpu.memory_space<vmem>>, vector<1x1x16xf32>,
          %swap3A_226 = vector.shape_cast %swap3A_225 : vector<1x1x16xf32> to vector<16xf32>
          %swap3A_227 = vector.shape_cast %broadcast_in_dim3A_37 : vector<16xf32> to vector<1x1x16xf32>
          tpu.vector_store %arg8[%swap3A_222, %swap3A_223, %swap3A_224], %swap3A_227 {strides = array<i32>} : memref<2x64x256xf32, #tpu.memory_space<vmem>>, vector<1x1x16xf32>,
          %swap3A_228 = arith.constant 0 : i32
          %swap3A_229 = arith.index_cast %swap3A_228 : i32 to index
          %swap3A_230 = arith.index_cast %while3A_144 : i32 to index
          %swap3A_231 = arith.constant 192 : index
          %swap3A_232 = tpu.vector_load %arg8[%swap3A_229, %swap3A_230, %swap3A_231] {strides = array<i32>} : memref<2x64x256xf32, #tpu.memory_space<vmem>>, vector<1x1x16xf32>,
          %swap3A_233 = vector.shape_cast %swap3A_232 : vector<1x1x16xf32> to vector<16xf32>
          %swap3A_234 = vector.shape_cast %broadcast_in_dim3A_37 : vector<16xf32> to vector<1x1x16xf32>
          tpu.vector_store %arg8[%swap3A_229, %swap3A_230, %swap3A_231], %swap3A_234 {strides = array<i32>} : memref<2x64x256xf32, #tpu.memory_space<vmem>>, vector<1x1x16xf32>,
          %swap3A_235 = arith.constant 0 : i32
          %swap3A_236 = arith.index_cast %swap3A_235 : i32 to index
          %swap3A_237 = arith.index_cast %while3A_144 : i32 to index
          %swap3A_238 = arith.constant 208 : index
          %swap3A_239 = tpu.vector_load %arg8[%swap3A_236, %swap3A_237, %swap3A_238] {strides = array<i32>} : memref<2x64x256xf32, #tpu.memory_space<vmem>>, vector<1x1x16xf32>,
          %swap3A_240 = vector.shape_cast %swap3A_239 : vector<1x1x16xf32> to vector<16xf32>
          %swap3A_241 = vector.shape_cast %broadcast_in_dim3A_37 : vector<16xf32> to vector<1x1x16xf32>
          tpu.vector_store %arg8[%swap3A_236, %swap3A_237, %swap3A_238], %swap3A_241 {strides = array<i32>} : memref<2x64x256xf32, #tpu.memory_space<vmem>>, vector<1x1x16xf32>,
          %swap3A_242 = arith.constant 0 : i32
          %swap3A_243 = arith.index_cast %swap3A_242 : i32 to index
          %swap3A_244 = arith.index_cast %while3A_144 : i32 to index
          %swap3A_245 = arith.constant 224 : index
          %swap3A_246 = tpu.vector_load %arg8[%swap3A_243, %swap3A_244, %swap3A_245] {strides = array<i32>} : memref<2x64x256xf32, #tpu.memory_space<vmem>>, vector<1x1x16xf32>,
          %swap3A_247 = vector.shape_cast %swap3A_246 : vector<1x1x16xf32> to vector<16xf32>
          %swap3A_248 = vector.shape_cast %broadcast_in_dim3A_37 : vector<16xf32> to vector<1x1x16xf32>
          tpu.vector_store %arg8[%swap3A_243, %swap3A_244, %swap3A_245], %swap3A_248 {strides = array<i32>} : memref<2x64x256xf32, #tpu.memory_space<vmem>>, vector<1x1x16xf32>,
          %swap3A_249 = arith.constant 0 : i32
          %swap3A_250 = arith.index_cast %swap3A_249 : i32 to index
          %swap3A_251 = arith.index_cast %while3A_144 : i32 to index
          %swap3A_252 = arith.constant 240 : index
          %swap3A_253 = tpu.vector_load %arg8[%swap3A_250, %swap3A_251, %swap3A_252] {strides = array<i32>} : memref<2x64x256xf32, #tpu.memory_space<vmem>>, vector<1x1x16xf32>,
          %swap3A_254 = vector.shape_cast %swap3A_253 : vector<1x1x16xf32> to vector<16xf32>
          %swap3A_255 = vector.shape_cast %broadcast_in_dim3A_37 : vector<16xf32> to vector<1x1x16xf32>
          tpu.vector_store %arg8[%swap3A_250, %swap3A_251, %swap3A_252], %swap3A_255 {strides = array<i32>} : memref<2x64x256xf32, #tpu.memory_space<vmem>>, vector<1x1x16xf32>,
        }
        %while3A_143 = arith.constant 1 : i32
        scf.for %while3A_144 = %while3A_141 to %while3A_137 step %while3A_143  : i32 {
          %swap3A = arith.constant 0 : i32
          %swap3A_145 = arith.index_cast %swap3A : i32 to index
          %swap3A_146 = arith.index_cast %while3A_144 : i32 to index
          %swap3A_147 = arith.constant 0 : index
          %swap3A_148 = tpu.vector_load %arg8[%swap3A_145, %swap3A_146, %swap3A_147] {strides = array<i32>} : memref<2x64x256xf32, #tpu.memory_space<vmem>>, vector<1x1x16xf32>,
          %swap3A_149 = vector.shape_cast %swap3A_148 : vector<1x1x16xf32> to vector<16xf32>
          %swap3A_150 = vector.shape_cast %broadcast_in_dim3A_37 : vector<16xf32> to vector<1x1x16xf32>
          tpu.vector_store %arg8[%swap3A_145, %swap3A_146, %swap3A_147], %swap3A_150 {strides = array<i32>} : memref<2x64x256xf32, #tpu.memory_space<vmem>>, vector<1x1x16xf32>,
          %swap3A_151 = arith.constant 0 : i32
          %swap3A_152 = arith.index_cast %swap3A_151 : i32 to index
          %swap3A_153 = arith.index_cast %while3A_144 : i32 to index
          %swap3A_154 = arith.constant 16 : index
          %swap3A_155 = tpu.vector_load %arg8[%swap3A_152, %swap3A_153, %swap3A_154] {strides = array<i32>} : memref<2x64x256xf32, #tpu.memory_space<vmem>>, vector<1x1x16xf32>,
          %swap3A_156 = vector.shape_cast %swap3A_155 : vector<1x1x16xf32> to vector<16xf32>
          %swap3A_157 = vector.shape_cast %broadcast_in_dim3A_37 : vector<16xf32> to vector<1x1x16xf32>
          tpu.vector_store %arg8[%swap3A_152, %swap3A_153, %swap3A_154], %swap3A_157 {strides = array<i32>} : memref<2x64x256xf32, #tpu.memory_space<vmem>>, vector<1x1x16xf32>,
          %swap3A_158 = arith.constant 0 : i32
          %swap3A_159 = arith.index_cast %swap3A_158 : i32 to index
          %swap3A_160 = arith.index_cast %while3A_144 : i32 to index
          %swap3A_161 = arith.constant 32 : index
          %swap3A_162 = tpu.vector_load %arg8[%swap3A_159, %swap3A_160, %swap3A_161] {strides = array<i32>} : memref<2x64x256xf32, #tpu.memory_space<vmem>>, vector<1x1x16xf32>,
          %swap3A_163 = vector.shape_cast %swap3A_162 : vector<1x1x16xf32> to vector<16xf32>
          %swap3A_164 = vector.shape_cast %broadcast_in_dim3A_37 : vector<16xf32> to vector<1x1x16xf32>
          tpu.vector_store %arg8[%swap3A_159, %swap3A_160, %swap3A_161], %swap3A_164 {strides = array<i32>} : memref<2x64x256xf32, #tpu.memory_space<vmem>>, vector<1x1x16xf32>,
          %swap3A_165 = arith.constant 0 : i32
          %swap3A_166 = arith.index_cast %swap3A_165 : i32 to index
          %swap3A_167 = arith.index_cast %while3A_144 : i32 to index
          %swap3A_168 = arith.constant 48 : index
          %swap3A_169 = tpu.vector_load %arg8[%swap3A_166, %swap3A_167, %swap3A_168] {strides = array<i32>} : memref<2x64x256xf32, #tpu.memory_space<vmem>>, vector<1x1x16xf32>,
          %swap3A_170 = vector.shape_cast %swap3A_169 : vector<1x1x16xf32> to vector<16xf32>
          %swap3A_171 = vector.shape_cast %broadcast_in_dim3A_37 : vector<16xf32> to vector<1x1x16xf32>
          tpu.vector_store %arg8[%swap3A_166, %swap3A_167, %swap3A_168], %swap3A_171 {strides = array<i32>} : memref<2x64x256xf32, #tpu.memory_space<vmem>>, vector<1x1x16xf32>,
          %swap3A_172 = arith.constant 0 : i32
          %swap3A_173 = arith.index_cast %swap3A_172 : i32 to index
          %swap3A_174 = arith.index_cast %while3A_144 : i32 to index
          %swap3A_175 = arith.constant 64 : index
          %swap3A_176 = tpu.vector_load %arg8[%swap3A_173, %swap3A_174, %swap3A_175] {strides = array<i32>} : memref<2x64x256xf32, #tpu.memory_space<vmem>>, vector<1x1x16xf32>,
          %swap3A_177 = vector.shape_cast %swap3A_176 : vector<1x1x16xf32> to vector<16xf32>
          %swap3A_178 = vector.shape_cast %broadcast_in_dim3A_37 : vector<16xf32> to vector<1x1x16xf32>
          tpu.vector_store %arg8[%swap3A_173, %swap3A_174, %swap3A_175], %swap3A_178 {strides = array<i32>} : memref<2x64x256xf32, #tpu.memory_space<vmem>>, vector<1x1x16xf32>,
          %swap3A_179 = arith.constant 0 : i32
          %swap3A_180 = arith.index_cast %swap3A_179 : i32 to index
          %swap3A_181 = arith.index_cast %while3A_144 : i32 to index
          %swap3A_182 = arith.constant 80 : index
          %swap3A_183 = tpu.vector_load %arg8[%swap3A_180, %swap3A_181, %swap3A_182] {strides = array<i32>} : memref<2x64x256xf32, #tpu.memory_space<vmem>>, vector<1x1x16xf32>,
          %swap3A_184 = vector.shape_cast %swap3A_183 : vector<1x1x16xf32> to vector<16xf32>
          %swap3A_185 = vector.shape_cast %broadcast_in_dim3A_37 : vector<16xf32> to vector<1x1x16xf32>
          tpu.vector_store %arg8[%swap3A_180, %swap3A_181, %swap3A_182], %swap3A_185 {strides = array<i32>} : memref<2x64x256xf32, #tpu.memory_space<vmem>>, vector<1x1x16xf32>,
          %swap3A_186 = arith.constant 0 : i32
          %swap3A_187 = arith.index_cast %swap3A_186 : i32 to index
          %swap3A_188 = arith.index_cast %while3A_144 : i32 to index
          %swap3A_189 = arith.constant 96 : index
          %swap3A_190 = tpu.vector_load %arg8[%swap3A_187, %swap3A_188, %swap3A_189] {strides = array<i32>} : memref<2x64x256xf32, #tpu.memory_space<vmem>>, vector<1x1x16xf32>,
          %swap3A_191 = vector.shape_cast %swap3A_190 : vector<1x1x16xf32> to vector<16xf32>
          %swap3A_192 = vector.shape_cast %broadcast_in_dim3A_37 : vector<16xf32> to vector<1x1x16xf32>
          tpu.vector_store %arg8[%swap3A_187, %swap3A_188, %swap3A_189], %swap3A_192 {strides = array<i32>} : memref<2x64x256xf32, #tpu.memory_space<vmem>>, vector<1x1x16xf32>,
          %swap3A_193 = arith.constant 0 : i32
          %swap3A_194 = arith.index_cast %swap3A_193 : i32 to index
          %swap3A_195 = arith.index_cast %while3A_144 : i32 to index
          %swap3A_196 = arith.constant 112 : index
          %swap3A_197 = tpu.vector_load %arg8[%swap3A_194, %swap3A_195, %swap3A_196] {strides = array<i32>} : memref<2x64x256xf32, #tpu.memory_space<vmem>>, vector<1x1x16xf32>,
          %swap3A_198 = vector.shape_cast %swap3A_197 : vector<1x1x16xf32> to vector<16xf32>
          %swap3A_199 = vector.shape_cast %broadcast_in_dim3A_37 : vector<16xf32> to vector<1x1x16xf32>
          tpu.vector_store %arg8[%swap3A_194, %swap3A_195, %swap3A_196], %swap3A_199 {strides = array<i32>} : memref<2x64x256xf32, #tpu.memory_space<vmem>>, vector<1x1x16xf32>,
          %swap3A_200 = arith.constant 0 : i32
          %swap3A_201 = arith.index_cast %swap3A_200 : i32 to index
          %swap3A_202 = arith.index_cast %while3A_144 : i32 to index
          %swap3A_203 = arith.constant 128 : index
          %swap3A_204 = tpu.vector_load %arg8[%swap3A_201, %swap3A_202, %swap3A_203] {strides = array<i32>} : memref<2x64x256xf32, #tpu.memory_space<vmem>>, vector<1x1x16xf32>,
          %swap3A_205 = vector.shape_cast %swap3A_204 : vector<1x1x16xf32> to vector<16xf32>
          %swap3A_206 = vector.shape_cast %broadcast_in_dim3A_37 : vector<16xf32> to vector<1x1x16xf32>
          tpu.vector_store %arg8[%swap3A_201, %swap3A_202, %swap3A_203], %swap3A_206 {strides = array<i32>} : memref<2x64x256xf32, #tpu.memory_space<vmem>>, vector<1x1x16xf32>,
          %swap3A_207 = arith.constant 0 : i32
          %swap3A_208 = arith.index_cast %swap3A_207 : i32 to index
          %swap3A_209 = arith.index_cast %while3A_144 : i32 to index
          %swap3A_210 = arith.constant 144 : index
          %swap3A_211 = tpu.vector_load %arg8[%swap3A_208, %swap3A_209, %swap3A_210] {strides = array<i32>} : memref<2x64x256xf32, #tpu.memory_space<vmem>>, vector<1x1x16xf32>,
          %swap3A_212 = vector.shape_cast %swap3A_211 : vector<1x1x16xf32> to vector<16xf32>
          %swap3A_213 = vector.shape_cast %broadcast_in_dim3A_37 : vector<16xf32> to vector<1x1x16xf32>
          tpu.vector_store %arg8[%swap3A_208, %swap3A_209, %swap3A_210], %swap3A_213 {strides = array<i32>} : memref<2x64x256xf32, #tpu.memory_space<vmem>>, vector<1x1x16xf32>,
          %swap3A_214 = arith.constant 0 : i32
          %swap3A_215 = arith.index_cast %swap3A_214 : i32 to index
          %swap3A_216 = arith.index_cast %while3A_144 : i32 to index
          %swap3A_217 = arith.constant 160 : index
          %swap3A_218 = tpu.vector_load %arg8[%swap3A_215, %swap3A_216, %swap3A_217] {strides = array<i32>} : memref<2x64x256xf32, #tpu.memory_space<vmem>>, vector<1x1x16xf32>,
          %swap3A_219 = vector.shape_cast %swap3A_218 : vector<1x1x16xf32> to vector<16xf32>
          %swap3A_220 = vector.shape_cast %broadcast_in_dim3A_37 : vector<16xf32> to vector<1x1x16xf32>
          tpu.vector_store %arg8[%swap3A_215, %swap3A_216, %swap3A_217], %swap3A_220 {strides = array<i32>} : memref<2x64x256xf32, #tpu.memory_space<vmem>>, vector<1x1x16xf32>,
          %swap3A_221 = arith.constant 0 : i32
          %swap3A_222 = arith.index_cast %swap3A_221 : i32 to index
          %swap3A_223 = arith.index_cast %while3A_144 : i32 to index
          %swap3A_224 = arith.constant 176 : index
          %swap3A_225 = tpu.vector_load %arg8[%swap3A_222, %swap3A_223, %swap3A_224] {strides = array<i32>} : memref<2x64x256xf32, #tpu.memory_space<vmem>>, vector<1x1x16xf32>,
          %swap3A_226 = vector.shape_cast %swap3A_225 : vector<1x1x16xf32> to vector<16xf32>
          %swap3A_227 = vector.shape_cast %broadcast_in_dim3A_37 : vector<16xf32> to vector<1x1x16xf32>
          tpu.vector_store %arg8[%swap3A_222, %swap3A_223, %swap3A_224], %swap3A_227 {strides = array<i32>} : memref<2x64x256xf32, #tpu.memory_space<vmem>>, vector<1x1x16xf32>,
          %swap3A_228 = arith.constant 0 : i32
          %swap3A_229 = arith.index_cast %swap3A_228 : i32 to index
          %swap3A_230 = arith.index_cast %while3A_144 : i32 to index
          %swap3A_231 = arith.constant 192 : index
          %swap3A_232 = tpu.vector_load %arg8[%swap3A_229, %swap3A_230, %swap3A_231] {strides = array<i32>} : memref<2x64x256xf32, #tpu.memory_space<vmem>>, vector<1x1x16xf32>,
          %swap3A_233 = vector.shape_cast %swap3A_232 : vector<1x1x16xf32> to vector<16xf32>
          %swap3A_234 = vector.shape_cast %broadcast_in_dim3A_37 : vector<16xf32> to vector<1x1x16xf32>
          tpu.vector_store %arg8[%swap3A_229, %swap3A_230, %swap3A_231], %swap3A_234 {strides = array<i32>} : memref<2x64x256xf32, #tpu.memory_space<vmem>>, vector<1x1x16xf32>,
          %swap3A_235 = arith.constant 0 : i32
          %swap3A_236 = arith.index_cast %swap3A_235 : i32 to index
          %swap3A_237 = arith.index_cast %while3A_144 : i32 to index
          %swap3A_238 = arith.constant 208 : index
          %swap3A_239 = tpu.vector_load %arg8[%swap3A_236, %swap3A_237, %swap3A_238] {strides = array<i32>} : memref<2x64x256xf32, #tpu.memory_space<vmem>>, vector<1x1x16xf32>,
          %swap3A_240 = vector.shape_cast %swap3A_239 : vector<1x1x16xf32> to vector<16xf32>
          %swap3A_241 = vector.shape_cast %broadcast_in_dim3A_37 : vector<16xf32> to vector<1x1x16xf32>
          tpu.vector_store %arg8[%swap3A_236, %swap3A_237, %swap3A_238], %swap3A_241 {strides = array<i32>} : memref<2x64x256xf32, #tpu.memory_space<vmem>>, vector<1x1x16xf32>,
          %swap3A_242 = arith.constant 0 : i32
          %swap3A_243 = arith.index_cast %swap3A_242 : i32 to index
          %swap3A_244 = arith.index_cast %while3A_144 : i32 to index
          %swap3A_245 = arith.constant 224 : index
          %swap3A_246 = tpu.vector_load %arg8[%swap3A_243, %swap3A_244, %swap3A_245] {strides = array<i32>} : memref<2x64x256xf32, #tpu.memory_space<vmem>>, vector<1x1x16xf32>,
          %swap3A_247 = vector.shape_cast %swap3A_246 : vector<1x1x16xf32> to vector<16xf32>
          %swap3A_248 = vector.shape_cast %broadcast_in_dim3A_37 : vector<16xf32> to vector<1x1x16xf32>
          tpu.vector_store %arg8[%swap3A_243, %swap3A_244, %swap3A_245], %swap3A_248 {strides = array<i32>} : memref<2x64x256xf32, #tpu.memory_space<vmem>>, vector<1x1x16xf32>,
          %swap3A_249 = arith.constant 0 : i32
          %swap3A_250 = arith.index_cast %swap3A_249 : i32 to index
          %swap3A_251 = arith.index_cast %while3A_144 : i32 to index
          %swap3A_252 = arith.constant 240 : index
          %swap3A_253 = tpu.vector_load %arg8[%swap3A_250, %swap3A_251, %swap3A_252] {strides = array<i32>} : memref<2x64x256xf32, #tpu.memory_space<vmem>>, vector<1x1x16xf32>,
          %swap3A_254 = vector.shape_cast %swap3A_253 : vector<1x1x16xf32> to vector<16xf32>
          %swap3A_255 = vector.shape_cast %broadcast_in_dim3A_37 : vector<16xf32> to vector<1x1x16xf32>
          tpu.vector_store %arg8[%swap3A_250, %swap3A_251, %swap3A_252], %swap3A_255 {strides = array<i32>} : memref<2x64x256xf32, #tpu.memory_space<vmem>>, vector<1x1x16xf32>,
        }
      } else {
      }
      %add3A_81 = arith.constant 1 : i32
      %add3A_82 = arith.addi %mul3A_70, %add3A_81 : i32
      %lt3A_83 = arith.cmpi slt, %add3A_82, %squeeze3A : i32
      %convert_element_type3A_84 = arith.extui %lt3A_83 : i1 to i32
      %cond3A_85 = arith.constant 0 : i32
      %cond3A_86 = arith.cmpi ne, %convert_element_type3A_84, %cond3A_85 : i32
      scf.if %cond3A_86 {
        %get3A_135 = arith.index_cast %add3A_82 : i32 to index
        %get3A_136 = arith.constant 0 : index
        %get3A_137 = tpu.vector_load %arg7[%get3A_135, %get3A_136] {strides = array<i32>} : memref<64x256xf32, #tpu.memory_space<vmem>>, vector<1x16xf32>,
        %get3A_138 = vector.shape_cast %get3A_137 : vector<1x16xf32> to vector<16xf32>
        %get3A_139 = arith.index_cast %add3A_82 : i32 to index
        %get3A_140 = arith.constant 16 : index
        %get3A_141 = tpu.vector_load %arg7[%get3A_139, %get3A_140] {strides = array<i32>} : memref<64x256xf32, #tpu.memory_space<vmem>>, vector<1x16xf32>,
        %get3A_142 = vector.shape_cast %get3A_141 : vector<1x16xf32> to vector<16xf32>
        %get3A_143 = arith.index_cast %add3A_82 : i32 to index
        %get3A_144 = arith.constant 32 : index
        %get3A_145 = tpu.vector_load %arg7[%get3A_143, %get3A_144] {strides = array<i32>} : memref<64x256xf32, #tpu.memory_space<vmem>>, vector<1x16xf32>,
        %get3A_146 = vector.shape_cast %get3A_145 : vector<1x16xf32> to vector<16xf32>
        %get3A_147 = arith.index_cast %add3A_82 : i32 to index
        %get3A_148 = arith.constant 48 : index
        %get3A_149 = tpu.vector_load %arg7[%get3A_147, %get3A_148] {strides = array<i32>} : memref<64x256xf32, #tpu.memory_space<vmem>>, vector<1x16xf32>,
        %get3A_150 = vector.shape_cast %get3A_149 : vector<1x16xf32> to vector<16xf32>
        %get3A_151 = arith.index_cast %add3A_82 : i32 to index
        %get3A_152 = arith.constant 64 : index
        %get3A_153 = tpu.vector_load %arg7[%get3A_151, %get3A_152] {strides = array<i32>} : memref<64x256xf32, #tpu.memory_space<vmem>>, vector<1x16xf32>,
        %get3A_154 = vector.shape_cast %get3A_153 : vector<1x16xf32> to vector<16xf32>
        %get3A_155 = arith.index_cast %add3A_82 : i32 to index
        %get3A_156 = arith.constant 80 : index
        %get3A_157 = tpu.vector_load %arg7[%get3A_155, %get3A_156] {strides = array<i32>} : memref<64x256xf32, #tpu.memory_space<vmem>>, vector<1x16xf32>,
        %get3A_158 = vector.shape_cast %get3A_157 : vector<1x16xf32> to vector<16xf32>
        %get3A_159 = arith.index_cast %add3A_82 : i32 to index
        %get3A_160 = arith.constant 96 : index
        %get3A_161 = tpu.vector_load %arg7[%get3A_159, %get3A_160] {strides = array<i32>} : memref<64x256xf32, #tpu.memory_space<vmem>>, vector<1x16xf32>,
        %get3A_162 = vector.shape_cast %get3A_161 : vector<1x16xf32> to vector<16xf32>
        %get3A_163 = arith.index_cast %add3A_82 : i32 to index
        %get3A_164 = arith.constant 112 : index
        %get3A_165 = tpu.vector_load %arg7[%get3A_163, %get3A_164] {strides = array<i32>} : memref<64x256xf32, #tpu.memory_space<vmem>>, vector<1x16xf32>,
        %get3A_166 = vector.shape_cast %get3A_165 : vector<1x16xf32> to vector<16xf32>
        %get3A_167 = arith.index_cast %add3A_82 : i32 to index
        %get3A_168 = arith.constant 128 : index
        %get3A_169 = tpu.vector_load %arg7[%get3A_167, %get3A_168] {strides = array<i32>} : memref<64x256xf32, #tpu.memory_space<vmem>>, vector<1x16xf32>,
        %get3A_170 = vector.shape_cast %get3A_169 : vector<1x16xf32> to vector<16xf32>
        %get3A_171 = arith.index_cast %add3A_82 : i32 to index
        %get3A_172 = arith.constant 144 : index
        %get3A_173 = tpu.vector_load %arg7[%get3A_171, %get3A_172] {strides = array<i32>} : memref<64x256xf32, #tpu.memory_space<vmem>>, vector<1x16xf32>,
        %get3A_174 = vector.shape_cast %get3A_173 : vector<1x16xf32> to vector<16xf32>
        %get3A_175 = arith.index_cast %add3A_82 : i32 to index
        %get3A_176 = arith.constant 160 : index
        %get3A_177 = tpu.vector_load %arg7[%get3A_175, %get3A_176] {strides = array<i32>} : memref<64x256xf32, #tpu.memory_space<vmem>>, vector<1x16xf32>,
        %get3A_178 = vector.shape_cast %get3A_177 : vector<1x16xf32> to vector<16xf32>
        %get3A_179 = arith.index_cast %add3A_82 : i32 to index
        %get3A_180 = arith.constant 176 : index
        %get3A_181 = tpu.vector_load %arg7[%get3A_179, %get3A_180] {strides = array<i32>} : memref<64x256xf32, #tpu.memory_space<vmem>>, vector<1x16xf32>,
        %get3A_182 = vector.shape_cast %get3A_181 : vector<1x16xf32> to vector<16xf32>
        %get3A_183 = arith.index_cast %add3A_82 : i32 to index
        %get3A_184 = arith.constant 192 : index
        %get3A_185 = tpu.vector_load %arg7[%get3A_183, %get3A_184] {strides = array<i32>} : memref<64x256xf32, #tpu.memory_space<vmem>>, vector<1x16xf32>,
        %get3A_186 = vector.shape_cast %get3A_185 : vector<1x16xf32> to vector<16xf32>
        %get3A_187 = arith.index_cast %add3A_82 : i32 to index
        %get3A_188 = arith.constant 208 : index
        %get3A_189 = tpu.vector_load %arg7[%get3A_187, %get3A_188] {strides = array<i32>} : memref<64x256xf32, #tpu.memory_space<vmem>>, vector<1x16xf32>,
        %get3A_190 = vector.shape_cast %get3A_189 : vector<1x16xf32> to vector<16xf32>
        %get3A_191 = arith.index_cast %add3A_82 : i32 to index
        %get3A_192 = arith.constant 224 : index
        %get3A_193 = tpu.vector_load %arg7[%get3A_191, %get3A_192] {strides = array<i32>} : memref<64x256xf32, #tpu.memory_space<vmem>>, vector<1x16xf32>,
        %get3A_194 = vector.shape_cast %get3A_193 : vector<1x16xf32> to vector<16xf32>
        %get3A_195 = arith.index_cast %add3A_82 : i32 to index
        %get3A_196 = arith.constant 240 : index
        %get3A_197 = tpu.vector_load %arg7[%get3A_195, %get3A_196] {strides = array<i32>} : memref<64x256xf32, #tpu.memory_space<vmem>>, vector<1x16xf32>,
        %get3A_198 = vector.shape_cast %get3A_197 : vector<1x16xf32> to vector<16xf32>
        %while3A = arith.constant 0 : i32
        %while3A_199 = arith.constant 0 : i32
        %while3A_200 = arith.subi %squeeze3A_36, %while3A_199 : i32
        %while3A_201 = arith.addi %while3A_199, %while3A_200 : i32
        %while3A_202 = arith.constant 1 : i32
        %while3A_203 = arith.divsi %while3A_200, %while3A_202 : i32
        %while3A_204 = arith.muli %while3A_203, %while3A_202 : i32
        %while3A_205 = arith.addi %while3A_199, %while3A_204 : i32
        %while3A_206 = arith.constant 1 : i32
        scf.for %while3A_208 = %while3A_199 to %while3A_205 step %while3A_206  : i32 {
          %get3A_209 = arith.index_cast %while3A_208 : i32 to index
          %get3A_210 = arith.constant 0 : index
          %get3A_211 = tpu.vector_load %arg6[%get3A_209, %get3A_210] {strides = array<i32>} : memref<64x256xf32, #tpu.memory_space<vmem>>, vector<1x16xf32>,
          %get3A_212 = vector.shape_cast %get3A_211 : vector<1x16xf32> to vector<16xf32>
          %add3A_213 = arith.addf %get3A_138, %get3A_212 : vector<16xf32>
          %swap3A = arith.constant 1 : i32
          %swap3A_214 = arith.index_cast %swap3A : i32 to index
          %swap3A_215 = arith.index_cast %while3A_208 : i32 to index
          %swap3A_216 = arith.constant 0 : index
          %swap3A_217 = tpu.vector_load %arg8[%swap3A_214, %swap3A_215, %swap3A_216] {strides = array<i32>} : memref<2x64x256xf32, #tpu.memory_space<vmem>>, vector<1x1x16xf32>,
          %swap3A_218 = vector.shape_cast %swap3A_217 : vector<1x1x16xf32> to vector<16xf32>
          %swap3A_219 = vector.shape_cast %add3A_213 : vector<16xf32> to vector<1x1x16xf32>
          tpu.vector_store %arg8[%swap3A_214, %swap3A_215, %swap3A_216], %swap3A_219 {strides = array<i32>} : memref<2x64x256xf32, #tpu.memory_space<vmem>>, vector<1x1x16xf32>,
          %get3A_220 = arith.index_cast %while3A_208 : i32 to index
          %get3A_221 = arith.constant 16 : index
          %get3A_222 = tpu.vector_load %arg6[%get3A_220, %get3A_221] {strides = array<i32>} : memref<64x256xf32, #tpu.memory_space<vmem>>, vector<1x16xf32>,
          %get3A_223 = vector.shape_cast %get3A_222 : vector<1x16xf32> to vector<16xf32>
          %add3A_224 = arith.addf %get3A_142, %get3A_223 : vector<16xf32>
          %swap3A_225 = arith.constant 1 : i32
          %swap3A_226 = arith.index_cast %swap3A_225 : i32 to index
          %swap3A_227 = arith.index_cast %while3A_208 : i32 to index
          %swap3A_228 = arith.constant 16 : index
          %swap3A_229 = tpu.vector_load %arg8[%swap3A_226, %swap3A_227, %swap3A_228] {strides = array<i32>} : memref<2x64x256xf32, #tpu.memory_space<vmem>>, vector<1x1x16xf32>,
          %swap3A_230 = vector.shape_cast %swap3A_229 : vector<1x1x16xf32> to vector<16xf32>
          %swap3A_231 = vector.shape_cast %add3A_224 : vector<16xf32> to vector<1x1x16xf32>
          tpu.vector_store %arg8[%swap3A_226, %swap3A_227, %swap3A_228], %swap3A_231 {strides = array<i32>} : memref<2x64x256xf32, #tpu.memory_space<vmem>>, vector<1x1x16xf32>,
          %get3A_232 = arith.index_cast %while3A_208 : i32 to index
          %get3A_233 = arith.constant 32 : index
          %get3A_234 = tpu.vector_load %arg6[%get3A_232, %get3A_233] {strides = array<i32>} : memref<64x256xf32, #tpu.memory_space<vmem>>, vector<1x16xf32>,
          %get3A_235 = vector.shape_cast %get3A_234 : vector<1x16xf32> to vector<16xf32>
          %add3A_236 = arith.addf %get3A_146, %get3A_235 : vector<16xf32>
          %swap3A_237 = arith.constant 1 : i32
          %swap3A_238 = arith.index_cast %swap3A_237 : i32 to index
          %swap3A_239 = arith.index_cast %while3A_208 : i32 to index
          %swap3A_240 = arith.constant 32 : index
          %swap3A_241 = tpu.vector_load %arg8[%swap3A_238, %swap3A_239, %swap3A_240] {strides = array<i32>} : memref<2x64x256xf32, #tpu.memory_space<vmem>>, vector<1x1x16xf32>,
          %swap3A_242 = vector.shape_cast %swap3A_241 : vector<1x1x16xf32> to vector<16xf32>
          %swap3A_243 = vector.shape_cast %add3A_236 : vector<16xf32> to vector<1x1x16xf32>
          tpu.vector_store %arg8[%swap3A_238, %swap3A_239, %swap3A_240], %swap3A_243 {strides = array<i32>} : memref<2x64x256xf32, #tpu.memory_space<vmem>>, vector<1x1x16xf32>,
          %get3A_244 = arith.index_cast %while3A_208 : i32 to index
          %get3A_245 = arith.constant 48 : index
          %get3A_246 = tpu.vector_load %arg6[%get3A_244, %get3A_245] {strides = array<i32>} : memref<64x256xf32, #tpu.memory_space<vmem>>, vector<1x16xf32>,
          %get3A_247 = vector.shape_cast %get3A_246 : vector<1x16xf32> to vector<16xf32>
          %add3A_248 = arith.addf %get3A_150, %get3A_247 : vector<16xf32>
          %swap3A_249 = arith.constant 1 : i32
          %swap3A_250 = arith.index_cast %swap3A_249 : i32 to index
          %swap3A_251 = arith.index_cast %while3A_208 : i32 to index
          %swap3A_252 = arith.constant 48 : index
          %swap3A_253 = tpu.vector_load %arg8[%swap3A_250, %swap3A_251, %swap3A_252] {strides = array<i32>} : memref<2x64x256xf32, #tpu.memory_space<vmem>>, vector<1x1x16xf32>,
          %swap3A_254 = vector.shape_cast %swap3A_253 : vector<1x1x16xf32> to vector<16xf32>
          %swap3A_255 = vector.shape_cast %add3A_248 : vector<16xf32> to vector<1x1x16xf32>
          tpu.vector_store %arg8[%swap3A_250, %swap3A_251, %swap3A_252], %swap3A_255 {strides = array<i32>} : memref<2x64x256xf32, #tpu.memory_space<vmem>>, vector<1x1x16xf32>,
          %get3A_256 = arith.index_cast %while3A_208 : i32 to index
          %get3A_257 = arith.constant 64 : index
          %get3A_258 = tpu.vector_load %arg6[%get3A_256, %get3A_257] {strides = array<i32>} : memref<64x256xf32, #tpu.memory_space<vmem>>, vector<1x16xf32>,
          %get3A_259 = vector.shape_cast %get3A_258 : vector<1x16xf32> to vector<16xf32>
          %add3A_260 = arith.addf %get3A_154, %get3A_259 : vector<16xf32>
          %swap3A_261 = arith.constant 1 : i32
          %swap3A_262 = arith.index_cast %swap3A_261 : i32 to index
          %swap3A_263 = arith.index_cast %while3A_208 : i32 to index
          %swap3A_264 = arith.constant 64 : index
          %swap3A_265 = tpu.vector_load %arg8[%swap3A_262, %swap3A_263, %swap3A_264] {strides = array<i32>} : memref<2x64x256xf32, #tpu.memory_space<vmem>>, vector<1x1x16xf32>,
          %swap3A_266 = vector.shape_cast %swap3A_265 : vector<1x1x16xf32> to vector<16xf32>
          %swap3A_267 = vector.shape_cast %add3A_260 : vector<16xf32> to vector<1x1x16xf32>
          tpu.vector_store %arg8[%swap3A_262, %swap3A_263, %swap3A_264], %swap3A_267 {strides = array<i32>} : memref<2x64x256xf32, #tpu.memory_space<vmem>>, vector<1x1x16xf32>,
          %get3A_268 = arith.index_cast %while3A_208 : i32 to index
          %get3A_269 = arith.constant 80 : index
          %get3A_270 = tpu.vector_load %arg6[%get3A_268, %get3A_269] {strides = array<i32>} : memref<64x256xf32, #tpu.memory_space<vmem>>, vector<1x16xf32>,
          %get3A_271 = vector.shape_cast %get3A_270 : vector<1x16xf32> to vector<16xf32>
          %add3A_272 = arith.addf %get3A_158, %get3A_271 : vector<16xf32>
          %swap3A_273 = arith.constant 1 : i32
          %swap3A_274 = arith.index_cast %swap3A_273 : i32 to index
          %swap3A_275 = arith.index_cast %while3A_208 : i32 to index
          %swap3A_276 = arith.constant 80 : index
          %swap3A_277 = tpu.vector_load %arg8[%swap3A_274, %swap3A_275, %swap3A_276] {strides = array<i32>} : memref<2x64x256xf32, #tpu.memory_space<vmem>>, vector<1x1x16xf32>,
          %swap3A_278 = vector.shape_cast %swap3A_277 : vector<1x1x16xf32> to vector<16xf32>
          %swap3A_279 = vector.shape_cast %add3A_272 : vector<16xf32> to vector<1x1x16xf32>
          tpu.vector_store %arg8[%swap3A_274, %swap3A_275, %swap3A_276], %swap3A_279 {strides = array<i32>} : memref<2x64x256xf32, #tpu.memory_space<vmem>>, vector<1x1x16xf32>,
          %get3A_280 = arith.index_cast %while3A_208 : i32 to index
          %get3A_281 = arith.constant 96 : index
          %get3A_282 = tpu.vector_load %arg6[%get3A_280, %get3A_281] {strides = array<i32>} : memref<64x256xf32, #tpu.memory_space<vmem>>, vector<1x16xf32>,
          %get3A_283 = vector.shape_cast %get3A_282 : vector<1x16xf32> to vector<16xf32>
          %add3A_284 = arith.addf %get3A_162, %get3A_283 : vector<16xf32>
          %swap3A_285 = arith.constant 1 : i32
          %swap3A_286 = arith.index_cast %swap3A_285 : i32 to index
          %swap3A_287 = arith.index_cast %while3A_208 : i32 to index
          %swap3A_288 = arith.constant 96 : index
          %swap3A_289 = tpu.vector_load %arg8[%swap3A_286, %swap3A_287, %swap3A_288] {strides = array<i32>} : memref<2x64x256xf32, #tpu.memory_space<vmem>>, vector<1x1x16xf32>,
          %swap3A_290 = vector.shape_cast %swap3A_289 : vector<1x1x16xf32> to vector<16xf32>
          %swap3A_291 = vector.shape_cast %add3A_284 : vector<16xf32> to vector<1x1x16xf32>
          tpu.vector_store %arg8[%swap3A_286, %swap3A_287, %swap3A_288], %swap3A_291 {strides = array<i32>} : memref<2x64x256xf32, #tpu.memory_space<vmem>>, vector<1x1x16xf32>,
          %get3A_292 = arith.index_cast %while3A_208 : i32 to index
          %get3A_293 = arith.constant 112 : index
          %get3A_294 = tpu.vector_load %arg6[%get3A_292, %get3A_293] {strides = array<i32>} : memref<64x256xf32, #tpu.memory_space<vmem>>, vector<1x16xf32>,
          %get3A_295 = vector.shape_cast %get3A_294 : vector<1x16xf32> to vector<16xf32>
          %add3A_296 = arith.addf %get3A_166, %get3A_295 : vector<16xf32>
          %swap3A_297 = arith.constant 1 : i32
          %swap3A_298 = arith.index_cast %swap3A_297 : i32 to index
          %swap3A_299 = arith.index_cast %while3A_208 : i32 to index
          %swap3A_300 = arith.constant 112 : index
          %swap3A_301 = tpu.vector_load %arg8[%swap3A_298, %swap3A_299, %swap3A_300] {strides = array<i32>} : memref<2x64x256xf32, #tpu.memory_space<vmem>>, vector<1x1x16xf32>,
          %swap3A_302 = vector.shape_cast %swap3A_301 : vector<1x1x16xf32> to vector<16xf32>
          %swap3A_303 = vector.shape_cast %add3A_296 : vector<16xf32> to vector<1x1x16xf32>
          tpu.vector_store %arg8[%swap3A_298, %swap3A_299, %swap3A_300], %swap3A_303 {strides = array<i32>} : memref<2x64x256xf32, #tpu.memory_space<vmem>>, vector<1x1x16xf32>,
          %get3A_304 = arith.index_cast %while3A_208 : i32 to index
          %get3A_305 = arith.constant 128 : index
          %get3A_306 = tpu.vector_load %arg6[%get3A_304, %get3A_305] {strides = array<i32>} : memref<64x256xf32, #tpu.memory_space<vmem>>, vector<1x16xf32>,
          %get3A_307 = vector.shape_cast %get3A_306 : vector<1x16xf32> to vector<16xf32>
          %add3A_308 = arith.addf %get3A_170, %get3A_307 : vector<16xf32>
          %swap3A_309 = arith.constant 1 : i32
          %swap3A_310 = arith.index_cast %swap3A_309 : i32 to index
          %swap3A_311 = arith.index_cast %while3A_208 : i32 to index
          %swap3A_312 = arith.constant 128 : index
          %swap3A_313 = tpu.vector_load %arg8[%swap3A_310, %swap3A_311, %swap3A_312] {strides = array<i32>} : memref<2x64x256xf32, #tpu.memory_space<vmem>>, vector<1x1x16xf32>,
          %swap3A_314 = vector.shape_cast %swap3A_313 : vector<1x1x16xf32> to vector<16xf32>
          %swap3A_315 = vector.shape_cast %add3A_308 : vector<16xf32> to vector<1x1x16xf32>
          tpu.vector_store %arg8[%swap3A_310, %swap3A_311, %swap3A_312], %swap3A_315 {strides = array<i32>} : memref<2x64x256xf32, #tpu.memory_space<vmem>>, vector<1x1x16xf32>,
          %get3A_316 = arith.index_cast %while3A_208 : i32 to index
          %get3A_317 = arith.constant 144 : index
          %get3A_318 = tpu.vector_load %arg6[%get3A_316, %get3A_317] {strides = array<i32>} : memref<64x256xf32, #tpu.memory_space<vmem>>, vector<1x16xf32>,
          %get3A_319 = vector.shape_cast %get3A_318 : vector<1x16xf32> to vector<16xf32>
          %add3A_320 = arith.addf %get3A_174, %get3A_319 : vector<16xf32>
          %swap3A_321 = arith.constant 1 : i32
          %swap3A_322 = arith.index_cast %swap3A_321 : i32 to index
          %swap3A_323 = arith.index_cast %while3A_208 : i32 to index
          %swap3A_324 = arith.constant 144 : index
          %swap3A_325 = tpu.vector_load %arg8[%swap3A_322, %swap3A_323, %swap3A_324] {strides = array<i32>} : memref<2x64x256xf32, #tpu.memory_space<vmem>>, vector<1x1x16xf32>,
          %swap3A_326 = vector.shape_cast %swap3A_325 : vector<1x1x16xf32> to vector<16xf32>
          %swap3A_327 = vector.shape_cast %add3A_320 : vector<16xf32> to vector<1x1x16xf32>
          tpu.vector_store %arg8[%swap3A_322, %swap3A_323, %swap3A_324], %swap3A_327 {strides = array<i32>} : memref<2x64x256xf32, #tpu.memory_space<vmem>>, vector<1x1x16xf32>,
          %get3A_328 = arith.index_cast %while3A_208 : i32 to index
          %get3A_329 = arith.constant 160 : index
          %get3A_330 = tpu.vector_load %arg6[%get3A_328, %get3A_329] {strides = array<i32>} : memref<64x256xf32, #tpu.memory_space<vmem>>, vector<1x16xf32>,
          %get3A_331 = vector.shape_cast %get3A_330 : vector<1x16xf32> to vector<16xf32>
          %add3A_332 = arith.addf %get3A_178, %get3A_331 : vector<16xf32>
          %swap3A_333 = arith.constant 1 : i32
          %swap3A_334 = arith.index_cast %swap3A_333 : i32 to index
          %swap3A_335 = arith.index_cast %while3A_208 : i32 to index
          %swap3A_336 = arith.constant 160 : index
          %swap3A_337 = tpu.vector_load %arg8[%swap3A_334, %swap3A_335, %swap3A_336] {strides = array<i32>} : memref<2x64x256xf32, #tpu.memory_space<vmem>>, vector<1x1x16xf32>,
          %swap3A_338 = vector.shape_cast %swap3A_337 : vector<1x1x16xf32> to vector<16xf32>
          %swap3A_339 = vector.shape_cast %add3A_332 : vector<16xf32> to vector<1x1x16xf32>
          tpu.vector_store %arg8[%swap3A_334, %swap3A_335, %swap3A_336], %swap3A_339 {strides = array<i32>} : memref<2x64x256xf32, #tpu.memory_space<vmem>>, vector<1x1x16xf32>,
          %get3A_340 = arith.index_cast %while3A_208 : i32 to index
          %get3A_341 = arith.constant 176 : index
          %get3A_342 = tpu.vector_load %arg6[%get3A_340, %get3A_341] {strides = array<i32>} : memref<64x256xf32, #tpu.memory_space<vmem>>, vector<1x16xf32>,
          %get3A_343 = vector.shape_cast %get3A_342 : vector<1x16xf32> to vector<16xf32>
          %add3A_344 = arith.addf %get3A_182, %get3A_343 : vector<16xf32>
          %swap3A_345 = arith.constant 1 : i32
          %swap3A_346 = arith.index_cast %swap3A_345 : i32 to index
          %swap3A_347 = arith.index_cast %while3A_208 : i32 to index
          %swap3A_348 = arith.constant 176 : index
          %swap3A_349 = tpu.vector_load %arg8[%swap3A_346, %swap3A_347, %swap3A_348] {strides = array<i32>} : memref<2x64x256xf32, #tpu.memory_space<vmem>>, vector<1x1x16xf32>,
          %swap3A_350 = vector.shape_cast %swap3A_349 : vector<1x1x16xf32> to vector<16xf32>
          %swap3A_351 = vector.shape_cast %add3A_344 : vector<16xf32> to vector<1x1x16xf32>
          tpu.vector_store %arg8[%swap3A_346, %swap3A_347, %swap3A_348], %swap3A_351 {strides = array<i32>} : memref<2x64x256xf32, #tpu.memory_space<vmem>>, vector<1x1x16xf32>,
          %get3A_352 = arith.index_cast %while3A_208 : i32 to index
          %get3A_353 = arith.constant 192 : index
          %get3A_354 = tpu.vector_load %arg6[%get3A_352, %get3A_353] {strides = array<i32>} : memref<64x256xf32, #tpu.memory_space<vmem>>, vector<1x16xf32>,
          %get3A_355 = vector.shape_cast %get3A_354 : vector<1x16xf32> to vector<16xf32>
          %add3A_356 = arith.addf %get3A_186, %get3A_355 : vector<16xf32>
          %swap3A_357 = arith.constant 1 : i32
          %swap3A_358 = arith.index_cast %swap3A_357 : i32 to index
          %swap3A_359 = arith.index_cast %while3A_208 : i32 to index
          %swap3A_360 = arith.constant 192 : index
          %swap3A_361 = tpu.vector_load %arg8[%swap3A_358, %swap3A_359, %swap3A_360] {strides = array<i32>} : memref<2x64x256xf32, #tpu.memory_space<vmem>>, vector<1x1x16xf32>,
          %swap3A_362 = vector.shape_cast %swap3A_361 : vector<1x1x16xf32> to vector<16xf32>
          %swap3A_363 = vector.shape_cast %add3A_356 : vector<16xf32> to vector<1x1x16xf32>
          tpu.vector_store %arg8[%swap3A_358, %swap3A_359, %swap3A_360], %swap3A_363 {strides = array<i32>} : memref<2x64x256xf32, #tpu.memory_space<vmem>>, vector<1x1x16xf32>,
          %get3A_364 = arith.index_cast %while3A_208 : i32 to index
          %get3A_365 = arith.constant 208 : index
          %get3A_366 = tpu.vector_load %arg6[%get3A_364, %get3A_365] {strides = array<i32>} : memref<64x256xf32, #tpu.memory_space<vmem>>, vector<1x16xf32>,
          %get3A_367 = vector.shape_cast %get3A_366 : vector<1x16xf32> to vector<16xf32>
          %add3A_368 = arith.addf %get3A_190, %get3A_367 : vector<16xf32>
          %swap3A_369 = arith.constant 1 : i32
          %swap3A_370 = arith.index_cast %swap3A_369 : i32 to index
          %swap3A_371 = arith.index_cast %while3A_208 : i32 to index
          %swap3A_372 = arith.constant 208 : index
          %swap3A_373 = tpu.vector_load %arg8[%swap3A_370, %swap3A_371, %swap3A_372] {strides = array<i32>} : memref<2x64x256xf32, #tpu.memory_space<vmem>>, vector<1x1x16xf32>,
          %swap3A_374 = vector.shape_cast %swap3A_373 : vector<1x1x16xf32> to vector<16xf32>
          %swap3A_375 = vector.shape_cast %add3A_368 : vector<16xf32> to vector<1x1x16xf32>
          tpu.vector_store %arg8[%swap3A_370, %swap3A_371, %swap3A_372], %swap3A_375 {strides = array<i32>} : memref<2x64x256xf32, #tpu.memory_space<vmem>>, vector<1x1x16xf32>,
          %get3A_376 = arith.index_cast %while3A_208 : i32 to index
          %get3A_377 = arith.constant 224 : index
          %get3A_378 = tpu.vector_load %arg6[%get3A_376, %get3A_377] {strides = array<i32>} : memref<64x256xf32, #tpu.memory_space<vmem>>, vector<1x16xf32>,
          %get3A_379 = vector.shape_cast %get3A_378 : vector<1x16xf32> to vector<16xf32>
          %add3A_380 = arith.addf %get3A_194, %get3A_379 : vector<16xf32>
          %swap3A_381 = arith.constant 1 : i32
          %swap3A_382 = arith.index_cast %swap3A_381 : i32 to index
          %swap3A_383 = arith.index_cast %while3A_208 : i32 to index
          %swap3A_384 = arith.constant 224 : index
          %swap3A_385 = tpu.vector_load %arg8[%swap3A_382, %swap3A_383, %swap3A_384] {strides = array<i32>} : memref<2x64x256xf32, #tpu.memory_space<vmem>>, vector<1x1x16xf32>,
          %swap3A_386 = vector.shape_cast %swap3A_385 : vector<1x1x16xf32> to vector<16xf32>
          %swap3A_387 = vector.shape_cast %add3A_380 : vector<16xf32> to vector<1x1x16xf32>
          tpu.vector_store %arg8[%swap3A_382, %swap3A_383, %swap3A_384], %swap3A_387 {strides = array<i32>} : memref<2x64x256xf32, #tpu.memory_space<vmem>>, vector<1x1x16xf32>,
          %get3A_388 = arith.index_cast %while3A_208 : i32 to index
          %get3A_389 = arith.constant 240 : index
          %get3A_390 = tpu.vector_load %arg6[%get3A_388, %get3A_389] {strides = array<i32>} : memref<64x256xf32, #tpu.memory_space<vmem>>, vector<1x16xf32>,
          %get3A_391 = vector.shape_cast %get3A_390 : vector<1x16xf32> to vector<16xf32>
          %add3A_392 = arith.addf %get3A_198, %get3A_391 : vector<16xf32>
          %swap3A_393 = arith.constant 1 : i32
          %swap3A_394 = arith.index_cast %swap3A_393 : i32 to index
          %swap3A_395 = arith.index_cast %while3A_208 : i32 to index
          %swap3A_396 = arith.constant 240 : index
          %swap3A_397 = tpu.vector_load %arg8[%swap3A_394, %swap3A_395, %swap3A_396] {strides = array<i32>} : memref<2x64x256xf32, #tpu.memory_space<vmem>>, vector<1x1x16xf32>,
          %swap3A_398 = vector.shape_cast %swap3A_397 : vector<1x1x16xf32> to vector<16xf32>
          %swap3A_399 = vector.shape_cast %add3A_392 : vector<16xf32> to vector<1x1x16xf32>
          tpu.vector_store %arg8[%swap3A_394, %swap3A_395, %swap3A_396], %swap3A_399 {strides = array<i32>} : memref<2x64x256xf32, #tpu.memory_space<vmem>>, vector<1x1x16xf32>,
        }
        %while3A_207 = arith.constant 1 : i32
        scf.for %while3A_208 = %while3A_205 to %while3A_201 step %while3A_207  : i32 {
          %get3A_209 = arith.index_cast %while3A_208 : i32 to index
          %get3A_210 = arith.constant 0 : index
          %get3A_211 = tpu.vector_load %arg6[%get3A_209, %get3A_210] {strides = array<i32>} : memref<64x256xf32, #tpu.memory_space<vmem>>, vector<1x16xf32>,
          %get3A_212 = vector.shape_cast %get3A_211 : vector<1x16xf32> to vector<16xf32>
          %add3A_213 = arith.addf %get3A_138, %get3A_212 : vector<16xf32>
          %swap3A = arith.constant 1 : i32
          %swap3A_214 = arith.index_cast %swap3A : i32 to index
          %swap3A_215 = arith.index_cast %while3A_208 : i32 to index
          %swap3A_216 = arith.constant 0 : index
          %swap3A_217 = tpu.vector_load %arg8[%swap3A_214, %swap3A_215, %swap3A_216] {strides = array<i32>} : memref<2x64x256xf32, #tpu.memory_space<vmem>>, vector<1x1x16xf32>,
          %swap3A_218 = vector.shape_cast %swap3A_217 : vector<1x1x16xf32> to vector<16xf32>
          %swap3A_219 = vector.shape_cast %add3A_213 : vector<16xf32> to vector<1x1x16xf32>
          tpu.vector_store %arg8[%swap3A_214, %swap3A_215, %swap3A_216], %swap3A_219 {strides = array<i32>} : memref<2x64x256xf32, #tpu.memory_space<vmem>>, vector<1x1x16xf32>,
          %get3A_220 = arith.index_cast %while3A_208 : i32 to index
          %get3A_221 = arith.constant 16 : index
          %get3A_222 = tpu.vector_load %arg6[%get3A_220, %get3A_221] {strides = array<i32>} : memref<64x256xf32, #tpu.memory_space<vmem>>, vector<1x16xf32>,
          %get3A_223 = vector.shape_cast %get3A_222 : vector<1x16xf32> to vector<16xf32>
          %add3A_224 = arith.addf %get3A_142, %get3A_223 : vector<16xf32>
          %swap3A_225 = arith.constant 1 : i32
          %swap3A_226 = arith.index_cast %swap3A_225 : i32 to index
          %swap3A_227 = arith.index_cast %while3A_208 : i32 to index
          %swap3A_228 = arith.constant 16 : index
          %swap3A_229 = tpu.vector_load %arg8[%swap3A_226, %swap3A_227, %swap3A_228] {strides = array<i32>} : memref<2x64x256xf32, #tpu.memory_space<vmem>>, vector<1x1x16xf32>,
          %swap3A_230 = vector.shape_cast %swap3A_229 : vector<1x1x16xf32> to vector<16xf32>
          %swap3A_231 = vector.shape_cast %add3A_224 : vector<16xf32> to vector<1x1x16xf32>
          tpu.vector_store %arg8[%swap3A_226, %swap3A_227, %swap3A_228], %swap3A_231 {strides = array<i32>} : memref<2x64x256xf32, #tpu.memory_space<vmem>>, vector<1x1x16xf32>,
          %get3A_232 = arith.index_cast %while3A_208 : i32 to index
          %get3A_233 = arith.constant 32 : index
          %get3A_234 = tpu.vector_load %arg6[%get3A_232, %get3A_233] {strides = array<i32>} : memref<64x256xf32, #tpu.memory_space<vmem>>, vector<1x16xf32>,
          %get3A_235 = vector.shape_cast %get3A_234 : vector<1x16xf32> to vector<16xf32>
          %add3A_236 = arith.addf %get3A_146, %get3A_235 : vector<16xf32>
          %swap3A_237 = arith.constant 1 : i32
          %swap3A_238 = arith.index_cast %swap3A_237 : i32 to index
          %swap3A_239 = arith.index_cast %while3A_208 : i32 to index
          %swap3A_240 = arith.constant 32 : index
          %swap3A_241 = tpu.vector_load %arg8[%swap3A_238, %swap3A_239, %swap3A_240] {strides = array<i32>} : memref<2x64x256xf32, #tpu.memory_space<vmem>>, vector<1x1x16xf32>,
          %swap3A_242 = vector.shape_cast %swap3A_241 : vector<1x1x16xf32> to vector<16xf32>
          %swap3A_243 = vector.shape_cast %add3A_236 : vector<16xf32> to vector<1x1x16xf32>
          tpu.vector_store %arg8[%swap3A_238, %swap3A_239, %swap3A_240], %swap3A_243 {strides = array<i32>} : memref<2x64x256xf32, #tpu.memory_space<vmem>>, vector<1x1x16xf32>,
          %get3A_244 = arith.index_cast %while3A_208 : i32 to index
          %get3A_245 = arith.constant 48 : index
          %get3A_246 = tpu.vector_load %arg6[%get3A_244, %get3A_245] {strides = array<i32>} : memref<64x256xf32, #tpu.memory_space<vmem>>, vector<1x16xf32>,
          %get3A_247 = vector.shape_cast %get3A_246 : vector<1x16xf32> to vector<16xf32>
          %add3A_248 = arith.addf %get3A_150, %get3A_247 : vector<16xf32>
          %swap3A_249 = arith.constant 1 : i32
          %swap3A_250 = arith.index_cast %swap3A_249 : i32 to index
          %swap3A_251 = arith.index_cast %while3A_208 : i32 to index
          %swap3A_252 = arith.constant 48 : index
          %swap3A_253 = tpu.vector_load %arg8[%swap3A_250, %swap3A_251, %swap3A_252] {strides = array<i32>} : memref<2x64x256xf32, #tpu.memory_space<vmem>>, vector<1x1x16xf32>,
          %swap3A_254 = vector.shape_cast %swap3A_253 : vector<1x1x16xf32> to vector<16xf32>
          %swap3A_255 = vector.shape_cast %add3A_248 : vector<16xf32> to vector<1x1x16xf32>
          tpu.vector_store %arg8[%swap3A_250, %swap3A_251, %swap3A_252], %swap3A_255 {strides = array<i32>} : memref<2x64x256xf32, #tpu.memory_space<vmem>>, vector<1x1x16xf32>,
          %get3A_256 = arith.index_cast %while3A_208 : i32 to index
          %get3A_257 = arith.constant 64 : index
          %get3A_258 = tpu.vector_load %arg6[%get3A_256, %get3A_257] {strides = array<i32>} : memref<64x256xf32, #tpu.memory_space<vmem>>, vector<1x16xf32>,
          %get3A_259 = vector.shape_cast %get3A_258 : vector<1x16xf32> to vector<16xf32>
          %add3A_260 = arith.addf %get3A_154, %get3A_259 : vector<16xf32>
          %swap3A_261 = arith.constant 1 : i32
          %swap3A_262 = arith.index_cast %swap3A_261 : i32 to index
          %swap3A_263 = arith.index_cast %while3A_208 : i32 to index
          %swap3A_264 = arith.constant 64 : index
          %swap3A_265 = tpu.vector_load %arg8[%swap3A_262, %swap3A_263, %swap3A_264] {strides = array<i32>} : memref<2x64x256xf32, #tpu.memory_space<vmem>>, vector<1x1x16xf32>,
          %swap3A_266 = vector.shape_cast %swap3A_265 : vector<1x1x16xf32> to vector<16xf32>
          %swap3A_267 = vector.shape_cast %add3A_260 : vector<16xf32> to vector<1x1x16xf32>
          tpu.vector_store %arg8[%swap3A_262, %swap3A_263, %swap3A_264], %swap3A_267 {strides = array<i32>} : memref<2x64x256xf32, #tpu.memory_space<vmem>>, vector<1x1x16xf32>,
          %get3A_268 = arith.index_cast %while3A_208 : i32 to index
          %get3A_269 = arith.constant 80 : index
          %get3A_270 = tpu.vector_load %arg6[%get3A_268, %get3A_269] {strides = array<i32>} : memref<64x256xf32, #tpu.memory_space<vmem>>, vector<1x16xf32>,
          %get3A_271 = vector.shape_cast %get3A_270 : vector<1x16xf32> to vector<16xf32>
          %add3A_272 = arith.addf %get3A_158, %get3A_271 : vector<16xf32>
          %swap3A_273 = arith.constant 1 : i32
          %swap3A_274 = arith.index_cast %swap3A_273 : i32 to index
          %swap3A_275 = arith.index_cast %while3A_208 : i32 to index
          %swap3A_276 = arith.constant 80 : index
          %swap3A_277 = tpu.vector_load %arg8[%swap3A_274, %swap3A_275, %swap3A_276] {strides = array<i32>} : memref<2x64x256xf32, #tpu.memory_space<vmem>>, vector<1x1x16xf32>,
          %swap3A_278 = vector.shape_cast %swap3A_277 : vector<1x1x16xf32> to vector<16xf32>
          %swap3A_279 = vector.shape_cast %add3A_272 : vector<16xf32> to vector<1x1x16xf32>
          tpu.vector_store %arg8[%swap3A_274, %swap3A_275, %swap3A_276], %swap3A_279 {strides = array<i32>} : memref<2x64x256xf32, #tpu.memory_space<vmem>>, vector<1x1x16xf32>,
          %get3A_280 = arith.index_cast %while3A_208 : i32 to index
          %get3A_281 = arith.constant 96 : index
          %get3A_282 = tpu.vector_load %arg6[%get3A_280, %get3A_281] {strides = array<i32>} : memref<64x256xf32, #tpu.memory_space<vmem>>, vector<1x16xf32>,
          %get3A_283 = vector.shape_cast %get3A_282 : vector<1x16xf32> to vector<16xf32>
          %add3A_284 = arith.addf %get3A_162, %get3A_283 : vector<16xf32>
          %swap3A_285 = arith.constant 1 : i32
          %swap3A_286 = arith.index_cast %swap3A_285 : i32 to index
          %swap3A_287 = arith.index_cast %while3A_208 : i32 to index
          %swap3A_288 = arith.constant 96 : index
          %swap3A_289 = tpu.vector_load %arg8[%swap3A_286, %swap3A_287, %swap3A_288] {strides = array<i32>} : memref<2x64x256xf32, #tpu.memory_space<vmem>>, vector<1x1x16xf32>,
          %swap3A_290 = vector.shape_cast %swap3A_289 : vector<1x1x16xf32> to vector<16xf32>
          %swap3A_291 = vector.shape_cast %add3A_284 : vector<16xf32> to vector<1x1x16xf32>
          tpu.vector_store %arg8[%swap3A_286, %swap3A_287, %swap3A_288], %swap3A_291 {strides = array<i32>} : memref<2x64x256xf32, #tpu.memory_space<vmem>>, vector<1x1x16xf32>,
          %get3A_292 = arith.index_cast %while3A_208 : i32 to index
          %get3A_293 = arith.constant 112 : index
          %get3A_294 = tpu.vector_load %arg6[%get3A_292, %get3A_293] {strides = array<i32>} : memref<64x256xf32, #tpu.memory_space<vmem>>, vector<1x16xf32>,
          %get3A_295 = vector.shape_cast %get3A_294 : vector<1x16xf32> to vector<16xf32>
          %add3A_296 = arith.addf %get3A_166, %get3A_295 : vector<16xf32>
          %swap3A_297 = arith.constant 1 : i32
          %swap3A_298 = arith.index_cast %swap3A_297 : i32 to index
          %swap3A_299 = arith.index_cast %while3A_208 : i32 to index
          %swap3A_300 = arith.constant 112 : index
          %swap3A_301 = tpu.vector_load %arg8[%swap3A_298, %swap3A_299, %swap3A_300] {strides = array<i32>} : memref<2x64x256xf32, #tpu.memory_space<vmem>>, vector<1x1x16xf32>,
          %swap3A_302 = vector.shape_cast %swap3A_301 : vector<1x1x16xf32> to vector<16xf32>
          %swap3A_303 = vector.shape_cast %add3A_296 : vector<16xf32> to vector<1x1x16xf32>
          tpu.vector_store %arg8[%swap3A_298, %swap3A_299, %swap3A_300], %swap3A_303 {strides = array<i32>} : memref<2x64x256xf32, #tpu.memory_space<vmem>>, vector<1x1x16xf32>,
          %get3A_304 = arith.index_cast %while3A_208 : i32 to index
          %get3A_305 = arith.constant 128 : index
          %get3A_306 = tpu.vector_load %arg6[%get3A_304, %get3A_305] {strides = array<i32>} : memref<64x256xf32, #tpu.memory_space<vmem>>, vector<1x16xf32>,
          %get3A_307 = vector.shape_cast %get3A_306 : vector<1x16xf32> to vector<16xf32>
          %add3A_308 = arith.addf %get3A_170, %get3A_307 : vector<16xf32>
          %swap3A_309 = arith.constant 1 : i32
          %swap3A_310 = arith.index_cast %swap3A_309 : i32 to index
          %swap3A_311 = arith.index_cast %while3A_208 : i32 to index
          %swap3A_312 = arith.constant 128 : index
          %swap3A_313 = tpu.vector_load %arg8[%swap3A_310, %swap3A_311, %swap3A_312] {strides = array<i32>} : memref<2x64x256xf32, #tpu.memory_space<vmem>>, vector<1x1x16xf32>,
          %swap3A_314 = vector.shape_cast %swap3A_313 : vector<1x1x16xf32> to vector<16xf32>
          %swap3A_315 = vector.shape_cast %add3A_308 : vector<16xf32> to vector<1x1x16xf32>
          tpu.vector_store %arg8[%swap3A_310, %swap3A_311, %swap3A_312], %swap3A_315 {strides = array<i32>} : memref<2x64x256xf32, #tpu.memory_space<vmem>>, vector<1x1x16xf32>,
          %get3A_316 = arith.index_cast %while3A_208 : i32 to index
          %get3A_317 = arith.constant 144 : index
          %get3A_318 = tpu.vector_load %arg6[%get3A_316, %get3A_317] {strides = array<i32>} : memref<64x256xf32, #tpu.memory_space<vmem>>, vector<1x16xf32>,
          %get3A_319 = vector.shape_cast %get3A_318 : vector<1x16xf32> to vector<16xf32>
          %add3A_320 = arith.addf %get3A_174, %get3A_319 : vector<16xf32>
          %swap3A_321 = arith.constant 1 : i32
          %swap3A_322 = arith.index_cast %swap3A_321 : i32 to index
          %swap3A_323 = arith.index_cast %while3A_208 : i32 to index
          %swap3A_324 = arith.constant 144 : index
          %swap3A_325 = tpu.vector_load %arg8[%swap3A_322, %swap3A_323, %swap3A_324] {strides = array<i32>} : memref<2x64x256xf32, #tpu.memory_space<vmem>>, vector<1x1x16xf32>,
          %swap3A_326 = vector.shape_cast %swap3A_325 : vector<1x1x16xf32> to vector<16xf32>
          %swap3A_327 = vector.shape_cast %add3A_320 : vector<16xf32> to vector<1x1x16xf32>
          tpu.vector_store %arg8[%swap3A_322, %swap3A_323, %swap3A_324], %swap3A_327 {strides = array<i32>} : memref<2x64x256xf32, #tpu.memory_space<vmem>>, vector<1x1x16xf32>,
          %get3A_328 = arith.index_cast %while3A_208 : i32 to index
          %get3A_329 = arith.constant 160 : index
          %get3A_330 = tpu.vector_load %arg6[%get3A_328, %get3A_329] {strides = array<i32>} : memref<64x256xf32, #tpu.memory_space<vmem>>, vector<1x16xf32>,
          %get3A_331 = vector.shape_cast %get3A_330 : vector<1x16xf32> to vector<16xf32>
          %add3A_332 = arith.addf %get3A_178, %get3A_331 : vector<16xf32>
          %swap3A_333 = arith.constant 1 : i32
          %swap3A_334 = arith.index_cast %swap3A_333 : i32 to index
          %swap3A_335 = arith.index_cast %while3A_208 : i32 to index
          %swap3A_336 = arith.constant 160 : index
          %swap3A_337 = tpu.vector_load %arg8[%swap3A_334, %swap3A_335, %swap3A_336] {strides = array<i32>} : memref<2x64x256xf32, #tpu.memory_space<vmem>>, vector<1x1x16xf32>,
          %swap3A_338 = vector.shape_cast %swap3A_337 : vector<1x1x16xf32> to vector<16xf32>
          %swap3A_339 = vector.shape_cast %add3A_332 : vector<16xf32> to vector<1x1x16xf32>
          tpu.vector_store %arg8[%swap3A_334, %swap3A_335, %swap3A_336], %swap3A_339 {strides = array<i32>} : memref<2x64x256xf32, #tpu.memory_space<vmem>>, vector<1x1x16xf32>,
          %get3A_340 = arith.index_cast %while3A_208 : i32 to index
          %get3A_341 = arith.constant 176 : index
          %get3A_342 = tpu.vector_load %arg6[%get3A_340, %get3A_341] {strides = array<i32>} : memref<64x256xf32, #tpu.memory_space<vmem>>, vector<1x16xf32>,
          %get3A_343 = vector.shape_cast %get3A_342 : vector<1x16xf32> to vector<16xf32>
          %add3A_344 = arith.addf %get3A_182, %get3A_343 : vector<16xf32>
          %swap3A_345 = arith.constant 1 : i32
          %swap3A_346 = arith.index_cast %swap3A_345 : i32 to index
          %swap3A_347 = arith.index_cast %while3A_208 : i32 to index
          %swap3A_348 = arith.constant 176 : index
          %swap3A_349 = tpu.vector_load %arg8[%swap3A_346, %swap3A_347, %swap3A_348] {strides = array<i32>} : memref<2x64x256xf32, #tpu.memory_space<vmem>>, vector<1x1x16xf32>,
          %swap3A_350 = vector.shape_cast %swap3A_349 : vector<1x1x16xf32> to vector<16xf32>
          %swap3A_351 = vector.shape_cast %add3A_344 : vector<16xf32> to vector<1x1x16xf32>
          tpu.vector_store %arg8[%swap3A_346, %swap3A_347, %swap3A_348], %swap3A_351 {strides = array<i32>} : memref<2x64x256xf32, #tpu.memory_space<vmem>>, vector<1x1x16xf32>,
          %get3A_352 = arith.index_cast %while3A_208 : i32 to index
          %get3A_353 = arith.constant 192 : index
          %get3A_354 = tpu.vector_load %arg6[%get3A_352, %get3A_353] {strides = array<i32>} : memref<64x256xf32, #tpu.memory_space<vmem>>, vector<1x16xf32>,
          %get3A_355 = vector.shape_cast %get3A_354 : vector<1x16xf32> to vector<16xf32>
          %add3A_356 = arith.addf %get3A_186, %get3A_355 : vector<16xf32>
          %swap3A_357 = arith.constant 1 : i32
          %swap3A_358 = arith.index_cast %swap3A_357 : i32 to index
          %swap3A_359 = arith.index_cast %while3A_208 : i32 to index
          %swap3A_360 = arith.constant 192 : index
          %swap3A_361 = tpu.vector_load %arg8[%swap3A_358, %swap3A_359, %swap3A_360] {strides = array<i32>} : memref<2x64x256xf32, #tpu.memory_space<vmem>>, vector<1x1x16xf32>,
          %swap3A_362 = vector.shape_cast %swap3A_361 : vector<1x1x16xf32> to vector<16xf32>
          %swap3A_363 = vector.shape_cast %add3A_356 : vector<16xf32> to vector<1x1x16xf32>
          tpu.vector_store %arg8[%swap3A_358, %swap3A_359, %swap3A_360], %swap3A_363 {strides = array<i32>} : memref<2x64x256xf32, #tpu.memory_space<vmem>>, vector<1x1x16xf32>,
          %get3A_364 = arith.index_cast %while3A_208 : i32 to index
          %get3A_365 = arith.constant 208 : index
          %get3A_366 = tpu.vector_load %arg6[%get3A_364, %get3A_365] {strides = array<i32>} : memref<64x256xf32, #tpu.memory_space<vmem>>, vector<1x16xf32>,
          %get3A_367 = vector.shape_cast %get3A_366 : vector<1x16xf32> to vector<16xf32>
          %add3A_368 = arith.addf %get3A_190, %get3A_367 : vector<16xf32>
          %swap3A_369 = arith.constant 1 : i32
          %swap3A_370 = arith.index_cast %swap3A_369 : i32 to index
          %swap3A_371 = arith.index_cast %while3A_208 : i32 to index
          %swap3A_372 = arith.constant 208 : index
          %swap3A_373 = tpu.vector_load %arg8[%swap3A_370, %swap3A_371, %swap3A_372] {strides = array<i32>} : memref<2x64x256xf32, #tpu.memory_space<vmem>>, vector<1x1x16xf32>,
          %swap3A_374 = vector.shape_cast %swap3A_373 : vector<1x1x16xf32> to vector<16xf32>
          %swap3A_375 = vector.shape_cast %add3A_368 : vector<16xf32> to vector<1x1x16xf32>
          tpu.vector_store %arg8[%swap3A_370, %swap3A_371, %swap3A_372], %swap3A_375 {strides = array<i32>} : memref<2x64x256xf32, #tpu.memory_space<vmem>>, vector<1x1x16xf32>,
          %get3A_376 = arith.index_cast %while3A_208 : i32 to index
          %get3A_377 = arith.constant 224 : index
          %get3A_378 = tpu.vector_load %arg6[%get3A_376, %get3A_377] {strides = array<i32>} : memref<64x256xf32, #tpu.memory_space<vmem>>, vector<1x16xf32>,
          %get3A_379 = vector.shape_cast %get3A_378 : vector<1x16xf32> to vector<16xf32>
          %add3A_380 = arith.addf %get3A_194, %get3A_379 : vector<16xf32>
          %swap3A_381 = arith.constant 1 : i32
          %swap3A_382 = arith.index_cast %swap3A_381 : i32 to index
          %swap3A_383 = arith.index_cast %while3A_208 : i32 to index
          %swap3A_384 = arith.constant 224 : index
          %swap3A_385 = tpu.vector_load %arg8[%swap3A_382, %swap3A_383, %swap3A_384] {strides = array<i32>} : memref<2x64x256xf32, #tpu.memory_space<vmem>>, vector<1x1x16xf32>,
          %swap3A_386 = vector.shape_cast %swap3A_385 : vector<1x1x16xf32> to vector<16xf32>
          %swap3A_387 = vector.shape_cast %add3A_380 : vector<16xf32> to vector<1x1x16xf32>
          tpu.vector_store %arg8[%swap3A_382, %swap3A_383, %swap3A_384], %swap3A_387 {strides = array<i32>} : memref<2x64x256xf32, #tpu.memory_space<vmem>>, vector<1x1x16xf32>,
          %get3A_388 = arith.index_cast %while3A_208 : i32 to index
          %get3A_389 = arith.constant 240 : index
          %get3A_390 = tpu.vector_load %arg6[%get3A_388, %get3A_389] {strides = array<i32>} : memref<64x256xf32, #tpu.memory_space<vmem>>, vector<1x16xf32>,
          %get3A_391 = vector.shape_cast %get3A_390 : vector<1x16xf32> to vector<16xf32>
          %add3A_392 = arith.addf %get3A_198, %get3A_391 : vector<16xf32>
          %swap3A_393 = arith.constant 1 : i32
          %swap3A_394 = arith.index_cast %swap3A_393 : i32 to index
          %swap3A_395 = arith.index_cast %while3A_208 : i32 to index
          %swap3A_396 = arith.constant 240 : index
          %swap3A_397 = tpu.vector_load %arg8[%swap3A_394, %swap3A_395, %swap3A_396] {strides = array<i32>} : memref<2x64x256xf32, #tpu.memory_space<vmem>>, vector<1x1x16xf32>,
          %swap3A_398 = vector.shape_cast %swap3A_397 : vector<1x1x16xf32> to vector<16xf32>
          %swap3A_399 = vector.shape_cast %add3A_392 : vector<16xf32> to vector<1x1x16xf32>
          tpu.vector_store %arg8[%swap3A_394, %swap3A_395, %swap3A_396], %swap3A_399 {strides = array<i32>} : memref<2x64x256xf32, #tpu.memory_space<vmem>>, vector<1x1x16xf32>,
        }
      } else {
      }
      %ge3A_87 = arith.cmpi sge, %add3A_82, %squeeze3A : i32
      %convert_element_type3A_88 = arith.extui %ge3A_87 : i1 to i32
      %cond3A_89 = arith.constant 0 : i32
      %cond3A_90 = arith.cmpi ne, %convert_element_type3A_88, %cond3A_89 : i32
      scf.if %cond3A_90 {
        %while3A = arith.constant 0 : i32
        %while3A_135 = arith.constant 0 : i32
        %while3A_136 = arith.subi %squeeze3A_36, %while3A_135 : i32
        %while3A_137 = arith.addi %while3A_135, %while3A_136 : i32
        %while3A_138 = arith.constant 1 : i32
        %while3A_139 = arith.divsi %while3A_136, %while3A_138 : i32
        %while3A_140 = arith.muli %while3A_139, %while3A_138 : i32
        %while3A_141 = arith.addi %while3A_135, %while3A_140 : i32
        %while3A_142 = arith.constant 1 : i32
        scf.for %while3A_144 = %while3A_135 to %while3A_141 step %while3A_142  : i32 {
          %swap3A = arith.constant 1 : i32
          %swap3A_145 = arith.index_cast %swap3A : i32 to index
          %swap3A_146 = arith.index_cast %while3A_144 : i32 to index
          %swap3A_147 = arith.constant 0 : index
          %swap3A_148 = tpu.vector_load %arg8[%swap3A_145, %swap3A_146, %swap3A_147] {strides = array<i32>} : memref<2x64x256xf32, #tpu.memory_space<vmem>>, vector<1x1x16xf32>,
          %swap3A_149 = vector.shape_cast %swap3A_148 : vector<1x1x16xf32> to vector<16xf32>
          %swap3A_150 = vector.shape_cast %broadcast_in_dim3A_37 : vector<16xf32> to vector<1x1x16xf32>
          tpu.vector_store %arg8[%swap3A_145, %swap3A_146, %swap3A_147], %swap3A_150 {strides = array<i32>} : memref<2x64x256xf32, #tpu.memory_space<vmem>>, vector<1x1x16xf32>,
          %swap3A_151 = arith.constant 1 : i32
          %swap3A_152 = arith.index_cast %swap3A_151 : i32 to index
          %swap3A_153 = arith.index_cast %while3A_144 : i32 to index
          %swap3A_154 = arith.constant 16 : index
          %swap3A_155 = tpu.vector_load %arg8[%swap3A_152, %swap3A_153, %swap3A_154] {strides = array<i32>} : memref<2x64x256xf32, #tpu.memory_space<vmem>>, vector<1x1x16xf32>,
          %swap3A_156 = vector.shape_cast %swap3A_155 : vector<1x1x16xf32> to vector<16xf32>
          %swap3A_157 = vector.shape_cast %broadcast_in_dim3A_37 : vector<16xf32> to vector<1x1x16xf32>
          tpu.vector_store %arg8[%swap3A_152, %swap3A_153, %swap3A_154], %swap3A_157 {strides = array<i32>} : memref<2x64x256xf32, #tpu.memory_space<vmem>>, vector<1x1x16xf32>,
          %swap3A_158 = arith.constant 1 : i32
          %swap3A_159 = arith.index_cast %swap3A_158 : i32 to index
          %swap3A_160 = arith.index_cast %while3A_144 : i32 to index
          %swap3A_161 = arith.constant 32 : index
          %swap3A_162 = tpu.vector_load %arg8[%swap3A_159, %swap3A_160, %swap3A_161] {strides = array<i32>} : memref<2x64x256xf32, #tpu.memory_space<vmem>>, vector<1x1x16xf32>,
          %swap3A_163 = vector.shape_cast %swap3A_162 : vector<1x1x16xf32> to vector<16xf32>
          %swap3A_164 = vector.shape_cast %broadcast_in_dim3A_37 : vector<16xf32> to vector<1x1x16xf32>
          tpu.vector_store %arg8[%swap3A_159, %swap3A_160, %swap3A_161], %swap3A_164 {strides = array<i32>} : memref<2x64x256xf32, #tpu.memory_space<vmem>>, vector<1x1x16xf32>,
          %swap3A_165 = arith.constant 1 : i32
          %swap3A_166 = arith.index_cast %swap3A_165 : i32 to index
          %swap3A_167 = arith.index_cast %while3A_144 : i32 to index
          %swap3A_168 = arith.constant 48 : index
          %swap3A_169 = tpu.vector_load %arg8[%swap3A_166, %swap3A_167, %swap3A_168] {strides = array<i32>} : memref<2x64x256xf32, #tpu.memory_space<vmem>>, vector<1x1x16xf32>,
          %swap3A_170 = vector.shape_cast %swap3A_169 : vector<1x1x16xf32> to vector<16xf32>
          %swap3A_171 = vector.shape_cast %broadcast_in_dim3A_37 : vector<16xf32> to vector<1x1x16xf32>
          tpu.vector_store %arg8[%swap3A_166, %swap3A_167, %swap3A_168], %swap3A_171 {strides = array<i32>} : memref<2x64x256xf32, #tpu.memory_space<vmem>>, vector<1x1x16xf32>,
          %swap3A_172 = arith.constant 1 : i32
          %swap3A_173 = arith.index_cast %swap3A_172 : i32 to index
          %swap3A_174 = arith.index_cast %while3A_144 : i32 to index
          %swap3A_175 = arith.constant 64 : index
          %swap3A_176 = tpu.vector_load %arg8[%swap3A_173, %swap3A_174, %swap3A_175] {strides = array<i32>} : memref<2x64x256xf32, #tpu.memory_space<vmem>>, vector<1x1x16xf32>,
          %swap3A_177 = vector.shape_cast %swap3A_176 : vector<1x1x16xf32> to vector<16xf32>
          %swap3A_178 = vector.shape_cast %broadcast_in_dim3A_37 : vector<16xf32> to vector<1x1x16xf32>
          tpu.vector_store %arg8[%swap3A_173, %swap3A_174, %swap3A_175], %swap3A_178 {strides = array<i32>} : memref<2x64x256xf32, #tpu.memory_space<vmem>>, vector<1x1x16xf32>,
          %swap3A_179 = arith.constant 1 : i32
          %swap3A_180 = arith.index_cast %swap3A_179 : i32 to index
          %swap3A_181 = arith.index_cast %while3A_144 : i32 to index
          %swap3A_182 = arith.constant 80 : index
          %swap3A_183 = tpu.vector_load %arg8[%swap3A_180, %swap3A_181, %swap3A_182] {strides = array<i32>} : memref<2x64x256xf32, #tpu.memory_space<vmem>>, vector<1x1x16xf32>,
          %swap3A_184 = vector.shape_cast %swap3A_183 : vector<1x1x16xf32> to vector<16xf32>
          %swap3A_185 = vector.shape_cast %broadcast_in_dim3A_37 : vector<16xf32> to vector<1x1x16xf32>
          tpu.vector_store %arg8[%swap3A_180, %swap3A_181, %swap3A_182], %swap3A_185 {strides = array<i32>} : memref<2x64x256xf32, #tpu.memory_space<vmem>>, vector<1x1x16xf32>,
          %swap3A_186 = arith.constant 1 : i32
          %swap3A_187 = arith.index_cast %swap3A_186 : i32 to index
          %swap3A_188 = arith.index_cast %while3A_144 : i32 to index
          %swap3A_189 = arith.constant 96 : index
          %swap3A_190 = tpu.vector_load %arg8[%swap3A_187, %swap3A_188, %swap3A_189] {strides = array<i32>} : memref<2x64x256xf32, #tpu.memory_space<vmem>>, vector<1x1x16xf32>,
          %swap3A_191 = vector.shape_cast %swap3A_190 : vector<1x1x16xf32> to vector<16xf32>
          %swap3A_192 = vector.shape_cast %broadcast_in_dim3A_37 : vector<16xf32> to vector<1x1x16xf32>
          tpu.vector_store %arg8[%swap3A_187, %swap3A_188, %swap3A_189], %swap3A_192 {strides = array<i32>} : memref<2x64x256xf32, #tpu.memory_space<vmem>>, vector<1x1x16xf32>,
          %swap3A_193 = arith.constant 1 : i32
          %swap3A_194 = arith.index_cast %swap3A_193 : i32 to index
          %swap3A_195 = arith.index_cast %while3A_144 : i32 to index
          %swap3A_196 = arith.constant 112 : index
          %swap3A_197 = tpu.vector_load %arg8[%swap3A_194, %swap3A_195, %swap3A_196] {strides = array<i32>} : memref<2x64x256xf32, #tpu.memory_space<vmem>>, vector<1x1x16xf32>,
          %swap3A_198 = vector.shape_cast %swap3A_197 : vector<1x1x16xf32> to vector<16xf32>
          %swap3A_199 = vector.shape_cast %broadcast_in_dim3A_37 : vector<16xf32> to vector<1x1x16xf32>
          tpu.vector_store %arg8[%swap3A_194, %swap3A_195, %swap3A_196], %swap3A_199 {strides = array<i32>} : memref<2x64x256xf32, #tpu.memory_space<vmem>>, vector<1x1x16xf32>,
          %swap3A_200 = arith.constant 1 : i32
          %swap3A_201 = arith.index_cast %swap3A_200 : i32 to index
          %swap3A_202 = arith.index_cast %while3A_144 : i32 to index
          %swap3A_203 = arith.constant 128 : index
          %swap3A_204 = tpu.vector_load %arg8[%swap3A_201, %swap3A_202, %swap3A_203] {strides = array<i32>} : memref<2x64x256xf32, #tpu.memory_space<vmem>>, vector<1x1x16xf32>,
          %swap3A_205 = vector.shape_cast %swap3A_204 : vector<1x1x16xf32> to vector<16xf32>
          %swap3A_206 = vector.shape_cast %broadcast_in_dim3A_37 : vector<16xf32> to vector<1x1x16xf32>
          tpu.vector_store %arg8[%swap3A_201, %swap3A_202, %swap3A_203], %swap3A_206 {strides = array<i32>} : memref<2x64x256xf32, #tpu.memory_space<vmem>>, vector<1x1x16xf32>,
          %swap3A_207 = arith.constant 1 : i32
          %swap3A_208 = arith.index_cast %swap3A_207 : i32 to index
          %swap3A_209 = arith.index_cast %while3A_144 : i32 to index
          %swap3A_210 = arith.constant 144 : index
          %swap3A_211 = tpu.vector_load %arg8[%swap3A_208, %swap3A_209, %swap3A_210] {strides = array<i32>} : memref<2x64x256xf32, #tpu.memory_space<vmem>>, vector<1x1x16xf32>,
          %swap3A_212 = vector.shape_cast %swap3A_211 : vector<1x1x16xf32> to vector<16xf32>
          %swap3A_213 = vector.shape_cast %broadcast_in_dim3A_37 : vector<16xf32> to vector<1x1x16xf32>
          tpu.vector_store %arg8[%swap3A_208, %swap3A_209, %swap3A_210], %swap3A_213 {strides = array<i32>} : memref<2x64x256xf32, #tpu.memory_space<vmem>>, vector<1x1x16xf32>,
          %swap3A_214 = arith.constant 1 : i32
          %swap3A_215 = arith.index_cast %swap3A_214 : i32 to index
          %swap3A_216 = arith.index_cast %while3A_144 : i32 to index
          %swap3A_217 = arith.constant 160 : index
          %swap3A_218 = tpu.vector_load %arg8[%swap3A_215, %swap3A_216, %swap3A_217] {strides = array<i32>} : memref<2x64x256xf32, #tpu.memory_space<vmem>>, vector<1x1x16xf32>,
          %swap3A_219 = vector.shape_cast %swap3A_218 : vector<1x1x16xf32> to vector<16xf32>
          %swap3A_220 = vector.shape_cast %broadcast_in_dim3A_37 : vector<16xf32> to vector<1x1x16xf32>
          tpu.vector_store %arg8[%swap3A_215, %swap3A_216, %swap3A_217], %swap3A_220 {strides = array<i32>} : memref<2x64x256xf32, #tpu.memory_space<vmem>>, vector<1x1x16xf32>,
          %swap3A_221 = arith.constant 1 : i32
          %swap3A_222 = arith.index_cast %swap3A_221 : i32 to index
          %swap3A_223 = arith.index_cast %while3A_144 : i32 to index
          %swap3A_224 = arith.constant 176 : index
          %swap3A_225 = tpu.vector_load %arg8[%swap3A_222, %swap3A_223, %swap3A_224] {strides = array<i32>} : memref<2x64x256xf32, #tpu.memory_space<vmem>>, vector<1x1x16xf32>,
          %swap3A_226 = vector.shape_cast %swap3A_225 : vector<1x1x16xf32> to vector<16xf32>
          %swap3A_227 = vector.shape_cast %broadcast_in_dim3A_37 : vector<16xf32> to vector<1x1x16xf32>
          tpu.vector_store %arg8[%swap3A_222, %swap3A_223, %swap3A_224], %swap3A_227 {strides = array<i32>} : memref<2x64x256xf32, #tpu.memory_space<vmem>>, vector<1x1x16xf32>,
          %swap3A_228 = arith.constant 1 : i32
          %swap3A_229 = arith.index_cast %swap3A_228 : i32 to index
          %swap3A_230 = arith.index_cast %while3A_144 : i32 to index
          %swap3A_231 = arith.constant 192 : index
          %swap3A_232 = tpu.vector_load %arg8[%swap3A_229, %swap3A_230, %swap3A_231] {strides = array<i32>} : memref<2x64x256xf32, #tpu.memory_space<vmem>>, vector<1x1x16xf32>,
          %swap3A_233 = vector.shape_cast %swap3A_232 : vector<1x1x16xf32> to vector<16xf32>
          %swap3A_234 = vector.shape_cast %broadcast_in_dim3A_37 : vector<16xf32> to vector<1x1x16xf32>
          tpu.vector_store %arg8[%swap3A_229, %swap3A_230, %swap3A_231], %swap3A_234 {strides = array<i32>} : memref<2x64x256xf32, #tpu.memory_space<vmem>>, vector<1x1x16xf32>,
          %swap3A_235 = arith.constant 1 : i32
          %swap3A_236 = arith.index_cast %swap3A_235 : i32 to index
          %swap3A_237 = arith.index_cast %while3A_144 : i32 to index
          %swap3A_238 = arith.constant 208 : index
          %swap3A_239 = tpu.vector_load %arg8[%swap3A_236, %swap3A_237, %swap3A_238] {strides = array<i32>} : memref<2x64x256xf32, #tpu.memory_space<vmem>>, vector<1x1x16xf32>,
          %swap3A_240 = vector.shape_cast %swap3A_239 : vector<1x1x16xf32> to vector<16xf32>
          %swap3A_241 = vector.shape_cast %broadcast_in_dim3A_37 : vector<16xf32> to vector<1x1x16xf32>
          tpu.vector_store %arg8[%swap3A_236, %swap3A_237, %swap3A_238], %swap3A_241 {strides = array<i32>} : memref<2x64x256xf32, #tpu.memory_space<vmem>>, vector<1x1x16xf32>,
          %swap3A_242 = arith.constant 1 : i32
          %swap3A_243 = arith.index_cast %swap3A_242 : i32 to index
          %swap3A_244 = arith.index_cast %while3A_144 : i32 to index
          %swap3A_245 = arith.constant 224 : index
          %swap3A_246 = tpu.vector_load %arg8[%swap3A_243, %swap3A_244, %swap3A_245] {strides = array<i32>} : memref<2x64x256xf32, #tpu.memory_space<vmem>>, vector<1x1x16xf32>,
          %swap3A_247 = vector.shape_cast %swap3A_246 : vector<1x1x16xf32> to vector<16xf32>
          %swap3A_248 = vector.shape_cast %broadcast_in_dim3A_37 : vector<16xf32> to vector<1x1x16xf32>
          tpu.vector_store %arg8[%swap3A_243, %swap3A_244, %swap3A_245], %swap3A_248 {strides = array<i32>} : memref<2x64x256xf32, #tpu.memory_space<vmem>>, vector<1x1x16xf32>,
          %swap3A_249 = arith.constant 1 : i32
          %swap3A_250 = arith.index_cast %swap3A_249 : i32 to index
          %swap3A_251 = arith.index_cast %while3A_144 : i32 to index
          %swap3A_252 = arith.constant 240 : index
          %swap3A_253 = tpu.vector_load %arg8[%swap3A_250, %swap3A_251, %swap3A_252] {strides = array<i32>} : memref<2x64x256xf32, #tpu.memory_space<vmem>>, vector<1x1x16xf32>,
          %swap3A_254 = vector.shape_cast %swap3A_253 : vector<1x1x16xf32> to vector<16xf32>
          %swap3A_255 = vector.shape_cast %broadcast_in_dim3A_37 : vector<16xf32> to vector<1x1x16xf32>
          tpu.vector_store %arg8[%swap3A_250, %swap3A_251, %swap3A_252], %swap3A_255 {strides = array<i32>} : memref<2x64x256xf32, #tpu.memory_space<vmem>>, vector<1x1x16xf32>,
        }
        %while3A_143 = arith.constant 1 : i32
        scf.for %while3A_144 = %while3A_141 to %while3A_137 step %while3A_143  : i32 {
          %swap3A = arith.constant 1 : i32
          %swap3A_145 = arith.index_cast %swap3A : i32 to index
          %swap3A_146 = arith.index_cast %while3A_144 : i32 to index
          %swap3A_147 = arith.constant 0 : index
          %swap3A_148 = tpu.vector_load %arg8[%swap3A_145, %swap3A_146, %swap3A_147] {strides = array<i32>} : memref<2x64x256xf32, #tpu.memory_space<vmem>>, vector<1x1x16xf32>,
          %swap3A_149 = vector.shape_cast %swap3A_148 : vector<1x1x16xf32> to vector<16xf32>
          %swap3A_150 = vector.shape_cast %broadcast_in_dim3A_37 : vector<16xf32> to vector<1x1x16xf32>
          tpu.vector_store %arg8[%swap3A_145, %swap3A_146, %swap3A_147], %swap3A_150 {strides = array<i32>} : memref<2x64x256xf32, #tpu.memory_space<vmem>>, vector<1x1x16xf32>,
          %swap3A_151 = arith.constant 1 : i32
          %swap3A_152 = arith.index_cast %swap3A_151 : i32 to index
          %swap3A_153 = arith.index_cast %while3A_144 : i32 to index
          %swap3A_154 = arith.constant 16 : index
          %swap3A_155 = tpu.vector_load %arg8[%swap3A_152, %swap3A_153, %swap3A_154] {strides = array<i32>} : memref<2x64x256xf32, #tpu.memory_space<vmem>>, vector<1x1x16xf32>,
          %swap3A_156 = vector.shape_cast %swap3A_155 : vector<1x1x16xf32> to vector<16xf32>
          %swap3A_157 = vector.shape_cast %broadcast_in_dim3A_37 : vector<16xf32> to vector<1x1x16xf32>
          tpu.vector_store %arg8[%swap3A_152, %swap3A_153, %swap3A_154], %swap3A_157 {strides = array<i32>} : memref<2x64x256xf32, #tpu.memory_space<vmem>>, vector<1x1x16xf32>,
          %swap3A_158 = arith.constant 1 : i32
          %swap3A_159 = arith.index_cast %swap3A_158 : i32 to index
          %swap3A_160 = arith.index_cast %while3A_144 : i32 to index
          %swap3A_161 = arith.constant 32 : index
          %swap3A_162 = tpu.vector_load %arg8[%swap3A_159, %swap3A_160, %swap3A_161] {strides = array<i32>} : memref<2x64x256xf32, #tpu.memory_space<vmem>>, vector<1x1x16xf32>,
          %swap3A_163 = vector.shape_cast %swap3A_162 : vector<1x1x16xf32> to vector<16xf32>
          %swap3A_164 = vector.shape_cast %broadcast_in_dim3A_37 : vector<16xf32> to vector<1x1x16xf32>
          tpu.vector_store %arg8[%swap3A_159, %swap3A_160, %swap3A_161], %swap3A_164 {strides = array<i32>} : memref<2x64x256xf32, #tpu.memory_space<vmem>>, vector<1x1x16xf32>,
          %swap3A_165 = arith.constant 1 : i32
          %swap3A_166 = arith.index_cast %swap3A_165 : i32 to index
          %swap3A_167 = arith.index_cast %while3A_144 : i32 to index
          %swap3A_168 = arith.constant 48 : index
          %swap3A_169 = tpu.vector_load %arg8[%swap3A_166, %swap3A_167, %swap3A_168] {strides = array<i32>} : memref<2x64x256xf32, #tpu.memory_space<vmem>>, vector<1x1x16xf32>,
          %swap3A_170 = vector.shape_cast %swap3A_169 : vector<1x1x16xf32> to vector<16xf32>
          %swap3A_171 = vector.shape_cast %broadcast_in_dim3A_37 : vector<16xf32> to vector<1x1x16xf32>
          tpu.vector_store %arg8[%swap3A_166, %swap3A_167, %swap3A_168], %swap3A_171 {strides = array<i32>} : memref<2x64x256xf32, #tpu.memory_space<vmem>>, vector<1x1x16xf32>,
          %swap3A_172 = arith.constant 1 : i32
          %swap3A_173 = arith.index_cast %swap3A_172 : i32 to index
          %swap3A_174 = arith.index_cast %while3A_144 : i32 to index
          %swap3A_175 = arith.constant 64 : index
          %swap3A_176 = tpu.vector_load %arg8[%swap3A_173, %swap3A_174, %swap3A_175] {strides = array<i32>} : memref<2x64x256xf32, #tpu.memory_space<vmem>>, vector<1x1x16xf32>,
          %swap3A_177 = vector.shape_cast %swap3A_176 : vector<1x1x16xf32> to vector<16xf32>
          %swap3A_178 = vector.shape_cast %broadcast_in_dim3A_37 : vector<16xf32> to vector<1x1x16xf32>
          tpu.vector_store %arg8[%swap3A_173, %swap3A_174, %swap3A_175], %swap3A_178 {strides = array<i32>} : memref<2x64x256xf32, #tpu.memory_space<vmem>>, vector<1x1x16xf32>,
          %swap3A_179 = arith.constant 1 : i32
          %swap3A_180 = arith.index_cast %swap3A_179 : i32 to index
          %swap3A_181 = arith.index_cast %while3A_144 : i32 to index
          %swap3A_182 = arith.constant 80 : index
          %swap3A_183 = tpu.vector_load %arg8[%swap3A_180, %swap3A_181, %swap3A_182] {strides = array<i32>} : memref<2x64x256xf32, #tpu.memory_space<vmem>>, vector<1x1x16xf32>,
          %swap3A_184 = vector.shape_cast %swap3A_183 : vector<1x1x16xf32> to vector<16xf32>
          %swap3A_185 = vector.shape_cast %broadcast_in_dim3A_37 : vector<16xf32> to vector<1x1x16xf32>
          tpu.vector_store %arg8[%swap3A_180, %swap3A_181, %swap3A_182], %swap3A_185 {strides = array<i32>} : memref<2x64x256xf32, #tpu.memory_space<vmem>>, vector<1x1x16xf32>,
          %swap3A_186 = arith.constant 1 : i32
          %swap3A_187 = arith.index_cast %swap3A_186 : i32 to index
          %swap3A_188 = arith.index_cast %while3A_144 : i32 to index
          %swap3A_189 = arith.constant 96 : index
          %swap3A_190 = tpu.vector_load %arg8[%swap3A_187, %swap3A_188, %swap3A_189] {strides = array<i32>} : memref<2x64x256xf32, #tpu.memory_space<vmem>>, vector<1x1x16xf32>,
          %swap3A_191 = vector.shape_cast %swap3A_190 : vector<1x1x16xf32> to vector<16xf32>
          %swap3A_192 = vector.shape_cast %broadcast_in_dim3A_37 : vector<16xf32> to vector<1x1x16xf32>
          tpu.vector_store %arg8[%swap3A_187, %swap3A_188, %swap3A_189], %swap3A_192 {strides = array<i32>} : memref<2x64x256xf32, #tpu.memory_space<vmem>>, vector<1x1x16xf32>,
          %swap3A_193 = arith.constant 1 : i32
          %swap3A_194 = arith.index_cast %swap3A_193 : i32 to index
          %swap3A_195 = arith.index_cast %while3A_144 : i32 to index
          %swap3A_196 = arith.constant 112 : index
          %swap3A_197 = tpu.vector_load %arg8[%swap3A_194, %swap3A_195, %swap3A_196] {strides = array<i32>} : memref<2x64x256xf32, #tpu.memory_space<vmem>>, vector<1x1x16xf32>,
          %swap3A_198 = vector.shape_cast %swap3A_197 : vector<1x1x16xf32> to vector<16xf32>
          %swap3A_199 = vector.shape_cast %broadcast_in_dim3A_37 : vector<16xf32> to vector<1x1x16xf32>
          tpu.vector_store %arg8[%swap3A_194, %swap3A_195, %swap3A_196], %swap3A_199 {strides = array<i32>} : memref<2x64x256xf32, #tpu.memory_space<vmem>>, vector<1x1x16xf32>,
          %swap3A_200 = arith.constant 1 : i32
          %swap3A_201 = arith.index_cast %swap3A_200 : i32 to index
          %swap3A_202 = arith.index_cast %while3A_144 : i32 to index
          %swap3A_203 = arith.constant 128 : index
          %swap3A_204 = tpu.vector_load %arg8[%swap3A_201, %swap3A_202, %swap3A_203] {strides = array<i32>} : memref<2x64x256xf32, #tpu.memory_space<vmem>>, vector<1x1x16xf32>,
          %swap3A_205 = vector.shape_cast %swap3A_204 : vector<1x1x16xf32> to vector<16xf32>
          %swap3A_206 = vector.shape_cast %broadcast_in_dim3A_37 : vector<16xf32> to vector<1x1x16xf32>
          tpu.vector_store %arg8[%swap3A_201, %swap3A_202, %swap3A_203], %swap3A_206 {strides = array<i32>} : memref<2x64x256xf32, #tpu.memory_space<vmem>>, vector<1x1x16xf32>,
          %swap3A_207 = arith.constant 1 : i32
          %swap3A_208 = arith.index_cast %swap3A_207 : i32 to index
          %swap3A_209 = arith.index_cast %while3A_144 : i32 to index
          %swap3A_210 = arith.constant 144 : index
          %swap3A_211 = tpu.vector_load %arg8[%swap3A_208, %swap3A_209, %swap3A_210] {strides = array<i32>} : memref<2x64x256xf32, #tpu.memory_space<vmem>>, vector<1x1x16xf32>,
          %swap3A_212 = vector.shape_cast %swap3A_211 : vector<1x1x16xf32> to vector<16xf32>
          %swap3A_213 = vector.shape_cast %broadcast_in_dim3A_37 : vector<16xf32> to vector<1x1x16xf32>
          tpu.vector_store %arg8[%swap3A_208, %swap3A_209, %swap3A_210], %swap3A_213 {strides = array<i32>} : memref<2x64x256xf32, #tpu.memory_space<vmem>>, vector<1x1x16xf32>,
          %swap3A_214 = arith.constant 1 : i32
          %swap3A_215 = arith.index_cast %swap3A_214 : i32 to index
          %swap3A_216 = arith.index_cast %while3A_144 : i32 to index
          %swap3A_217 = arith.constant 160 : index
          %swap3A_218 = tpu.vector_load %arg8[%swap3A_215, %swap3A_216, %swap3A_217] {strides = array<i32>} : memref<2x64x256xf32, #tpu.memory_space<vmem>>, vector<1x1x16xf32>,
          %swap3A_219 = vector.shape_cast %swap3A_218 : vector<1x1x16xf32> to vector<16xf32>
          %swap3A_220 = vector.shape_cast %broadcast_in_dim3A_37 : vector<16xf32> to vector<1x1x16xf32>
          tpu.vector_store %arg8[%swap3A_215, %swap3A_216, %swap3A_217], %swap3A_220 {strides = array<i32>} : memref<2x64x256xf32, #tpu.memory_space<vmem>>, vector<1x1x16xf32>,
          %swap3A_221 = arith.constant 1 : i32
          %swap3A_222 = arith.index_cast %swap3A_221 : i32 to index
          %swap3A_223 = arith.index_cast %while3A_144 : i32 to index
          %swap3A_224 = arith.constant 176 : index
          %swap3A_225 = tpu.vector_load %arg8[%swap3A_222, %swap3A_223, %swap3A_224] {strides = array<i32>} : memref<2x64x256xf32, #tpu.memory_space<vmem>>, vector<1x1x16xf32>,
          %swap3A_226 = vector.shape_cast %swap3A_225 : vector<1x1x16xf32> to vector<16xf32>
          %swap3A_227 = vector.shape_cast %broadcast_in_dim3A_37 : vector<16xf32> to vector<1x1x16xf32>
          tpu.vector_store %arg8[%swap3A_222, %swap3A_223, %swap3A_224], %swap3A_227 {strides = array<i32>} : memref<2x64x256xf32, #tpu.memory_space<vmem>>, vector<1x1x16xf32>,
          %swap3A_228 = arith.constant 1 : i32
          %swap3A_229 = arith.index_cast %swap3A_228 : i32 to index
          %swap3A_230 = arith.index_cast %while3A_144 : i32 to index
          %swap3A_231 = arith.constant 192 : index
          %swap3A_232 = tpu.vector_load %arg8[%swap3A_229, %swap3A_230, %swap3A_231] {strides = array<i32>} : memref<2x64x256xf32, #tpu.memory_space<vmem>>, vector<1x1x16xf32>,
          %swap3A_233 = vector.shape_cast %swap3A_232 : vector<1x1x16xf32> to vector<16xf32>
          %swap3A_234 = vector.shape_cast %broadcast_in_dim3A_37 : vector<16xf32> to vector<1x1x16xf32>
          tpu.vector_store %arg8[%swap3A_229, %swap3A_230, %swap3A_231], %swap3A_234 {strides = array<i32>} : memref<2x64x256xf32, #tpu.memory_space<vmem>>, vector<1x1x16xf32>,
          %swap3A_235 = arith.constant 1 : i32
          %swap3A_236 = arith.index_cast %swap3A_235 : i32 to index
          %swap3A_237 = arith.index_cast %while3A_144 : i32 to index
          %swap3A_238 = arith.constant 208 : index
          %swap3A_239 = tpu.vector_load %arg8[%swap3A_236, %swap3A_237, %swap3A_238] {strides = array<i32>} : memref<2x64x256xf32, #tpu.memory_space<vmem>>, vector<1x1x16xf32>,
          %swap3A_240 = vector.shape_cast %swap3A_239 : vector<1x1x16xf32> to vector<16xf32>
          %swap3A_241 = vector.shape_cast %broadcast_in_dim3A_37 : vector<16xf32> to vector<1x1x16xf32>
          tpu.vector_store %arg8[%swap3A_236, %swap3A_237, %swap3A_238], %swap3A_241 {strides = array<i32>} : memref<2x64x256xf32, #tpu.memory_space<vmem>>, vector<1x1x16xf32>,
          %swap3A_242 = arith.constant 1 : i32
          %swap3A_243 = arith.index_cast %swap3A_242 : i32 to index
          %swap3A_244 = arith.index_cast %while3A_144 : i32 to index
          %swap3A_245 = arith.constant 224 : index
          %swap3A_246 = tpu.vector_load %arg8[%swap3A_243, %swap3A_244, %swap3A_245] {strides = array<i32>} : memref<2x64x256xf32, #tpu.memory_space<vmem>>, vector<1x1x16xf32>,
          %swap3A_247 = vector.shape_cast %swap3A_246 : vector<1x1x16xf32> to vector<16xf32>
          %swap3A_248 = vector.shape_cast %broadcast_in_dim3A_37 : vector<16xf32> to vector<1x1x16xf32>
          tpu.vector_store %arg8[%swap3A_243, %swap3A_244, %swap3A_245], %swap3A_248 {strides = array<i32>} : memref<2x64x256xf32, #tpu.memory_space<vmem>>, vector<1x1x16xf32>,
          %swap3A_249 = arith.constant 1 : i32
          %swap3A_250 = arith.index_cast %swap3A_249 : i32 to index
          %swap3A_251 = arith.index_cast %while3A_144 : i32 to index
          %swap3A_252 = arith.constant 240 : index
          %swap3A_253 = tpu.vector_load %arg8[%swap3A_250, %swap3A_251, %swap3A_252] {strides = array<i32>} : memref<2x64x256xf32, #tpu.memory_space<vmem>>, vector<1x1x16xf32>,
          %swap3A_254 = vector.shape_cast %swap3A_253 : vector<1x1x16xf32> to vector<16xf32>
          %swap3A_255 = vector.shape_cast %broadcast_in_dim3A_37 : vector<16xf32> to vector<1x1x16xf32>
          tpu.vector_store %arg8[%swap3A_250, %swap3A_251, %swap3A_252], %swap3A_255 {strides = array<i32>} : memref<2x64x256xf32, #tpu.memory_space<vmem>>, vector<1x1x16xf32>,
        }
      } else {
      }
      %add3A_91 = arith.addi %mul3A_32, %mul3A_70 : i32
      %dma_start3A = arith.constant 0 : i32
      %dma_start3A_92 = arith.constant 0 : i32
      %dma_start3A_93 = tpu.memref_slice %arg5[%select_n3A, %add3A_91, %dma_start3A, %dma_start3A_92] : memref<4x512x64x256xf32, #tpu.memory_space<hbm>> -> memref<1x2x64x256xf32, #tpu.memory_space<hbm>>
      %dma_start3A_94 = tpu.memref_squeeze %dma_start3A_93 : memref<1x2x64x256xf32, #tpu.memory_space<hbm>> -> memref<2x64x256xf32, #tpu.memory_space<hbm>>
      %dma_start3A_95 = arith.constant 0 : i32
      %dma_start3A_96 = arith.constant 0 : i32
      %dma_start3A_97 = tpu.memref_slice %arg5[%select_n3A, %add3A_91, %dma_start3A_95, %dma_start3A_96] : memref<4x512x64x256xf32, #tpu.memory_space<hbm>> -> memref<1x2x64x256xf32, #tpu.memory_space<hbm>>
      %dma_start3A_98 = tpu.memref_squeeze %dma_start3A_97 : memref<1x2x64x256xf32, #tpu.memory_space<hbm>> -> memref<2x64x256xf32, #tpu.memory_space<hbm>>
      tpu.enqueue_dma source(%arg8 : memref<2x64x256xf32, #tpu.memory_space<vmem>>) target(%dma_start3A_98 : memref<2x64x256xf32, #tpu.memory_space<hbm>>) target_semaphore(%arg11 : memref<!tpu.dma_semaphore, #tpu.memory_space<semaphore_mem>>)
      %ge3A_99 = arith.constant 1 : i32
      %ge3A_100 = arith.cmpi sge, %scan3A_68, %ge3A_99 : i32
      %convert_element_type3A_101 = arith.extui %ge3A_100 : i1 to i32
      %cond3A_102 = arith.constant 0 : i32
      %cond3A_103 = arith.cmpi ne, %convert_element_type3A_101, %cond3A_102 : i32
      scf.if %cond3A_103 {
        %dma_wait3A_135 = arith.constant 0 : i32
        %dma_wait3A_136 = arith.constant 0 : i32
        %dma_wait3A_137 = arith.constant 0 : i32
        %dma_wait3A_138 = tpu.memref_slice %arg5[%select_n3A, %dma_wait3A_135, %dma_wait3A_136, %dma_wait3A_137] : memref<4x512x64x256xf32, #tpu.memory_space<hbm>> -> memref<1x2x64x256xf32, #tpu.memory_space<hbm>>
        %dma_wait3A_139 = tpu.memref_squeeze %dma_wait3A_138 : memref<1x2x64x256xf32, #tpu.memory_space<hbm>> -> memref<2x64x256xf32, #tpu.memory_space<hbm>>
        %dma_wait3A_140 = arith.constant 0 : i32
        %dma_wait3A_141 = arith.constant 0 : i32
        %dma_wait3A_142 = arith.constant 0 : i32
        %dma_wait3A_143 = tpu.memref_slice %arg5[%select_n3A, %dma_wait3A_140, %dma_wait3A_141, %dma_wait3A_142] : memref<4x512x64x256xf32, #tpu.memory_space<hbm>> -> memref<1x2x64x256xf32, #tpu.memory_space<hbm>>
        %dma_wait3A_144 = tpu.memref_squeeze %dma_wait3A_143 : memref<1x2x64x256xf32, #tpu.memory_space<hbm>> -> memref<2x64x256xf32, #tpu.memory_space<hbm>>
        tpu.wait_dma2 semaphore(%arg12 : memref<!tpu.dma_semaphore, #tpu.memory_space<semaphore_mem>>) src(%arg9 : memref<2x64x256xf32, #tpu.memory_space<vmem>>) dst(%dma_wait3A_144 : memref<2x64x256xf32, #tpu.memory_space<hbm>>)
      } else {
      }
      %add3A_104 = arith.constant 2 : i32
      %add3A_105 = arith.addi %mul3A_70, %add3A_104 : i32
      %lt3A_106 = arith.cmpi slt, %add3A_105, %squeeze3A : i32
      %convert_element_type3A_107 = arith.extui %lt3A_106 : i1 to i32
      %cond3A_108 = arith.constant 0 : i32
      %cond3A_109 = arith.cmpi ne, %convert_element_type3A_107, %cond3A_108 : i32
      scf.if %cond3A_109 {
        %get3A_135 = arith.index_cast %add3A_105 : i32 to index
        %get3A_136 = arith.constant 0 : index
        %get3A_137 = tpu.vector_load %arg7[%get3A_135, %get3A_136] {strides = array<i32>} : memref<64x256xf32, #tpu.memory_space<vmem>>, vector<1x16xf32>,
        %get3A_138 = vector.shape_cast %get3A_137 : vector<1x16xf32> to vector<16xf32>
        %get3A_139 = arith.index_cast %add3A_105 : i32 to index
        %get3A_140 = arith.constant 16 : index
        %get3A_141 = tpu.vector_load %arg7[%get3A_139, %get3A_140] {strides = array<i32>} : memref<64x256xf32, #tpu.memory_space<vmem>>, vector<1x16xf32>,
        %get3A_142 = vector.shape_cast %get3A_141 : vector<1x16xf32> to vector<16xf32>
        %get3A_143 = arith.index_cast %add3A_105 : i32 to index
        %get3A_144 = arith.constant 32 : index
        %get3A_145 = tpu.vector_load %arg7[%get3A_143, %get3A_144] {strides = array<i32>} : memref<64x256xf32, #tpu.memory_space<vmem>>, vector<1x16xf32>,
        %get3A_146 = vector.shape_cast %get3A_145 : vector<1x16xf32> to vector<16xf32>
        %get3A_147 = arith.index_cast %add3A_105 : i32 to index
        %get3A_148 = arith.constant 48 : index
        %get3A_149 = tpu.vector_load %arg7[%get3A_147, %get3A_148] {strides = array<i32>} : memref<64x256xf32, #tpu.memory_space<vmem>>, vector<1x16xf32>,
        %get3A_150 = vector.shape_cast %get3A_149 : vector<1x16xf32> to vector<16xf32>
        %get3A_151 = arith.index_cast %add3A_105 : i32 to index
        %get3A_152 = arith.constant 64 : index
        %get3A_153 = tpu.vector_load %arg7[%get3A_151, %get3A_152] {strides = array<i32>} : memref<64x256xf32, #tpu.memory_space<vmem>>, vector<1x16xf32>,
        %get3A_154 = vector.shape_cast %get3A_153 : vector<1x16xf32> to vector<16xf32>
        %get3A_155 = arith.index_cast %add3A_105 : i32 to index
        %get3A_156 = arith.constant 80 : index
        %get3A_157 = tpu.vector_load %arg7[%get3A_155, %get3A_156] {strides = array<i32>} : memref<64x256xf32, #tpu.memory_space<vmem>>, vector<1x16xf32>,
        %get3A_158 = vector.shape_cast %get3A_157 : vector<1x16xf32> to vector<16xf32>
        %get3A_159 = arith.index_cast %add3A_105 : i32 to index
        %get3A_160 = arith.constant 96 : index
        %get3A_161 = tpu.vector_load %arg7[%get3A_159, %get3A_160] {strides = array<i32>} : memref<64x256xf32, #tpu.memory_space<vmem>>, vector<1x16xf32>,
        %get3A_162 = vector.shape_cast %get3A_161 : vector<1x16xf32> to vector<16xf32>
        %get3A_163 = arith.index_cast %add3A_105 : i32 to index
        %get3A_164 = arith.constant 112 : index
        %get3A_165 = tpu.vector_load %arg7[%get3A_163, %get3A_164] {strides = array<i32>} : memref<64x256xf32, #tpu.memory_space<vmem>>, vector<1x16xf32>,
        %get3A_166 = vector.shape_cast %get3A_165 : vector<1x16xf32> to vector<16xf32>
        %get3A_167 = arith.index_cast %add3A_105 : i32 to index
        %get3A_168 = arith.constant 128 : index
        %get3A_169 = tpu.vector_load %arg7[%get3A_167, %get3A_168] {strides = array<i32>} : memref<64x256xf32, #tpu.memory_space<vmem>>, vector<1x16xf32>,
        %get3A_170 = vector.shape_cast %get3A_169 : vector<1x16xf32> to vector<16xf32>
        %get3A_171 = arith.index_cast %add3A_105 : i32 to index
        %get3A_172 = arith.constant 144 : index
        %get3A_173 = tpu.vector_load %arg7[%get3A_171, %get3A_172] {strides = array<i32>} : memref<64x256xf32, #tpu.memory_space<vmem>>, vector<1x16xf32>,
        %get3A_174 = vector.shape_cast %get3A_173 : vector<1x16xf32> to vector<16xf32>
        %get3A_175 = arith.index_cast %add3A_105 : i32 to index
        %get3A_176 = arith.constant 160 : index
        %get3A_177 = tpu.vector_load %arg7[%get3A_175, %get3A_176] {strides = array<i32>} : memref<64x256xf32, #tpu.memory_space<vmem>>, vector<1x16xf32>,
        %get3A_178 = vector.shape_cast %get3A_177 : vector<1x16xf32> to vector<16xf32>
        %get3A_179 = arith.index_cast %add3A_105 : i32 to index
        %get3A_180 = arith.constant 176 : index
        %get3A_181 = tpu.vector_load %arg7[%get3A_179, %get3A_180] {strides = array<i32>} : memref<64x256xf32, #tpu.memory_space<vmem>>, vector<1x16xf32>,
        %get3A_182 = vector.shape_cast %get3A_181 : vector<1x16xf32> to vector<16xf32>
        %get3A_183 = arith.index_cast %add3A_105 : i32 to index
        %get3A_184 = arith.constant 192 : index
        %get3A_185 = tpu.vector_load %arg7[%get3A_183, %get3A_184] {strides = array<i32>} : memref<64x256xf32, #tpu.memory_space<vmem>>, vector<1x16xf32>,
        %get3A_186 = vector.shape_cast %get3A_185 : vector<1x16xf32> to vector<16xf32>
        %get3A_187 = arith.index_cast %add3A_105 : i32 to index
        %get3A_188 = arith.constant 208 : index
        %get3A_189 = tpu.vector_load %arg7[%get3A_187, %get3A_188] {strides = array<i32>} : memref<64x256xf32, #tpu.memory_space<vmem>>, vector<1x16xf32>,
        %get3A_190 = vector.shape_cast %get3A_189 : vector<1x16xf32> to vector<16xf32>
        %get3A_191 = arith.index_cast %add3A_105 : i32 to index
        %get3A_192 = arith.constant 224 : index
        %get3A_193 = tpu.vector_load %arg7[%get3A_191, %get3A_192] {strides = array<i32>} : memref<64x256xf32, #tpu.memory_space<vmem>>, vector<1x16xf32>,
        %get3A_194 = vector.shape_cast %get3A_193 : vector<1x16xf32> to vector<16xf32>
        %get3A_195 = arith.index_cast %add3A_105 : i32 to index
        %get3A_196 = arith.constant 240 : index
        %get3A_197 = tpu.vector_load %arg7[%get3A_195, %get3A_196] {strides = array<i32>} : memref<64x256xf32, #tpu.memory_space<vmem>>, vector<1x16xf32>,
        %get3A_198 = vector.shape_cast %get3A_197 : vector<1x16xf32> to vector<16xf32>
        %while3A = arith.constant 0 : i32
        %while3A_199 = arith.constant 0 : i32
        %while3A_200 = arith.subi %squeeze3A_36, %while3A_199 : i32
        %while3A_201 = arith.addi %while3A_199, %while3A_200 : i32
        %while3A_202 = arith.constant 1 : i32
        %while3A_203 = arith.divsi %while3A_200, %while3A_202 : i32
        %while3A_204 = arith.muli %while3A_203, %while3A_202 : i32
        %while3A_205 = arith.addi %while3A_199, %while3A_204 : i32
        %while3A_206 = arith.constant 1 : i32
        scf.for %while3A_208 = %while3A_199 to %while3A_205 step %while3A_206  : i32 {
          %get3A_209 = arith.index_cast %while3A_208 : i32 to index
          %get3A_210 = arith.constant 0 : index
          %get3A_211 = tpu.vector_load %arg6[%get3A_209, %get3A_210] {strides = array<i32>} : memref<64x256xf32, #tpu.memory_space<vmem>>, vector<1x16xf32>,
          %get3A_212 = vector.shape_cast %get3A_211 : vector<1x16xf32> to vector<16xf32>
          %add3A_213 = arith.addf %get3A_138, %get3A_212 : vector<16xf32>
          %swap3A = arith.constant 0 : i32
          %swap3A_214 = arith.index_cast %swap3A : i32 to index
          %swap3A_215 = arith.index_cast %while3A_208 : i32 to index
          %swap3A_216 = arith.constant 0 : index
          %swap3A_217 = tpu.vector_load %arg9[%swap3A_214, %swap3A_215, %swap3A_216] {strides = array<i32>} : memref<2x64x256xf32, #tpu.memory_space<vmem>>, vector<1x1x16xf32>,
          %swap3A_218 = vector.shape_cast %swap3A_217 : vector<1x1x16xf32> to vector<16xf32>
          %swap3A_219 = vector.shape_cast %add3A_213 : vector<16xf32> to vector<1x1x16xf32>
          tpu.vector_store %arg9[%swap3A_214, %swap3A_215, %swap3A_216], %swap3A_219 {strides = array<i32>} : memref<2x64x256xf32, #tpu.memory_space<vmem>>, vector<1x1x16xf32>,
          %get3A_220 = arith.index_cast %while3A_208 : i32 to index
          %get3A_221 = arith.constant 16 : index
          %get3A_222 = tpu.vector_load %arg6[%get3A_220, %get3A_221] {strides = array<i32>} : memref<64x256xf32, #tpu.memory_space<vmem>>, vector<1x16xf32>,
          %get3A_223 = vector.shape_cast %get3A_222 : vector<1x16xf32> to vector<16xf32>
          %add3A_224 = arith.addf %get3A_142, %get3A_223 : vector<16xf32>
          %swap3A_225 = arith.constant 0 : i32
          %swap3A_226 = arith.index_cast %swap3A_225 : i32 to index
          %swap3A_227 = arith.index_cast %while3A_208 : i32 to index
          %swap3A_228 = arith.constant 16 : index
          %swap3A_229 = tpu.vector_load %arg9[%swap3A_226, %swap3A_227, %swap3A_228] {strides = array<i32>} : memref<2x64x256xf32, #tpu.memory_space<vmem>>, vector<1x1x16xf32>,
          %swap3A_230 = vector.shape_cast %swap3A_229 : vector<1x1x16xf32> to vector<16xf32>
          %swap3A_231 = vector.shape_cast %add3A_224 : vector<16xf32> to vector<1x1x16xf32>
          tpu.vector_store %arg9[%swap3A_226, %swap3A_227, %swap3A_228], %swap3A_231 {strides = array<i32>} : memref<2x64x256xf32, #tpu.memory_space<vmem>>, vector<1x1x16xf32>,
          %get3A_232 = arith.index_cast %while3A_208 : i32 to index
          %get3A_233 = arith.constant 32 : index
          %get3A_234 = tpu.vector_load %arg6[%get3A_232, %get3A_233] {strides = array<i32>} : memref<64x256xf32, #tpu.memory_space<vmem>>, vector<1x16xf32>,
          %get3A_235 = vector.shape_cast %get3A_234 : vector<1x16xf32> to vector<16xf32>
          %add3A_236 = arith.addf %get3A_146, %get3A_235 : vector<16xf32>
          %swap3A_237 = arith.constant 0 : i32
          %swap3A_238 = arith.index_cast %swap3A_237 : i32 to index
          %swap3A_239 = arith.index_cast %while3A_208 : i32 to index
          %swap3A_240 = arith.constant 32 : index
          %swap3A_241 = tpu.vector_load %arg9[%swap3A_238, %swap3A_239, %swap3A_240] {strides = array<i32>} : memref<2x64x256xf32, #tpu.memory_space<vmem>>, vector<1x1x16xf32>,
          %swap3A_242 = vector.shape_cast %swap3A_241 : vector<1x1x16xf32> to vector<16xf32>
          %swap3A_243 = vector.shape_cast %add3A_236 : vector<16xf32> to vector<1x1x16xf32>
          tpu.vector_store %arg9[%swap3A_238, %swap3A_239, %swap3A_240], %swap3A_243 {strides = array<i32>} : memref<2x64x256xf32, #tpu.memory_space<vmem>>, vector<1x1x16xf32>,
          %get3A_244 = arith.index_cast %while3A_208 : i32 to index
          %get3A_245 = arith.constant 48 : index
          %get3A_246 = tpu.vector_load %arg6[%get3A_244, %get3A_245] {strides = array<i32>} : memref<64x256xf32, #tpu.memory_space<vmem>>, vector<1x16xf32>,
          %get3A_247 = vector.shape_cast %get3A_246 : vector<1x16xf32> to vector<16xf32>
          %add3A_248 = arith.addf %get3A_150, %get3A_247 : vector<16xf32>
          %swap3A_249 = arith.constant 0 : i32
          %swap3A_250 = arith.index_cast %swap3A_249 : i32 to index
          %swap3A_251 = arith.index_cast %while3A_208 : i32 to index
          %swap3A_252 = arith.constant 48 : index
          %swap3A_253 = tpu.vector_load %arg9[%swap3A_250, %swap3A_251, %swap3A_252] {strides = array<i32>} : memref<2x64x256xf32, #tpu.memory_space<vmem>>, vector<1x1x16xf32>,
          %swap3A_254 = vector.shape_cast %swap3A_253 : vector<1x1x16xf32> to vector<16xf32>
          %swap3A_255 = vector.shape_cast %add3A_248 : vector<16xf32> to vector<1x1x16xf32>
          tpu.vector_store %arg9[%swap3A_250, %swap3A_251, %swap3A_252], %swap3A_255 {strides = array<i32>} : memref<2x64x256xf32, #tpu.memory_space<vmem>>, vector<1x1x16xf32>,
          %get3A_256 = arith.index_cast %while3A_208 : i32 to index
          %get3A_257 = arith.constant 64 : index
          %get3A_258 = tpu.vector_load %arg6[%get3A_256, %get3A_257] {strides = array<i32>} : memref<64x256xf32, #tpu.memory_space<vmem>>, vector<1x16xf32>,
          %get3A_259 = vector.shape_cast %get3A_258 : vector<1x16xf32> to vector<16xf32>
          %add3A_260 = arith.addf %get3A_154, %get3A_259 : vector<16xf32>
          %swap3A_261 = arith.constant 0 : i32
          %swap3A_262 = arith.index_cast %swap3A_261 : i32 to index
          %swap3A_263 = arith.index_cast %while3A_208 : i32 to index
          %swap3A_264 = arith.constant 64 : index
          %swap3A_265 = tpu.vector_load %arg9[%swap3A_262, %swap3A_263, %swap3A_264] {strides = array<i32>} : memref<2x64x256xf32, #tpu.memory_space<vmem>>, vector<1x1x16xf32>,
          %swap3A_266 = vector.shape_cast %swap3A_265 : vector<1x1x16xf32> to vector<16xf32>
          %swap3A_267 = vector.shape_cast %add3A_260 : vector<16xf32> to vector<1x1x16xf32>
          tpu.vector_store %arg9[%swap3A_262, %swap3A_263, %swap3A_264], %swap3A_267 {strides = array<i32>} : memref<2x64x256xf32, #tpu.memory_space<vmem>>, vector<1x1x16xf32>,
          %get3A_268 = arith.index_cast %while3A_208 : i32 to index
          %get3A_269 = arith.constant 80 : index
          %get3A_270 = tpu.vector_load %arg6[%get3A_268, %get3A_269] {strides = array<i32>} : memref<64x256xf32, #tpu.memory_space<vmem>>, vector<1x16xf32>,
          %get3A_271 = vector.shape_cast %get3A_270 : vector<1x16xf32> to vector<16xf32>
          %add3A_272 = arith.addf %get3A_158, %get3A_271 : vector<16xf32>
          %swap3A_273 = arith.constant 0 : i32
          %swap3A_274 = arith.index_cast %swap3A_273 : i32 to index
          %swap3A_275 = arith.index_cast %while3A_208 : i32 to index
          %swap3A_276 = arith.constant 80 : index
          %swap3A_277 = tpu.vector_load %arg9[%swap3A_274, %swap3A_275, %swap3A_276] {strides = array<i32>} : memref<2x64x256xf32, #tpu.memory_space<vmem>>, vector<1x1x16xf32>,
          %swap3A_278 = vector.shape_cast %swap3A_277 : vector<1x1x16xf32> to vector<16xf32>
          %swap3A_279 = vector.shape_cast %add3A_272 : vector<16xf32> to vector<1x1x16xf32>
          tpu.vector_store %arg9[%swap3A_274, %swap3A_275, %swap3A_276], %swap3A_279 {strides = array<i32>} : memref<2x64x256xf32, #tpu.memory_space<vmem>>, vector<1x1x16xf32>,
          %get3A_280 = arith.index_cast %while3A_208 : i32 to index
          %get3A_281 = arith.constant 96 : index
          %get3A_282 = tpu.vector_load %arg6[%get3A_280, %get3A_281] {strides = array<i32>} : memref<64x256xf32, #tpu.memory_space<vmem>>, vector<1x16xf32>,
          %get3A_283 = vector.shape_cast %get3A_282 : vector<1x16xf32> to vector<16xf32>
          %add3A_284 = arith.addf %get3A_162, %get3A_283 : vector<16xf32>
          %swap3A_285 = arith.constant 0 : i32
          %swap3A_286 = arith.index_cast %swap3A_285 : i32 to index
          %swap3A_287 = arith.index_cast %while3A_208 : i32 to index
          %swap3A_288 = arith.constant 96 : index
          %swap3A_289 = tpu.vector_load %arg9[%swap3A_286, %swap3A_287, %swap3A_288] {strides = array<i32>} : memref<2x64x256xf32, #tpu.memory_space<vmem>>, vector<1x1x16xf32>,
          %swap3A_290 = vector.shape_cast %swap3A_289 : vector<1x1x16xf32> to vector<16xf32>
          %swap3A_291 = vector.shape_cast %add3A_284 : vector<16xf32> to vector<1x1x16xf32>
          tpu.vector_store %arg9[%swap3A_286, %swap3A_287, %swap3A_288], %swap3A_291 {strides = array<i32>} : memref<2x64x256xf32, #tpu.memory_space<vmem>>, vector<1x1x16xf32>,
          %get3A_292 = arith.index_cast %while3A_208 : i32 to index
          %get3A_293 = arith.constant 112 : index
          %get3A_294 = tpu.vector_load %arg6[%get3A_292, %get3A_293] {strides = array<i32>} : memref<64x256xf32, #tpu.memory_space<vmem>>, vector<1x16xf32>,
          %get3A_295 = vector.shape_cast %get3A_294 : vector<1x16xf32> to vector<16xf32>
          %add3A_296 = arith.addf %get3A_166, %get3A_295 : vector<16xf32>
          %swap3A_297 = arith.constant 0 : i32
          %swap3A_298 = arith.index_cast %swap3A_297 : i32 to index
          %swap3A_299 = arith.index_cast %while3A_208 : i32 to index
          %swap3A_300 = arith.constant 112 : index
          %swap3A_301 = tpu.vector_load %arg9[%swap3A_298, %swap3A_299, %swap3A_300] {strides = array<i32>} : memref<2x64x256xf32, #tpu.memory_space<vmem>>, vector<1x1x16xf32>,
          %swap3A_302 = vector.shape_cast %swap3A_301 : vector<1x1x16xf32> to vector<16xf32>
          %swap3A_303 = vector.shape_cast %add3A_296 : vector<16xf32> to vector<1x1x16xf32>
          tpu.vector_store %arg9[%swap3A_298, %swap3A_299, %swap3A_300], %swap3A_303 {strides = array<i32>} : memref<2x64x256xf32, #tpu.memory_space<vmem>>, vector<1x1x16xf32>,
          %get3A_304 = arith.index_cast %while3A_208 : i32 to index
          %get3A_305 = arith.constant 128 : index
          %get3A_306 = tpu.vector_load %arg6[%get3A_304, %get3A_305] {strides = array<i32>} : memref<64x256xf32, #tpu.memory_space<vmem>>, vector<1x16xf32>,
          %get3A_307 = vector.shape_cast %get3A_306 : vector<1x16xf32> to vector<16xf32>
          %add3A_308 = arith.addf %get3A_170, %get3A_307 : vector<16xf32>
          %swap3A_309 = arith.constant 0 : i32
          %swap3A_310 = arith.index_cast %swap3A_309 : i32 to index
          %swap3A_311 = arith.index_cast %while3A_208 : i32 to index
          %swap3A_312 = arith.constant 128 : index
          %swap3A_313 = tpu.vector_load %arg9[%swap3A_310, %swap3A_311, %swap3A_312] {strides = array<i32>} : memref<2x64x256xf32, #tpu.memory_space<vmem>>, vector<1x1x16xf32>,
          %swap3A_314 = vector.shape_cast %swap3A_313 : vector<1x1x16xf32> to vector<16xf32>
          %swap3A_315 = vector.shape_cast %add3A_308 : vector<16xf32> to vector<1x1x16xf32>
          tpu.vector_store %arg9[%swap3A_310, %swap3A_311, %swap3A_312], %swap3A_315 {strides = array<i32>} : memref<2x64x256xf32, #tpu.memory_space<vmem>>, vector<1x1x16xf32>,
          %get3A_316 = arith.index_cast %while3A_208 : i32 to index
          %get3A_317 = arith.constant 144 : index
          %get3A_318 = tpu.vector_load %arg6[%get3A_316, %get3A_317] {strides = array<i32>} : memref<64x256xf32, #tpu.memory_space<vmem>>, vector<1x16xf32>,
          %get3A_319 = vector.shape_cast %get3A_318 : vector<1x16xf32> to vector<16xf32>
          %add3A_320 = arith.addf %get3A_174, %get3A_319 : vector<16xf32>
          %swap3A_321 = arith.constant 0 : i32
          %swap3A_322 = arith.index_cast %swap3A_321 : i32 to index
          %swap3A_323 = arith.index_cast %while3A_208 : i32 to index
          %swap3A_324 = arith.constant 144 : index
          %swap3A_325 = tpu.vector_load %arg9[%swap3A_322, %swap3A_323, %swap3A_324] {strides = array<i32>} : memref<2x64x256xf32, #tpu.memory_space<vmem>>, vector<1x1x16xf32>,
          %swap3A_326 = vector.shape_cast %swap3A_325 : vector<1x1x16xf32> to vector<16xf32>
          %swap3A_327 = vector.shape_cast %add3A_320 : vector<16xf32> to vector<1x1x16xf32>
          tpu.vector_store %arg9[%swap3A_322, %swap3A_323, %swap3A_324], %swap3A_327 {strides = array<i32>} : memref<2x64x256xf32, #tpu.memory_space<vmem>>, vector<1x1x16xf32>,
          %get3A_328 = arith.index_cast %while3A_208 : i32 to index
          %get3A_329 = arith.constant 160 : index
          %get3A_330 = tpu.vector_load %arg6[%get3A_328, %get3A_329] {strides = array<i32>} : memref<64x256xf32, #tpu.memory_space<vmem>>, vector<1x16xf32>,
          %get3A_331 = vector.shape_cast %get3A_330 : vector<1x16xf32> to vector<16xf32>
          %add3A_332 = arith.addf %get3A_178, %get3A_331 : vector<16xf32>
          %swap3A_333 = arith.constant 0 : i32
          %swap3A_334 = arith.index_cast %swap3A_333 : i32 to index
          %swap3A_335 = arith.index_cast %while3A_208 : i32 to index
          %swap3A_336 = arith.constant 160 : index
          %swap3A_337 = tpu.vector_load %arg9[%swap3A_334, %swap3A_335, %swap3A_336] {strides = array<i32>} : memref<2x64x256xf32, #tpu.memory_space<vmem>>, vector<1x1x16xf32>,
          %swap3A_338 = vector.shape_cast %swap3A_337 : vector<1x1x16xf32> to vector<16xf32>
          %swap3A_339 = vector.shape_cast %add3A_332 : vector<16xf32> to vector<1x1x16xf32>
          tpu.vector_store %arg9[%swap3A_334, %swap3A_335, %swap3A_336], %swap3A_339 {strides = array<i32>} : memref<2x64x256xf32, #tpu.memory_space<vmem>>, vector<1x1x16xf32>,
          %get3A_340 = arith.index_cast %while3A_208 : i32 to index
          %get3A_341 = arith.constant 176 : index
          %get3A_342 = tpu.vector_load %arg6[%get3A_340, %get3A_341] {strides = array<i32>} : memref<64x256xf32, #tpu.memory_space<vmem>>, vector<1x16xf32>,
          %get3A_343 = vector.shape_cast %get3A_342 : vector<1x16xf32> to vector<16xf32>
          %add3A_344 = arith.addf %get3A_182, %get3A_343 : vector<16xf32>
          %swap3A_345 = arith.constant 0 : i32
          %swap3A_346 = arith.index_cast %swap3A_345 : i32 to index
          %swap3A_347 = arith.index_cast %while3A_208 : i32 to index
          %swap3A_348 = arith.constant 176 : index
          %swap3A_349 = tpu.vector_load %arg9[%swap3A_346, %swap3A_347, %swap3A_348] {strides = array<i32>} : memref<2x64x256xf32, #tpu.memory_space<vmem>>, vector<1x1x16xf32>,
          %swap3A_350 = vector.shape_cast %swap3A_349 : vector<1x1x16xf32> to vector<16xf32>
          %swap3A_351 = vector.shape_cast %add3A_344 : vector<16xf32> to vector<1x1x16xf32>
          tpu.vector_store %arg9[%swap3A_346, %swap3A_347, %swap3A_348], %swap3A_351 {strides = array<i32>} : memref<2x64x256xf32, #tpu.memory_space<vmem>>, vector<1x1x16xf32>,
          %get3A_352 = arith.index_cast %while3A_208 : i32 to index
          %get3A_353 = arith.constant 192 : index
          %get3A_354 = tpu.vector_load %arg6[%get3A_352, %get3A_353] {strides = array<i32>} : memref<64x256xf32, #tpu.memory_space<vmem>>, vector<1x16xf32>,
          %get3A_355 = vector.shape_cast %get3A_354 : vector<1x16xf32> to vector<16xf32>
          %add3A_356 = arith.addf %get3A_186, %get3A_355 : vector<16xf32>
          %swap3A_357 = arith.constant 0 : i32
          %swap3A_358 = arith.index_cast %swap3A_357 : i32 to index
          %swap3A_359 = arith.index_cast %while3A_208 : i32 to index
          %swap3A_360 = arith.constant 192 : index
          %swap3A_361 = tpu.vector_load %arg9[%swap3A_358, %swap3A_359, %swap3A_360] {strides = array<i32>} : memref<2x64x256xf32, #tpu.memory_space<vmem>>, vector<1x1x16xf32>,
          %swap3A_362 = vector.shape_cast %swap3A_361 : vector<1x1x16xf32> to vector<16xf32>
          %swap3A_363 = vector.shape_cast %add3A_356 : vector<16xf32> to vector<1x1x16xf32>
          tpu.vector_store %arg9[%swap3A_358, %swap3A_359, %swap3A_360], %swap3A_363 {strides = array<i32>} : memref<2x64x256xf32, #tpu.memory_space<vmem>>, vector<1x1x16xf32>,
          %get3A_364 = arith.index_cast %while3A_208 : i32 to index
          %get3A_365 = arith.constant 208 : index
          %get3A_366 = tpu.vector_load %arg6[%get3A_364, %get3A_365] {strides = array<i32>} : memref<64x256xf32, #tpu.memory_space<vmem>>, vector<1x16xf32>,
          %get3A_367 = vector.shape_cast %get3A_366 : vector<1x16xf32> to vector<16xf32>
          %add3A_368 = arith.addf %get3A_190, %get3A_367 : vector<16xf32>
          %swap3A_369 = arith.constant 0 : i32
          %swap3A_370 = arith.index_cast %swap3A_369 : i32 to index
          %swap3A_371 = arith.index_cast %while3A_208 : i32 to index
          %swap3A_372 = arith.constant 208 : index
          %swap3A_373 = tpu.vector_load %arg9[%swap3A_370, %swap3A_371, %swap3A_372] {strides = array<i32>} : memref<2x64x256xf32, #tpu.memory_space<vmem>>, vector<1x1x16xf32>,
          %swap3A_374 = vector.shape_cast %swap3A_373 : vector<1x1x16xf32> to vector<16xf32>
          %swap3A_375 = vector.shape_cast %add3A_368 : vector<16xf32> to vector<1x1x16xf32>
          tpu.vector_store %arg9[%swap3A_370, %swap3A_371, %swap3A_372], %swap3A_375 {strides = array<i32>} : memref<2x64x256xf32, #tpu.memory_space<vmem>>, vector<1x1x16xf32>,
          %get3A_376 = arith.index_cast %while3A_208 : i32 to index
          %get3A_377 = arith.constant 224 : index
          %get3A_378 = tpu.vector_load %arg6[%get3A_376, %get3A_377] {strides = array<i32>} : memref<64x256xf32, #tpu.memory_space<vmem>>, vector<1x16xf32>,
          %get3A_379 = vector.shape_cast %get3A_378 : vector<1x16xf32> to vector<16xf32>
          %add3A_380 = arith.addf %get3A_194, %get3A_379 : vector<16xf32>
          %swap3A_381 = arith.constant 0 : i32
          %swap3A_382 = arith.index_cast %swap3A_381 : i32 to index
          %swap3A_383 = arith.index_cast %while3A_208 : i32 to index
          %swap3A_384 = arith.constant 224 : index
          %swap3A_385 = tpu.vector_load %arg9[%swap3A_382, %swap3A_383, %swap3A_384] {strides = array<i32>} : memref<2x64x256xf32, #tpu.memory_space<vmem>>, vector<1x1x16xf32>,
          %swap3A_386 = vector.shape_cast %swap3A_385 : vector<1x1x16xf32> to vector<16xf32>
          %swap3A_387 = vector.shape_cast %add3A_380 : vector<16xf32> to vector<1x1x16xf32>
          tpu.vector_store %arg9[%swap3A_382, %swap3A_383, %swap3A_384], %swap3A_387 {strides = array<i32>} : memref<2x64x256xf32, #tpu.memory_space<vmem>>, vector<1x1x16xf32>,
          %get3A_388 = arith.index_cast %while3A_208 : i32 to index
          %get3A_389 = arith.constant 240 : index
          %get3A_390 = tpu.vector_load %arg6[%get3A_388, %get3A_389] {strides = array<i32>} : memref<64x256xf32, #tpu.memory_space<vmem>>, vector<1x16xf32>,
          %get3A_391 = vector.shape_cast %get3A_390 : vector<1x16xf32> to vector<16xf32>
          %add3A_392 = arith.addf %get3A_198, %get3A_391 : vector<16xf32>
          %swap3A_393 = arith.constant 0 : i32
          %swap3A_394 = arith.index_cast %swap3A_393 : i32 to index
          %swap3A_395 = arith.index_cast %while3A_208 : i32 to index
          %swap3A_396 = arith.constant 240 : index
          %swap3A_397 = tpu.vector_load %arg9[%swap3A_394, %swap3A_395, %swap3A_396] {strides = array<i32>} : memref<2x64x256xf32, #tpu.memory_space<vmem>>, vector<1x1x16xf32>,
          %swap3A_398 = vector.shape_cast %swap3A_397 : vector<1x1x16xf32> to vector<16xf32>
          %swap3A_399 = vector.shape_cast %add3A_392 : vector<16xf32> to vector<1x1x16xf32>
          tpu.vector_store %arg9[%swap3A_394, %swap3A_395, %swap3A_396], %swap3A_399 {strides = array<i32>} : memref<2x64x256xf32, #tpu.memory_space<vmem>>, vector<1x1x16xf32>,
        }
        %while3A_207 = arith.constant 1 : i32
        scf.for %while3A_208 = %while3A_205 to %while3A_201 step %while3A_207  : i32 {
          %get3A_209 = arith.index_cast %while3A_208 : i32 to index
          %get3A_210 = arith.constant 0 : index
          %get3A_211 = tpu.vector_load %arg6[%get3A_209, %get3A_210] {strides = array<i32>} : memref<64x256xf32, #tpu.memory_space<vmem>>, vector<1x16xf32>,
          %get3A_212 = vector.shape_cast %get3A_211 : vector<1x16xf32> to vector<16xf32>
          %add3A_213 = arith.addf %get3A_138, %get3A_212 : vector<16xf32>
          %swap3A = arith.constant 0 : i32
          %swap3A_214 = arith.index_cast %swap3A : i32 to index
          %swap3A_215 = arith.index_cast %while3A_208 : i32 to index
          %swap3A_216 = arith.constant 0 : index
          %swap3A_217 = tpu.vector_load %arg9[%swap3A_214, %swap3A_215, %swap3A_216] {strides = array<i32>} : memref<2x64x256xf32, #tpu.memory_space<vmem>>, vector<1x1x16xf32>,
          %swap3A_218 = vector.shape_cast %swap3A_217 : vector<1x1x16xf32> to vector<16xf32>
          %swap3A_219 = vector.shape_cast %add3A_213 : vector<16xf32> to vector<1x1x16xf32>
          tpu.vector_store %arg9[%swap3A_214, %swap3A_215, %swap3A_216], %swap3A_219 {strides = array<i32>} : memref<2x64x256xf32, #tpu.memory_space<vmem>>, vector<1x1x16xf32>,
          %get3A_220 = arith.index_cast %while3A_208 : i32 to index
          %get3A_221 = arith.constant 16 : index
          %get3A_222 = tpu.vector_load %arg6[%get3A_220, %get3A_221] {strides = array<i32>} : memref<64x256xf32, #tpu.memory_space<vmem>>, vector<1x16xf32>,
          %get3A_223 = vector.shape_cast %get3A_222 : vector<1x16xf32> to vector<16xf32>
          %add3A_224 = arith.addf %get3A_142, %get3A_223 : vector<16xf32>
          %swap3A_225 = arith.constant 0 : i32
          %swap3A_226 = arith.index_cast %swap3A_225 : i32 to index
          %swap3A_227 = arith.index_cast %while3A_208 : i32 to index
          %swap3A_228 = arith.constant 16 : index
          %swap3A_229 = tpu.vector_load %arg9[%swap3A_226, %swap3A_227, %swap3A_228] {strides = array<i32>} : memref<2x64x256xf32, #tpu.memory_space<vmem>>, vector<1x1x16xf32>,
          %swap3A_230 = vector.shape_cast %swap3A_229 : vector<1x1x16xf32> to vector<16xf32>
          %swap3A_231 = vector.shape_cast %add3A_224 : vector<16xf32> to vector<1x1x16xf32>
          tpu.vector_store %arg9[%swap3A_226, %swap3A_227, %swap3A_228], %swap3A_231 {strides = array<i32>} : memref<2x64x256xf32, #tpu.memory_space<vmem>>, vector<1x1x16xf32>,
          %get3A_232 = arith.index_cast %while3A_208 : i32 to index
          %get3A_233 = arith.constant 32 : index
          %get3A_234 = tpu.vector_load %arg6[%get3A_232, %get3A_233] {strides = array<i32>} : memref<64x256xf32, #tpu.memory_space<vmem>>, vector<1x16xf32>,
          %get3A_235 = vector.shape_cast %get3A_234 : vector<1x16xf32> to vector<16xf32>
          %add3A_236 = arith.addf %get3A_146, %get3A_235 : vector<16xf32>
          %swap3A_237 = arith.constant 0 : i32
          %swap3A_238 = arith.index_cast %swap3A_237 : i32 to index
          %swap3A_239 = arith.index_cast %while3A_208 : i32 to index
          %swap3A_240 = arith.constant 32 : index
          %swap3A_241 = tpu.vector_load %arg9[%swap3A_238, %swap3A_239, %swap3A_240] {strides = array<i32>} : memref<2x64x256xf32, #tpu.memory_space<vmem>>, vector<1x1x16xf32>,
          %swap3A_242 = vector.shape_cast %swap3A_241 : vector<1x1x16xf32> to vector<16xf32>
          %swap3A_243 = vector.shape_cast %add3A_236 : vector<16xf32> to vector<1x1x16xf32>
          tpu.vector_store %arg9[%swap3A_238, %swap3A_239, %swap3A_240], %swap3A_243 {strides = array<i32>} : memref<2x64x256xf32, #tpu.memory_space<vmem>>, vector<1x1x16xf32>,
          %get3A_244 = arith.index_cast %while3A_208 : i32 to index
          %get3A_245 = arith.constant 48 : index
          %get3A_246 = tpu.vector_load %arg6[%get3A_244, %get3A_245] {strides = array<i32>} : memref<64x256xf32, #tpu.memory_space<vmem>>, vector<1x16xf32>,
          %get3A_247 = vector.shape_cast %get3A_246 : vector<1x16xf32> to vector<16xf32>
          %add3A_248 = arith.addf %get3A_150, %get3A_247 : vector<16xf32>
          %swap3A_249 = arith.constant 0 : i32
          %swap3A_250 = arith.index_cast %swap3A_249 : i32 to index
          %swap3A_251 = arith.index_cast %while3A_208 : i32 to index
          %swap3A_252 = arith.constant 48 : index
          %swap3A_253 = tpu.vector_load %arg9[%swap3A_250, %swap3A_251, %swap3A_252] {strides = array<i32>} : memref<2x64x256xf32, #tpu.memory_space<vmem>>, vector<1x1x16xf32>,
          %swap3A_254 = vector.shape_cast %swap3A_253 : vector<1x1x16xf32> to vector<16xf32>
          %swap3A_255 = vector.shape_cast %add3A_248 : vector<16xf32> to vector<1x1x16xf32>
          tpu.vector_store %arg9[%swap3A_250, %swap3A_251, %swap3A_252], %swap3A_255 {strides = array<i32>} : memref<2x64x256xf32, #tpu.memory_space<vmem>>, vector<1x1x16xf32>,
          %get3A_256 = arith.index_cast %while3A_208 : i32 to index
          %get3A_257 = arith.constant 64 : index
          %get3A_258 = tpu.vector_load %arg6[%get3A_256, %get3A_257] {strides = array<i32>} : memref<64x256xf32, #tpu.memory_space<vmem>>, vector<1x16xf32>,
          %get3A_259 = vector.shape_cast %get3A_258 : vector<1x16xf32> to vector<16xf32>
          %add3A_260 = arith.addf %get3A_154, %get3A_259 : vector<16xf32>
          %swap3A_261 = arith.constant 0 : i32
          %swap3A_262 = arith.index_cast %swap3A_261 : i32 to index
          %swap3A_263 = arith.index_cast %while3A_208 : i32 to index
          %swap3A_264 = arith.constant 64 : index
          %swap3A_265 = tpu.vector_load %arg9[%swap3A_262, %swap3A_263, %swap3A_264] {strides = array<i32>} : memref<2x64x256xf32, #tpu.memory_space<vmem>>, vector<1x1x16xf32>,
          %swap3A_266 = vector.shape_cast %swap3A_265 : vector<1x1x16xf32> to vector<16xf32>
          %swap3A_267 = vector.shape_cast %add3A_260 : vector<16xf32> to vector<1x1x16xf32>
          tpu.vector_store %arg9[%swap3A_262, %swap3A_263, %swap3A_264], %swap3A_267 {strides = array<i32>} : memref<2x64x256xf32, #tpu.memory_space<vmem>>, vector<1x1x16xf32>,
          %get3A_268 = arith.index_cast %while3A_208 : i32 to index
          %get3A_269 = arith.constant 80 : index
          %get3A_270 = tpu.vector_load %arg6[%get3A_268, %get3A_269] {strides = array<i32>} : memref<64x256xf32, #tpu.memory_space<vmem>>, vector<1x16xf32>,
          %get3A_271 = vector.shape_cast %get3A_270 : vector<1x16xf32> to vector<16xf32>
          %add3A_272 = arith.addf %get3A_158, %get3A_271 : vector<16xf32>
          %swap3A_273 = arith.constant 0 : i32
          %swap3A_274 = arith.index_cast %swap3A_273 : i32 to index
          %swap3A_275 = arith.index_cast %while3A_208 : i32 to index
          %swap3A_276 = arith.constant 80 : index
          %swap3A_277 = tpu.vector_load %arg9[%swap3A_274, %swap3A_275, %swap3A_276] {strides = array<i32>} : memref<2x64x256xf32, #tpu.memory_space<vmem>>, vector<1x1x16xf32>,
          %swap3A_278 = vector.shape_cast %swap3A_277 : vector<1x1x16xf32> to vector<16xf32>
          %swap3A_279 = vector.shape_cast %add3A_272 : vector<16xf32> to vector<1x1x16xf32>
          tpu.vector_store %arg9[%swap3A_274, %swap3A_275, %swap3A_276], %swap3A_279 {strides = array<i32>} : memref<2x64x256xf32, #tpu.memory_space<vmem>>, vector<1x1x16xf32>,
          %get3A_280 = arith.index_cast %while3A_208 : i32 to index
          %get3A_281 = arith.constant 96 : index
          %get3A_282 = tpu.vector_load %arg6[%get3A_280, %get3A_281] {strides = array<i32>} : memref<64x256xf32, #tpu.memory_space<vmem>>, vector<1x16xf32>,
          %get3A_283 = vector.shape_cast %get3A_282 : vector<1x16xf32> to vector<16xf32>
          %add3A_284 = arith.addf %get3A_162, %get3A_283 : vector<16xf32>
          %swap3A_285 = arith.constant 0 : i32
          %swap3A_286 = arith.index_cast %swap3A_285 : i32 to index
          %swap3A_287 = arith.index_cast %while3A_208 : i32 to index
          %swap3A_288 = arith.constant 96 : index
          %swap3A_289 = tpu.vector_load %arg9[%swap3A_286, %swap3A_287, %swap3A_288] {strides = array<i32>} : memref<2x64x256xf32, #tpu.memory_space<vmem>>, vector<1x1x16xf32>,
          %swap3A_290 = vector.shape_cast %swap3A_289 : vector<1x1x16xf32> to vector<16xf32>
          %swap3A_291 = vector.shape_cast %add3A_284 : vector<16xf32> to vector<1x1x16xf32>
          tpu.vector_store %arg9[%swap3A_286, %swap3A_287, %swap3A_288], %swap3A_291 {strides = array<i32>} : memref<2x64x256xf32, #tpu.memory_space<vmem>>, vector<1x1x16xf32>,
          %get3A_292 = arith.index_cast %while3A_208 : i32 to index
          %get3A_293 = arith.constant 112 : index
          %get3A_294 = tpu.vector_load %arg6[%get3A_292, %get3A_293] {strides = array<i32>} : memref<64x256xf32, #tpu.memory_space<vmem>>, vector<1x16xf32>,
          %get3A_295 = vector.shape_cast %get3A_294 : vector<1x16xf32> to vector<16xf32>
          %add3A_296 = arith.addf %get3A_166, %get3A_295 : vector<16xf32>
          %swap3A_297 = arith.constant 0 : i32
          %swap3A_298 = arith.index_cast %swap3A_297 : i32 to index
          %swap3A_299 = arith.index_cast %while3A_208 : i32 to index
          %swap3A_300 = arith.constant 112 : index
          %swap3A_301 = tpu.vector_load %arg9[%swap3A_298, %swap3A_299, %swap3A_300] {strides = array<i32>} : memref<2x64x256xf32, #tpu.memory_space<vmem>>, vector<1x1x16xf32>,
          %swap3A_302 = vector.shape_cast %swap3A_301 : vector<1x1x16xf32> to vector<16xf32>
          %swap3A_303 = vector.shape_cast %add3A_296 : vector<16xf32> to vector<1x1x16xf32>
          tpu.vector_store %arg9[%swap3A_298, %swap3A_299, %swap3A_300], %swap3A_303 {strides = array<i32>} : memref<2x64x256xf32, #tpu.memory_space<vmem>>, vector<1x1x16xf32>,
          %get3A_304 = arith.index_cast %while3A_208 : i32 to index
          %get3A_305 = arith.constant 128 : index
          %get3A_306 = tpu.vector_load %arg6[%get3A_304, %get3A_305] {strides = array<i32>} : memref<64x256xf32, #tpu.memory_space<vmem>>, vector<1x16xf32>,
          %get3A_307 = vector.shape_cast %get3A_306 : vector<1x16xf32> to vector<16xf32>
          %add3A_308 = arith.addf %get3A_170, %get3A_307 : vector<16xf32>
          %swap3A_309 = arith.constant 0 : i32
          %swap3A_310 = arith.index_cast %swap3A_309 : i32 to index
          %swap3A_311 = arith.index_cast %while3A_208 : i32 to index
          %swap3A_312 = arith.constant 128 : index
          %swap3A_313 = tpu.vector_load %arg9[%swap3A_310, %swap3A_311, %swap3A_312] {strides = array<i32>} : memref<2x64x256xf32, #tpu.memory_space<vmem>>, vector<1x1x16xf32>,
          %swap3A_314 = vector.shape_cast %swap3A_313 : vector<1x1x16xf32> to vector<16xf32>
          %swap3A_315 = vector.shape_cast %add3A_308 : vector<16xf32> to vector<1x1x16xf32>
          tpu.vector_store %arg9[%swap3A_310, %swap3A_311, %swap3A_312], %swap3A_315 {strides = array<i32>} : memref<2x64x256xf32, #tpu.memory_space<vmem>>, vector<1x1x16xf32>,
          %get3A_316 = arith.index_cast %while3A_208 : i32 to index
          %get3A_317 = arith.constant 144 : index
          %get3A_318 = tpu.vector_load %arg6[%get3A_316, %get3A_317] {strides = array<i32>} : memref<64x256xf32, #tpu.memory_space<vmem>>, vector<1x16xf32>,
          %get3A_319 = vector.shape_cast %get3A_318 : vector<1x16xf32> to vector<16xf32>
          %add3A_320 = arith.addf %get3A_174, %get3A_319 : vector<16xf32>
          %swap3A_321 = arith.constant 0 : i32
          %swap3A_322 = arith.index_cast %swap3A_321 : i32 to index
          %swap3A_323 = arith.index_cast %while3A_208 : i32 to index
          %swap3A_324 = arith.constant 144 : index
          %swap3A_325 = tpu.vector_load %arg9[%swap3A_322, %swap3A_323, %swap3A_324] {strides = array<i32>} : memref<2x64x256xf32, #tpu.memory_space<vmem>>, vector<1x1x16xf32>,
          %swap3A_326 = vector.shape_cast %swap3A_325 : vector<1x1x16xf32> to vector<16xf32>
          %swap3A_327 = vector.shape_cast %add3A_320 : vector<16xf32> to vector<1x1x16xf32>
          tpu.vector_store %arg9[%swap3A_322, %swap3A_323, %swap3A_324], %swap3A_327 {strides = array<i32>} : memref<2x64x256xf32, #tpu.memory_space<vmem>>, vector<1x1x16xf32>,
          %get3A_328 = arith.index_cast %while3A_208 : i32 to index
          %get3A_329 = arith.constant 160 : index
          %get3A_330 = tpu.vector_load %arg6[%get3A_328, %get3A_329] {strides = array<i32>} : memref<64x256xf32, #tpu.memory_space<vmem>>, vector<1x16xf32>,
          %get3A_331 = vector.shape_cast %get3A_330 : vector<1x16xf32> to vector<16xf32>
          %add3A_332 = arith.addf %get3A_178, %get3A_331 : vector<16xf32>
          %swap3A_333 = arith.constant 0 : i32
          %swap3A_334 = arith.index_cast %swap3A_333 : i32 to index
          %swap3A_335 = arith.index_cast %while3A_208 : i32 to index
          %swap3A_336 = arith.constant 160 : index
          %swap3A_337 = tpu.vector_load %arg9[%swap3A_334, %swap3A_335, %swap3A_336] {strides = array<i32>} : memref<2x64x256xf32, #tpu.memory_space<vmem>>, vector<1x1x16xf32>,
          %swap3A_338 = vector.shape_cast %swap3A_337 : vector<1x1x16xf32> to vector<16xf32>
          %swap3A_339 = vector.shape_cast %add3A_332 : vector<16xf32> to vector<1x1x16xf32>
          tpu.vector_store %arg9[%swap3A_334, %swap3A_335, %swap3A_336], %swap3A_339 {strides = array<i32>} : memref<2x64x256xf32, #tpu.memory_space<vmem>>, vector<1x1x16xf32>,
          %get3A_340 = arith.index_cast %while3A_208 : i32 to index
          %get3A_341 = arith.constant 176 : index
          %get3A_342 = tpu.vector_load %arg6[%get3A_340, %get3A_341] {strides = array<i32>} : memref<64x256xf32, #tpu.memory_space<vmem>>, vector<1x16xf32>,
          %get3A_343 = vector.shape_cast %get3A_342 : vector<1x16xf32> to vector<16xf32>
          %add3A_344 = arith.addf %get3A_182, %get3A_343 : vector<16xf32>
          %swap3A_345 = arith.constant 0 : i32
          %swap3A_346 = arith.index_cast %swap3A_345 : i32 to index
          %swap3A_347 = arith.index_cast %while3A_208 : i32 to index
          %swap3A_348 = arith.constant 176 : index
          %swap3A_349 = tpu.vector_load %arg9[%swap3A_346, %swap3A_347, %swap3A_348] {strides = array<i32>} : memref<2x64x256xf32, #tpu.memory_space<vmem>>, vector<1x1x16xf32>,
          %swap3A_350 = vector.shape_cast %swap3A_349 : vector<1x1x16xf32> to vector<16xf32>
          %swap3A_351 = vector.shape_cast %add3A_344 : vector<16xf32> to vector<1x1x16xf32>
          tpu.vector_store %arg9[%swap3A_346, %swap3A_347, %swap3A_348], %swap3A_351 {strides = array<i32>} : memref<2x64x256xf32, #tpu.memory_space<vmem>>, vector<1x1x16xf32>,
          %get3A_352 = arith.index_cast %while3A_208 : i32 to index
          %get3A_353 = arith.constant 192 : index
          %get3A_354 = tpu.vector_load %arg6[%get3A_352, %get3A_353] {strides = array<i32>} : memref<64x256xf32, #tpu.memory_space<vmem>>, vector<1x16xf32>,
          %get3A_355 = vector.shape_cast %get3A_354 : vector<1x16xf32> to vector<16xf32>
          %add3A_356 = arith.addf %get3A_186, %get3A_355 : vector<16xf32>
          %swap3A_357 = arith.constant 0 : i32
          %swap3A_358 = arith.index_cast %swap3A_357 : i32 to index
          %swap3A_359 = arith.index_cast %while3A_208 : i32 to index
          %swap3A_360 = arith.constant 192 : index
          %swap3A_361 = tpu.vector_load %arg9[%swap3A_358, %swap3A_359, %swap3A_360] {strides = array<i32>} : memref<2x64x256xf32, #tpu.memory_space<vmem>>, vector<1x1x16xf32>,
          %swap3A_362 = vector.shape_cast %swap3A_361 : vector<1x1x16xf32> to vector<16xf32>
          %swap3A_363 = vector.shape_cast %add3A_356 : vector<16xf32> to vector<1x1x16xf32>
          tpu.vector_store %arg9[%swap3A_358, %swap3A_359, %swap3A_360], %swap3A_363 {strides = array<i32>} : memref<2x64x256xf32, #tpu.memory_space<vmem>>, vector<1x1x16xf32>,
          %get3A_364 = arith.index_cast %while3A_208 : i32 to index
          %get3A_365 = arith.constant 208 : index
          %get3A_366 = tpu.vector_load %arg6[%get3A_364, %get3A_365] {strides = array<i32>} : memref<64x256xf32, #tpu.memory_space<vmem>>, vector<1x16xf32>,
          %get3A_367 = vector.shape_cast %get3A_366 : vector<1x16xf32> to vector<16xf32>
          %add3A_368 = arith.addf %get3A_190, %get3A_367 : vector<16xf32>
          %swap3A_369 = arith.constant 0 : i32
          %swap3A_370 = arith.index_cast %swap3A_369 : i32 to index
          %swap3A_371 = arith.index_cast %while3A_208 : i32 to index
          %swap3A_372 = arith.constant 208 : index
          %swap3A_373 = tpu.vector_load %arg9[%swap3A_370, %swap3A_371, %swap3A_372] {strides = array<i32>} : memref<2x64x256xf32, #tpu.memory_space<vmem>>, vector<1x1x16xf32>,
          %swap3A_374 = vector.shape_cast %swap3A_373 : vector<1x1x16xf32> to vector<16xf32>
          %swap3A_375 = vector.shape_cast %add3A_368 : vector<16xf32> to vector<1x1x16xf32>
          tpu.vector_store %arg9[%swap3A_370, %swap3A_371, %swap3A_372], %swap3A_375 {strides = array<i32>} : memref<2x64x256xf32, #tpu.memory_space<vmem>>, vector<1x1x16xf32>,
          %get3A_376 = arith.index_cast %while3A_208 : i32 to index
          %get3A_377 = arith.constant 224 : index
          %get3A_378 = tpu.vector_load %arg6[%get3A_376, %get3A_377] {strides = array<i32>} : memref<64x256xf32, #tpu.memory_space<vmem>>, vector<1x16xf32>,
          %get3A_379 = vector.shape_cast %get3A_378 : vector<1x16xf32> to vector<16xf32>
          %add3A_380 = arith.addf %get3A_194, %get3A_379 : vector<16xf32>
          %swap3A_381 = arith.constant 0 : i32
          %swap3A_382 = arith.index_cast %swap3A_381 : i32 to index
          %swap3A_383 = arith.index_cast %while3A_208 : i32 to index
          %swap3A_384 = arith.constant 224 : index
          %swap3A_385 = tpu.vector_load %arg9[%swap3A_382, %swap3A_383, %swap3A_384] {strides = array<i32>} : memref<2x64x256xf32, #tpu.memory_space<vmem>>, vector<1x1x16xf32>,
          %swap3A_386 = vector.shape_cast %swap3A_385 : vector<1x1x16xf32> to vector<16xf32>
          %swap3A_387 = vector.shape_cast %add3A_380 : vector<16xf32> to vector<1x1x16xf32>
          tpu.vector_store %arg9[%swap3A_382, %swap3A_383, %swap3A_384], %swap3A_387 {strides = array<i32>} : memref<2x64x256xf32, #tpu.memory_space<vmem>>, vector<1x1x16xf32>,
          %get3A_388 = arith.index_cast %while3A_208 : i32 to index
          %get3A_389 = arith.constant 240 : index
          %get3A_390 = tpu.vector_load %arg6[%get3A_388, %get3A_389] {strides = array<i32>} : memref<64x256xf32, #tpu.memory_space<vmem>>, vector<1x16xf32>,
          %get3A_391 = vector.shape_cast %get3A_390 : vector<1x16xf32> to vector<16xf32>
          %add3A_392 = arith.addf %get3A_198, %get3A_391 : vector<16xf32>
          %swap3A_393 = arith.constant 0 : i32
          %swap3A_394 = arith.index_cast %swap3A_393 : i32 to index
          %swap3A_395 = arith.index_cast %while3A_208 : i32 to index
          %swap3A_396 = arith.constant 240 : index
          %swap3A_397 = tpu.vector_load %arg9[%swap3A_394, %swap3A_395, %swap3A_396] {strides = array<i32>} : memref<2x64x256xf32, #tpu.memory_space<vmem>>, vector<1x1x16xf32>,
          %swap3A_398 = vector.shape_cast %swap3A_397 : vector<1x1x16xf32> to vector<16xf32>
          %swap3A_399 = vector.shape_cast %add3A_392 : vector<16xf32> to vector<1x1x16xf32>
          tpu.vector_store %arg9[%swap3A_394, %swap3A_395, %swap3A_396], %swap3A_399 {strides = array<i32>} : memref<2x64x256xf32, #tpu.memory_space<vmem>>, vector<1x1x16xf32>,
        }
      } else {
      }
      %ge3A_110 = arith.cmpi sge, %add3A_105, %squeeze3A : i32
      %convert_element_type3A_111 = arith.extui %ge3A_110 : i1 to i32
      %cond3A_112 = arith.constant 0 : i32
      %cond3A_113 = arith.cmpi ne, %convert_element_type3A_111, %cond3A_112 : i32
      scf.if %cond3A_113 {
        %while3A = arith.constant 0 : i32
        %while3A_135 = arith.constant 0 : i32
        %while3A_136 = arith.subi %squeeze3A_36, %while3A_135 : i32
        %while3A_137 = arith.addi %while3A_135, %while3A_136 : i32
        %while3A_138 = arith.constant 1 : i32
        %while3A_139 = arith.divsi %while3A_136, %while3A_138 : i32
        %while3A_140 = arith.muli %while3A_139, %while3A_138 : i32
        %while3A_141 = arith.addi %while3A_135, %while3A_140 : i32
        %while3A_142 = arith.constant 1 : i32
        scf.for %while3A_144 = %while3A_135 to %while3A_141 step %while3A_142  : i32 {
          %swap3A = arith.constant 0 : i32
          %swap3A_145 = arith.index_cast %swap3A : i32 to index
          %swap3A_146 = arith.index_cast %while3A_144 : i32 to index
          %swap3A_147 = arith.constant 0 : index
          %swap3A_148 = tpu.vector_load %arg9[%swap3A_145, %swap3A_146, %swap3A_147] {strides = array<i32>} : memref<2x64x256xf32, #tpu.memory_space<vmem>>, vector<1x1x16xf32>,
          %swap3A_149 = vector.shape_cast %swap3A_148 : vector<1x1x16xf32> to vector<16xf32>
          %swap3A_150 = vector.shape_cast %broadcast_in_dim3A_37 : vector<16xf32> to vector<1x1x16xf32>
          tpu.vector_store %arg9[%swap3A_145, %swap3A_146, %swap3A_147], %swap3A_150 {strides = array<i32>} : memref<2x64x256xf32, #tpu.memory_space<vmem>>, vector<1x1x16xf32>,
          %swap3A_151 = arith.constant 0 : i32
          %swap3A_152 = arith.index_cast %swap3A_151 : i32 to index
          %swap3A_153 = arith.index_cast %while3A_144 : i32 to index
          %swap3A_154 = arith.constant 16 : index
          %swap3A_155 = tpu.vector_load %arg9[%swap3A_152, %swap3A_153, %swap3A_154] {strides = array<i32>} : memref<2x64x256xf32, #tpu.memory_space<vmem>>, vector<1x1x16xf32>,
          %swap3A_156 = vector.shape_cast %swap3A_155 : vector<1x1x16xf32> to vector<16xf32>
          %swap3A_157 = vector.shape_cast %broadcast_in_dim3A_37 : vector<16xf32> to vector<1x1x16xf32>
          tpu.vector_store %arg9[%swap3A_152, %swap3A_153, %swap3A_154], %swap3A_157 {strides = array<i32>} : memref<2x64x256xf32, #tpu.memory_space<vmem>>, vector<1x1x16xf32>,
          %swap3A_158 = arith.constant 0 : i32
          %swap3A_159 = arith.index_cast %swap3A_158 : i32 to index
          %swap3A_160 = arith.index_cast %while3A_144 : i32 to index
          %swap3A_161 = arith.constant 32 : index
          %swap3A_162 = tpu.vector_load %arg9[%swap3A_159, %swap3A_160, %swap3A_161] {strides = array<i32>} : memref<2x64x256xf32, #tpu.memory_space<vmem>>, vector<1x1x16xf32>,
          %swap3A_163 = vector.shape_cast %swap3A_162 : vector<1x1x16xf32> to vector<16xf32>
          %swap3A_164 = vector.shape_cast %broadcast_in_dim3A_37 : vector<16xf32> to vector<1x1x16xf32>
          tpu.vector_store %arg9[%swap3A_159, %swap3A_160, %swap3A_161], %swap3A_164 {strides = array<i32>} : memref<2x64x256xf32, #tpu.memory_space<vmem>>, vector<1x1x16xf32>,
          %swap3A_165 = arith.constant 0 : i32
          %swap3A_166 = arith.index_cast %swap3A_165 : i32 to index
          %swap3A_167 = arith.index_cast %while3A_144 : i32 to index
          %swap3A_168 = arith.constant 48 : index
          %swap3A_169 = tpu.vector_load %arg9[%swap3A_166, %swap3A_167, %swap3A_168] {strides = array<i32>} : memref<2x64x256xf32, #tpu.memory_space<vmem>>, vector<1x1x16xf32>,
          %swap3A_170 = vector.shape_cast %swap3A_169 : vector<1x1x16xf32> to vector<16xf32>
          %swap3A_171 = vector.shape_cast %broadcast_in_dim3A_37 : vector<16xf32> to vector<1x1x16xf32>
          tpu.vector_store %arg9[%swap3A_166, %swap3A_167, %swap3A_168], %swap3A_171 {strides = array<i32>} : memref<2x64x256xf32, #tpu.memory_space<vmem>>, vector<1x1x16xf32>,
          %swap3A_172 = arith.constant 0 : i32
          %swap3A_173 = arith.index_cast %swap3A_172 : i32 to index
          %swap3A_174 = arith.index_cast %while3A_144 : i32 to index
          %swap3A_175 = arith.constant 64 : index
          %swap3A_176 = tpu.vector_load %arg9[%swap3A_173, %swap3A_174, %swap3A_175] {strides = array<i32>} : memref<2x64x256xf32, #tpu.memory_space<vmem>>, vector<1x1x16xf32>,
          %swap3A_177 = vector.shape_cast %swap3A_176 : vector<1x1x16xf32> to vector<16xf32>
          %swap3A_178 = vector.shape_cast %broadcast_in_dim3A_37 : vector<16xf32> to vector<1x1x16xf32>
          tpu.vector_store %arg9[%swap3A_173, %swap3A_174, %swap3A_175], %swap3A_178 {strides = array<i32>} : memref<2x64x256xf32, #tpu.memory_space<vmem>>, vector<1x1x16xf32>,
          %swap3A_179 = arith.constant 0 : i32
          %swap3A_180 = arith.index_cast %swap3A_179 : i32 to index
          %swap3A_181 = arith.index_cast %while3A_144 : i32 to index
          %swap3A_182 = arith.constant 80 : index
          %swap3A_183 = tpu.vector_load %arg9[%swap3A_180, %swap3A_181, %swap3A_182] {strides = array<i32>} : memref<2x64x256xf32, #tpu.memory_space<vmem>>, vector<1x1x16xf32>,
          %swap3A_184 = vector.shape_cast %swap3A_183 : vector<1x1x16xf32> to vector<16xf32>
          %swap3A_185 = vector.shape_cast %broadcast_in_dim3A_37 : vector<16xf32> to vector<1x1x16xf32>
          tpu.vector_store %arg9[%swap3A_180, %swap3A_181, %swap3A_182], %swap3A_185 {strides = array<i32>} : memref<2x64x256xf32, #tpu.memory_space<vmem>>, vector<1x1x16xf32>,
          %swap3A_186 = arith.constant 0 : i32
          %swap3A_187 = arith.index_cast %swap3A_186 : i32 to index
          %swap3A_188 = arith.index_cast %while3A_144 : i32 to index
          %swap3A_189 = arith.constant 96 : index
          %swap3A_190 = tpu.vector_load %arg9[%swap3A_187, %swap3A_188, %swap3A_189] {strides = array<i32>} : memref<2x64x256xf32, #tpu.memory_space<vmem>>, vector<1x1x16xf32>,
          %swap3A_191 = vector.shape_cast %swap3A_190 : vector<1x1x16xf32> to vector<16xf32>
          %swap3A_192 = vector.shape_cast %broadcast_in_dim3A_37 : vector<16xf32> to vector<1x1x16xf32>
          tpu.vector_store %arg9[%swap3A_187, %swap3A_188, %swap3A_189], %swap3A_192 {strides = array<i32>} : memref<2x64x256xf32, #tpu.memory_space<vmem>>, vector<1x1x16xf32>,
          %swap3A_193 = arith.constant 0 : i32
          %swap3A_194 = arith.index_cast %swap3A_193 : i32 to index
          %swap3A_195 = arith.index_cast %while3A_144 : i32 to index
          %swap3A_196 = arith.constant 112 : index
          %swap3A_197 = tpu.vector_load %arg9[%swap3A_194, %swap3A_195, %swap3A_196] {strides = array<i32>} : memref<2x64x256xf32, #tpu.memory_space<vmem>>, vector<1x1x16xf32>,
          %swap3A_198 = vector.shape_cast %swap3A_197 : vector<1x1x16xf32> to vector<16xf32>
          %swap3A_199 = vector.shape_cast %broadcast_in_dim3A_37 : vector<16xf32> to vector<1x1x16xf32>
          tpu.vector_store %arg9[%swap3A_194, %swap3A_195, %swap3A_196], %swap3A_199 {strides = array<i32>} : memref<2x64x256xf32, #tpu.memory_space<vmem>>, vector<1x1x16xf32>,
          %swap3A_200 = arith.constant 0 : i32
          %swap3A_201 = arith.index_cast %swap3A_200 : i32 to index
          %swap3A_202 = arith.index_cast %while3A_144 : i32 to index
          %swap3A_203 = arith.constant 128 : index
          %swap3A_204 = tpu.vector_load %arg9[%swap3A_201, %swap3A_202, %swap3A_203] {strides = array<i32>} : memref<2x64x256xf32, #tpu.memory_space<vmem>>, vector<1x1x16xf32>,
          %swap3A_205 = vector.shape_cast %swap3A_204 : vector<1x1x16xf32> to vector<16xf32>
          %swap3A_206 = vector.shape_cast %broadcast_in_dim3A_37 : vector<16xf32> to vector<1x1x16xf32>
          tpu.vector_store %arg9[%swap3A_201, %swap3A_202, %swap3A_203], %swap3A_206 {strides = array<i32>} : memref<2x64x256xf32, #tpu.memory_space<vmem>>, vector<1x1x16xf32>,
          %swap3A_207 = arith.constant 0 : i32
          %swap3A_208 = arith.index_cast %swap3A_207 : i32 to index
          %swap3A_209 = arith.index_cast %while3A_144 : i32 to index
          %swap3A_210 = arith.constant 144 : index
          %swap3A_211 = tpu.vector_load %arg9[%swap3A_208, %swap3A_209, %swap3A_210] {strides = array<i32>} : memref<2x64x256xf32, #tpu.memory_space<vmem>>, vector<1x1x16xf32>,
          %swap3A_212 = vector.shape_cast %swap3A_211 : vector<1x1x16xf32> to vector<16xf32>
          %swap3A_213 = vector.shape_cast %broadcast_in_dim3A_37 : vector<16xf32> to vector<1x1x16xf32>
          tpu.vector_store %arg9[%swap3A_208, %swap3A_209, %swap3A_210], %swap3A_213 {strides = array<i32>} : memref<2x64x256xf32, #tpu.memory_space<vmem>>, vector<1x1x16xf32>,
          %swap3A_214 = arith.constant 0 : i32
          %swap3A_215 = arith.index_cast %swap3A_214 : i32 to index
          %swap3A_216 = arith.index_cast %while3A_144 : i32 to index
          %swap3A_217 = arith.constant 160 : index
          %swap3A_218 = tpu.vector_load %arg9[%swap3A_215, %swap3A_216, %swap3A_217] {strides = array<i32>} : memref<2x64x256xf32, #tpu.memory_space<vmem>>, vector<1x1x16xf32>,
          %swap3A_219 = vector.shape_cast %swap3A_218 : vector<1x1x16xf32> to vector<16xf32>
          %swap3A_220 = vector.shape_cast %broadcast_in_dim3A_37 : vector<16xf32> to vector<1x1x16xf32>
          tpu.vector_store %arg9[%swap3A_215, %swap3A_216, %swap3A_217], %swap3A_220 {strides = array<i32>} : memref<2x64x256xf32, #tpu.memory_space<vmem>>, vector<1x1x16xf32>,
          %swap3A_221 = arith.constant 0 : i32
          %swap3A_222 = arith.index_cast %swap3A_221 : i32 to index
          %swap3A_223 = arith.index_cast %while3A_144 : i32 to index
          %swap3A_224 = arith.constant 176 : index
          %swap3A_225 = tpu.vector_load %arg9[%swap3A_222, %swap3A_223, %swap3A_224] {strides = array<i32>} : memref<2x64x256xf32, #tpu.memory_space<vmem>>, vector<1x1x16xf32>,
          %swap3A_226 = vector.shape_cast %swap3A_225 : vector<1x1x16xf32> to vector<16xf32>
          %swap3A_227 = vector.shape_cast %broadcast_in_dim3A_37 : vector<16xf32> to vector<1x1x16xf32>
          tpu.vector_store %arg9[%swap3A_222, %swap3A_223, %swap3A_224], %swap3A_227 {strides = array<i32>} : memref<2x64x256xf32, #tpu.memory_space<vmem>>, vector<1x1x16xf32>,
          %swap3A_228 = arith.constant 0 : i32
          %swap3A_229 = arith.index_cast %swap3A_228 : i32 to index
          %swap3A_230 = arith.index_cast %while3A_144 : i32 to index
          %swap3A_231 = arith.constant 192 : index
          %swap3A_232 = tpu.vector_load %arg9[%swap3A_229, %swap3A_230, %swap3A_231] {strides = array<i32>} : memref<2x64x256xf32, #tpu.memory_space<vmem>>, vector<1x1x16xf32>,
          %swap3A_233 = vector.shape_cast %swap3A_232 : vector<1x1x16xf32> to vector<16xf32>
          %swap3A_234 = vector.shape_cast %broadcast_in_dim3A_37 : vector<16xf32> to vector<1x1x16xf32>
          tpu.vector_store %arg9[%swap3A_229, %swap3A_230, %swap3A_231], %swap3A_234 {strides = array<i32>} : memref<2x64x256xf32, #tpu.memory_space<vmem>>, vector<1x1x16xf32>,
          %swap3A_235 = arith.constant 0 : i32
          %swap3A_236 = arith.index_cast %swap3A_235 : i32 to index
          %swap3A_237 = arith.index_cast %while3A_144 : i32 to index
          %swap3A_238 = arith.constant 208 : index
          %swap3A_239 = tpu.vector_load %arg9[%swap3A_236, %swap3A_237, %swap3A_238] {strides = array<i32>} : memref<2x64x256xf32, #tpu.memory_space<vmem>>, vector<1x1x16xf32>,
          %swap3A_240 = vector.shape_cast %swap3A_239 : vector<1x1x16xf32> to vector<16xf32>
          %swap3A_241 = vector.shape_cast %broadcast_in_dim3A_37 : vector<16xf32> to vector<1x1x16xf32>
          tpu.vector_store %arg9[%swap3A_236, %swap3A_237, %swap3A_238], %swap3A_241 {strides = array<i32>} : memref<2x64x256xf32, #tpu.memory_space<vmem>>, vector<1x1x16xf32>,
          %swap3A_242 = arith.constant 0 : i32
          %swap3A_243 = arith.index_cast %swap3A_242 : i32 to index
          %swap3A_244 = arith.index_cast %while3A_144 : i32 to index
          %swap3A_245 = arith.constant 224 : index
          %swap3A_246 = tpu.vector_load %arg9[%swap3A_243, %swap3A_244, %swap3A_245] {strides = array<i32>} : memref<2x64x256xf32, #tpu.memory_space<vmem>>, vector<1x1x16xf32>,
          %swap3A_247 = vector.shape_cast %swap3A_246 : vector<1x1x16xf32> to vector<16xf32>
          %swap3A_248 = vector.shape_cast %broadcast_in_dim3A_37 : vector<16xf32> to vector<1x1x16xf32>
          tpu.vector_store %arg9[%swap3A_243, %swap3A_244, %swap3A_245], %swap3A_248 {strides = array<i32>} : memref<2x64x256xf32, #tpu.memory_space<vmem>>, vector<1x1x16xf32>,
          %swap3A_249 = arith.constant 0 : i32
          %swap3A_250 = arith.index_cast %swap3A_249 : i32 to index
          %swap3A_251 = arith.index_cast %while3A_144 : i32 to index
          %swap3A_252 = arith.constant 240 : index
          %swap3A_253 = tpu.vector_load %arg9[%swap3A_250, %swap3A_251, %swap3A_252] {strides = array<i32>} : memref<2x64x256xf32, #tpu.memory_space<vmem>>, vector<1x1x16xf32>,
          %swap3A_254 = vector.shape_cast %swap3A_253 : vector<1x1x16xf32> to vector<16xf32>
          %swap3A_255 = vector.shape_cast %broadcast_in_dim3A_37 : vector<16xf32> to vector<1x1x16xf32>
          tpu.vector_store %arg9[%swap3A_250, %swap3A_251, %swap3A_252], %swap3A_255 {strides = array<i32>} : memref<2x64x256xf32, #tpu.memory_space<vmem>>, vector<1x1x16xf32>,
        }
        %while3A_143 = arith.constant 1 : i32
        scf.for %while3A_144 = %while3A_141 to %while3A_137 step %while3A_143  : i32 {
          %swap3A = arith.constant 0 : i32
          %swap3A_145 = arith.index_cast %swap3A : i32 to index
          %swap3A_146 = arith.index_cast %while3A_144 : i32 to index
          %swap3A_147 = arith.constant 0 : index
          %swap3A_148 = tpu.vector_load %arg9[%swap3A_145, %swap3A_146, %swap3A_147] {strides = array<i32>} : memref<2x64x256xf32, #tpu.memory_space<vmem>>, vector<1x1x16xf32>,
          %swap3A_149 = vector.shape_cast %swap3A_148 : vector<1x1x16xf32> to vector<16xf32>
          %swap3A_150 = vector.shape_cast %broadcast_in_dim3A_37 : vector<16xf32> to vector<1x1x16xf32>
          tpu.vector_store %arg9[%swap3A_145, %swap3A_146, %swap3A_147], %swap3A_150 {strides = array<i32>} : memref<2x64x256xf32, #tpu.memory_space<vmem>>, vector<1x1x16xf32>,
          %swap3A_151 = arith.constant 0 : i32
          %swap3A_152 = arith.index_cast %swap3A_151 : i32 to index
          %swap3A_153 = arith.index_cast %while3A_144 : i32 to index
          %swap3A_154 = arith.constant 16 : index
          %swap3A_155 = tpu.vector_load %arg9[%swap3A_152, %swap3A_153, %swap3A_154] {strides = array<i32>} : memref<2x64x256xf32, #tpu.memory_space<vmem>>, vector<1x1x16xf32>,
          %swap3A_156 = vector.shape_cast %swap3A_155 : vector<1x1x16xf32> to vector<16xf32>
          %swap3A_157 = vector.shape_cast %broadcast_in_dim3A_37 : vector<16xf32> to vector<1x1x16xf32>
          tpu.vector_store %arg9[%swap3A_152, %swap3A_153, %swap3A_154], %swap3A_157 {strides = array<i32>} : memref<2x64x256xf32, #tpu.memory_space<vmem>>, vector<1x1x16xf32>,
          %swap3A_158 = arith.constant 0 : i32
          %swap3A_159 = arith.index_cast %swap3A_158 : i32 to index
          %swap3A_160 = arith.index_cast %while3A_144 : i32 to index
          %swap3A_161 = arith.constant 32 : index
          %swap3A_162 = tpu.vector_load %arg9[%swap3A_159, %swap3A_160, %swap3A_161] {strides = array<i32>} : memref<2x64x256xf32, #tpu.memory_space<vmem>>, vector<1x1x16xf32>,
          %swap3A_163 = vector.shape_cast %swap3A_162 : vector<1x1x16xf32> to vector<16xf32>
          %swap3A_164 = vector.shape_cast %broadcast_in_dim3A_37 : vector<16xf32> to vector<1x1x16xf32>
          tpu.vector_store %arg9[%swap3A_159, %swap3A_160, %swap3A_161], %swap3A_164 {strides = array<i32>} : memref<2x64x256xf32, #tpu.memory_space<vmem>>, vector<1x1x16xf32>,
          %swap3A_165 = arith.constant 0 : i32
          %swap3A_166 = arith.index_cast %swap3A_165 : i32 to index
          %swap3A_167 = arith.index_cast %while3A_144 : i32 to index
          %swap3A_168 = arith.constant 48 : index
          %swap3A_169 = tpu.vector_load %arg9[%swap3A_166, %swap3A_167, %swap3A_168] {strides = array<i32>} : memref<2x64x256xf32, #tpu.memory_space<vmem>>, vector<1x1x16xf32>,
          %swap3A_170 = vector.shape_cast %swap3A_169 : vector<1x1x16xf32> to vector<16xf32>
          %swap3A_171 = vector.shape_cast %broadcast_in_dim3A_37 : vector<16xf32> to vector<1x1x16xf32>
          tpu.vector_store %arg9[%swap3A_166, %swap3A_167, %swap3A_168], %swap3A_171 {strides = array<i32>} : memref<2x64x256xf32, #tpu.memory_space<vmem>>, vector<1x1x16xf32>,
          %swap3A_172 = arith.constant 0 : i32
          %swap3A_173 = arith.index_cast %swap3A_172 : i32 to index
          %swap3A_174 = arith.index_cast %while3A_144 : i32 to index
          %swap3A_175 = arith.constant 64 : index
          %swap3A_176 = tpu.vector_load %arg9[%swap3A_173, %swap3A_174, %swap3A_175] {strides = array<i32>} : memref<2x64x256xf32, #tpu.memory_space<vmem>>, vector<1x1x16xf32>,
          %swap3A_177 = vector.shape_cast %swap3A_176 : vector<1x1x16xf32> to vector<16xf32>
          %swap3A_178 = vector.shape_cast %broadcast_in_dim3A_37 : vector<16xf32> to vector<1x1x16xf32>
          tpu.vector_store %arg9[%swap3A_173, %swap3A_174, %swap3A_175], %swap3A_178 {strides = array<i32>} : memref<2x64x256xf32, #tpu.memory_space<vmem>>, vector<1x1x16xf32>,
          %swap3A_179 = arith.constant 0 : i32
          %swap3A_180 = arith.index_cast %swap3A_179 : i32 to index
          %swap3A_181 = arith.index_cast %while3A_144 : i32 to index
          %swap3A_182 = arith.constant 80 : index
          %swap3A_183 = tpu.vector_load %arg9[%swap3A_180, %swap3A_181, %swap3A_182] {strides = array<i32>} : memref<2x64x256xf32, #tpu.memory_space<vmem>>, vector<1x1x16xf32>,
          %swap3A_184 = vector.shape_cast %swap3A_183 : vector<1x1x16xf32> to vector<16xf32>
          %swap3A_185 = vector.shape_cast %broadcast_in_dim3A_37 : vector<16xf32> to vector<1x1x16xf32>
          tpu.vector_store %arg9[%swap3A_180, %swap3A_181, %swap3A_182], %swap3A_185 {strides = array<i32>} : memref<2x64x256xf32, #tpu.memory_space<vmem>>, vector<1x1x16xf32>,
          %swap3A_186 = arith.constant 0 : i32
          %swap3A_187 = arith.index_cast %swap3A_186 : i32 to index
          %swap3A_188 = arith.index_cast %while3A_144 : i32 to index
          %swap3A_189 = arith.constant 96 : index
          %swap3A_190 = tpu.vector_load %arg9[%swap3A_187, %swap3A_188, %swap3A_189] {strides = array<i32>} : memref<2x64x256xf32, #tpu.memory_space<vmem>>, vector<1x1x16xf32>,
          %swap3A_191 = vector.shape_cast %swap3A_190 : vector<1x1x16xf32> to vector<16xf32>
          %swap3A_192 = vector.shape_cast %broadcast_in_dim3A_37 : vector<16xf32> to vector<1x1x16xf32>
          tpu.vector_store %arg9[%swap3A_187, %swap3A_188, %swap3A_189], %swap3A_192 {strides = array<i32>} : memref<2x64x256xf32, #tpu.memory_space<vmem>>, vector<1x1x16xf32>,
          %swap3A_193 = arith.constant 0 : i32
          %swap3A_194 = arith.index_cast %swap3A_193 : i32 to index
          %swap3A_195 = arith.index_cast %while3A_144 : i32 to index
          %swap3A_196 = arith.constant 112 : index
          %swap3A_197 = tpu.vector_load %arg9[%swap3A_194, %swap3A_195, %swap3A_196] {strides = array<i32>} : memref<2x64x256xf32, #tpu.memory_space<vmem>>, vector<1x1x16xf32>,
          %swap3A_198 = vector.shape_cast %swap3A_197 : vector<1x1x16xf32> to vector<16xf32>
          %swap3A_199 = vector.shape_cast %broadcast_in_dim3A_37 : vector<16xf32> to vector<1x1x16xf32>
          tpu.vector_store %arg9[%swap3A_194, %swap3A_195, %swap3A_196], %swap3A_199 {strides = array<i32>} : memref<2x64x256xf32, #tpu.memory_space<vmem>>, vector<1x1x16xf32>,
          %swap3A_200 = arith.constant 0 : i32
          %swap3A_201 = arith.index_cast %swap3A_200 : i32 to index
          %swap3A_202 = arith.index_cast %while3A_144 : i32 to index
          %swap3A_203 = arith.constant 128 : index
          %swap3A_204 = tpu.vector_load %arg9[%swap3A_201, %swap3A_202, %swap3A_203] {strides = array<i32>} : memref<2x64x256xf32, #tpu.memory_space<vmem>>, vector<1x1x16xf32>,
          %swap3A_205 = vector.shape_cast %swap3A_204 : vector<1x1x16xf32> to vector<16xf32>
          %swap3A_206 = vector.shape_cast %broadcast_in_dim3A_37 : vector<16xf32> to vector<1x1x16xf32>
          tpu.vector_store %arg9[%swap3A_201, %swap3A_202, %swap3A_203], %swap3A_206 {strides = array<i32>} : memref<2x64x256xf32, #tpu.memory_space<vmem>>, vector<1x1x16xf32>,
          %swap3A_207 = arith.constant 0 : i32
          %swap3A_208 = arith.index_cast %swap3A_207 : i32 to index
          %swap3A_209 = arith.index_cast %while3A_144 : i32 to index
          %swap3A_210 = arith.constant 144 : index
          %swap3A_211 = tpu.vector_load %arg9[%swap3A_208, %swap3A_209, %swap3A_210] {strides = array<i32>} : memref<2x64x256xf32, #tpu.memory_space<vmem>>, vector<1x1x16xf32>,
          %swap3A_212 = vector.shape_cast %swap3A_211 : vector<1x1x16xf32> to vector<16xf32>
          %swap3A_213 = vector.shape_cast %broadcast_in_dim3A_37 : vector<16xf32> to vector<1x1x16xf32>
          tpu.vector_store %arg9[%swap3A_208, %swap3A_209, %swap3A_210], %swap3A_213 {strides = array<i32>} : memref<2x64x256xf32, #tpu.memory_space<vmem>>, vector<1x1x16xf32>,
          %swap3A_214 = arith.constant 0 : i32
          %swap3A_215 = arith.index_cast %swap3A_214 : i32 to index
          %swap3A_216 = arith.index_cast %while3A_144 : i32 to index
          %swap3A_217 = arith.constant 160 : index
          %swap3A_218 = tpu.vector_load %arg9[%swap3A_215, %swap3A_216, %swap3A_217] {strides = array<i32>} : memref<2x64x256xf32, #tpu.memory_space<vmem>>, vector<1x1x16xf32>,
          %swap3A_219 = vector.shape_cast %swap3A_218 : vector<1x1x16xf32> to vector<16xf32>
          %swap3A_220 = vector.shape_cast %broadcast_in_dim3A_37 : vector<16xf32> to vector<1x1x16xf32>
          tpu.vector_store %arg9[%swap3A_215, %swap3A_216, %swap3A_217], %swap3A_220 {strides = array<i32>} : memref<2x64x256xf32, #tpu.memory_space<vmem>>, vector<1x1x16xf32>,
          %swap3A_221 = arith.constant 0 : i32
          %swap3A_222 = arith.index_cast %swap3A_221 : i32 to index
          %swap3A_223 = arith.index_cast %while3A_144 : i32 to index
          %swap3A_224 = arith.constant 176 : index
          %swap3A_225 = tpu.vector_load %arg9[%swap3A_222, %swap3A_223, %swap3A_224] {strides = array<i32>} : memref<2x64x256xf32, #tpu.memory_space<vmem>>, vector<1x1x16xf32>,
          %swap3A_226 = vector.shape_cast %swap3A_225 : vector<1x1x16xf32> to vector<16xf32>
          %swap3A_227 = vector.shape_cast %broadcast_in_dim3A_37 : vector<16xf32> to vector<1x1x16xf32>
          tpu.vector_store %arg9[%swap3A_222, %swap3A_223, %swap3A_224], %swap3A_227 {strides = array<i32>} : memref<2x64x256xf32, #tpu.memory_space<vmem>>, vector<1x1x16xf32>,
          %swap3A_228 = arith.constant 0 : i32
          %swap3A_229 = arith.index_cast %swap3A_228 : i32 to index
          %swap3A_230 = arith.index_cast %while3A_144 : i32 to index
          %swap3A_231 = arith.constant 192 : index
          %swap3A_232 = tpu.vector_load %arg9[%swap3A_229, %swap3A_230, %swap3A_231] {strides = array<i32>} : memref<2x64x256xf32, #tpu.memory_space<vmem>>, vector<1x1x16xf32>,
          %swap3A_233 = vector.shape_cast %swap3A_232 : vector<1x1x16xf32> to vector<16xf32>
          %swap3A_234 = vector.shape_cast %broadcast_in_dim3A_37 : vector<16xf32> to vector<1x1x16xf32>
          tpu.vector_store %arg9[%swap3A_229, %swap3A_230, %swap3A_231], %swap3A_234 {strides = array<i32>} : memref<2x64x256xf32, #tpu.memory_space<vmem>>, vector<1x1x16xf32>,
          %swap3A_235 = arith.constant 0 : i32
          %swap3A_236 = arith.index_cast %swap3A_235 : i32 to index
          %swap3A_237 = arith.index_cast %while3A_144 : i32 to index
          %swap3A_238 = arith.constant 208 : index
          %swap3A_239 = tpu.vector_load %arg9[%swap3A_236, %swap3A_237, %swap3A_238] {strides = array<i32>} : memref<2x64x256xf32, #tpu.memory_space<vmem>>, vector<1x1x16xf32>,
          %swap3A_240 = vector.shape_cast %swap3A_239 : vector<1x1x16xf32> to vector<16xf32>
          %swap3A_241 = vector.shape_cast %broadcast_in_dim3A_37 : vector<16xf32> to vector<1x1x16xf32>
          tpu.vector_store %arg9[%swap3A_236, %swap3A_237, %swap3A_238], %swap3A_241 {strides = array<i32>} : memref<2x64x256xf32, #tpu.memory_space<vmem>>, vector<1x1x16xf32>,
          %swap3A_242 = arith.constant 0 : i32
          %swap3A_243 = arith.index_cast %swap3A_242 : i32 to index
          %swap3A_244 = arith.index_cast %while3A_144 : i32 to index
          %swap3A_245 = arith.constant 224 : index
          %swap3A_246 = tpu.vector_load %arg9[%swap3A_243, %swap3A_244, %swap3A_245] {strides = array<i32>} : memref<2x64x256xf32, #tpu.memory_space<vmem>>, vector<1x1x16xf32>,
          %swap3A_247 = vector.shape_cast %swap3A_246 : vector<1x1x16xf32> to vector<16xf32>
          %swap3A_248 = vector.shape_cast %broadcast_in_dim3A_37 : vector<16xf32> to vector<1x1x16xf32>
          tpu.vector_store %arg9[%swap3A_243, %swap3A_244, %swap3A_245], %swap3A_248 {strides = array<i32>} : memref<2x64x256xf32, #tpu.memory_space<vmem>>, vector<1x1x16xf32>,
          %swap3A_249 = arith.constant 0 : i32
          %swap3A_250 = arith.index_cast %swap3A_249 : i32 to index
          %swap3A_251 = arith.index_cast %while3A_144 : i32 to index
          %swap3A_252 = arith.constant 240 : index
          %swap3A_253 = tpu.vector_load %arg9[%swap3A_250, %swap3A_251, %swap3A_252] {strides = array<i32>} : memref<2x64x256xf32, #tpu.memory_space<vmem>>, vector<1x1x16xf32>,
          %swap3A_254 = vector.shape_cast %swap3A_253 : vector<1x1x16xf32> to vector<16xf32>
          %swap3A_255 = vector.shape_cast %broadcast_in_dim3A_37 : vector<16xf32> to vector<1x1x16xf32>
          tpu.vector_store %arg9[%swap3A_250, %swap3A_251, %swap3A_252], %swap3A_255 {strides = array<i32>} : memref<2x64x256xf32, #tpu.memory_space<vmem>>, vector<1x1x16xf32>,
        }
      } else {
      }
      %add3A_114 = arith.constant 3 : i32
      %add3A_115 = arith.addi %mul3A_70, %add3A_114 : i32
      %lt3A_116 = arith.cmpi slt, %add3A_115, %squeeze3A : i32
      %convert_element_type3A_117 = arith.extui %lt3A_116 : i1 to i32
      %cond3A_118 = arith.constant 0 : i32
      %cond3A_119 = arith.cmpi ne, %convert_element_type3A_117, %cond3A_118 : i32
      scf.if %cond3A_119 {
        %get3A_135 = arith.index_cast %add3A_115 : i32 to index
        %get3A_136 = arith.constant 0 : index
        %get3A_137 = tpu.vector_load %arg7[%get3A_135, %get3A_136] {strides = array<i32>} : memref<64x256xf32, #tpu.memory_space<vmem>>, vector<1x16xf32>,
        %get3A_138 = vector.shape_cast %get3A_137 : vector<1x16xf32> to vector<16xf32>
        %get3A_139 = arith.index_cast %add3A_115 : i32 to index
        %get3A_140 = arith.constant 16 : index
        %get3A_141 = tpu.vector_load %arg7[%get3A_139, %get3A_140] {strides = array<i32>} : memref<64x256xf32, #tpu.memory_space<vmem>>, vector<1x16xf32>,
        %get3A_142 = vector.shape_cast %get3A_141 : vector<1x16xf32> to vector<16xf32>
        %get3A_143 = arith.index_cast %add3A_115 : i32 to index
        %get3A_144 = arith.constant 32 : index
        %get3A_145 = tpu.vector_load %arg7[%get3A_143, %get3A_144] {strides = array<i32>} : memref<64x256xf32, #tpu.memory_space<vmem>>, vector<1x16xf32>,
        %get3A_146 = vector.shape_cast %get3A_145 : vector<1x16xf32> to vector<16xf32>
        %get3A_147 = arith.index_cast %add3A_115 : i32 to index
        %get3A_148 = arith.constant 48 : index
        %get3A_149 = tpu.vector_load %arg7[%get3A_147, %get3A_148] {strides = array<i32>} : memref<64x256xf32, #tpu.memory_space<vmem>>, vector<1x16xf32>,
        %get3A_150 = vector.shape_cast %get3A_149 : vector<1x16xf32> to vector<16xf32>
        %get3A_151 = arith.index_cast %add3A_115 : i32 to index
        %get3A_152 = arith.constant 64 : index
        %get3A_153 = tpu.vector_load %arg7[%get3A_151, %get3A_152] {strides = array<i32>} : memref<64x256xf32, #tpu.memory_space<vmem>>, vector<1x16xf32>,
        %get3A_154 = vector.shape_cast %get3A_153 : vector<1x16xf32> to vector<16xf32>
        %get3A_155 = arith.index_cast %add3A_115 : i32 to index
        %get3A_156 = arith.constant 80 : index
        %get3A_157 = tpu.vector_load %arg7[%get3A_155, %get3A_156] {strides = array<i32>} : memref<64x256xf32, #tpu.memory_space<vmem>>, vector<1x16xf32>,
        %get3A_158 = vector.shape_cast %get3A_157 : vector<1x16xf32> to vector<16xf32>
        %get3A_159 = arith.index_cast %add3A_115 : i32 to index
        %get3A_160 = arith.constant 96 : index
        %get3A_161 = tpu.vector_load %arg7[%get3A_159, %get3A_160] {strides = array<i32>} : memref<64x256xf32, #tpu.memory_space<vmem>>, vector<1x16xf32>,
        %get3A_162 = vector.shape_cast %get3A_161 : vector<1x16xf32> to vector<16xf32>
        %get3A_163 = arith.index_cast %add3A_115 : i32 to index
        %get3A_164 = arith.constant 112 : index
        %get3A_165 = tpu.vector_load %arg7[%get3A_163, %get3A_164] {strides = array<i32>} : memref<64x256xf32, #tpu.memory_space<vmem>>, vector<1x16xf32>,
        %get3A_166 = vector.shape_cast %get3A_165 : vector<1x16xf32> to vector<16xf32>
        %get3A_167 = arith.index_cast %add3A_115 : i32 to index
        %get3A_168 = arith.constant 128 : index
        %get3A_169 = tpu.vector_load %arg7[%get3A_167, %get3A_168] {strides = array<i32>} : memref<64x256xf32, #tpu.memory_space<vmem>>, vector<1x16xf32>,
        %get3A_170 = vector.shape_cast %get3A_169 : vector<1x16xf32> to vector<16xf32>
        %get3A_171 = arith.index_cast %add3A_115 : i32 to index
        %get3A_172 = arith.constant 144 : index
        %get3A_173 = tpu.vector_load %arg7[%get3A_171, %get3A_172] {strides = array<i32>} : memref<64x256xf32, #tpu.memory_space<vmem>>, vector<1x16xf32>,
        %get3A_174 = vector.shape_cast %get3A_173 : vector<1x16xf32> to vector<16xf32>
        %get3A_175 = arith.index_cast %add3A_115 : i32 to index
        %get3A_176 = arith.constant 160 : index
        %get3A_177 = tpu.vector_load %arg7[%get3A_175, %get3A_176] {strides = array<i32>} : memref<64x256xf32, #tpu.memory_space<vmem>>, vector<1x16xf32>,
        %get3A_178 = vector.shape_cast %get3A_177 : vector<1x16xf32> to vector<16xf32>
        %get3A_179 = arith.index_cast %add3A_115 : i32 to index
        %get3A_180 = arith.constant 176 : index
        %get3A_181 = tpu.vector_load %arg7[%get3A_179, %get3A_180] {strides = array<i32>} : memref<64x256xf32, #tpu.memory_space<vmem>>, vector<1x16xf32>,
        %get3A_182 = vector.shape_cast %get3A_181 : vector<1x16xf32> to vector<16xf32>
        %get3A_183 = arith.index_cast %add3A_115 : i32 to index
        %get3A_184 = arith.constant 192 : index
        %get3A_185 = tpu.vector_load %arg7[%get3A_183, %get3A_184] {strides = array<i32>} : memref<64x256xf32, #tpu.memory_space<vmem>>, vector<1x16xf32>,
        %get3A_186 = vector.shape_cast %get3A_185 : vector<1x16xf32> to vector<16xf32>
        %get3A_187 = arith.index_cast %add3A_115 : i32 to index
        %get3A_188 = arith.constant 208 : index
        %get3A_189 = tpu.vector_load %arg7[%get3A_187, %get3A_188] {strides = array<i32>} : memref<64x256xf32, #tpu.memory_space<vmem>>, vector<1x16xf32>,
        %get3A_190 = vector.shape_cast %get3A_189 : vector<1x16xf32> to vector<16xf32>
        %get3A_191 = arith.index_cast %add3A_115 : i32 to index
        %get3A_192 = arith.constant 224 : index
        %get3A_193 = tpu.vector_load %arg7[%get3A_191, %get3A_192] {strides = array<i32>} : memref<64x256xf32, #tpu.memory_space<vmem>>, vector<1x16xf32>,
        %get3A_194 = vector.shape_cast %get3A_193 : vector<1x16xf32> to vector<16xf32>
        %get3A_195 = arith.index_cast %add3A_115 : i32 to index
        %get3A_196 = arith.constant 240 : index
        %get3A_197 = tpu.vector_load %arg7[%get3A_195, %get3A_196] {strides = array<i32>} : memref<64x256xf32, #tpu.memory_space<vmem>>, vector<1x16xf32>,
        %get3A_198 = vector.shape_cast %get3A_197 : vector<1x16xf32> to vector<16xf32>
        %while3A = arith.constant 0 : i32
        %while3A_199 = arith.constant 0 : i32
        %while3A_200 = arith.subi %squeeze3A_36, %while3A_199 : i32
        %while3A_201 = arith.addi %while3A_199, %while3A_200 : i32
        %while3A_202 = arith.constant 1 : i32
        %while3A_203 = arith.divsi %while3A_200, %while3A_202 : i32
        %while3A_204 = arith.muli %while3A_203, %while3A_202 : i32
        %while3A_205 = arith.addi %while3A_199, %while3A_204 : i32
        %while3A_206 = arith.constant 1 : i32
        scf.for %while3A_208 = %while3A_199 to %while3A_205 step %while3A_206  : i32 {
          %get3A_209 = arith.index_cast %while3A_208 : i32 to index
          %get3A_210 = arith.constant 0 : index
          %get3A_211 = tpu.vector_load %arg6[%get3A_209, %get3A_210] {strides = array<i32>} : memref<64x256xf32, #tpu.memory_space<vmem>>, vector<1x16xf32>,
          %get3A_212 = vector.shape_cast %get3A_211 : vector<1x16xf32> to vector<16xf32>
          %add3A_213 = arith.addf %get3A_138, %get3A_212 : vector<16xf32>
          %swap3A = arith.constant 1 : i32
          %swap3A_214 = arith.index_cast %swap3A : i32 to index
          %swap3A_215 = arith.index_cast %while3A_208 : i32 to index
          %swap3A_216 = arith.constant 0 : index
          %swap3A_217 = tpu.vector_load %arg9[%swap3A_214, %swap3A_215, %swap3A_216] {strides = array<i32>} : memref<2x64x256xf32, #tpu.memory_space<vmem>>, vector<1x1x16xf32>,
          %swap3A_218 = vector.shape_cast %swap3A_217 : vector<1x1x16xf32> to vector<16xf32>
          %swap3A_219 = vector.shape_cast %add3A_213 : vector<16xf32> to vector<1x1x16xf32>
          tpu.vector_store %arg9[%swap3A_214, %swap3A_215, %swap3A_216], %swap3A_219 {strides = array<i32>} : memref<2x64x256xf32, #tpu.memory_space<vmem>>, vector<1x1x16xf32>,
          %get3A_220 = arith.index_cast %while3A_208 : i32 to index
          %get3A_221 = arith.constant 16 : index
          %get3A_222 = tpu.vector_load %arg6[%get3A_220, %get3A_221] {strides = array<i32>} : memref<64x256xf32, #tpu.memory_space<vmem>>, vector<1x16xf32>,
          %get3A_223 = vector.shape_cast %get3A_222 : vector<1x16xf32> to vector<16xf32>
          %add3A_224 = arith.addf %get3A_142, %get3A_223 : vector<16xf32>
          %swap3A_225 = arith.constant 1 : i32
          %swap3A_226 = arith.index_cast %swap3A_225 : i32 to index
          %swap3A_227 = arith.index_cast %while3A_208 : i32 to index
          %swap3A_228 = arith.constant 16 : index
          %swap3A_229 = tpu.vector_load %arg9[%swap3A_226, %swap3A_227, %swap3A_228] {strides = array<i32>} : memref<2x64x256xf32, #tpu.memory_space<vmem>>, vector<1x1x16xf32>,
          %swap3A_230 = vector.shape_cast %swap3A_229 : vector<1x1x16xf32> to vector<16xf32>
          %swap3A_231 = vector.shape_cast %add3A_224 : vector<16xf32> to vector<1x1x16xf32>
          tpu.vector_store %arg9[%swap3A_226, %swap3A_227, %swap3A_228], %swap3A_231 {strides = array<i32>} : memref<2x64x256xf32, #tpu.memory_space<vmem>>, vector<1x1x16xf32>,
          %get3A_232 = arith.index_cast %while3A_208 : i32 to index
          %get3A_233 = arith.constant 32 : index
          %get3A_234 = tpu.vector_load %arg6[%get3A_232, %get3A_233] {strides = array<i32>} : memref<64x256xf32, #tpu.memory_space<vmem>>, vector<1x16xf32>,
          %get3A_235 = vector.shape_cast %get3A_234 : vector<1x16xf32> to vector<16xf32>
          %add3A_236 = arith.addf %get3A_146, %get3A_235 : vector<16xf32>
          %swap3A_237 = arith.constant 1 : i32
          %swap3A_238 = arith.index_cast %swap3A_237 : i32 to index
          %swap3A_239 = arith.index_cast %while3A_208 : i32 to index
          %swap3A_240 = arith.constant 32 : index
          %swap3A_241 = tpu.vector_load %arg9[%swap3A_238, %swap3A_239, %swap3A_240] {strides = array<i32>} : memref<2x64x256xf32, #tpu.memory_space<vmem>>, vector<1x1x16xf32>,
          %swap3A_242 = vector.shape_cast %swap3A_241 : vector<1x1x16xf32> to vector<16xf32>
          %swap3A_243 = vector.shape_cast %add3A_236 : vector<16xf32> to vector<1x1x16xf32>
          tpu.vector_store %arg9[%swap3A_238, %swap3A_239, %swap3A_240], %swap3A_243 {strides = array<i32>} : memref<2x64x256xf32, #tpu.memory_space<vmem>>, vector<1x1x16xf32>,
          %get3A_244 = arith.index_cast %while3A_208 : i32 to index
          %get3A_245 = arith.constant 48 : index
          %get3A_246 = tpu.vector_load %arg6[%get3A_244, %get3A_245] {strides = array<i32>} : memref<64x256xf32, #tpu.memory_space<vmem>>, vector<1x16xf32>,
          %get3A_247 = vector.shape_cast %get3A_246 : vector<1x16xf32> to vector<16xf32>
          %add3A_248 = arith.addf %get3A_150, %get3A_247 : vector<16xf32>
          %swap3A_249 = arith.constant 1 : i32
          %swap3A_250 = arith.index_cast %swap3A_249 : i32 to index
          %swap3A_251 = arith.index_cast %while3A_208 : i32 to index
          %swap3A_252 = arith.constant 48 : index
          %swap3A_253 = tpu.vector_load %arg9[%swap3A_250, %swap3A_251, %swap3A_252] {strides = array<i32>} : memref<2x64x256xf32, #tpu.memory_space<vmem>>, vector<1x1x16xf32>,
          %swap3A_254 = vector.shape_cast %swap3A_253 : vector<1x1x16xf32> to vector<16xf32>
          %swap3A_255 = vector.shape_cast %add3A_248 : vector<16xf32> to vector<1x1x16xf32>
          tpu.vector_store %arg9[%swap3A_250, %swap3A_251, %swap3A_252], %swap3A_255 {strides = array<i32>} : memref<2x64x256xf32, #tpu.memory_space<vmem>>, vector<1x1x16xf32>,
          %get3A_256 = arith.index_cast %while3A_208 : i32 to index
          %get3A_257 = arith.constant 64 : index
          %get3A_258 = tpu.vector_load %arg6[%get3A_256, %get3A_257] {strides = array<i32>} : memref<64x256xf32, #tpu.memory_space<vmem>>, vector<1x16xf32>,
          %get3A_259 = vector.shape_cast %get3A_258 : vector<1x16xf32> to vector<16xf32>
          %add3A_260 = arith.addf %get3A_154, %get3A_259 : vector<16xf32>
          %swap3A_261 = arith.constant 1 : i32
          %swap3A_262 = arith.index_cast %swap3A_261 : i32 to index
          %swap3A_263 = arith.index_cast %while3A_208 : i32 to index
          %swap3A_264 = arith.constant 64 : index
          %swap3A_265 = tpu.vector_load %arg9[%swap3A_262, %swap3A_263, %swap3A_264] {strides = array<i32>} : memref<2x64x256xf32, #tpu.memory_space<vmem>>, vector<1x1x16xf32>,
          %swap3A_266 = vector.shape_cast %swap3A_265 : vector<1x1x16xf32> to vector<16xf32>
          %swap3A_267 = vector.shape_cast %add3A_260 : vector<16xf32> to vector<1x1x16xf32>
          tpu.vector_store %arg9[%swap3A_262, %swap3A_263, %swap3A_264], %swap3A_267 {strides = array<i32>} : memref<2x64x256xf32, #tpu.memory_space<vmem>>, vector<1x1x16xf32>,
          %get3A_268 = arith.index_cast %while3A_208 : i32 to index
          %get3A_269 = arith.constant 80 : index
          %get3A_270 = tpu.vector_load %arg6[%get3A_268, %get3A_269] {strides = array<i32>} : memref<64x256xf32, #tpu.memory_space<vmem>>, vector<1x16xf32>,
          %get3A_271 = vector.shape_cast %get3A_270 : vector<1x16xf32> to vector<16xf32>
          %add3A_272 = arith.addf %get3A_158, %get3A_271 : vector<16xf32>
          %swap3A_273 = arith.constant 1 : i32
          %swap3A_274 = arith.index_cast %swap3A_273 : i32 to index
          %swap3A_275 = arith.index_cast %while3A_208 : i32 to index
          %swap3A_276 = arith.constant 80 : index
          %swap3A_277 = tpu.vector_load %arg9[%swap3A_274, %swap3A_275, %swap3A_276] {strides = array<i32>} : memref<2x64x256xf32, #tpu.memory_space<vmem>>, vector<1x1x16xf32>,
          %swap3A_278 = vector.shape_cast %swap3A_277 : vector<1x1x16xf32> to vector<16xf32>
          %swap3A_279 = vector.shape_cast %add3A_272 : vector<16xf32> to vector<1x1x16xf32>
          tpu.vector_store %arg9[%swap3A_274, %swap3A_275, %swap3A_276], %swap3A_279 {strides = array<i32>} : memref<2x64x256xf32, #tpu.memory_space<vmem>>, vector<1x1x16xf32>,
          %get3A_280 = arith.index_cast %while3A_208 : i32 to index
          %get3A_281 = arith.constant 96 : index
          %get3A_282 = tpu.vector_load %arg6[%get3A_280, %get3A_281] {strides = array<i32>} : memref<64x256xf32, #tpu.memory_space<vmem>>, vector<1x16xf32>,
          %get3A_283 = vector.shape_cast %get3A_282 : vector<1x16xf32> to vector<16xf32>
          %add3A_284 = arith.addf %get3A_162, %get3A_283 : vector<16xf32>
          %swap3A_285 = arith.constant 1 : i32
          %swap3A_286 = arith.index_cast %swap3A_285 : i32 to index
          %swap3A_287 = arith.index_cast %while3A_208 : i32 to index
          %swap3A_288 = arith.constant 96 : index
          %swap3A_289 = tpu.vector_load %arg9[%swap3A_286, %swap3A_287, %swap3A_288] {strides = array<i32>} : memref<2x64x256xf32, #tpu.memory_space<vmem>>, vector<1x1x16xf32>,
          %swap3A_290 = vector.shape_cast %swap3A_289 : vector<1x1x16xf32> to vector<16xf32>
          %swap3A_291 = vector.shape_cast %add3A_284 : vector<16xf32> to vector<1x1x16xf32>
          tpu.vector_store %arg9[%swap3A_286, %swap3A_287, %swap3A_288], %swap3A_291 {strides = array<i32>} : memref<2x64x256xf32, #tpu.memory_space<vmem>>, vector<1x1x16xf32>,
          %get3A_292 = arith.index_cast %while3A_208 : i32 to index
          %get3A_293 = arith.constant 112 : index
          %get3A_294 = tpu.vector_load %arg6[%get3A_292, %get3A_293] {strides = array<i32>} : memref<64x256xf32, #tpu.memory_space<vmem>>, vector<1x16xf32>,
          %get3A_295 = vector.shape_cast %get3A_294 : vector<1x16xf32> to vector<16xf32>
          %add3A_296 = arith.addf %get3A_166, %get3A_295 : vector<16xf32>
          %swap3A_297 = arith.constant 1 : i32
          %swap3A_298 = arith.index_cast %swap3A_297 : i32 to index
          %swap3A_299 = arith.index_cast %while3A_208 : i32 to index
          %swap3A_300 = arith.constant 112 : index
          %swap3A_301 = tpu.vector_load %arg9[%swap3A_298, %swap3A_299, %swap3A_300] {strides = array<i32>} : memref<2x64x256xf32, #tpu.memory_space<vmem>>, vector<1x1x16xf32>,
          %swap3A_302 = vector.shape_cast %swap3A_301 : vector<1x1x16xf32> to vector<16xf32>
          %swap3A_303 = vector.shape_cast %add3A_296 : vector<16xf32> to vector<1x1x16xf32>
          tpu.vector_store %arg9[%swap3A_298, %swap3A_299, %swap3A_300], %swap3A_303 {strides = array<i32>} : memref<2x64x256xf32, #tpu.memory_space<vmem>>, vector<1x1x16xf32>,
          %get3A_304 = arith.index_cast %while3A_208 : i32 to index
          %get3A_305 = arith.constant 128 : index
          %get3A_306 = tpu.vector_load %arg6[%get3A_304, %get3A_305] {strides = array<i32>} : memref<64x256xf32, #tpu.memory_space<vmem>>, vector<1x16xf32>,
          %get3A_307 = vector.shape_cast %get3A_306 : vector<1x16xf32> to vector<16xf32>
          %add3A_308 = arith.addf %get3A_170, %get3A_307 : vector<16xf32>
          %swap3A_309 = arith.constant 1 : i32
          %swap3A_310 = arith.index_cast %swap3A_309 : i32 to index
          %swap3A_311 = arith.index_cast %while3A_208 : i32 to index
          %swap3A_312 = arith.constant 128 : index
          %swap3A_313 = tpu.vector_load %arg9[%swap3A_310, %swap3A_311, %swap3A_312] {strides = array<i32>} : memref<2x64x256xf32, #tpu.memory_space<vmem>>, vector<1x1x16xf32>,
          %swap3A_314 = vector.shape_cast %swap3A_313 : vector<1x1x16xf32> to vector<16xf32>
          %swap3A_315 = vector.shape_cast %add3A_308 : vector<16xf32> to vector<1x1x16xf32>
          tpu.vector_store %arg9[%swap3A_310, %swap3A_311, %swap3A_312], %swap3A_315 {strides = array<i32>} : memref<2x64x256xf32, #tpu.memory_space<vmem>>, vector<1x1x16xf32>,
          %get3A_316 = arith.index_cast %while3A_208 : i32 to index
          %get3A_317 = arith.constant 144 : index
          %get3A_318 = tpu.vector_load %arg6[%get3A_316, %get3A_317] {strides = array<i32>} : memref<64x256xf32, #tpu.memory_space<vmem>>, vector<1x16xf32>,
          %get3A_319 = vector.shape_cast %get3A_318 : vector<1x16xf32> to vector<16xf32>
          %add3A_320 = arith.addf %get3A_174, %get3A_319 : vector<16xf32>
          %swap3A_321 = arith.constant 1 : i32
          %swap3A_322 = arith.index_cast %swap3A_321 : i32 to index
          %swap3A_323 = arith.index_cast %while3A_208 : i32 to index
          %swap3A_324 = arith.constant 144 : index
          %swap3A_325 = tpu.vector_load %arg9[%swap3A_322, %swap3A_323, %swap3A_324] {strides = array<i32>} : memref<2x64x256xf32, #tpu.memory_space<vmem>>, vector<1x1x16xf32>,
          %swap3A_326 = vector.shape_cast %swap3A_325 : vector<1x1x16xf32> to vector<16xf32>
          %swap3A_327 = vector.shape_cast %add3A_320 : vector<16xf32> to vector<1x1x16xf32>
          tpu.vector_store %arg9[%swap3A_322, %swap3A_323, %swap3A_324], %swap3A_327 {strides = array<i32>} : memref<2x64x256xf32, #tpu.memory_space<vmem>>, vector<1x1x16xf32>,
          %get3A_328 = arith.index_cast %while3A_208 : i32 to index
          %get3A_329 = arith.constant 160 : index
          %get3A_330 = tpu.vector_load %arg6[%get3A_328, %get3A_329] {strides = array<i32>} : memref<64x256xf32, #tpu.memory_space<vmem>>, vector<1x16xf32>,
          %get3A_331 = vector.shape_cast %get3A_330 : vector<1x16xf32> to vector<16xf32>
          %add3A_332 = arith.addf %get3A_178, %get3A_331 : vector<16xf32>
          %swap3A_333 = arith.constant 1 : i32
          %swap3A_334 = arith.index_cast %swap3A_333 : i32 to index
          %swap3A_335 = arith.index_cast %while3A_208 : i32 to index
          %swap3A_336 = arith.constant 160 : index
          %swap3A_337 = tpu.vector_load %arg9[%swap3A_334, %swap3A_335, %swap3A_336] {strides = array<i32>} : memref<2x64x256xf32, #tpu.memory_space<vmem>>, vector<1x1x16xf32>,
          %swap3A_338 = vector.shape_cast %swap3A_337 : vector<1x1x16xf32> to vector<16xf32>
          %swap3A_339 = vector.shape_cast %add3A_332 : vector<16xf32> to vector<1x1x16xf32>
          tpu.vector_store %arg9[%swap3A_334, %swap3A_335, %swap3A_336], %swap3A_339 {strides = array<i32>} : memref<2x64x256xf32, #tpu.memory_space<vmem>>, vector<1x1x16xf32>,
          %get3A_340 = arith.index_cast %while3A_208 : i32 to index
          %get3A_341 = arith.constant 176 : index
          %get3A_342 = tpu.vector_load %arg6[%get3A_340, %get3A_341] {strides = array<i32>} : memref<64x256xf32, #tpu.memory_space<vmem>>, vector<1x16xf32>,
          %get3A_343 = vector.shape_cast %get3A_342 : vector<1x16xf32> to vector<16xf32>
          %add3A_344 = arith.addf %get3A_182, %get3A_343 : vector<16xf32>
          %swap3A_345 = arith.constant 1 : i32
          %swap3A_346 = arith.index_cast %swap3A_345 : i32 to index
          %swap3A_347 = arith.index_cast %while3A_208 : i32 to index
          %swap3A_348 = arith.constant 176 : index
          %swap3A_349 = tpu.vector_load %arg9[%swap3A_346, %swap3A_347, %swap3A_348] {strides = array<i32>} : memref<2x64x256xf32, #tpu.memory_space<vmem>>, vector<1x1x16xf32>,
          %swap3A_350 = vector.shape_cast %swap3A_349 : vector<1x1x16xf32> to vector<16xf32>
          %swap3A_351 = vector.shape_cast %add3A_344 : vector<16xf32> to vector<1x1x16xf32>
          tpu.vector_store %arg9[%swap3A_346, %swap3A_347, %swap3A_348], %swap3A_351 {strides = array<i32>} : memref<2x64x256xf32, #tpu.memory_space<vmem>>, vector<1x1x16xf32>,
          %get3A_352 = arith.index_cast %while3A_208 : i32 to index
          %get3A_353 = arith.constant 192 : index
          %get3A_354 = tpu.vector_load %arg6[%get3A_352, %get3A_353] {strides = array<i32>} : memref<64x256xf32, #tpu.memory_space<vmem>>, vector<1x16xf32>,
          %get3A_355 = vector.shape_cast %get3A_354 : vector<1x16xf32> to vector<16xf32>
          %add3A_356 = arith.addf %get3A_186, %get3A_355 : vector<16xf32>
          %swap3A_357 = arith.constant 1 : i32
          %swap3A_358 = arith.index_cast %swap3A_357 : i32 to index
          %swap3A_359 = arith.index_cast %while3A_208 : i32 to index
          %swap3A_360 = arith.constant 192 : index
          %swap3A_361 = tpu.vector_load %arg9[%swap3A_358, %swap3A_359, %swap3A_360] {strides = array<i32>} : memref<2x64x256xf32, #tpu.memory_space<vmem>>, vector<1x1x16xf32>,
          %swap3A_362 = vector.shape_cast %swap3A_361 : vector<1x1x16xf32> to vector<16xf32>
          %swap3A_363 = vector.shape_cast %add3A_356 : vector<16xf32> to vector<1x1x16xf32>
          tpu.vector_store %arg9[%swap3A_358, %swap3A_359, %swap3A_360], %swap3A_363 {strides = array<i32>} : memref<2x64x256xf32, #tpu.memory_space<vmem>>, vector<1x1x16xf32>,
          %get3A_364 = arith.index_cast %while3A_208 : i32 to index
          %get3A_365 = arith.constant 208 : index
          %get3A_366 = tpu.vector_load %arg6[%get3A_364, %get3A_365] {strides = array<i32>} : memref<64x256xf32, #tpu.memory_space<vmem>>, vector<1x16xf32>,
          %get3A_367 = vector.shape_cast %get3A_366 : vector<1x16xf32> to vector<16xf32>
          %add3A_368 = arith.addf %get3A_190, %get3A_367 : vector<16xf32>
          %swap3A_369 = arith.constant 1 : i32
          %swap3A_370 = arith.index_cast %swap3A_369 : i32 to index
          %swap3A_371 = arith.index_cast %while3A_208 : i32 to index
          %swap3A_372 = arith.constant 208 : index
          %swap3A_373 = tpu.vector_load %arg9[%swap3A_370, %swap3A_371, %swap3A_372] {strides = array<i32>} : memref<2x64x256xf32, #tpu.memory_space<vmem>>, vector<1x1x16xf32>,
          %swap3A_374 = vector.shape_cast %swap3A_373 : vector<1x1x16xf32> to vector<16xf32>
          %swap3A_375 = vector.shape_cast %add3A_368 : vector<16xf32> to vector<1x1x16xf32>
          tpu.vector_store %arg9[%swap3A_370, %swap3A_371, %swap3A_372], %swap3A_375 {strides = array<i32>} : memref<2x64x256xf32, #tpu.memory_space<vmem>>, vector<1x1x16xf32>,
          %get3A_376 = arith.index_cast %while3A_208 : i32 to index
          %get3A_377 = arith.constant 224 : index
          %get3A_378 = tpu.vector_load %arg6[%get3A_376, %get3A_377] {strides = array<i32>} : memref<64x256xf32, #tpu.memory_space<vmem>>, vector<1x16xf32>,
          %get3A_379 = vector.shape_cast %get3A_378 : vector<1x16xf32> to vector<16xf32>
          %add3A_380 = arith.addf %get3A_194, %get3A_379 : vector<16xf32>
          %swap3A_381 = arith.constant 1 : i32
          %swap3A_382 = arith.index_cast %swap3A_381 : i32 to index
          %swap3A_383 = arith.index_cast %while3A_208 : i32 to index
          %swap3A_384 = arith.constant 224 : index
          %swap3A_385 = tpu.vector_load %arg9[%swap3A_382, %swap3A_383, %swap3A_384] {strides = array<i32>} : memref<2x64x256xf32, #tpu.memory_space<vmem>>, vector<1x1x16xf32>,
          %swap3A_386 = vector.shape_cast %swap3A_385 : vector<1x1x16xf32> to vector<16xf32>
          %swap3A_387 = vector.shape_cast %add3A_380 : vector<16xf32> to vector<1x1x16xf32>
          tpu.vector_store %arg9[%swap3A_382, %swap3A_383, %swap3A_384], %swap3A_387 {strides = array<i32>} : memref<2x64x256xf32, #tpu.memory_space<vmem>>, vector<1x1x16xf32>,
          %get3A_388 = arith.index_cast %while3A_208 : i32 to index
          %get3A_389 = arith.constant 240 : index
          %get3A_390 = tpu.vector_load %arg6[%get3A_388, %get3A_389] {strides = array<i32>} : memref<64x256xf32, #tpu.memory_space<vmem>>, vector<1x16xf32>,
          %get3A_391 = vector.shape_cast %get3A_390 : vector<1x16xf32> to vector<16xf32>
          %add3A_392 = arith.addf %get3A_198, %get3A_391 : vector<16xf32>
          %swap3A_393 = arith.constant 1 : i32
          %swap3A_394 = arith.index_cast %swap3A_393 : i32 to index
          %swap3A_395 = arith.index_cast %while3A_208 : i32 to index
          %swap3A_396 = arith.constant 240 : index
          %swap3A_397 = tpu.vector_load %arg9[%swap3A_394, %swap3A_395, %swap3A_396] {strides = array<i32>} : memref<2x64x256xf32, #tpu.memory_space<vmem>>, vector<1x1x16xf32>,
          %swap3A_398 = vector.shape_cast %swap3A_397 : vector<1x1x16xf32> to vector<16xf32>
          %swap3A_399 = vector.shape_cast %add3A_392 : vector<16xf32> to vector<1x1x16xf32>
          tpu.vector_store %arg9[%swap3A_394, %swap3A_395, %swap3A_396], %swap3A_399 {strides = array<i32>} : memref<2x64x256xf32, #tpu.memory_space<vmem>>, vector<1x1x16xf32>,
        }
        %while3A_207 = arith.constant 1 : i32
        scf.for %while3A_208 = %while3A_205 to %while3A_201 step %while3A_207  : i32 {
          %get3A_209 = arith.index_cast %while3A_208 : i32 to index
          %get3A_210 = arith.constant 0 : index
          %get3A_211 = tpu.vector_load %arg6[%get3A_209, %get3A_210] {strides = array<i32>} : memref<64x256xf32, #tpu.memory_space<vmem>>, vector<1x16xf32>,
          %get3A_212 = vector.shape_cast %get3A_211 : vector<1x16xf32> to vector<16xf32>
          %add3A_213 = arith.addf %get3A_138, %get3A_212 : vector<16xf32>
          %swap3A = arith.constant 1 : i32
          %swap3A_214 = arith.index_cast %swap3A : i32 to index
          %swap3A_215 = arith.index_cast %while3A_208 : i32 to index
          %swap3A_216 = arith.constant 0 : index
          %swap3A_217 = tpu.vector_load %arg9[%swap3A_214, %swap3A_215, %swap3A_216] {strides = array<i32>} : memref<2x64x256xf32, #tpu.memory_space<vmem>>, vector<1x1x16xf32>,
          %swap3A_218 = vector.shape_cast %swap3A_217 : vector<1x1x16xf32> to vector<16xf32>
          %swap3A_219 = vector.shape_cast %add3A_213 : vector<16xf32> to vector<1x1x16xf32>
          tpu.vector_store %arg9[%swap3A_214, %swap3A_215, %swap3A_216], %swap3A_219 {strides = array<i32>} : memref<2x64x256xf32, #tpu.memory_space<vmem>>, vector<1x1x16xf32>,
          %get3A_220 = arith.index_cast %while3A_208 : i32 to index
          %get3A_221 = arith.constant 16 : index
          %get3A_222 = tpu.vector_load %arg6[%get3A_220, %get3A_221] {strides = array<i32>} : memref<64x256xf32, #tpu.memory_space<vmem>>, vector<1x16xf32>,
          %get3A_223 = vector.shape_cast %get3A_222 : vector<1x16xf32> to vector<16xf32>
          %add3A_224 = arith.addf %get3A_142, %get3A_223 : vector<16xf32>
          %swap3A_225 = arith.constant 1 : i32
          %swap3A_226 = arith.index_cast %swap3A_225 : i32 to index
          %swap3A_227 = arith.index_cast %while3A_208 : i32 to index
          %swap3A_228 = arith.constant 16 : index
          %swap3A_229 = tpu.vector_load %arg9[%swap3A_226, %swap3A_227, %swap3A_228] {strides = array<i32>} : memref<2x64x256xf32, #tpu.memory_space<vmem>>, vector<1x1x16xf32>,
          %swap3A_230 = vector.shape_cast %swap3A_229 : vector<1x1x16xf32> to vector<16xf32>
          %swap3A_231 = vector.shape_cast %add3A_224 : vector<16xf32> to vector<1x1x16xf32>
          tpu.vector_store %arg9[%swap3A_226, %swap3A_227, %swap3A_228], %swap3A_231 {strides = array<i32>} : memref<2x64x256xf32, #tpu.memory_space<vmem>>, vector<1x1x16xf32>,
          %get3A_232 = arith.index_cast %while3A_208 : i32 to index
          %get3A_233 = arith.constant 32 : index
          %get3A_234 = tpu.vector_load %arg6[%get3A_232, %get3A_233] {strides = array<i32>} : memref<64x256xf32, #tpu.memory_space<vmem>>, vector<1x16xf32>,
          %get3A_235 = vector.shape_cast %get3A_234 : vector<1x16xf32> to vector<16xf32>
          %add3A_236 = arith.addf %get3A_146, %get3A_235 : vector<16xf32>
          %swap3A_237 = arith.constant 1 : i32
          %swap3A_238 = arith.index_cast %swap3A_237 : i32 to index
          %swap3A_239 = arith.index_cast %while3A_208 : i32 to index
          %swap3A_240 = arith.constant 32 : index
          %swap3A_241 = tpu.vector_load %arg9[%swap3A_238, %swap3A_239, %swap3A_240] {strides = array<i32>} : memref<2x64x256xf32, #tpu.memory_space<vmem>>, vector<1x1x16xf32>,
          %swap3A_242 = vector.shape_cast %swap3A_241 : vector<1x1x16xf32> to vector<16xf32>
          %swap3A_243 = vector.shape_cast %add3A_236 : vector<16xf32> to vector<1x1x16xf32>
          tpu.vector_store %arg9[%swap3A_238, %swap3A_239, %swap3A_240], %swap3A_243 {strides = array<i32>} : memref<2x64x256xf32, #tpu.memory_space<vmem>>, vector<1x1x16xf32>,
          %get3A_244 = arith.index_cast %while3A_208 : i32 to index
          %get3A_245 = arith.constant 48 : index
          %get3A_246 = tpu.vector_load %arg6[%get3A_244, %get3A_245] {strides = array<i32>} : memref<64x256xf32, #tpu.memory_space<vmem>>, vector<1x16xf32>,
          %get3A_247 = vector.shape_cast %get3A_246 : vector<1x16xf32> to vector<16xf32>
          %add3A_248 = arith.addf %get3A_150, %get3A_247 : vector<16xf32>
          %swap3A_249 = arith.constant 1 : i32
          %swap3A_250 = arith.index_cast %swap3A_249 : i32 to index
          %swap3A_251 = arith.index_cast %while3A_208 : i32 to index
          %swap3A_252 = arith.constant 48 : index
          %swap3A_253 = tpu.vector_load %arg9[%swap3A_250, %swap3A_251, %swap3A_252] {strides = array<i32>} : memref<2x64x256xf32, #tpu.memory_space<vmem>>, vector<1x1x16xf32>,
          %swap3A_254 = vector.shape_cast %swap3A_253 : vector<1x1x16xf32> to vector<16xf32>
          %swap3A_255 = vector.shape_cast %add3A_248 : vector<16xf32> to vector<1x1x16xf32>
          tpu.vector_store %arg9[%swap3A_250, %swap3A_251, %swap3A_252], %swap3A_255 {strides = array<i32>} : memref<2x64x256xf32, #tpu.memory_space<vmem>>, vector<1x1x16xf32>,
          %get3A_256 = arith.index_cast %while3A_208 : i32 to index
          %get3A_257 = arith.constant 64 : index
          %get3A_258 = tpu.vector_load %arg6[%get3A_256, %get3A_257] {strides = array<i32>} : memref<64x256xf32, #tpu.memory_space<vmem>>, vector<1x16xf32>,
          %get3A_259 = vector.shape_cast %get3A_258 : vector<1x16xf32> to vector<16xf32>
          %add3A_260 = arith.addf %get3A_154, %get3A_259 : vector<16xf32>
          %swap3A_261 = arith.constant 1 : i32
          %swap3A_262 = arith.index_cast %swap3A_261 : i32 to index
          %swap3A_263 = arith.index_cast %while3A_208 : i32 to index
          %swap3A_264 = arith.constant 64 : index
          %swap3A_265 = tpu.vector_load %arg9[%swap3A_262, %swap3A_263, %swap3A_264] {strides = array<i32>} : memref<2x64x256xf32, #tpu.memory_space<vmem>>, vector<1x1x16xf32>,
          %swap3A_266 = vector.shape_cast %swap3A_265 : vector<1x1x16xf32> to vector<16xf32>
          %swap3A_267 = vector.shape_cast %add3A_260 : vector<16xf32> to vector<1x1x16xf32>
          tpu.vector_store %arg9[%swap3A_262, %swap3A_263, %swap3A_264], %swap3A_267 {strides = array<i32>} : memref<2x64x256xf32, #tpu.memory_space<vmem>>, vector<1x1x16xf32>,
          %get3A_268 = arith.index_cast %while3A_208 : i32 to index
          %get3A_269 = arith.constant 80 : index
          %get3A_270 = tpu.vector_load %arg6[%get3A_268, %get3A_269] {strides = array<i32>} : memref<64x256xf32, #tpu.memory_space<vmem>>, vector<1x16xf32>,
          %get3A_271 = vector.shape_cast %get3A_270 : vector<1x16xf32> to vector<16xf32>
          %add3A_272 = arith.addf %get3A_158, %get3A_271 : vector<16xf32>
          %swap3A_273 = arith.constant 1 : i32
          %swap3A_274 = arith.index_cast %swap3A_273 : i32 to index
          %swap3A_275 = arith.index_cast %while3A_208 : i32 to index
          %swap3A_276 = arith.constant 80 : index
          %swap3A_277 = tpu.vector_load %arg9[%swap3A_274, %swap3A_275, %swap3A_276] {strides = array<i32>} : memref<2x64x256xf32, #tpu.memory_space<vmem>>, vector<1x1x16xf32>,
          %swap3A_278 = vector.shape_cast %swap3A_277 : vector<1x1x16xf32> to vector<16xf32>
          %swap3A_279 = vector.shape_cast %add3A_272 : vector<16xf32> to vector<1x1x16xf32>
          tpu.vector_store %arg9[%swap3A_274, %swap3A_275, %swap3A_276], %swap3A_279 {strides = array<i32>} : memref<2x64x256xf32, #tpu.memory_space<vmem>>, vector<1x1x16xf32>,
          %get3A_280 = arith.index_cast %while3A_208 : i32 to index
          %get3A_281 = arith.constant 96 : index
          %get3A_282 = tpu.vector_load %arg6[%get3A_280, %get3A_281] {strides = array<i32>} : memref<64x256xf32, #tpu.memory_space<vmem>>, vector<1x16xf32>,
          %get3A_283 = vector.shape_cast %get3A_282 : vector<1x16xf32> to vector<16xf32>
          %add3A_284 = arith.addf %get3A_162, %get3A_283 : vector<16xf32>
          %swap3A_285 = arith.constant 1 : i32
          %swap3A_286 = arith.index_cast %swap3A_285 : i32 to index
          %swap3A_287 = arith.index_cast %while3A_208 : i32 to index
          %swap3A_288 = arith.constant 96 : index
          %swap3A_289 = tpu.vector_load %arg9[%swap3A_286, %swap3A_287, %swap3A_288] {strides = array<i32>} : memref<2x64x256xf32, #tpu.memory_space<vmem>>, vector<1x1x16xf32>,
          %swap3A_290 = vector.shape_cast %swap3A_289 : vector<1x1x16xf32> to vector<16xf32>
          %swap3A_291 = vector.shape_cast %add3A_284 : vector<16xf32> to vector<1x1x16xf32>
          tpu.vector_store %arg9[%swap3A_286, %swap3A_287, %swap3A_288], %swap3A_291 {strides = array<i32>} : memref<2x64x256xf32, #tpu.memory_space<vmem>>, vector<1x1x16xf32>,
          %get3A_292 = arith.index_cast %while3A_208 : i32 to index
          %get3A_293 = arith.constant 112 : index
          %get3A_294 = tpu.vector_load %arg6[%get3A_292, %get3A_293] {strides = array<i32>} : memref<64x256xf32, #tpu.memory_space<vmem>>, vector<1x16xf32>,
          %get3A_295 = vector.shape_cast %get3A_294 : vector<1x16xf32> to vector<16xf32>
          %add3A_296 = arith.addf %get3A_166, %get3A_295 : vector<16xf32>
          %swap3A_297 = arith.constant 1 : i32
          %swap3A_298 = arith.index_cast %swap3A_297 : i32 to index
          %swap3A_299 = arith.index_cast %while3A_208 : i32 to index
          %swap3A_300 = arith.constant 112 : index
          %swap3A_301 = tpu.vector_load %arg9[%swap3A_298, %swap3A_299, %swap3A_300] {strides = array<i32>} : memref<2x64x256xf32, #tpu.memory_space<vmem>>, vector<1x1x16xf32>,
          %swap3A_302 = vector.shape_cast %swap3A_301 : vector<1x1x16xf32> to vector<16xf32>
          %swap3A_303 = vector.shape_cast %add3A_296 : vector<16xf32> to vector<1x1x16xf32>
          tpu.vector_store %arg9[%swap3A_298, %swap3A_299, %swap3A_300], %swap3A_303 {strides = array<i32>} : memref<2x64x256xf32, #tpu.memory_space<vmem>>, vector<1x1x16xf32>,
          %get3A_304 = arith.index_cast %while3A_208 : i32 to index
          %get3A_305 = arith.constant 128 : index
          %get3A_306 = tpu.vector_load %arg6[%get3A_304, %get3A_305] {strides = array<i32>} : memref<64x256xf32, #tpu.memory_space<vmem>>, vector<1x16xf32>,
          %get3A_307 = vector.shape_cast %get3A_306 : vector<1x16xf32> to vector<16xf32>
          %add3A_308 = arith.addf %get3A_170, %get3A_307 : vector<16xf32>
          %swap3A_309 = arith.constant 1 : i32
          %swap3A_310 = arith.index_cast %swap3A_309 : i32 to index
          %swap3A_311 = arith.index_cast %while3A_208 : i32 to index
          %swap3A_312 = arith.constant 128 : index
          %swap3A_313 = tpu.vector_load %arg9[%swap3A_310, %swap3A_311, %swap3A_312] {strides = array<i32>} : memref<2x64x256xf32, #tpu.memory_space<vmem>>, vector<1x1x16xf32>,
          %swap3A_314 = vector.shape_cast %swap3A_313 : vector<1x1x16xf32> to vector<16xf32>
          %swap3A_315 = vector.shape_cast %add3A_308 : vector<16xf32> to vector<1x1x16xf32>
          tpu.vector_store %arg9[%swap3A_310, %swap3A_311, %swap3A_312], %swap3A_315 {strides = array<i32>} : memref<2x64x256xf32, #tpu.memory_space<vmem>>, vector<1x1x16xf32>,
          %get3A_316 = arith.index_cast %while3A_208 : i32 to index
          %get3A_317 = arith.constant 144 : index
          %get3A_318 = tpu.vector_load %arg6[%get3A_316, %get3A_317] {strides = array<i32>} : memref<64x256xf32, #tpu.memory_space<vmem>>, vector<1x16xf32>,
          %get3A_319 = vector.shape_cast %get3A_318 : vector<1x16xf32> to vector<16xf32>
          %add3A_320 = arith.addf %get3A_174, %get3A_319 : vector<16xf32>
          %swap3A_321 = arith.constant 1 : i32
          %swap3A_322 = arith.index_cast %swap3A_321 : i32 to index
          %swap3A_323 = arith.index_cast %while3A_208 : i32 to index
          %swap3A_324 = arith.constant 144 : index
          %swap3A_325 = tpu.vector_load %arg9[%swap3A_322, %swap3A_323, %swap3A_324] {strides = array<i32>} : memref<2x64x256xf32, #tpu.memory_space<vmem>>, vector<1x1x16xf32>,
          %swap3A_326 = vector.shape_cast %swap3A_325 : vector<1x1x16xf32> to vector<16xf32>
          %swap3A_327 = vector.shape_cast %add3A_320 : vector<16xf32> to vector<1x1x16xf32>
          tpu.vector_store %arg9[%swap3A_322, %swap3A_323, %swap3A_324], %swap3A_327 {strides = array<i32>} : memref<2x64x256xf32, #tpu.memory_space<vmem>>, vector<1x1x16xf32>,
          %get3A_328 = arith.index_cast %while3A_208 : i32 to index
          %get3A_329 = arith.constant 160 : index
          %get3A_330 = tpu.vector_load %arg6[%get3A_328, %get3A_329] {strides = array<i32>} : memref<64x256xf32, #tpu.memory_space<vmem>>, vector<1x16xf32>,
          %get3A_331 = vector.shape_cast %get3A_330 : vector<1x16xf32> to vector<16xf32>
          %add3A_332 = arith.addf %get3A_178, %get3A_331 : vector<16xf32>
          %swap3A_333 = arith.constant 1 : i32
          %swap3A_334 = arith.index_cast %swap3A_333 : i32 to index
          %swap3A_335 = arith.index_cast %while3A_208 : i32 to index
          %swap3A_336 = arith.constant 160 : index
          %swap3A_337 = tpu.vector_load %arg9[%swap3A_334, %swap3A_335, %swap3A_336] {strides = array<i32>} : memref<2x64x256xf32, #tpu.memory_space<vmem>>, vector<1x1x16xf32>,
          %swap3A_338 = vector.shape_cast %swap3A_337 : vector<1x1x16xf32> to vector<16xf32>
          %swap3A_339 = vector.shape_cast %add3A_332 : vector<16xf32> to vector<1x1x16xf32>
          tpu.vector_store %arg9[%swap3A_334, %swap3A_335, %swap3A_336], %swap3A_339 {strides = array<i32>} : memref<2x64x256xf32, #tpu.memory_space<vmem>>, vector<1x1x16xf32>,
          %get3A_340 = arith.index_cast %while3A_208 : i32 to index
          %get3A_341 = arith.constant 176 : index
          %get3A_342 = tpu.vector_load %arg6[%get3A_340, %get3A_341] {strides = array<i32>} : memref<64x256xf32, #tpu.memory_space<vmem>>, vector<1x16xf32>,
          %get3A_343 = vector.shape_cast %get3A_342 : vector<1x16xf32> to vector<16xf32>
          %add3A_344 = arith.addf %get3A_182, %get3A_343 : vector<16xf32>
          %swap3A_345 = arith.constant 1 : i32
          %swap3A_346 = arith.index_cast %swap3A_345 : i32 to index
          %swap3A_347 = arith.index_cast %while3A_208 : i32 to index
          %swap3A_348 = arith.constant 176 : index
          %swap3A_349 = tpu.vector_load %arg9[%swap3A_346, %swap3A_347, %swap3A_348] {strides = array<i32>} : memref<2x64x256xf32, #tpu.memory_space<vmem>>, vector<1x1x16xf32>,
          %swap3A_350 = vector.shape_cast %swap3A_349 : vector<1x1x16xf32> to vector<16xf32>
          %swap3A_351 = vector.shape_cast %add3A_344 : vector<16xf32> to vector<1x1x16xf32>
          tpu.vector_store %arg9[%swap3A_346, %swap3A_347, %swap3A_348], %swap3A_351 {strides = array<i32>} : memref<2x64x256xf32, #tpu.memory_space<vmem>>, vector<1x1x16xf32>,
          %get3A_352 = arith.index_cast %while3A_208 : i32 to index
          %get3A_353 = arith.constant 192 : index
          %get3A_354 = tpu.vector_load %arg6[%get3A_352, %get3A_353] {strides = array<i32>} : memref<64x256xf32, #tpu.memory_space<vmem>>, vector<1x16xf32>,
          %get3A_355 = vector.shape_cast %get3A_354 : vector<1x16xf32> to vector<16xf32>
          %add3A_356 = arith.addf %get3A_186, %get3A_355 : vector<16xf32>
          %swap3A_357 = arith.constant 1 : i32
          %swap3A_358 = arith.index_cast %swap3A_357 : i32 to index
          %swap3A_359 = arith.index_cast %while3A_208 : i32 to index
          %swap3A_360 = arith.constant 192 : index
          %swap3A_361 = tpu.vector_load %arg9[%swap3A_358, %swap3A_359, %swap3A_360] {strides = array<i32>} : memref<2x64x256xf32, #tpu.memory_space<vmem>>, vector<1x1x16xf32>,
          %swap3A_362 = vector.shape_cast %swap3A_361 : vector<1x1x16xf32> to vector<16xf32>
          %swap3A_363 = vector.shape_cast %add3A_356 : vector<16xf32> to vector<1x1x16xf32>
          tpu.vector_store %arg9[%swap3A_358, %swap3A_359, %swap3A_360], %swap3A_363 {strides = array<i32>} : memref<2x64x256xf32, #tpu.memory_space<vmem>>, vector<1x1x16xf32>,
          %get3A_364 = arith.index_cast %while3A_208 : i32 to index
          %get3A_365 = arith.constant 208 : index
          %get3A_366 = tpu.vector_load %arg6[%get3A_364, %get3A_365] {strides = array<i32>} : memref<64x256xf32, #tpu.memory_space<vmem>>, vector<1x16xf32>,
          %get3A_367 = vector.shape_cast %get3A_366 : vector<1x16xf32> to vector<16xf32>
          %add3A_368 = arith.addf %get3A_190, %get3A_367 : vector<16xf32>
          %swap3A_369 = arith.constant 1 : i32
          %swap3A_370 = arith.index_cast %swap3A_369 : i32 to index
          %swap3A_371 = arith.index_cast %while3A_208 : i32 to index
          %swap3A_372 = arith.constant 208 : index
          %swap3A_373 = tpu.vector_load %arg9[%swap3A_370, %swap3A_371, %swap3A_372] {strides = array<i32>} : memref<2x64x256xf32, #tpu.memory_space<vmem>>, vector<1x1x16xf32>,
          %swap3A_374 = vector.shape_cast %swap3A_373 : vector<1x1x16xf32> to vector<16xf32>
          %swap3A_375 = vector.shape_cast %add3A_368 : vector<16xf32> to vector<1x1x16xf32>
          tpu.vector_store %arg9[%swap3A_370, %swap3A_371, %swap3A_372], %swap3A_375 {strides = array<i32>} : memref<2x64x256xf32, #tpu.memory_space<vmem>>, vector<1x1x16xf32>,
          %get3A_376 = arith.index_cast %while3A_208 : i32 to index
          %get3A_377 = arith.constant 224 : index
          %get3A_378 = tpu.vector_load %arg6[%get3A_376, %get3A_377] {strides = array<i32>} : memref<64x256xf32, #tpu.memory_space<vmem>>, vector<1x16xf32>,
          %get3A_379 = vector.shape_cast %get3A_378 : vector<1x16xf32> to vector<16xf32>
          %add3A_380 = arith.addf %get3A_194, %get3A_379 : vector<16xf32>
          %swap3A_381 = arith.constant 1 : i32
          %swap3A_382 = arith.index_cast %swap3A_381 : i32 to index
          %swap3A_383 = arith.index_cast %while3A_208 : i32 to index
          %swap3A_384 = arith.constant 224 : index
          %swap3A_385 = tpu.vector_load %arg9[%swap3A_382, %swap3A_383, %swap3A_384] {strides = array<i32>} : memref<2x64x256xf32, #tpu.memory_space<vmem>>, vector<1x1x16xf32>,
          %swap3A_386 = vector.shape_cast %swap3A_385 : vector<1x1x16xf32> to vector<16xf32>
          %swap3A_387 = vector.shape_cast %add3A_380 : vector<16xf32> to vector<1x1x16xf32>
          tpu.vector_store %arg9[%swap3A_382, %swap3A_383, %swap3A_384], %swap3A_387 {strides = array<i32>} : memref<2x64x256xf32, #tpu.memory_space<vmem>>, vector<1x1x16xf32>,
          %get3A_388 = arith.index_cast %while3A_208 : i32 to index
          %get3A_389 = arith.constant 240 : index
          %get3A_390 = tpu.vector_load %arg6[%get3A_388, %get3A_389] {strides = array<i32>} : memref<64x256xf32, #tpu.memory_space<vmem>>, vector<1x16xf32>,
          %get3A_391 = vector.shape_cast %get3A_390 : vector<1x16xf32> to vector<16xf32>
          %add3A_392 = arith.addf %get3A_198, %get3A_391 : vector<16xf32>
          %swap3A_393 = arith.constant 1 : i32
          %swap3A_394 = arith.index_cast %swap3A_393 : i32 to index
          %swap3A_395 = arith.index_cast %while3A_208 : i32 to index
          %swap3A_396 = arith.constant 240 : index
          %swap3A_397 = tpu.vector_load %arg9[%swap3A_394, %swap3A_395, %swap3A_396] {strides = array<i32>} : memref<2x64x256xf32, #tpu.memory_space<vmem>>, vector<1x1x16xf32>,
          %swap3A_398 = vector.shape_cast %swap3A_397 : vector<1x1x16xf32> to vector<16xf32>
          %swap3A_399 = vector.shape_cast %add3A_392 : vector<16xf32> to vector<1x1x16xf32>
          tpu.vector_store %arg9[%swap3A_394, %swap3A_395, %swap3A_396], %swap3A_399 {strides = array<i32>} : memref<2x64x256xf32, #tpu.memory_space<vmem>>, vector<1x1x16xf32>,
        }
      } else {
      }
      %ge3A_120 = arith.cmpi sge, %add3A_115, %squeeze3A : i32
      %convert_element_type3A_121 = arith.extui %ge3A_120 : i1 to i32
      %cond3A_122 = arith.constant 0 : i32
      %cond3A_123 = arith.cmpi ne, %convert_element_type3A_121, %cond3A_122 : i32
      scf.if %cond3A_123 {
        %while3A = arith.constant 0 : i32
        %while3A_135 = arith.constant 0 : i32
        %while3A_136 = arith.subi %squeeze3A_36, %while3A_135 : i32
        %while3A_137 = arith.addi %while3A_135, %while3A_136 : i32
        %while3A_138 = arith.constant 1 : i32
        %while3A_139 = arith.divsi %while3A_136, %while3A_138 : i32
        %while3A_140 = arith.muli %while3A_139, %while3A_138 : i32
        %while3A_141 = arith.addi %while3A_135, %while3A_140 : i32
        %while3A_142 = arith.constant 1 : i32
        scf.for %while3A_144 = %while3A_135 to %while3A_141 step %while3A_142  : i32 {
          %swap3A = arith.constant 1 : i32
          %swap3A_145 = arith.index_cast %swap3A : i32 to index
          %swap3A_146 = arith.index_cast %while3A_144 : i32 to index
          %swap3A_147 = arith.constant 0 : index
          %swap3A_148 = tpu.vector_load %arg9[%swap3A_145, %swap3A_146, %swap3A_147] {strides = array<i32>} : memref<2x64x256xf32, #tpu.memory_space<vmem>>, vector<1x1x16xf32>,
          %swap3A_149 = vector.shape_cast %swap3A_148 : vector<1x1x16xf32> to vector<16xf32>
          %swap3A_150 = vector.shape_cast %broadcast_in_dim3A_37 : vector<16xf32> to vector<1x1x16xf32>
          tpu.vector_store %arg9[%swap3A_145, %swap3A_146, %swap3A_147], %swap3A_150 {strides = array<i32>} : memref<2x64x256xf32, #tpu.memory_space<vmem>>, vector<1x1x16xf32>,
          %swap3A_151 = arith.constant 1 : i32
          %swap3A_152 = arith.index_cast %swap3A_151 : i32 to index
          %swap3A_153 = arith.index_cast %while3A_144 : i32 to index
          %swap3A_154 = arith.constant 16 : index
          %swap3A_155 = tpu.vector_load %arg9[%swap3A_152, %swap3A_153, %swap3A_154] {strides = array<i32>} : memref<2x64x256xf32, #tpu.memory_space<vmem>>, vector<1x1x16xf32>,
          %swap3A_156 = vector.shape_cast %swap3A_155 : vector<1x1x16xf32> to vector<16xf32>
          %swap3A_157 = vector.shape_cast %broadcast_in_dim3A_37 : vector<16xf32> to vector<1x1x16xf32>
          tpu.vector_store %arg9[%swap3A_152, %swap3A_153, %swap3A_154], %swap3A_157 {strides = array<i32>} : memref<2x64x256xf32, #tpu.memory_space<vmem>>, vector<1x1x16xf32>,
          %swap3A_158 = arith.constant 1 : i32
          %swap3A_159 = arith.index_cast %swap3A_158 : i32 to index
          %swap3A_160 = arith.index_cast %while3A_144 : i32 to index
          %swap3A_161 = arith.constant 32 : index
          %swap3A_162 = tpu.vector_load %arg9[%swap3A_159, %swap3A_160, %swap3A_161] {strides = array<i32>} : memref<2x64x256xf32, #tpu.memory_space<vmem>>, vector<1x1x16xf32>,
          %swap3A_163 = vector.shape_cast %swap3A_162 : vector<1x1x16xf32> to vector<16xf32>
          %swap3A_164 = vector.shape_cast %broadcast_in_dim3A_37 : vector<16xf32> to vector<1x1x16xf32>
          tpu.vector_store %arg9[%swap3A_159, %swap3A_160, %swap3A_161], %swap3A_164 {strides = array<i32>} : memref<2x64x256xf32, #tpu.memory_space<vmem>>, vector<1x1x16xf32>,
          %swap3A_165 = arith.constant 1 : i32
          %swap3A_166 = arith.index_cast %swap3A_165 : i32 to index
          %swap3A_167 = arith.index_cast %while3A_144 : i32 to index
          %swap3A_168 = arith.constant 48 : index
          %swap3A_169 = tpu.vector_load %arg9[%swap3A_166, %swap3A_167, %swap3A_168] {strides = array<i32>} : memref<2x64x256xf32, #tpu.memory_space<vmem>>, vector<1x1x16xf32>,
          %swap3A_170 = vector.shape_cast %swap3A_169 : vector<1x1x16xf32> to vector<16xf32>
          %swap3A_171 = vector.shape_cast %broadcast_in_dim3A_37 : vector<16xf32> to vector<1x1x16xf32>
          tpu.vector_store %arg9[%swap3A_166, %swap3A_167, %swap3A_168], %swap3A_171 {strides = array<i32>} : memref<2x64x256xf32, #tpu.memory_space<vmem>>, vector<1x1x16xf32>,
          %swap3A_172 = arith.constant 1 : i32
          %swap3A_173 = arith.index_cast %swap3A_172 : i32 to index
          %swap3A_174 = arith.index_cast %while3A_144 : i32 to index
          %swap3A_175 = arith.constant 64 : index
          %swap3A_176 = tpu.vector_load %arg9[%swap3A_173, %swap3A_174, %swap3A_175] {strides = array<i32>} : memref<2x64x256xf32, #tpu.memory_space<vmem>>, vector<1x1x16xf32>,
          %swap3A_177 = vector.shape_cast %swap3A_176 : vector<1x1x16xf32> to vector<16xf32>
          %swap3A_178 = vector.shape_cast %broadcast_in_dim3A_37 : vector<16xf32> to vector<1x1x16xf32>
          tpu.vector_store %arg9[%swap3A_173, %swap3A_174, %swap3A_175], %swap3A_178 {strides = array<i32>} : memref<2x64x256xf32, #tpu.memory_space<vmem>>, vector<1x1x16xf32>,
          %swap3A_179 = arith.constant 1 : i32
          %swap3A_180 = arith.index_cast %swap3A_179 : i32 to index
          %swap3A_181 = arith.index_cast %while3A_144 : i32 to index
          %swap3A_182 = arith.constant 80 : index
          %swap3A_183 = tpu.vector_load %arg9[%swap3A_180, %swap3A_181, %swap3A_182] {strides = array<i32>} : memref<2x64x256xf32, #tpu.memory_space<vmem>>, vector<1x1x16xf32>,
          %swap3A_184 = vector.shape_cast %swap3A_183 : vector<1x1x16xf32> to vector<16xf32>
          %swap3A_185 = vector.shape_cast %broadcast_in_dim3A_37 : vector<16xf32> to vector<1x1x16xf32>
          tpu.vector_store %arg9[%swap3A_180, %swap3A_181, %swap3A_182], %swap3A_185 {strides = array<i32>} : memref<2x64x256xf32, #tpu.memory_space<vmem>>, vector<1x1x16xf32>,
          %swap3A_186 = arith.constant 1 : i32
          %swap3A_187 = arith.index_cast %swap3A_186 : i32 to index
          %swap3A_188 = arith.index_cast %while3A_144 : i32 to index
          %swap3A_189 = arith.constant 96 : index
          %swap3A_190 = tpu.vector_load %arg9[%swap3A_187, %swap3A_188, %swap3A_189] {strides = array<i32>} : memref<2x64x256xf32, #tpu.memory_space<vmem>>, vector<1x1x16xf32>,
          %swap3A_191 = vector.shape_cast %swap3A_190 : vector<1x1x16xf32> to vector<16xf32>
          %swap3A_192 = vector.shape_cast %broadcast_in_dim3A_37 : vector<16xf32> to vector<1x1x16xf32>
          tpu.vector_store %arg9[%swap3A_187, %swap3A_188, %swap3A_189], %swap3A_192 {strides = array<i32>} : memref<2x64x256xf32, #tpu.memory_space<vmem>>, vector<1x1x16xf32>,
          %swap3A_193 = arith.constant 1 : i32
          %swap3A_194 = arith.index_cast %swap3A_193 : i32 to index
          %swap3A_195 = arith.index_cast %while3A_144 : i32 to index
          %swap3A_196 = arith.constant 112 : index
          %swap3A_197 = tpu.vector_load %arg9[%swap3A_194, %swap3A_195, %swap3A_196] {strides = array<i32>} : memref<2x64x256xf32, #tpu.memory_space<vmem>>, vector<1x1x16xf32>,
          %swap3A_198 = vector.shape_cast %swap3A_197 : vector<1x1x16xf32> to vector<16xf32>
          %swap3A_199 = vector.shape_cast %broadcast_in_dim3A_37 : vector<16xf32> to vector<1x1x16xf32>
          tpu.vector_store %arg9[%swap3A_194, %swap3A_195, %swap3A_196], %swap3A_199 {strides = array<i32>} : memref<2x64x256xf32, #tpu.memory_space<vmem>>, vector<1x1x16xf32>,
          %swap3A_200 = arith.constant 1 : i32
          %swap3A_201 = arith.index_cast %swap3A_200 : i32 to index
          %swap3A_202 = arith.index_cast %while3A_144 : i32 to index
          %swap3A_203 = arith.constant 128 : index
          %swap3A_204 = tpu.vector_load %arg9[%swap3A_201, %swap3A_202, %swap3A_203] {strides = array<i32>} : memref<2x64x256xf32, #tpu.memory_space<vmem>>, vector<1x1x16xf32>,
          %swap3A_205 = vector.shape_cast %swap3A_204 : vector<1x1x16xf32> to vector<16xf32>
          %swap3A_206 = vector.shape_cast %broadcast_in_dim3A_37 : vector<16xf32> to vector<1x1x16xf32>
          tpu.vector_store %arg9[%swap3A_201, %swap3A_202, %swap3A_203], %swap3A_206 {strides = array<i32>} : memref<2x64x256xf32, #tpu.memory_space<vmem>>, vector<1x1x16xf32>,
          %swap3A_207 = arith.constant 1 : i32
          %swap3A_208 = arith.index_cast %swap3A_207 : i32 to index
          %swap3A_209 = arith.index_cast %while3A_144 : i32 to index
          %swap3A_210 = arith.constant 144 : index
          %swap3A_211 = tpu.vector_load %arg9[%swap3A_208, %swap3A_209, %swap3A_210] {strides = array<i32>} : memref<2x64x256xf32, #tpu.memory_space<vmem>>, vector<1x1x16xf32>,
          %swap3A_212 = vector.shape_cast %swap3A_211 : vector<1x1x16xf32> to vector<16xf32>
          %swap3A_213 = vector.shape_cast %broadcast_in_dim3A_37 : vector<16xf32> to vector<1x1x16xf32>
          tpu.vector_store %arg9[%swap3A_208, %swap3A_209, %swap3A_210], %swap3A_213 {strides = array<i32>} : memref<2x64x256xf32, #tpu.memory_space<vmem>>, vector<1x1x16xf32>,
          %swap3A_214 = arith.constant 1 : i32
          %swap3A_215 = arith.index_cast %swap3A_214 : i32 to index
          %swap3A_216 = arith.index_cast %while3A_144 : i32 to index
          %swap3A_217 = arith.constant 160 : index
          %swap3A_218 = tpu.vector_load %arg9[%swap3A_215, %swap3A_216, %swap3A_217] {strides = array<i32>} : memref<2x64x256xf32, #tpu.memory_space<vmem>>, vector<1x1x16xf32>,
          %swap3A_219 = vector.shape_cast %swap3A_218 : vector<1x1x16xf32> to vector<16xf32>
          %swap3A_220 = vector.shape_cast %broadcast_in_dim3A_37 : vector<16xf32> to vector<1x1x16xf32>
          tpu.vector_store %arg9[%swap3A_215, %swap3A_216, %swap3A_217], %swap3A_220 {strides = array<i32>} : memref<2x64x256xf32, #tpu.memory_space<vmem>>, vector<1x1x16xf32>,
          %swap3A_221 = arith.constant 1 : i32
          %swap3A_222 = arith.index_cast %swap3A_221 : i32 to index
          %swap3A_223 = arith.index_cast %while3A_144 : i32 to index
          %swap3A_224 = arith.constant 176 : index
          %swap3A_225 = tpu.vector_load %arg9[%swap3A_222, %swap3A_223, %swap3A_224] {strides = array<i32>} : memref<2x64x256xf32, #tpu.memory_space<vmem>>, vector<1x1x16xf32>,
          %swap3A_226 = vector.shape_cast %swap3A_225 : vector<1x1x16xf32> to vector<16xf32>
          %swap3A_227 = vector.shape_cast %broadcast_in_dim3A_37 : vector<16xf32> to vector<1x1x16xf32>
          tpu.vector_store %arg9[%swap3A_222, %swap3A_223, %swap3A_224], %swap3A_227 {strides = array<i32>} : memref<2x64x256xf32, #tpu.memory_space<vmem>>, vector<1x1x16xf32>,
          %swap3A_228 = arith.constant 1 : i32
          %swap3A_229 = arith.index_cast %swap3A_228 : i32 to index
          %swap3A_230 = arith.index_cast %while3A_144 : i32 to index
          %swap3A_231 = arith.constant 192 : index
          %swap3A_232 = tpu.vector_load %arg9[%swap3A_229, %swap3A_230, %swap3A_231] {strides = array<i32>} : memref<2x64x256xf32, #tpu.memory_space<vmem>>, vector<1x1x16xf32>,
          %swap3A_233 = vector.shape_cast %swap3A_232 : vector<1x1x16xf32> to vector<16xf32>
          %swap3A_234 = vector.shape_cast %broadcast_in_dim3A_37 : vector<16xf32> to vector<1x1x16xf32>
          tpu.vector_store %arg9[%swap3A_229, %swap3A_230, %swap3A_231], %swap3A_234 {strides = array<i32>} : memref<2x64x256xf32, #tpu.memory_space<vmem>>, vector<1x1x16xf32>,
          %swap3A_235 = arith.constant 1 : i32
          %swap3A_236 = arith.index_cast %swap3A_235 : i32 to index
          %swap3A_237 = arith.index_cast %while3A_144 : i32 to index
          %swap3A_238 = arith.constant 208 : index
          %swap3A_239 = tpu.vector_load %arg9[%swap3A_236, %swap3A_237, %swap3A_238] {strides = array<i32>} : memref<2x64x256xf32, #tpu.memory_space<vmem>>, vector<1x1x16xf32>,
          %swap3A_240 = vector.shape_cast %swap3A_239 : vector<1x1x16xf32> to vector<16xf32>
          %swap3A_241 = vector.shape_cast %broadcast_in_dim3A_37 : vector<16xf32> to vector<1x1x16xf32>
          tpu.vector_store %arg9[%swap3A_236, %swap3A_237, %swap3A_238], %swap3A_241 {strides = array<i32>} : memref<2x64x256xf32, #tpu.memory_space<vmem>>, vector<1x1x16xf32>,
          %swap3A_242 = arith.constant 1 : i32
          %swap3A_243 = arith.index_cast %swap3A_242 : i32 to index
          %swap3A_244 = arith.index_cast %while3A_144 : i32 to index
          %swap3A_245 = arith.constant 224 : index
          %swap3A_246 = tpu.vector_load %arg9[%swap3A_243, %swap3A_244, %swap3A_245] {strides = array<i32>} : memref<2x64x256xf32, #tpu.memory_space<vmem>>, vector<1x1x16xf32>,
          %swap3A_247 = vector.shape_cast %swap3A_246 : vector<1x1x16xf32> to vector<16xf32>
          %swap3A_248 = vector.shape_cast %broadcast_in_dim3A_37 : vector<16xf32> to vector<1x1x16xf32>
          tpu.vector_store %arg9[%swap3A_243, %swap3A_244, %swap3A_245], %swap3A_248 {strides = array<i32>} : memref<2x64x256xf32, #tpu.memory_space<vmem>>, vector<1x1x16xf32>,
          %swap3A_249 = arith.constant 1 : i32
          %swap3A_250 = arith.index_cast %swap3A_249 : i32 to index
          %swap3A_251 = arith.index_cast %while3A_144 : i32 to index
          %swap3A_252 = arith.constant 240 : index
          %swap3A_253 = tpu.vector_load %arg9[%swap3A_250, %swap3A_251, %swap3A_252] {strides = array<i32>} : memref<2x64x256xf32, #tpu.memory_space<vmem>>, vector<1x1x16xf32>,
          %swap3A_254 = vector.shape_cast %swap3A_253 : vector<1x1x16xf32> to vector<16xf32>
          %swap3A_255 = vector.shape_cast %broadcast_in_dim3A_37 : vector<16xf32> to vector<1x1x16xf32>
          tpu.vector_store %arg9[%swap3A_250, %swap3A_251, %swap3A_252], %swap3A_255 {strides = array<i32>} : memref<2x64x256xf32, #tpu.memory_space<vmem>>, vector<1x1x16xf32>,
        }
        %while3A_143 = arith.constant 1 : i32
        scf.for %while3A_144 = %while3A_141 to %while3A_137 step %while3A_143  : i32 {
          %swap3A = arith.constant 1 : i32
          %swap3A_145 = arith.index_cast %swap3A : i32 to index
          %swap3A_146 = arith.index_cast %while3A_144 : i32 to index
          %swap3A_147 = arith.constant 0 : index
          %swap3A_148 = tpu.vector_load %arg9[%swap3A_145, %swap3A_146, %swap3A_147] {strides = array<i32>} : memref<2x64x256xf32, #tpu.memory_space<vmem>>, vector<1x1x16xf32>,
          %swap3A_149 = vector.shape_cast %swap3A_148 : vector<1x1x16xf32> to vector<16xf32>
          %swap3A_150 = vector.shape_cast %broadcast_in_dim3A_37 : vector<16xf32> to vector<1x1x16xf32>
          tpu.vector_store %arg9[%swap3A_145, %swap3A_146, %swap3A_147], %swap3A_150 {strides = array<i32>} : memref<2x64x256xf32, #tpu.memory_space<vmem>>, vector<1x1x16xf32>,
          %swap3A_151 = arith.constant 1 : i32
          %swap3A_152 = arith.index_cast %swap3A_151 : i32 to index
          %swap3A_153 = arith.index_cast %while3A_144 : i32 to index
          %swap3A_154 = arith.constant 16 : index
          %swap3A_155 = tpu.vector_load %arg9[%swap3A_152, %swap3A_153, %swap3A_154] {strides = array<i32>} : memref<2x64x256xf32, #tpu.memory_space<vmem>>, vector<1x1x16xf32>,
          %swap3A_156 = vector.shape_cast %swap3A_155 : vector<1x1x16xf32> to vector<16xf32>
          %swap3A_157 = vector.shape_cast %broadcast_in_dim3A_37 : vector<16xf32> to vector<1x1x16xf32>
          tpu.vector_store %arg9[%swap3A_152, %swap3A_153, %swap3A_154], %swap3A_157 {strides = array<i32>} : memref<2x64x256xf32, #tpu.memory_space<vmem>>, vector<1x1x16xf32>,
          %swap3A_158 = arith.constant 1 : i32
          %swap3A_159 = arith.index_cast %swap3A_158 : i32 to index
          %swap3A_160 = arith.index_cast %while3A_144 : i32 to index
          %swap3A_161 = arith.constant 32 : index
          %swap3A_162 = tpu.vector_load %arg9[%swap3A_159, %swap3A_160, %swap3A_161] {strides = array<i32>} : memref<2x64x256xf32, #tpu.memory_space<vmem>>, vector<1x1x16xf32>,
          %swap3A_163 = vector.shape_cast %swap3A_162 : vector<1x1x16xf32> to vector<16xf32>
          %swap3A_164 = vector.shape_cast %broadcast_in_dim3A_37 : vector<16xf32> to vector<1x1x16xf32>
          tpu.vector_store %arg9[%swap3A_159, %swap3A_160, %swap3A_161], %swap3A_164 {strides = array<i32>} : memref<2x64x256xf32, #tpu.memory_space<vmem>>, vector<1x1x16xf32>,
          %swap3A_165 = arith.constant 1 : i32
          %swap3A_166 = arith.index_cast %swap3A_165 : i32 to index
          %swap3A_167 = arith.index_cast %while3A_144 : i32 to index
          %swap3A_168 = arith.constant 48 : index
          %swap3A_169 = tpu.vector_load %arg9[%swap3A_166, %swap3A_167, %swap3A_168] {strides = array<i32>} : memref<2x64x256xf32, #tpu.memory_space<vmem>>, vector<1x1x16xf32>,
          %swap3A_170 = vector.shape_cast %swap3A_169 : vector<1x1x16xf32> to vector<16xf32>
          %swap3A_171 = vector.shape_cast %broadcast_in_dim3A_37 : vector<16xf32> to vector<1x1x16xf32>
          tpu.vector_store %arg9[%swap3A_166, %swap3A_167, %swap3A_168], %swap3A_171 {strides = array<i32>} : memref<2x64x256xf32, #tpu.memory_space<vmem>>, vector<1x1x16xf32>,
          %swap3A_172 = arith.constant 1 : i32
          %swap3A_173 = arith.index_cast %swap3A_172 : i32 to index
          %swap3A_174 = arith.index_cast %while3A_144 : i32 to index
          %swap3A_175 = arith.constant 64 : index
          %swap3A_176 = tpu.vector_load %arg9[%swap3A_173, %swap3A_174, %swap3A_175] {strides = array<i32>} : memref<2x64x256xf32, #tpu.memory_space<vmem>>, vector<1x1x16xf32>,
          %swap3A_177 = vector.shape_cast %swap3A_176 : vector<1x1x16xf32> to vector<16xf32>
          %swap3A_178 = vector.shape_cast %broadcast_in_dim3A_37 : vector<16xf32> to vector<1x1x16xf32>
          tpu.vector_store %arg9[%swap3A_173, %swap3A_174, %swap3A_175], %swap3A_178 {strides = array<i32>} : memref<2x64x256xf32, #tpu.memory_space<vmem>>, vector<1x1x16xf32>,
          %swap3A_179 = arith.constant 1 : i32
          %swap3A_180 = arith.index_cast %swap3A_179 : i32 to index
          %swap3A_181 = arith.index_cast %while3A_144 : i32 to index
          %swap3A_182 = arith.constant 80 : index
          %swap3A_183 = tpu.vector_load %arg9[%swap3A_180, %swap3A_181, %swap3A_182] {strides = array<i32>} : memref<2x64x256xf32, #tpu.memory_space<vmem>>, vector<1x1x16xf32>,
          %swap3A_184 = vector.shape_cast %swap3A_183 : vector<1x1x16xf32> to vector<16xf32>
          %swap3A_185 = vector.shape_cast %broadcast_in_dim3A_37 : vector<16xf32> to vector<1x1x16xf32>
          tpu.vector_store %arg9[%swap3A_180, %swap3A_181, %swap3A_182], %swap3A_185 {strides = array<i32>} : memref<2x64x256xf32, #tpu.memory_space<vmem>>, vector<1x1x16xf32>,
          %swap3A_186 = arith.constant 1 : i32
          %swap3A_187 = arith.index_cast %swap3A_186 : i32 to index
          %swap3A_188 = arith.index_cast %while3A_144 : i32 to index
          %swap3A_189 = arith.constant 96 : index
          %swap3A_190 = tpu.vector_load %arg9[%swap3A_187, %swap3A_188, %swap3A_189] {strides = array<i32>} : memref<2x64x256xf32, #tpu.memory_space<vmem>>, vector<1x1x16xf32>,
          %swap3A_191 = vector.shape_cast %swap3A_190 : vector<1x1x16xf32> to vector<16xf32>
          %swap3A_192 = vector.shape_cast %broadcast_in_dim3A_37 : vector<16xf32> to vector<1x1x16xf32>
          tpu.vector_store %arg9[%swap3A_187, %swap3A_188, %swap3A_189], %swap3A_192 {strides = array<i32>} : memref<2x64x256xf32, #tpu.memory_space<vmem>>, vector<1x1x16xf32>,
          %swap3A_193 = arith.constant 1 : i32
          %swap3A_194 = arith.index_cast %swap3A_193 : i32 to index
          %swap3A_195 = arith.index_cast %while3A_144 : i32 to index
          %swap3A_196 = arith.constant 112 : index
          %swap3A_197 = tpu.vector_load %arg9[%swap3A_194, %swap3A_195, %swap3A_196] {strides = array<i32>} : memref<2x64x256xf32, #tpu.memory_space<vmem>>, vector<1x1x16xf32>,
          %swap3A_198 = vector.shape_cast %swap3A_197 : vector<1x1x16xf32> to vector<16xf32>
          %swap3A_199 = vector.shape_cast %broadcast_in_dim3A_37 : vector<16xf32> to vector<1x1x16xf32>
          tpu.vector_store %arg9[%swap3A_194, %swap3A_195, %swap3A_196], %swap3A_199 {strides = array<i32>} : memref<2x64x256xf32, #tpu.memory_space<vmem>>, vector<1x1x16xf32>,
          %swap3A_200 = arith.constant 1 : i32
          %swap3A_201 = arith.index_cast %swap3A_200 : i32 to index
          %swap3A_202 = arith.index_cast %while3A_144 : i32 to index
          %swap3A_203 = arith.constant 128 : index
          %swap3A_204 = tpu.vector_load %arg9[%swap3A_201, %swap3A_202, %swap3A_203] {strides = array<i32>} : memref<2x64x256xf32, #tpu.memory_space<vmem>>, vector<1x1x16xf32>,
          %swap3A_205 = vector.shape_cast %swap3A_204 : vector<1x1x16xf32> to vector<16xf32>
          %swap3A_206 = vector.shape_cast %broadcast_in_dim3A_37 : vector<16xf32> to vector<1x1x16xf32>
          tpu.vector_store %arg9[%swap3A_201, %swap3A_202, %swap3A_203], %swap3A_206 {strides = array<i32>} : memref<2x64x256xf32, #tpu.memory_space<vmem>>, vector<1x1x16xf32>,
          %swap3A_207 = arith.constant 1 : i32
          %swap3A_208 = arith.index_cast %swap3A_207 : i32 to index
          %swap3A_209 = arith.index_cast %while3A_144 : i32 to index
          %swap3A_210 = arith.constant 144 : index
          %swap3A_211 = tpu.vector_load %arg9[%swap3A_208, %swap3A_209, %swap3A_210] {strides = array<i32>} : memref<2x64x256xf32, #tpu.memory_space<vmem>>, vector<1x1x16xf32>,
          %swap3A_212 = vector.shape_cast %swap3A_211 : vector<1x1x16xf32> to vector<16xf32>
          %swap3A_213 = vector.shape_cast %broadcast_in_dim3A_37 : vector<16xf32> to vector<1x1x16xf32>
          tpu.vector_store %arg9[%swap3A_208, %swap3A_209, %swap3A_210], %swap3A_213 {strides = array<i32>} : memref<2x64x256xf32, #tpu.memory_space<vmem>>, vector<1x1x16xf32>,
          %swap3A_214 = arith.constant 1 : i32
          %swap3A_215 = arith.index_cast %swap3A_214 : i32 to index
          %swap3A_216 = arith.index_cast %while3A_144 : i32 to index
          %swap3A_217 = arith.constant 160 : index
          %swap3A_218 = tpu.vector_load %arg9[%swap3A_215, %swap3A_216, %swap3A_217] {strides = array<i32>} : memref<2x64x256xf32, #tpu.memory_space<vmem>>, vector<1x1x16xf32>,
          %swap3A_219 = vector.shape_cast %swap3A_218 : vector<1x1x16xf32> to vector<16xf32>
          %swap3A_220 = vector.shape_cast %broadcast_in_dim3A_37 : vector<16xf32> to vector<1x1x16xf32>
          tpu.vector_store %arg9[%swap3A_215, %swap3A_216, %swap3A_217], %swap3A_220 {strides = array<i32>} : memref<2x64x256xf32, #tpu.memory_space<vmem>>, vector<1x1x16xf32>,
          %swap3A_221 = arith.constant 1 : i32
          %swap3A_222 = arith.index_cast %swap3A_221 : i32 to index
          %swap3A_223 = arith.index_cast %while3A_144 : i32 to index
          %swap3A_224 = arith.constant 176 : index
          %swap3A_225 = tpu.vector_load %arg9[%swap3A_222, %swap3A_223, %swap3A_224] {strides = array<i32>} : memref<2x64x256xf32, #tpu.memory_space<vmem>>, vector<1x1x16xf32>,
          %swap3A_226 = vector.shape_cast %swap3A_225 : vector<1x1x16xf32> to vector<16xf32>
          %swap3A_227 = vector.shape_cast %broadcast_in_dim3A_37 : vector<16xf32> to vector<1x1x16xf32>
          tpu.vector_store %arg9[%swap3A_222, %swap3A_223, %swap3A_224], %swap3A_227 {strides = array<i32>} : memref<2x64x256xf32, #tpu.memory_space<vmem>>, vector<1x1x16xf32>,
          %swap3A_228 = arith.constant 1 : i32
          %swap3A_229 = arith.index_cast %swap3A_228 : i32 to index
          %swap3A_230 = arith.index_cast %while3A_144 : i32 to index
          %swap3A_231 = arith.constant 192 : index
          %swap3A_232 = tpu.vector_load %arg9[%swap3A_229, %swap3A_230, %swap3A_231] {strides = array<i32>} : memref<2x64x256xf32, #tpu.memory_space<vmem>>, vector<1x1x16xf32>,
          %swap3A_233 = vector.shape_cast %swap3A_232 : vector<1x1x16xf32> to vector<16xf32>
          %swap3A_234 = vector.shape_cast %broadcast_in_dim3A_37 : vector<16xf32> to vector<1x1x16xf32>
          tpu.vector_store %arg9[%swap3A_229, %swap3A_230, %swap3A_231], %swap3A_234 {strides = array<i32>} : memref<2x64x256xf32, #tpu.memory_space<vmem>>, vector<1x1x16xf32>,
          %swap3A_235 = arith.constant 1 : i32
          %swap3A_236 = arith.index_cast %swap3A_235 : i32 to index
          %swap3A_237 = arith.index_cast %while3A_144 : i32 to index
          %swap3A_238 = arith.constant 208 : index
          %swap3A_239 = tpu.vector_load %arg9[%swap3A_236, %swap3A_237, %swap3A_238] {strides = array<i32>} : memref<2x64x256xf32, #tpu.memory_space<vmem>>, vector<1x1x16xf32>,
          %swap3A_240 = vector.shape_cast %swap3A_239 : vector<1x1x16xf32> to vector<16xf32>
          %swap3A_241 = vector.shape_cast %broadcast_in_dim3A_37 : vector<16xf32> to vector<1x1x16xf32>
          tpu.vector_store %arg9[%swap3A_236, %swap3A_237, %swap3A_238], %swap3A_241 {strides = array<i32>} : memref<2x64x256xf32, #tpu.memory_space<vmem>>, vector<1x1x16xf32>,
          %swap3A_242 = arith.constant 1 : i32
          %swap3A_243 = arith.index_cast %swap3A_242 : i32 to index
          %swap3A_244 = arith.index_cast %while3A_144 : i32 to index
          %swap3A_245 = arith.constant 224 : index
          %swap3A_246 = tpu.vector_load %arg9[%swap3A_243, %swap3A_244, %swap3A_245] {strides = array<i32>} : memref<2x64x256xf32, #tpu.memory_space<vmem>>, vector<1x1x16xf32>,
          %swap3A_247 = vector.shape_cast %swap3A_246 : vector<1x1x16xf32> to vector<16xf32>
          %swap3A_248 = vector.shape_cast %broadcast_in_dim3A_37 : vector<16xf32> to vector<1x1x16xf32>
          tpu.vector_store %arg9[%swap3A_243, %swap3A_244, %swap3A_245], %swap3A_248 {strides = array<i32>} : memref<2x64x256xf32, #tpu.memory_space<vmem>>, vector<1x1x16xf32>,
          %swap3A_249 = arith.constant 1 : i32
          %swap3A_250 = arith.index_cast %swap3A_249 : i32 to index
          %swap3A_251 = arith.index_cast %while3A_144 : i32 to index
          %swap3A_252 = arith.constant 240 : index
          %swap3A_253 = tpu.vector_load %arg9[%swap3A_250, %swap3A_251, %swap3A_252] {strides = array<i32>} : memref<2x64x256xf32, #tpu.memory_space<vmem>>, vector<1x1x16xf32>,
          %swap3A_254 = vector.shape_cast %swap3A_253 : vector<1x1x16xf32> to vector<16xf32>
          %swap3A_255 = vector.shape_cast %broadcast_in_dim3A_37 : vector<16xf32> to vector<1x1x16xf32>
          tpu.vector_store %arg9[%swap3A_250, %swap3A_251, %swap3A_252], %swap3A_255 {strides = array<i32>} : memref<2x64x256xf32, #tpu.memory_space<vmem>>, vector<1x1x16xf32>,
        }
      } else {
      }
      %add3A_124 = arith.addi %mul3A_32, %mul3A_70 : i32
      %add3A_125 = arith.constant 2 : i32
      %add3A_126 = arith.addi %add3A_124, %add3A_125 : i32
      %dma_start3A_127 = arith.constant 0 : i32
      %dma_start3A_128 = arith.constant 0 : i32
      %dma_start3A_129 = tpu.memref_slice %arg5[%select_n3A, %add3A_126, %dma_start3A_127, %dma_start3A_128] : memref<4x512x64x256xf32, #tpu.memory_space<hbm>> -> memref<1x2x64x256xf32, #tpu.memory_space<hbm>>
      %dma_start3A_130 = tpu.memref_squeeze %dma_start3A_129 : memref<1x2x64x256xf32, #tpu.memory_space<hbm>> -> memref<2x64x256xf32, #tpu.memory_space<hbm>>
      %dma_start3A_131 = arith.constant 0 : i32
      %dma_start3A_132 = arith.constant 0 : i32
      %dma_start3A_133 = tpu.memref_slice %arg5[%select_n3A, %add3A_126, %dma_start3A_131, %dma_start3A_132] : memref<4x512x64x256xf32, #tpu.memory_space<hbm>> -> memref<1x2x64x256xf32, #tpu.memory_space<hbm>>
      %dma_start3A_134 = tpu.memref_squeeze %dma_start3A_133 : memref<1x2x64x256xf32, #tpu.memory_space<hbm>> -> memref<2x64x256xf32, #tpu.memory_space<hbm>>
      tpu.enqueue_dma source(%arg9 : memref<2x64x256xf32, #tpu.memory_space<vmem>>) target(%dma_start3A_134 : memref<2x64x256xf32, #tpu.memory_space<hbm>>) target_semaphore(%arg12 : memref<!tpu.dma_semaphore, #tpu.memory_space<semaphore_mem>>)
    }
    %scan3A_48 = arith.constant 16 : i32
    %dma_wait3A = arith.constant 0 : i32
    %dma_wait3A_49 = arith.constant 0 : i32
    %dma_wait3A_50 = arith.constant 0 : i32
    %dma_wait3A_51 = tpu.memref_slice %arg5[%select_n3A, %dma_wait3A, %dma_wait3A_49, %dma_wait3A_50] : memref<4x512x64x256xf32, #tpu.memory_space<hbm>> -> memref<1x2x64x256xf32, #tpu.memory_space<hbm>>
    %dma_wait3A_52 = tpu.memref_squeeze %dma_wait3A_51 : memref<1x2x64x256xf32, #tpu.memory_space<hbm>> -> memref<2x64x256xf32, #tpu.memory_space<hbm>>
    %dma_wait3A_53 = arith.constant 0 : i32
    %dma_wait3A_54 = arith.constant 0 : i32
    %dma_wait3A_55 = arith.constant 0 : i32
    %dma_wait3A_56 = tpu.memref_slice %arg5[%select_n3A, %dma_wait3A_53, %dma_wait3A_54, %dma_wait3A_55] : memref<4x512x64x256xf32, #tpu.memory_space<hbm>> -> memref<1x2x64x256xf32, #tpu.memory_space<hbm>>
    %dma_wait3A_57 = tpu.memref_squeeze %dma_wait3A_56 : memref<1x2x64x256xf32, #tpu.memory_space<hbm>> -> memref<2x64x256xf32, #tpu.memory_space<hbm>>
    tpu.wait_dma2 semaphore(%arg11 : memref<!tpu.dma_semaphore, #tpu.memory_space<semaphore_mem>>) src(%arg8 : memref<2x64x256xf32, #tpu.memory_space<vmem>>) dst(%dma_wait3A_57 : memref<2x64x256xf32, #tpu.memory_space<hbm>>)
    %dma_wait3A_58 = arith.constant 0 : i32
    %dma_wait3A_59 = arith.constant 0 : i32
    %dma_wait3A_60 = arith.constant 0 : i32
    %dma_wait3A_61 = tpu.memref_slice %arg5[%select_n3A, %dma_wait3A_58, %dma_wait3A_59, %dma_wait3A_60] : memref<4x512x64x256xf32, #tpu.memory_space<hbm>> -> memref<1x2x64x256xf32, #tpu.memory_space<hbm>>
    %dma_wait3A_62 = tpu.memref_squeeze %dma_wait3A_61 : memref<1x2x64x256xf32, #tpu.memory_space<hbm>> -> memref<2x64x256xf32, #tpu.memory_space<hbm>>
    %dma_wait3A_63 = arith.constant 0 : i32
    %dma_wait3A_64 = arith.constant 0 : i32
    %dma_wait3A_65 = arith.constant 0 : i32
    %dma_wait3A_66 = tpu.memref_slice %arg5[%select_n3A, %dma_wait3A_63, %dma_wait3A_64, %dma_wait3A_65] : memref<4x512x64x256xf32, #tpu.memory_space<hbm>> -> memref<1x2x64x256xf32, #tpu.memory_space<hbm>>
    %dma_wait3A_67 = tpu.memref_squeeze %dma_wait3A_66 : memref<1x2x64x256xf32, #tpu.memory_space<hbm>> -> memref<2x64x256xf32, #tpu.memory_space<hbm>>
    tpu.wait_dma2 semaphore(%arg12 : memref<!tpu.dma_semaphore, #tpu.memory_space<semaphore_mem>>) src(%arg9 : memref<2x64x256xf32, #tpu.memory_space<vmem>>) dst(%dma_wait3A_67 : memref<2x64x256xf32, #tpu.memory_space<hbm>>)
    return
  }
}

</mosaic_0001>

<sc_bundles>
// kernel: kernel.3.cloned.1.call-start
scs
__scs_entry_jumppad:
0x0: {  	(pc) =	sbr.rel $0x88, $3  }
0x1: {  	(tag) =	ssettag $0x0;
	lr =	simm.s32 $0x1  }
0x2: {  	[smem:$0x3F9D] =	sst lr;
	_ =	strace $0xD0000000  }
0x3: {  	_ = 	snop  }
0x4: {  	_ = 	snop  }
0x5: {  	_ = 	snop  }
0x6: {  	_ = 	snop  }
0x7: {  	_ = 	snop  }
__scs_overlays_trampoline_lowered:
0x8: {  	[smem:$0x3FAC] =	sst s0  }
0x9: {  	[smem:$0x3FAD] =	sst s1  }
0xa: {  	[smem:$0x3FAE] =	sst s2  }
0xb: {  	[smem:$0x3FAF] =	sst s3  }
0xc: {  	[smem:$0x3FB0] =	sst s4  }
0xd: {  	[smem:$0x3FB1] =	sst s5  }
0xe: {  	[smem:$0x3FB2] =	sst s6  }
0xf: {  	[smem:$0x3FB3] =	sst s7  }
0x10: {  	[smem:$0x3FB4] =	sst s8  }
0x11: {  	[smem:$0x3FB5] =	sst s9;
	s0 =	simm.s32 @!p0 $0x0  }
0x12: {  	s1 =	sld [smem:$0x3F9B];
	s0 =	simm.s32 @p0 $0x1  }
0x13: {  	[smem:$0x3FB6] =	sst s0;
	s0 =	simm.s32 @!p1 $0x0  }
0x14: {  	s2 =	sld [smem:$0x3F9A];
	s0 =	simm.s32 @p1 $0x1  }
0x15: {  	[smem:$0x3FB7] =	sst s0;
	s0 =	simm.s32 @!p2 $0x0  }
0x16: {  	s3 =	sld [smem:$0x3FDB];
	s0 =	simm.s32 @p2 $0x1  }
0x17: {  	s4 =	simm.s32 $0x1BF5;
	[smem:$0x3FB9] =	sst s0  }
0x18: {  	s0 =	sld [smem:$0x3F9C];
	_ =	swait.ge [sflag:s4], $0x0  }
0x19: {  	s7 =	sld [smem:$0x3F9D]  }
0x1a: {  	s8 =	sadd.s32 $0xFFFFE003, lr  }
0x1b: {  	s9 =	sadd.s32 $0xFFFFFEF7, lr;
	s5 =	simm.s32 $0xFFFFFFFF;
	p2 =	slt.u32 s8, $0xFFFFF086  }
0x1c: {  	p1 =	slt.u32 s9, $0xF7A;
	s5 =	simm.s32 @!p2 $0x0  }
0x1d: {  	s5 =	simm.s32 @p1 $0x1;
	p0 =	seq.s32 s7, s2  }
0x1e: {  	s7 =	smul.u32 @!p0 $0xF7A, s2;
	p2 =	seq.s32 @!p0 s5, $0x0  }
0x1f: {  	s9 =	smul.u32 $0xF7A, s1;
	s8 =	simm.s32 @!p0 $0x1BF5;
	p2 =	por !p2, p0  }
0x20: {  	[sflag:s8] =	ssyncset.s32 @!p0 $0xFFFFF086;
	s6 =	sadd.s32 @!p0 s3, s7;
	s7 =	simm.s32 @!p0 $0x108  }
0x21: {  	s3 =	sadd.s32 s3, s9;
	s6 =	sadd.s32 @!p0 $0x88, s6;
	s7 =	simm.s32 @p2 $0x1082  }
0x22: {  	[simem:s7], [sflag:s8] =	dma.local @!p0 [hbm:s6], $0xF7A  }
0x23: {  	s9 =	sor.u32 $0xD0000000, s2;
	s6 =	simm.s32 $0x108;
	_ =	swait.ge @!p0 [sflag:s8], $0x0  }
0x24: {  	s3 =	sadd.s32 $0x88, s3;
	s6 =	simm.s32 @!p1 $0x1082;
	[sflag:s4] =	ssyncset.s32 $0xFFFFF086  }
0x25: {  	[simem:s6], [sflag:s4] =	dma.local [hbm:s3], $0xF7A  }
0x26: {  	[smem:$0x3F9D] =	sst s1;
	(tag) =	ssettag s2;
	_ =	strace s9  }
0x27: {  	s1 =	sld [smem:$0x3FAD]  }
0x28: {  	s2 =	sld [smem:$0x3FAE]  }
0x29: {  	s4 =	sld [smem:$0x3FB0]  }
0x2a: {  	p0 =	seq.s32 s5, $0x0;
	s5 =	sld [smem:$0x3FB1]  }
0x2b: {  	s6 =	sld [smem:$0x3FB2]  }
0x2c: {  	s7 =	sld [smem:$0x3FB3]  }
0x2d: {  	s3 =	simm.s32 $0x108;
	s8 =	sld [smem:$0x3FB4]  }
0x2e: {  	s3 =	simm.s32 @!p0 $0x1082;
	s9 =	sld [smem:$0x3FB5]  }
0x2f: {  	lr =	sadd.s32 s0, s3;
	s0 =	sld [smem:$0x3FAC]  }
0x30: {  	s3 =	sld [smem:$0x3FAF]  }
0x31: {  	[smem:$0x3FB8] =	sst s10  }
0x32: {  	s10 =	sld [smem:$0x3FB6];
	_ =	sdelay $0x3  }
0x33: {  	p0 =	seq.s32 s10, $0x1;
	s10 =	sld [smem:$0x3FB8];
	_ =	sdelay $0x3  }
0x34: {  	[smem:$0x3FB8] =	sst s10  }
0x35: {  	s10 =	sld [smem:$0x3FB7];
	_ =	sdelay $0x3  }
0x36: {  	p1 =	seq.s32 s10, $0x1;
	s10 =	sld [smem:$0x3FB8];
	_ =	sdelay $0x3  }
0x37: {  	[smem:$0x3FB8] =	sst s10  }
0x38: {  	s10 =	sld [smem:$0x3FB9]  }
0x39: {  	_ = 	snop;
	(pc) =	sbr.ind lr, $3  }
0x3a: {  	_ = 	snop  }
0x3b: {  	_ = 	snop  }
0x3c: {  	p2 =	seq.s32 s10, $0x1;
	s10 =	sld [smem:$0x3FB8]  }
0x3d: {  	_ =	shalt  }
0x3e: {  	_ =	shalt  }
0x3f: {  	_ =	shalt  }
0x40: {  	_ =	shalt  }
0x41: {  	_ =	shalt  }
0x42: {  	_ =	shalt  }
0x43: {  	_ =	shalt  }
0x44: {  	_ =	shalt  }
0x45: {  	_ =	shalt  }
0x46: {  	_ =	shalt  }
0x47: {  	_ =	shalt  }
0x48: {  	_ =	shalt  }
0x49: {  	_ =	shalt  }
0x4a: {  	_ =	shalt  }
0x4b: {  	_ =	shalt  }
0x4c: {  	_ =	shalt  }
0x4d: {  	_ =	shalt  }
0x4e: {  	_ =	shalt  }
0x4f: {  	_ =	shalt  }
0x50: {  	_ =	shalt  }
0x51: {  	_ =	shalt  }
0x52: {  	_ =	shalt  }
0x53: {  	_ =	shalt  }
0x54: {  	_ =	shalt  }
0x55: {  	_ =	shalt  }
0x56: {  	_ =	shalt  }
0x57: {  	_ =	shalt  }
0x58: {  	_ =	shalt  }
0x59: {  	_ =	shalt  }
0x5a: {  	_ =	shalt  }
0x5b: {  	_ =	shalt  }
0x5c: {  	_ =	shalt  }
0x5d: {  	_ =	shalt  }
0x5e: {  	_ =	shalt  }
0x5f: {  	_ =	shalt  }
0x60: {  	_ =	shalt  }
0x61: {  	_ =	shalt  }
0x62: {  	_ =	shalt  }
0x63: {  	_ =	shalt  }
0x64: {  	_ =	shalt  }
0x65: {  	_ =	shalt  }
0x66: {  	_ =	shalt  }
0x67: {  	_ =	shalt  }
0x68: {  	_ =	shalt  }
0x69: {  	_ =	shalt  }
0x6a: {  	_ =	shalt  }
0x6b: {  	_ =	shalt  }
0x6c: {  	_ =	shalt  }
0x6d: {  	_ =	shalt  }
0x6e: {  	_ =	shalt  }
0x6f: {  	_ =	shalt  }
0x70: {  	_ =	shalt  }
0x71: {  	_ =	shalt  }
0x72: {  	_ =	shalt  }
0x73: {  	_ =	shalt  }
0x74: {  	_ =	shalt  }
0x75: {  	_ =	shalt  }
0x76: {  	_ =	shalt  }
0x77: {  	_ =	shalt  }
0x78: {  	_ =	shalt  }
0x79: {  	_ =	shalt  }
0x7a: {  	_ =	shalt  }
0x7b: {  	_ =	shalt  }
0x7c: {  	_ =	shalt  }
0x7d: {  	_ =	shalt  }
0x7e: {  	_ =	shalt  }
0x7f: {  	_ =	shalt  }
0x80: {  	_ =	shalt  }
0x81: {  	_ =	shalt  }
0x82: {  	_ =	shalt  }
0x83: {  	_ =	shalt  }
0x84: {  	_ =	shalt  }
0x85: {  	_ =	shalt  }
0x86: {  	_ =	shalt  }
0x87: {  	_ =	shalt  }
.Lfunc_end0:
.L_simem_size_0:
called_computation_lowered:
.L_overlay_start_0:
0x88: {  	s2 =	sld [smem:$0x3FD9]  }
0x89: {  	s3 =	sld [smem:$0x3FFE];
	_ =	sdelay $0x1  }
0x8a: {  	s1 =	srdreg.scid  }
0x8b: {  	s0 =	sand.u32 $0x1, s1  }
0x8c: {  	s17 =	sshll.u32 s0, $0xA;
	s2 =	sadd.s32 s3, s2  }
0x8d: {  	s2 =	sadd.s32 s2, s17  }
0x8e: {  	[smem:$0x3FC4] =	sst s2  }
0x8f: {  	_ = 	snop  }
0x90: {  	s2 =	sld [smem:$0x3FC9]  }
0x91: {  	s18 =	sld [smem:$0x3FC8]  }
0x92: {  	s4 =	sld [smem:$0x3FD0];
	(tm) =	ssettm $0x1  }
0x93: {  	s5 =	sld [smem:$0x3FFB];
	_ =	sdelay $0x3  }
0x94: {  	_ =	strace s5  }
0x95: {  	s5 =	sld [smem:$0x3FFC];
	_ =	sdelay $0x3  }
0x96: {  	_ =	strace s5  }
0x97: {  	s5 =	sld [smem:$0x3FFD];
	_ =	sdelay $0x3  }
0x98: {  	_ =	strace s5  }
0x99: {  	_ =	strace $0x8FFFFFFF  }
0x9a: {  	s19 =	sld [smem:$0x3FDB];
	_ =	sdelay $0x1  }
0x9b: {  	s6 =	simm.s32 $_scs_section_size  }
0x9c: {  	s7 =	simm.s32 $_size__tile_overlayer_lowered;
	s8 =	simm.s32 $_tile_overlayer_lowered  }
0x9d: {  	s22 =	simm.s32 $0x1BFF;
	s21 =	sshll.u32 s8, $0x1;
	s5 =	sadd.s32 s6, s19  }
0x9e: {  	s9 =	simm.s32 $0x0;
	s20 =	sshll.u32 s7, $0x1;
	s7 =	sadd.s32 s21, s5  }
0x9f: {  	[timem:s9], [sflag:s22] =	dma.local [hbm:s7], s20  }
0xa0: {  	_ =	swait.ge [sflag:s22], s20  }
0xa1: {  	s6 =	ssub.s32 $0x0, s20;
	[sflag:s22] =	ssyncset.done $0x0  }
0xa2: {  	[sflag:s22] =	ssyncadd.s32 s6;
	_ =	sdelay $0x1  }
0xa3: {  	s23 =	simm.s32 $0x1B8B  }
0xa4: {  	_ =	swait.ge [sflag:s23], $0x1  }
0xa5: {  	[sflag:s23] =	ssyncset.done $0x0  }
0xa6: {  	s25 =	simm.s32 $0x1B8E;
	s24 =	sld [smem:$0x3FFE];
	[sflag:s23] =	ssyncadd.s32 $0xFFFFFFFF  }
0xa7: {  	s26 =	simm.s32 $execute0_lowered;
	[smem:$0x3FD2] =	sst s25  }
0xa8: {  	s7 =	sshll.u32 s26, $0x1;
	_ =	strace $0x80000046;
	[dreg:$0x1] =	wrdreg $0xFFFFFFFF  }
0xa9: {  	s28 =	simm.s32 $_size_execute0_lowered;
	s5 =	sadd.s32 s5, s7;
	[dreg:$0x0] =	wrdreg $0x0  }
0xaa: {  	s7 =	sshll.u32 s28, $0x1;
	[dreg:$0x2] =	wrdreg s5  }
0xab: {  	[dreg:$0x3] =	wrdreg s7  }
0xac: {  	[dreg:$0x4] =	wrdreg $0xC0  }
0xad: {  	_ =	task [dreg:s9], $0x5FFFF  }
0xae: {  	[dreg:$0x1] =	wrdreg $0xFFFFFFFF  }
0xaf: {  	[dreg:$0x0] =	wrdreg $0x60  }
0xb0: {  	[dreg:$0x2] =	wrdreg s2  }
0xb1: {  	[dreg:$0x3] =	wrdreg s18  }
0xb2: {  	[dreg:$0x4] =	wrdreg s24  }
0xb3: {  	[dreg:$0x5] =	wrdreg s4  }
0xb4: {  	[dreg:$0x6] =	wrdreg $0x9  }
0xb5: {  	_ =	task.clear_ibuf [dreg:s9], $0x7FFFF;
	_ =	strace $0x90000046  }
0xb6: {  	s29 =	simm.s32 $0x9;
	_ =	strace $0x80000048  }
0xb7: {  	_ =	swait.ge [sflag:s29], $0x1  }
0xb8: {  	[sflag:s29] =	ssyncadd.s32 $0xFFFFFFFF  }
0xb9: {  	_ =	strace $0x90000048  }
0xba: {  	_ =	sfence  }
0xbb: {  	s30 =	sld [smem:$0x0];
	_ =	sdelay $0x2  }
0xbc: {  	s31 =	sshll.u32 s1, $0xD;
	s1 =	sshrl.u32 s1, $0x2  }
0xbd: {  	s3 =	sand.u32 $0x4000, s31;
	s1 =	sadd.s32 s1, s30  }
0xbe: {  	s0 =	sor.u32 s3, s0;
	s1 =	sshll.u32 s1, $0x11  }
0xbf: {  	s0 =	sor.u32 s1, s0  }
0xc0: {  	s0 =	sadd.s32 $0x8F2B, s0  }
0xc1: {  	[sflag:s0] =	ssyncadd.remote.s32 $0x1  }
0xc2: {  	_ =	sfence.sel $0xFFFF  }
0xc3: {  	[dreg:$0x0] =	wrdreg $0xFFFFFFFF;
	(pc) =	sbr.abs _section_cstart, $3  }
0xc4: {  	[dreg:$0x1] =	wrdreg $0xFFFFFFFF  }
0xc5: {  	_ =	task.clear_ibuf [dreg:s9], $0x2FFFF;
	_ =	strace $0x9FFFFFFF  }
0xc6: {  	(tm) =	ssettm $0x7FFFFFFF  }
0xc7: {  	_ =	shalt  }
tec
execute0_lowered:
.L_overlay_start_1:
0x0: {  	(tag) =	ssettag $0x1  }
0x1: {  	s6 =	rddreg [dreg:$0x0]  }
0x2: {  	s5 =	rddreg [dreg:$0x1]  }
0x3: {  	s4 =	rddreg [dreg:$0x2]  }
0x4: {  	s1 =	rddreg [dreg:$0x3];
	s2 =	srdreg.scid  }
0x5: {  	s0 =	rddreg [dreg:$0x4];
	s3 =	simm.s32 $0x0;
	s12 =	simm.s32 $0x4000  }
0x6: {  	s13 =	simm.s32 $0x8000;
	s14 =	simm.s32 $0x10000;
	s15 =	simm.s32 $0x1  }
0x7: {  	s16 =	simm.s32 $0x2;
	s17 =	simm.s32 $0x0;
	s7 =	sand.u32 $0x1, s2  }
0x8: {  	s2 =	stileid.u32;
	[smem:$0x7FF] =	sst s3;
	s8 =	ssub.s32 $0x2, s7  }
0x9: {  	s10 =	sshll.u32 s2, $0x1;
	_ =	strace $0x80000047;
	s29 =	sshrl.u32 s2, $0x2  }
0xa: {  	s9 =	sshrl.u32 s8, $0x1;
	s7 =	sor.u32 s7, s10;
	s30 =	sshll.u32 s29, $0xB  }
.Ltmp0:
0xb: {  	s11 =	sshll.u32 s29, $0xE;
	s9 =	ssub.s32 s8, s9;
	(pc) =	sbr.rel .LBB2_1-.Ltmp0, $4  }
0xc: {  	s10 =	sand.u32 $0x7, s7;
	s7 =	sshll.u32 s7, $0x4;
	s5 =	sadd.s32 s5, s30  }
0xd: {  	s6 =	sadd.s32 s6, s11;
	s11 =	simm.s32 $0x3;
	s4 =	sadd.s32 s4, s7  }
0xe: {  	s31 =	sshll.u32 s10, $0xB;
	s7 =	sshll.u32 s29, $0x17;
	s8 =	sshll.u32 s10, $0x14  }
0xf: {  	v0 =	vimm.f32 $0.0e+00;
	s9 =	smax.u32 s9, $0x1;
	s10 =	simm.s32 $0x18000;
	s6 =	sadd.s32 s31, s6  }
.LBB2_55:
0x10: {  	s17 =	sadd.s32 $0x1, s17  }
0x11: {  	_ =	swait.ge [sflag:s15], $0x8000;
	p0 =	sne.s32 s17, s9  }
.Ltmp1:
0x12: {  	[sflag:s15] =	ssyncset.done $0x0;
	(pc) =	sbr.rel @!p0 .LBB2_56-.Ltmp1, $4  }
0x13: {  	[sflag:s15] =	ssyncadd.s32 $0xFFFF8000  }
0x14: {  	_ =	swait.ge [sflag:s16], $0x8000  }
0x15: {  	[sflag:s16] =	ssyncset.done $0x0  }
0x16: {  	[sflag:s16] =	ssyncadd.s32 $0xFFFF8000  }
.LBB2_1:
0x17: {  	[tilespmem:s10], [sflag:$0x3] =	stream.linear.gather [hbm4b:s4+s3], $0x80, $0x38;
	[tilespmem:$0x18080] =	vst v63  }
0x18: {  	_ =	swait.ge [sflag:s11], $0x80  }
0x19: {  	[sflag:s11] =	ssyncset.done $0x0  }
0x1a: {  	[sflag:s11] =	ssyncadd.s32 $0xFFFFFF80  }
0x1b: {  	[tilespmem:s3], [sflag:$0x3] =	stream.linear.gather [hbm4b:s5+s3], $0x4000, $0x38;
	[tilespmem:$0x18080] =	vst v63  }
0x1c: {  	_ =	swait.ge [sflag:s11], $0x4000  }
0x1d: {  	[sflag:s11] =	ssyncset.done $0x0  }
0x1e: {  	[sflag:s11] =	ssyncadd.s32 $0xFFFFC000  }
0x1f: {  	[tilespmem:s12], [sflag:$0x3] =	stream.linear.gather [hbm4b:s6+s3], $0x4000, $0x38;
	[tilespmem:$0x18080] =	vst v63  }
0x20: {  	_ =	swait.ge [sflag:s11], $0x4000  }
0x21: {  	s18 =	sand.u32 $0x3800, s3;
	s19 =	sand.u32 $0x380, s3;
	[sflag:s11] =	ssyncset.done $0x0  }
0x22: {  	s18 =	sor.u32 s19, s18;
	[sflag:s11] =	ssyncadd.s32 $0xFFFFC000  }
0x23: {  	v1 =	vld [tilespmem:$0x18000];
	[tilespmem:s18+$0x14470] =	vst v0  }
0x24: {  	[tilespmem:s18+$0x8000] =	vst v0  }
0x25: {  	[tilespmem:s18+$0x10000] =	vst v0  }
0x26: {  	[tilespmem:s18+$0x8010] =	vst v0  }
0x27: {  	[tilespmem:s18+$0x10010] =	vst v0  }
0x28: {  	[tilespmem:s18+$0x8020] =	vst v0  }
0x29: {  	[tilespmem:s18+$0x10020] =	vst v0  }
0x2a: {  	[tilespmem:s18+$0x8030] =	vst v0  }
0x2b: {  	[tilespmem:s18+$0x10030] =	vst v0  }
0x2c: {  	[tilespmem:s18+$0x8040] =	vst v0  }
0x2d: {  	[tilespmem:s18+$0x10040] =	vst v0  }
0x2e: {  	[tilespmem:s18+$0x8050] =	vst v0  }
0x2f: {  	[tilespmem:s18+$0x10050] =	vst v0  }
0x30: {  	[tilespmem:s18+$0x8060] =	vst v0  }
0x31: {  	[tilespmem:s18+$0x10060] =	vst v0  }
0x32: {  	[tilespmem:s18+$0x8070] =	vst v0  }
0x33: {  	[tilespmem:s18+$0x10070] =	vst v0  }
0x34: {  	[tilespmem:s18+$0x8400] =	vst v0  }
0x35: {  	[tilespmem:s18+$0x10400] =	vst v0  }
0x36: {  	[tilespmem:s18+$0x8410] =	vst v0  }
0x37: {  	[tilespmem:s18+$0x10410] =	vst v0  }
0x38: {  	[tilespmem:s18+$0x8420] =	vst v0  }
0x39: {  	[tilespmem:s18+$0x10420] =	vst v0  }
0x3a: {  	[tilespmem:s18+$0x8430] =	vst v0  }
0x3b: {  	[tilespmem:s18+$0x10430] =	vst v0  }
0x3c: {  	[tilespmem:s18+$0x8440] =	vst v0  }
0x3d: {  	[tilespmem:s18+$0x10440] =	vst v0  }
0x3e: {  	[tilespmem:s18+$0x8450] =	vst v0  }
0x3f: {  	[tilespmem:s18+$0x10450] =	vst v0  }
0x40: {  	[tilespmem:s18+$0x8460] =	vst v0  }
0x41: {  	[tilespmem:s18+$0x10460] =	vst v0  }
0x42: {  	[tilespmem:s18+$0x8470] =	vst v0  }
0x43: {  	[tilespmem:s18+$0x10470] =	vst v0  }
0x44: {  	[tilespmem:s18+$0xC000] =	vst v0  }
0x45: {  	[tilespmem:s18+$0x14000] =	vst v0  }
0x46: {  	[tilespmem:s18+$0xC010] =	vst v0  }
0x47: {  	[tilespmem:s18+$0x14010] =	vst v0  }
0x48: {  	[tilespmem:s18+$0xC020] =	vst v0  }
0x49: {  	[tilespmem:s18+$0x14020] =	vst v0  }
0x4a: {  	[tilespmem:s18+$0xC030] =	vst v0  }
0x4b: {  	[tilespmem:s18+$0x14030] =	vst v0  }
0x4c: {  	[tilespmem:s18+$0xC040] =	vst v0  }
0x4d: {  	[tilespmem:s18+$0x14040] =	vst v0  }
0x4e: {  	[tilespmem:s18+$0xC050] =	vst v0  }
0x4f: {  	[tilespmem:s18+$0x14050] =	vst v0  }
0x50: {  	[tilespmem:s18+$0xC060] =	vst v0  }
0x51: {  	[tilespmem:s18+$0x14060] =	vst v0  }
0x52: {  	[tilespmem:s18+$0xC070] =	vst v0  }
0x53: {  	[tilespmem:s18+$0x14070] =	vst v0  }
0x54: {  	[tilespmem:s18+$0xC400] =	vst v0  }
0x55: {  	[tilespmem:s18+$0x14400] =	vst v0  }
0x56: {  	[tilespmem:s18+$0xC410] =	vst v0  }
0x57: {  	[tilespmem:s18+$0x14410] =	vst v0  }
0x58: {  	[tilespmem:s18+$0xC420] =	vst v0  }
0x59: {  	[tilespmem:s18+$0x14420] =	vst v0  }
0x5a: {  	[tilespmem:s18+$0xC430] =	vst v0  }
0x5b: {  	[tilespmem:s18+$0x14430] =	vst v0  }
0x5c: {  	[tilespmem:s18+$0xC440] =	vst v0  }
0x5d: {  	[tilespmem:s18+$0x14440] =	vst v0  }
0x5e: {  	[tilespmem:s18+$0xC450] =	vst v0  }
0x5f: {  	[tilespmem:s18+$0x14450] =	vst v0  }
0x60: {  	s20 =	simm.s32 $0x100;
	s19 =	simm.s32 $0x80;
	[tilespmem:s18+$0xC460] =	vst v0  }
0x61: {  	s21 =	sand.u32 $0x3800, s20;
	s20 =	simm.s32 $0x200;
	s22 =	sand.u32 $0x380, s19;
	[tilespmem:s18+$0x14460] =	vst v0  }
.LBB2_2:
0x62: {  	p0 =	seq.s32 s20, $0x3F00;
	[tilespmem:s18+$0xC470] =	vst v0;
	s18 =	sor.u32 s22, s21  }
0x63: {  	[tilespmem:s18+$0x14470] =	vst v0  }
0x64: {  	[tilespmem:s18+$0x8000] =	vst v0  }
0x65: {  	[tilespmem:s18+$0x10000] =	vst v0  }
0x66: {  	[tilespmem:s18+$0x8010] =	vst v0  }
0x67: {  	[tilespmem:s18+$0x10010] =	vst v0  }
0x68: {  	[tilespmem:s18+$0x8020] =	vst v0  }
0x69: {  	[tilespmem:s18+$0x10020] =	vst v0  }
0x6a: {  	[tilespmem:s18+$0x8030] =	vst v0  }
0x6b: {  	[tilespmem:s18+$0x10030] =	vst v0  }
0x6c: {  	[tilespmem:s18+$0x8040] =	vst v0  }
0x6d: {  	[tilespmem:s18+$0x10040] =	vst v0  }
0x6e: {  	[tilespmem:s18+$0x8050] =	vst v0  }
0x6f: {  	[tilespmem:s18+$0x10050] =	vst v0  }
0x70: {  	[tilespmem:s18+$0x8060] =	vst v0  }
0x71: {  	[tilespmem:s18+$0x10060] =	vst v0  }
0x72: {  	[tilespmem:s18+$0x8070] =	vst v0  }
0x73: {  	[tilespmem:s18+$0x10070] =	vst v0  }
0x74: {  	[tilespmem:s18+$0x8400] =	vst v0  }
0x75: {  	[tilespmem:s18+$0x10400] =	vst v0  }
0x76: {  	[tilespmem:s18+$0x8410] =	vst v0  }
0x77: {  	[tilespmem:s18+$0x10410] =	vst v0  }
0x78: {  	[tilespmem:s18+$0x8420] =	vst v0  }
0x79: {  	[tilespmem:s18+$0x10420] =	vst v0  }
0x7a: {  	[tilespmem:s18+$0x8430] =	vst v0  }
0x7b: {  	[tilespmem:s18+$0x10430] =	vst v0  }
0x7c: {  	[tilespmem:s18+$0x8440] =	vst v0  }
0x7d: {  	[tilespmem:s18+$0x10440] =	vst v0  }
0x7e: {  	[tilespmem:s18+$0x8450] =	vst v0  }
0x7f: {  	[tilespmem:s18+$0x10450] =	vst v0  }
0x80: {  	[tilespmem:s18+$0x8460] =	vst v0  }
0x81: {  	[tilespmem:s18+$0x10460] =	vst v0  }
0x82: {  	[tilespmem:s18+$0x8470] =	vst v0  }
0x83: {  	[tilespmem:s18+$0x10470] =	vst v0  }
0x84: {  	[tilespmem:s18+$0xC000] =	vst v0  }
0x85: {  	[tilespmem:s18+$0x14000] =	vst v0  }
0x86: {  	[tilespmem:s18+$0xC010] =	vst v0  }
0x87: {  	[tilespmem:s18+$0x14010] =	vst v0  }
0x88: {  	[tilespmem:s18+$0xC020] =	vst v0  }
0x89: {  	[tilespmem:s18+$0x14020] =	vst v0  }
0x8a: {  	[tilespmem:s18+$0xC030] =	vst v0  }
0x8b: {  	[tilespmem:s18+$0x14030] =	vst v0  }
0x8c: {  	[tilespmem:s18+$0xC040] =	vst v0  }
0x8d: {  	[tilespmem:s18+$0x14040] =	vst v0  }
0x8e: {  	[tilespmem:s18+$0xC050] =	vst v0  }
0x8f: {  	[tilespmem:s18+$0x14050] =	vst v0  }
0x90: {  	[tilespmem:s18+$0xC060] =	vst v0  }
0x91: {  	[tilespmem:s18+$0x14060] =	vst v0  }
0x92: {  	[tilespmem:s18+$0xC070] =	vst v0  }
0x93: {  	[tilespmem:s18+$0x14070] =	vst v0  }
0x94: {  	[tilespmem:s18+$0xC400] =	vst v0  }
0x95: {  	[tilespmem:s18+$0x14400] =	vst v0  }
0x96: {  	[tilespmem:s18+$0xC410] =	vst v0  }
0x97: {  	[tilespmem:s18+$0x14410] =	vst v0  }
0x98: {  	[tilespmem:s18+$0xC420] =	vst v0  }
0x99: {  	[tilespmem:s18+$0x14420] =	vst v0  }
0x9a: {  	[tilespmem:s18+$0xC430] =	vst v0  }
0x9b: {  	[tilespmem:s18+$0x14430] =	vst v0  }
0x9c: {  	[tilespmem:s18+$0xC440] =	vst v0  }
.Ltmp2:
0x9d: {  	[tilespmem:s18+$0x14440] =	vst v0;
	(pc) =	sbr.rel @!p0 .LBB2_2-.Ltmp2, $4  }
0x9e: {  	[tilespmem:s18+$0xC450] =	vst v0  }
0x9f: {  	[tilespmem:s18+$0x14450] =	vst v0  }
0xa0: {  	s19 =	sadd.s32 $0x80, s19;
	[tilespmem:s18+$0xC460] =	vst v0  }
0xa1: {  	s21 =	sand.u32 $0x3800, s20;
	s20 =	sadd.s32 $0x100, s20;
	s22 =	sand.u32 $0x380, s19;
	[tilespmem:s18+$0x14460] =	vst v0  }
0xa2: {  	s19 =	sor.u32 s22, s21;
	[tilespmem:s18+$0xC470] =	vst v0  }
0xa3: {  	[tilespmem:s19+$0x14470] =	vst v0  }
0xa4: {  	[tilespmem:s19+$0x8000] =	vst v0  }
0xa5: {  	[tilespmem:s19+$0x10000] =	vst v0  }
0xa6: {  	[tilespmem:s19+$0x8010] =	vst v0  }
0xa7: {  	[tilespmem:s19+$0x10010] =	vst v0  }
0xa8: {  	[tilespmem:s19+$0x8020] =	vst v0  }
0xa9: {  	[tilespmem:s19+$0x10020] =	vst v0  }
0xaa: {  	[tilespmem:s19+$0x8030] =	vst v0  }
0xab: {  	[tilespmem:s19+$0x10030] =	vst v0  }
0xac: {  	[tilespmem:s19+$0x8040] =	vst v0  }
0xad: {  	[tilespmem:s19+$0x10040] =	vst v0  }
0xae: {  	[tilespmem:s19+$0x8050] =	vst v0  }
0xaf: {  	[tilespmem:s19+$0x10050] =	vst v0  }
0xb0: {  	[tilespmem:s19+$0x8060] =	vst v0  }
0xb1: {  	[tilespmem:s19+$0x10060] =	vst v0  }
0xb2: {  	[tilespmem:s19+$0x8070] =	vst v0  }
0xb3: {  	[tilespmem:s19+$0x10070] =	vst v0  }
0xb4: {  	[tilespmem:s19+$0x8400] =	vst v0  }
0xb5: {  	[tilespmem:s19+$0x10400] =	vst v0  }
0xb6: {  	[tilespmem:s19+$0x8410] =	vst v0  }
0xb7: {  	[tilespmem:s19+$0x10410] =	vst v0  }
0xb8: {  	[tilespmem:s19+$0x8420] =	vst v0  }
0xb9: {  	[tilespmem:s19+$0x10420] =	vst v0  }
0xba: {  	[tilespmem:s19+$0x8430] =	vst v0  }
0xbb: {  	[tilespmem:s19+$0x10430] =	vst v0  }
0xbc: {  	[tilespmem:s19+$0x8440] =	vst v0  }
0xbd: {  	[tilespmem:s19+$0x10440] =	vst v0  }
0xbe: {  	[tilespmem:s19+$0x8450] =	vst v0  }
0xbf: {  	[tilespmem:s19+$0x10450] =	vst v0  }
0xc0: {  	[tilespmem:s19+$0x8460] =	vst v0  }
0xc1: {  	[tilespmem:s19+$0x10460] =	vst v0  }
0xc2: {  	[tilespmem:s19+$0x8470] =	vst v0  }
0xc3: {  	[tilespmem:s19+$0x10470] =	vst v0  }
0xc4: {  	[tilespmem:s19+$0xC000] =	vst v0  }
0xc5: {  	[tilespmem:s19+$0x14000] =	vst v0  }
0xc6: {  	[tilespmem:s19+$0xC010] =	vst v0  }
0xc7: {  	[tilespmem:s19+$0x14010] =	vst v0  }
0xc8: {  	[tilespmem:s19+$0xC020] =	vst v0  }
0xc9: {  	[tilespmem:s19+$0x14020] =	vst v0  }
0xca: {  	[tilespmem:s19+$0xC030] =	vst v0  }
0xcb: {  	[tilespmem:s19+$0x14030] =	vst v0  }
0xcc: {  	[tilespmem:s19+$0xC040] =	vst v0  }
0xcd: {  	[tilespmem:s19+$0x14040] =	vst v0  }
0xce: {  	[tilespmem:s19+$0xC050] =	vst v0  }
0xcf: {  	[tilespmem:s19+$0x14050] =	vst v0  }
0xd0: {  	[tilespmem:s19+$0xC060] =	vst v0  }
0xd1: {  	[tilespmem:s19+$0x14060] =	vst v0  }
0xd2: {  	(v2sf) =	vpush v1, $0x0;
	[tilespmem:s19+$0xC070] =	vst v0  }
0xd3: {  	[tilespmem:s19+$0x14070] =	vst v0;
	(v2sf) =	vpush v1, $0x1  }
0xd4: {  	[tilespmem:s19+$0xC400] =	vst v0  }
0xd5: {  	[tilespmem:s19+$0x14400] =	vst v0  }
0xd6: {  	[tilespmem:s19+$0xC410] =	vst v0  }
0xd7: {  	[tilespmem:s19+$0x14410] =	vst v0  }
0xd8: {  	[tilespmem:s19+$0xC420] =	vst v0  }
0xd9: {  	[tilespmem:s19+$0x14420] =	vst v0  }
0xda: {  	[tilespmem:s19+$0xC430] =	vst v0  }
0xdb: {  	[tilespmem:s19+$0x14430] =	vst v0  }
0xdc: {  	[tilespmem:s19+$0xC440] =	vst v0  }
0xdd: {  	[tilespmem:s19+$0x14440] =	vst v0  }
0xde: {  	[tilespmem:s19+$0xC450] =	vst v0  }
.Ltmp3:
0xdf: {  	[tilespmem:s19+$0x14450] =	vst v0;
	(pc) =	sbr.rel .LBB2_4-.Ltmp3, $4  }
0xe0: {  	[tilespmem:s19+$0xC460] =	vst v0  }
0xe1: {  	[tilespmem:s19+$0x14460] =	vst v0;
	s18 =	spop (v2sf)  }
0xe2: {  	[tilespmem:s19+$0xC470] =	vst v0;
	s19 =	spop (v2sf)  }
0xe3: {  	s20 =	simm.s32 $0x0;
	p0 =	slt.s32 s19, $0x1;
	p1 =	sgt.s32 s19, $0x0  }
.LBB2_50:
0xe4: {  	_ = 	snop  }
.LBB2_53:
0xe5: {  	s21 =	sor.u32 s28, s25;
	[tilespmem:s26+$0x70] =	vst @p2 v17  }
0xe6: {  	v17 =	vld [tilespmem:s21+$0x0]  }
0xe7: {  	v18 =	vld [tilespmem:s21+$0x10];
	_ =	sdelay $0x3  }
0xe8: {  	v15 =	vadd.f32 v17, v15  }
0xe9: {  	v16 =	vadd.f32 v18, v16  }
0xea: {  	s22 =	sadd.s32 $0x14000, s21;
	[tilespmem:s21+$0x14000] =	vst v15  }
0xeb: {  	[tilespmem:s22+$0x10] =	vst v16  }
0xec: {  	v61 =	vld [tilespmem:s21+$0x20];
	_ =	sdelay $0x4  }
0xed: {  	v14 =	vadd.f32 v61, v14;
	_ =	sdelay $0x1  }
0xee: {  	[tilespmem:s22+$0x20] =	vst v14  }
0xef: {  	v14 =	vld [tilespmem:s21+$0x30];
	_ =	sdelay $0x4  }
0xf0: {  	v13 =	vadd.f32 v14, v13;
	_ =	sdelay $0x1  }
0xf1: {  	[tilespmem:s22+$0x30] =	vst v13  }
0xf2: {  	v13 =	vld [tilespmem:s21+$0x40];
	_ =	sdelay $0x4  }
0xf3: {  	v12 =	vadd.f32 v13, v12;
	_ =	sdelay $0x1  }
0xf4: {  	[tilespmem:s22+$0x40] =	vst v12  }
0xf5: {  	v12 =	vld [tilespmem:s21+$0x50];
	_ =	sdelay $0x4  }
0xf6: {  	v11 =	vadd.f32 v12, v11;
	_ =	sdelay $0x1  }
0xf7: {  	[tilespmem:s22+$0x50] =	vst v11  }
0xf8: {  	v11 =	vld [tilespmem:s21+$0x60];
	_ =	sdelay $0x4  }
0xf9: {  	v10 =	vadd.f32 v11, v10;
	_ =	sdelay $0x1  }
0xfa: {  	[tilespmem:s22+$0x60] =	vst v10  }
0xfb: {  	v10 =	vld [tilespmem:s21+$0x70];
	_ =	sdelay $0x4  }
0xfc: {  	v9 =	vadd.f32 v10, v9;
	_ =	sdelay $0x1  }
0xfd: {  	[tilespmem:s22+$0x70] =	vst v9  }
0xfe: {  	v9 =	vld [tilespmem:s21+$0x400]  }
0xff: {  	v62 =	vld [tilespmem:s21+$0x410];
	_ =	sdelay $0x3  }
0x100: {  	v7 =	vadd.f32 v9, v7  }
0x101: {  	v8 =	vadd.f32 v62, v8  }
0x102: {  	s31 =	sadd.s32 $0x14400, s21;
	[tilespmem:s21+$0x14400] =	vst v7  }
0x103: {  	[tilespmem:s31+$0x10] =	vst v8  }
0x104: {  	v63 =	vld [tilespmem:s21+$0x420];
	_ =	sdelay $0x4  }
0x105: {  	v6 =	vadd.f32 v63, v6;
	_ =	sdelay $0x1  }
0x106: {  	[tilespmem:s31+$0x20] =	vst v6  }
0x107: {  	v6 =	vld [tilespmem:s21+$0x430];
	_ =	sdelay $0x4  }
0x108: {  	v5 =	vadd.f32 v6, v5;
	_ =	sdelay $0x1  }
0x109: {  	[tilespmem:s31+$0x30] =	vst v5  }
0x10a: {  	v5 =	vld [tilespmem:s21+$0x440];
	_ =	sdelay $0x4  }
0x10b: {  	v3 =	vadd.f32 v5, v3;
	_ =	sdelay $0x1  }
0x10c: {  	[tilespmem:s31+$0x40] =	vst v3  }
0x10d: {  	v3 =	vld [tilespmem:s21+$0x450];
	_ =	sdelay $0x4  }
0x10e: {  	v1 =	vadd.f32 v3, v1;
	_ =	sdelay $0x1  }
0x10f: {  	[tilespmem:s31+$0x50] =	vst v1  }
0x110: {  	v1 =	vld [tilespmem:s21+$0x460];
	_ =	sdelay $0x4  }
0x111: {  	v1 =	vadd.f32 v1, v2;
	_ =	sdelay $0x1  }
0x112: {  	[tilespmem:s31+$0x60] =	vst v1  }
0x113: {  	v1 =	vld [tilespmem:s21+$0x470];
	_ =	sdelay $0x4  }
0x114: {  	v1 =	vadd.f32 v1, v4;
	_ =	sdelay $0x1  }
0x115: {  	[tilespmem:s31+$0x70] =	vst v1  }
.LBB2_54:
0x116: {  	s20 =	sadd.s32 $0x1, s20  }
0x117: {  	p2 =	sne.s32 s20, $0x10  }
.Ltmp4:
0x118: {  	_ = 	snop;
	(pc) =	sbr.rel @!p2 .LBB2_55-.Ltmp4, $4  }
0x119: {  	_ = 	snop  }
0x11a: {  	s21 =	sadd.s32 s23, s1  }
0x11b: {  	s21 =	sadd.s32 $0x1000, s21  }
0x11c: {  	[hbm4b:s21+s3] =	stream.linear.scatter [tilespmem:s14], [sflag:$0x2], $0x8000, $0x38;
	[tilespmem:$0x18080] =	vst v63  }
.LBB2_4:
0x11d: {  	s22 =	sshll.u32 s20, $0x2  }
0x11e: {  	p3 =	slt.s32 s22, s18  }
.Ltmp5:
0x11f: {  	p2 =	seq.s32 s20, $0x0;
	(pc) =	sbr.rel @!p3 .LBB2_5-.Ltmp5, $4  }
0x120: {  	s21 =	simm.s32 @!p2 $0x1  }
0x121: {  	_ =	swait.ge @!p2 [sflag:s21], $0x8000  }
0x122: {  	[sflag:s21] =	ssyncset.done @!p2 $0x0  }
0x123: {  	[sflag:s21] =	ssyncadd.s32 @!p2 $0xFFFF8000;
	s21 =	sshll.u32 s20, $0xA  }
.Ltmp6:
0x124: {  	(pc) =	sbr.rel @p0 .LBB2_17-.Ltmp6, $1  }
0x125: {  	_ =	sdelay $0x3  }
0x126: {  	s23 =	sshll.u32 s20, $0x9  }
0x127: {  	s24 =	sand.u32 $0x3800, s21;
	s23 =	sand.u32 $0x200, s23  }
0x128: {  	s24 =	sor.u32 s23, s24  }
0x129: {  	v15 =	vld [tilespmem:s24+$0x4000]  }
0x12a: {  	v14 =	vld [tilespmem:s24+$0x4010]  }
0x12b: {  	v13 =	vld [tilespmem:s24+$0x4020]  }
0x12c: {  	v12 =	vld [tilespmem:s24+$0x4030]  }
0x12d: {  	v11 =	vld [tilespmem:s24+$0x4040]  }
0x12e: {  	v10 =	vld [tilespmem:s24+$0x4050]  }
0x12f: {  	s23 =	sor.u32 s21, s23;
	v9 =	vld [tilespmem:s24+$0x4060]  }
0x130: {  	v8 =	vld [tilespmem:s24+$0x4070];
	s26 =	sor.u32 $0x400, s23  }
0x131: {  	s30 =	sor.u32 $0x410, s23;
	v7 =	vld [tilespmem:s26+$0x4000]  }
0x132: {  	s31 =	sor.u32 $0x420, s23;
	v5 =	vld [tilespmem:s30+$0x4000]  }
0x133: {  	p4 =	seq.s32 s19, $0x1;
	s25 =	sor.u32 $0x430, s23;
	v1 =	vld [tilespmem:s31+$0x4000]  }
.Ltmp7:
0x134: {  	v2 =	vld [tilespmem:s25+$0x4000];
	s26 =	sor.u32 $0x440, s23;
	(pc) =	sbr.rel @p4 .LBB2_10-.Ltmp7, $4  }
0x135: {  	s30 =	sor.u32 $0x450, s23;
	v3 =	vld [tilespmem:s26+$0x4000]  }
0x136: {  	s31 =	sor.u32 $0x460, s23;
	v4 =	vld [tilespmem:s30+$0x4000]  }
0x137: {  	p3 =	por $0x0, $0x0;
	s25 =	simm.s32 $0x0;
	s23 =	sor.u32 $0x470, s23;
	v6 =	vld [tilespmem:s31+$0x4000]  }
0x138: {  	s28 =	sand.u32 $0xFFFFF800, s25;
	v16 =	vld [tilespmem:s23+$0x4000];
	s29 =	sand.u32 $0x380, s25;
	s26 =	sadd.s32 $0xFFFFFFFF, s19  }
0x139: {  	s23 =	sor.u32 s29, s28  }
0x13a: {  	v17 =	vld [tilespmem:s23+$0x470]  }
0x13b: {  	v18 =	vld [tilespmem:s23+$0x0]  }
0x13c: {  	v19 =	vld [tilespmem:s23+$0x10]  }
0x13d: {  	v20 =	vld [tilespmem:s23+$0x20]  }
0x13e: {  	v21 =	vld [tilespmem:s23+$0x30]  }
0x13f: {  	v22 =	vld [tilespmem:s23+$0x40];
	v17 =	vadd.f32 v17, v16  }
0x140: {  	v24 =	vld [tilespmem:s23+$0x60];
	v18 =	vadd.f32 v18, v15  }
0x141: {  	v23 =	vld [tilespmem:s23+$0x50];
	[tilespmem:s23+$0x8470] =	vst v17;
	v17 =	vadd.f32 v19, v14  }
0x142: {  	v25 =	vld [tilespmem:s23+$0x70];
	[tilespmem:s23+$0x8000] =	vst v18;
	v18 =	vadd.f32 v20, v13  }
0x143: {  	p4 =	seq.s32 s26, $0x1;
	v26 =	vld [tilespmem:s23+$0x400];
	v19 =	vadd.f32 v21, v12;
	[tilespmem:s23+$0x8010] =	vst v17  }
.Ltmp8:
0x144: {  	v20 =	vadd.f32 v22, v11;
	[tilespmem:s23+$0x8020] =	vst v18;
	v17 =	vld [tilespmem:s23+$0x410];
	(pc) =	sbr.rel @p4 .LBB2_13-.Ltmp8, $4  }
0x145: {  	v22 =	vadd.f32 v24, v9;
	[tilespmem:s23+$0x8030] =	vst v19;
	v18 =	vld [tilespmem:s23+$0x420]  }
0x146: {  	v21 =	vadd.f32 v23, v10;
	[tilespmem:s23+$0x8040] =	vst v20;
	v19 =	vld [tilespmem:s23+$0x430]  }
0x147: {  	s24 =	simm.s32 $0x100;
	s25 =	simm.s32 $0x80;
	s26 =	sadd.s32 $0xFFFFFFFF, s26;
	v20 =	vld [tilespmem:s23+$0x440];
	[tilespmem:s23+$0x8060] =	vst v22;
	v22 =	vadd.f32 v25, v8  }
0x148: {  	p3 =	por $0x1, $0x1;
	s28 =	sand.u32 $0xFFFFF800, s24;
	s29 =	sand.u32 $0x380, s25;
	v23 =	vadd.f32 v26, v7;
	[tilespmem:s23+$0x8050] =	vst v21;
	v21 =	vld [tilespmem:s23+$0x450]  }
.LBB2_12:
0x149: {  	p4 =	seq.s32 s26, $0x1;
	s28 =	sor.u32 s29, s28;
	[tilespmem:s23+$0x8070] =	vst v22;
	v17 =	vadd.f32 v17, v5;
	v22 =	vld [tilespmem:s23+$0x460]  }
0x14a: {  	v24 =	vld [tilespmem:s28+$0x470];
	[tilespmem:s23+$0x8400] =	vst v23;
	v18 =	vadd.f32 v18, v1  }
0x14b: {  	v23 =	vld [tilespmem:s28+$0x0];
	[tilespmem:s23+$0x8410] =	vst v17;
	v17 =	vadd.f32 v19, v2  }
0x14c: {  	v19 =	vld [tilespmem:s28+$0x10];
	[tilespmem:s23+$0x8420] =	vst v18;
	v18 =	vadd.f32 v20, v3  }
0x14d: {  	v20 =	vld [tilespmem:s28+$0x20];
	[tilespmem:s23+$0x8430] =	vst v17;
	v17 =	vadd.f32 v21, v4  }
0x14e: {  	v21 =	vld [tilespmem:s28+$0x30];
	[tilespmem:s23+$0x8440] =	vst v18;
	v18 =	vadd.f32 v22, v6  }
0x14f: {  	v22 =	vld [tilespmem:s28+$0x40];
	v24 =	vadd.f32 v24, v16;
	[tilespmem:s23+$0x8450] =	vst v17  }
0x150: {  	v17 =	vadd.f32 v23, v15;
	v23 =	vld [tilespmem:s28+$0x50];
	[tilespmem:s23+$0x8460] =	vst v18;
	s23 =	smov.u32 s28  }
0x151: {  	v18 =	vadd.f32 v19, v14;
	v19 =	vld [tilespmem:s23+$0x60];
	[tilespmem:s23+$0x8470] =	vst v24  }
0x152: {  	[tilespmem:s23+$0x8000] =	vst v17;
	v17 =	vadd.f32 v20, v13;
	v20 =	vld [tilespmem:s23+$0x70]  }
0x153: {  	[tilespmem:s23+$0x8010] =	vst v18;
	v18 =	vadd.f32 v21, v12;
	v21 =	vld [tilespmem:s23+$0x400]  }
.Ltmp9:
0x154: {  	[tilespmem:s23+$0x8020] =	vst v17;
	v22 =	vadd.f32 v22, v11;
	v17 =	vld [tilespmem:s23+$0x410];
	(pc) =	sbr.rel @!p4 .LBB2_12-.Ltmp9, $4  }
0x155: {  	[tilespmem:s23+$0x8030] =	vst v18;
	v23 =	vadd.f32 v23, v10;
	v18 =	vld [tilespmem:s23+$0x420]  }
0x156: {  	[tilespmem:s23+$0x8040] =	vst v22;
	v24 =	vadd.f32 v19, v9;
	v19 =	vld [tilespmem:s23+$0x430]  }
0x157: {  	s25 =	sadd.s32 $0x80, s25;
	s24 =	sadd.s32 $0x100, s24;
	[tilespmem:s23+$0x8050] =	vst v23;
	v22 =	vadd.f32 v20, v8;
	v20 =	vld [tilespmem:s23+$0x440]  }
0x158: {  	s26 =	sadd.s32 $0xFFFFFFFF, s26;
	s29 =	sand.u32 $0x380, s25;
	s28 =	sand.u32 $0xFFFFF800, s24;
	[tilespmem:s23+$0x8060] =	vst v24;
	v23 =	vadd.f32 v21, v7;
	v21 =	vld [tilespmem:s23+$0x450]  }
.LBB2_13:
0x159: {  	[tilespmem:s23+$0x8070] =	vst @p3 v22;
	s24 =	sor.u32 s29, s28;
	v22 =	vld @p3 [tilespmem:s23+$0x460];
	v17 =	vadd.f32 @p3 v17, v5  }
0x15a: {  	v24 =	vld [tilespmem:s24+$0x470];
	[tilespmem:s23+$0x8400] =	vst @p3 v23;
	v18 =	vadd.f32 @p3 v18, v1  }
0x15b: {  	v23 =	vld [tilespmem:s24+$0x0];
	[tilespmem:s23+$0x8410] =	vst @p3 v17;
	v19 =	vadd.f32 @p3 v19, v2  }
0x15c: {  	v17 =	vld [tilespmem:s24+$0x10];
	[tilespmem:s23+$0x8420] =	vst @p3 v18;
	v20 =	vadd.f32 @p3 v20, v3  }
0x15d: {  	v18 =	vld [tilespmem:s24+$0x20];
	[tilespmem:s23+$0x8430] =	vst @p3 v19;
	v21 =	vadd.f32 @p3 v21, v4  }
0x15e: {  	v19 =	vld [tilespmem:s24+$0x30];
	[tilespmem:s23+$0x8440] =	vst @p3 v20;
	v22 =	vadd.f32 @p3 v22, v6  }
0x15f: {  	v20 =	vld [tilespmem:s24+$0x40];
	[tilespmem:s23+$0x8450] =	vst @p3 v21;
	v16 =	vadd.f32 v24, v16  }
0x160: {  	v21 =	vld [tilespmem:s24+$0x50];
	v15 =	vadd.f32 v23, v15;
	[tilespmem:s23+$0x8460] =	vst @p3 v22  }
0x161: {  	v14 =	vadd.f32 v17, v14;
	v54 =	vld [tilespmem:s24+$0x60];
	[tilespmem:s24+$0x8470] =	vst v16  }
0x162: {  	v55 =	vld [tilespmem:s24+$0x70];
	[tilespmem:s24+$0x8000] =	vst v15;
	v13 =	vadd.f32 v18, v13  }
0x163: {  	v56 =	vld [tilespmem:s24+$0x400];
	[tilespmem:s24+$0x8010] =	vst v14;
	v12 =	vadd.f32 v19, v12  }
0x164: {  	v57 =	vld [tilespmem:s24+$0x410];
	[tilespmem:s24+$0x8020] =	vst v13;
	v11 =	vadd.f32 v20, v11  }
0x165: {  	v58 =	vld [tilespmem:s24+$0x420];
	[tilespmem:s24+$0x8030] =	vst v12;
	v10 =	vadd.f32 v21, v10  }
0x166: {  	v59 =	vld [tilespmem:s24+$0x430];
	[tilespmem:s24+$0x8040] =	vst v11;
	v9 =	vadd.f32 v54, v9  }
0x167: {  	v60 =	vld [tilespmem:s24+$0x440];
	v8 =	vadd.f32 v55, v8;
	[tilespmem:s24+$0x8050] =	vst v10  }
0x168: {  	v61 =	vld [tilespmem:s24+$0x450];
	v7 =	vadd.f32 v56, v7;
	[tilespmem:s24+$0x8060] =	vst v9  }
0x169: {  	v63 =	vld [tilespmem:s24+$0x460];
	v62 =	vadd.f32 v57, v5;
	[tilespmem:s24+$0x8070] =	vst v8  }
0x16a: {  	v1 =	vadd.f32 v58, v1;
	[tilespmem:s24+$0x8400] =	vst v7  }
0x16b: {  	v2 =	vadd.f32 v59, v2;
	[tilespmem:s24+$0x8410] =	vst v62  }
.Ltmp10:
0x16c: {  	[tilespmem:s24+$0x8420] =	vst v1;
	v1 =	vadd.f32 v60, v3;
	(pc) =	sbr.rel .LBB2_17-.Ltmp10, $4  }
0x16d: {  	[tilespmem:s24+$0x8430] =	vst v2;
	v2 =	vadd.f32 v61, v4  }
0x16e: {  	[tilespmem:s24+$0x8440] =	vst v1;
	v1 =	vadd.f32 v63, v6  }
0x16f: {  	[tilespmem:s24+$0x8450] =	vst v2  }
0x170: {  	[tilespmem:s24+$0x8460] =	vst v1  }
.LBB2_5:
.Ltmp11:
0x171: {  	(pc) =	sbr.rel @!p1 .LBB2_17-.Ltmp11, $2  }
0x172: {  	_ =	sdelay $0x2  }
0x173: {  	s25 =	simm.s32 $0x0  }
0x174: {  	p4 =	sne.s32 s19, $0x1  }
.Ltmp12:
0x175: {  	_ = 	snop;
	(pc) =	sbr.rel @!p4 .LBB2_7-.Ltmp12, $3  }
0x176: {  	_ =	sdelay $0x1  }
0x177: {  	s28 =	sand.u32 $0xFFFFF800, s25  }
0x178: {  	s29 =	sand.u32 $0x380, s25;
	s26 =	sadd.s32 $0xFFFFFFFF, s19;
	p3 =	por $0x0, $0x0  }
0x179: {  	s23 =	sor.u32 s29, s28  }
0x17a: {  	[tilespmem:s23+$0x8470] =	vst v0  }
0x17b: {  	[tilespmem:s23+$0x8000] =	vst v0  }
0x17c: {  	[tilespmem:s23+$0x8010] =	vst v0  }
0x17d: {  	[tilespmem:s23+$0x8020] =	vst v0  }
0x17e: {  	[tilespmem:s23+$0x8030] =	vst v0  }
0x17f: {  	[tilespmem:s23+$0x8040] =	vst v0  }
0x180: {  	[tilespmem:s23+$0x8050] =	vst v0  }
0x181: {  	[tilespmem:s23+$0x8060] =	vst v0  }
0x182: {  	[tilespmem:s23+$0x8070] =	vst v0  }
0x183: {  	p4 =	sne.s32 s26, $0x1;
	[tilespmem:s23+$0x8400] =	vst v0  }
.Ltmp13:
0x184: {  	[tilespmem:s23+$0x8410] =	vst v0;
	(pc) =	sbr.rel @!p4 .LBB2_16-.Ltmp13, $4  }
0x185: {  	[tilespmem:s23+$0x8420] =	vst v0  }
0x186: {  	[tilespmem:s23+$0x8430] =	vst v0  }
0x187: {  	s24 =	sadd.s32 $0x100, s25;
	s25 =	sadd.s32 $0x80, s25;
	s26 =	sadd.s32 $0xFFFFFFFF, s26;
	[tilespmem:s23+$0x8440] =	vst v0  }
0x188: {  	p3 =	por $0x1, $0x1;
	s28 =	sand.u32 $0xFFFFF800, s24;
	s29 =	sand.u32 $0x380, s25;
	[tilespmem:s23+$0x8450] =	vst v0  }
.LBB2_15:
0x189: {  	p4 =	sne.s32 s26, $0x1;
	[tilespmem:s23+$0x8460] =	vst v0;
	s23 =	sor.u32 s29, s28  }
0x18a: {  	[tilespmem:s23+$0x8470] =	vst v0  }
0x18b: {  	[tilespmem:s23+$0x8000] =	vst v0  }
0x18c: {  	[tilespmem:s23+$0x8010] =	vst v0  }
0x18d: {  	[tilespmem:s23+$0x8020] =	vst v0  }
0x18e: {  	[tilespmem:s23+$0x8030] =	vst v0  }
0x18f: {  	[tilespmem:s23+$0x8040] =	vst v0  }
0x190: {  	[tilespmem:s23+$0x8050] =	vst v0  }
0x191: {  	[tilespmem:s23+$0x8060] =	vst v0  }
0x192: {  	[tilespmem:s23+$0x8070] =	vst v0  }
0x193: {  	[tilespmem:s23+$0x8400] =	vst v0  }
.Ltmp14:
0x194: {  	[tilespmem:s23+$0x8410] =	vst v0;
	(pc) =	sbr.rel @p4 .LBB2_15-.Ltmp14, $4  }
0x195: {  	[tilespmem:s23+$0x8420] =	vst v0  }
0x196: {  	[tilespmem:s23+$0x8430] =	vst v0  }
0x197: {  	s25 =	sadd.s32 $0x80, s25;
	s24 =	sadd.s32 $0x100, s24;
	[tilespmem:s23+$0x8440] =	vst v0  }
0x198: {  	s26 =	sadd.s32 $0xFFFFFFFF, s26;
	s28 =	sand.u32 $0xFFFFF800, s24;
	s29 =	sand.u32 $0x380, s25;
	[tilespmem:s23+$0x8450] =	vst v0  }
.LBB2_16:
0x199: {  	s24 =	sor.u32 s29, s28;
	[tilespmem:s23+$0x8460] =	vst @p3 v0  }
0x19a: {  	[tilespmem:s24+$0x8470] =	vst v0  }
0x19b: {  	[tilespmem:s24+$0x8000] =	vst v0  }
0x19c: {  	[tilespmem:s24+$0x8010] =	vst v0  }
0x19d: {  	[tilespmem:s24+$0x8020] =	vst v0  }
0x19e: {  	[tilespmem:s24+$0x8030] =	vst v0  }
0x19f: {  	[tilespmem:s24+$0x8040] =	vst v0  }
0x1a0: {  	[tilespmem:s24+$0x8050] =	vst v0  }
0x1a1: {  	[tilespmem:s24+$0x8060] =	vst v0  }
0x1a2: {  	[tilespmem:s24+$0x8070] =	vst v0  }
0x1a3: {  	[tilespmem:s24+$0x8400] =	vst v0  }
0x1a4: {  	[tilespmem:s24+$0x8410] =	vst v0  }
0x1a5: {  	[tilespmem:s24+$0x8420] =	vst v0  }
0x1a6: {  	[tilespmem:s24+$0x8430] =	vst v0  }
0x1a7: {  	[tilespmem:s24+$0x8440] =	vst v0  }
0x1a8: {  	[tilespmem:s24+$0x8450] =	vst v0  }
0x1a9: {  	[tilespmem:s24+$0x8460] =	vst v0  }
.LBB2_17:
0x1aa: {  	s23 =	sor.u32 $0x1, s22  }
0x1ab: {  	p3 =	slt.s32 s23, s18  }
.Ltmp15:
0x1ac: {  	_ = 	snop;
	(pc) =	sbr.rel @!p3 .LBB2_18-.Ltmp15, $1  }
0x1ad: {  	_ =	sdelay $0x3  }
.Ltmp16:
0x1ae: {  	(pc) =	sbr.rel @p0 .LBB2_30-.Ltmp16, $1  }
0x1af: {  	_ =	sdelay $0x3  }
0x1b0: {  	s23 =	sshll.u32 s23, $0x7  }
0x1b1: {  	s24 =	sand.u32 $0x3800, s21;
	s23 =	sand.u32 $0x280, s23  }
0x1b2: {  	s24 =	sor.u32 s23, s24  }
0x1b3: {  	v15 =	vld [tilespmem:s24+$0x4000]  }
0x1b4: {  	v14 =	vld [tilespmem:s24+$0x4010]  }
0x1b5: {  	v13 =	vld [tilespmem:s24+$0x4020]  }
0x1b6: {  	v12 =	vld [tilespmem:s24+$0x4030]  }
0x1b7: {  	v11 =	vld [tilespmem:s24+$0x4040]  }
0x1b8: {  	v10 =	vld [tilespmem:s24+$0x4050]  }
0x1b9: {  	s23 =	sor.u32 s21, s23;
	v9 =	vld [tilespmem:s24+$0x4060]  }
0x1ba: {  	v8 =	vld [tilespmem:s24+$0x4070];
	s26 =	sor.u32 $0x400, s23  }
0x1bb: {  	s30 =	sor.u32 $0x410, s23;
	v7 =	vld [tilespmem:s26+$0x4000]  }
0x1bc: {  	s31 =	sor.u32 $0x420, s23;
	v5 =	vld [tilespmem:s30+$0x4000]  }
0x1bd: {  	p4 =	seq.s32 s19, $0x1;
	s25 =	sor.u32 $0x430, s23;
	v1 =	vld [tilespmem:s31+$0x4000]  }
.Ltmp17:
0x1be: {  	v2 =	vld [tilespmem:s25+$0x4000];
	s26 =	sor.u32 $0x440, s23;
	(pc) =	sbr.rel @p4 .LBB2_23-.Ltmp17, $4  }
0x1bf: {  	s30 =	sor.u32 $0x450, s23;
	v3 =	vld [tilespmem:s26+$0x4000]  }
0x1c0: {  	s31 =	sor.u32 $0x460, s23;
	v4 =	vld [tilespmem:s30+$0x4000]  }
0x1c1: {  	p3 =	por $0x0, $0x0;
	s25 =	simm.s32 $0x0;
	s23 =	sor.u32 $0x470, s23;
	v6 =	vld [tilespmem:s31+$0x4000]  }
0x1c2: {  	s28 =	sand.u32 $0xFFFFF800, s25;
	v16 =	vld [tilespmem:s23+$0x4000];
	s29 =	sand.u32 $0x380, s25;
	s26 =	sadd.s32 $0xFFFFFFFF, s19  }
0x1c3: {  	s23 =	sor.u32 s29, s28  }
0x1c4: {  	v17 =	vld [tilespmem:s23+$0x470]  }
0x1c5: {  	v18 =	vld [tilespmem:s23+$0x0]  }
0x1c6: {  	v19 =	vld [tilespmem:s23+$0x10]  }
0x1c7: {  	v20 =	vld [tilespmem:s23+$0x20]  }
0x1c8: {  	v21 =	vld [tilespmem:s23+$0x30]  }
0x1c9: {  	v22 =	vld [tilespmem:s23+$0x40];
	v17 =	vadd.f32 v17, v16  }
0x1ca: {  	v24 =	vld [tilespmem:s23+$0x60];
	v18 =	vadd.f32 v18, v15  }
0x1cb: {  	v23 =	vld [tilespmem:s23+$0x50];
	[tilespmem:s23+$0xC470] =	vst v17;
	v17 =	vadd.f32 v19, v14  }
0x1cc: {  	v25 =	vld [tilespmem:s23+$0x70];
	[tilespmem:s23+$0xC000] =	vst v18;
	v18 =	vadd.f32 v20, v13  }
0x1cd: {  	p4 =	seq.s32 s26, $0x1;
	v26 =	vld [tilespmem:s23+$0x400];
	v19 =	vadd.f32 v21, v12;
	[tilespmem:s23+$0xC010] =	vst v17  }
.Ltmp18:
0x1ce: {  	v20 =	vadd.f32 v22, v11;
	[tilespmem:s23+$0xC020] =	vst v18;
	v17 =	vld [tilespmem:s23+$0x410];
	(pc) =	sbr.rel @p4 .LBB2_26-.Ltmp18, $4  }
0x1cf: {  	v22 =	vadd.f32 v24, v9;
	[tilespmem:s23+$0xC030] =	vst v19;
	v18 =	vld [tilespmem:s23+$0x420]  }
0x1d0: {  	v21 =	vadd.f32 v23, v10;
	[tilespmem:s23+$0xC040] =	vst v20;
	v19 =	vld [tilespmem:s23+$0x430]  }
0x1d1: {  	s24 =	simm.s32 $0x100;
	s25 =	simm.s32 $0x80;
	s26 =	sadd.s32 $0xFFFFFFFF, s26;
	v20 =	vld [tilespmem:s23+$0x440];
	[tilespmem:s23+$0xC060] =	vst v22;
	v22 =	vadd.f32 v25, v8  }
0x1d2: {  	p3 =	por $0x1, $0x1;
	s28 =	sand.u32 $0xFFFFF800, s24;
	s29 =	sand.u32 $0x380, s25;
	v23 =	vadd.f32 v26, v7;
	[tilespmem:s23+$0xC050] =	vst v21;
	v21 =	vld [tilespmem:s23+$0x450]  }
.LBB2_25:
0x1d3: {  	p4 =	seq.s32 s26, $0x1;
	s28 =	sor.u32 s29, s28;
	[tilespmem:s23+$0xC070] =	vst v22;
	v17 =	vadd.f32 v17, v5;
	v22 =	vld [tilespmem:s23+$0x460]  }
0x1d4: {  	v24 =	vld [tilespmem:s28+$0x470];
	[tilespmem:s23+$0xC400] =	vst v23;
	v18 =	vadd.f32 v18, v1  }
0x1d5: {  	v23 =	vld [tilespmem:s28+$0x0];
	[tilespmem:s23+$0xC410] =	vst v17;
	v17 =	vadd.f32 v19, v2  }
0x1d6: {  	v19 =	vld [tilespmem:s28+$0x10];
	[tilespmem:s23+$0xC420] =	vst v18;
	v18 =	vadd.f32 v20, v3  }
0x1d7: {  	v20 =	vld [tilespmem:s28+$0x20];
	[tilespmem:s23+$0xC430] =	vst v17;
	v17 =	vadd.f32 v21, v4  }
0x1d8: {  	v21 =	vld [tilespmem:s28+$0x30];
	[tilespmem:s23+$0xC440] =	vst v18;
	v18 =	vadd.f32 v22, v6  }
0x1d9: {  	v22 =	vld [tilespmem:s28+$0x40];
	v24 =	vadd.f32 v24, v16;
	[tilespmem:s23+$0xC450] =	vst v17  }
0x1da: {  	v17 =	vadd.f32 v23, v15;
	v23 =	vld [tilespmem:s28+$0x50];
	[tilespmem:s23+$0xC460] =	vst v18;
	s23 =	smov.u32 s28  }
0x1db: {  	v18 =	vadd.f32 v19, v14;
	v19 =	vld [tilespmem:s23+$0x60];
	[tilespmem:s23+$0xC470] =	vst v24  }
0x1dc: {  	[tilespmem:s23+$0xC000] =	vst v17;
	v17 =	vadd.f32 v20, v13;
	v20 =	vld [tilespmem:s23+$0x70]  }
0x1dd: {  	[tilespmem:s23+$0xC010] =	vst v18;
	v18 =	vadd.f32 v21, v12;
	v21 =	vld [tilespmem:s23+$0x400]  }
.Ltmp19:
0x1de: {  	[tilespmem:s23+$0xC020] =	vst v17;
	v22 =	vadd.f32 v22, v11;
	v17 =	vld [tilespmem:s23+$0x410];
	(pc) =	sbr.rel @!p4 .LBB2_25-.Ltmp19, $4  }
0x1df: {  	[tilespmem:s23+$0xC030] =	vst v18;
	v23 =	vadd.f32 v23, v10;
	v18 =	vld [tilespmem:s23+$0x420]  }
0x1e0: {  	[tilespmem:s23+$0xC040] =	vst v22;
	v24 =	vadd.f32 v19, v9;
	v19 =	vld [tilespmem:s23+$0x430]  }
0x1e1: {  	s25 =	sadd.s32 $0x80, s25;
	s24 =	sadd.s32 $0x100, s24;
	[tilespmem:s23+$0xC050] =	vst v23;
	v22 =	vadd.f32 v20, v8;
	v20 =	vld [tilespmem:s23+$0x440]  }
0x1e2: {  	s26 =	sadd.s32 $0xFFFFFFFF, s26;
	s29 =	sand.u32 $0x380, s25;
	s28 =	sand.u32 $0xFFFFF800, s24;
	[tilespmem:s23+$0xC060] =	vst v24;
	v23 =	vadd.f32 v21, v7;
	v21 =	vld [tilespmem:s23+$0x450]  }
.LBB2_26:
0x1e3: {  	[tilespmem:s23+$0xC070] =	vst @p3 v22;
	s24 =	sor.u32 s29, s28;
	v22 =	vld @p3 [tilespmem:s23+$0x460];
	v17 =	vadd.f32 @p3 v17, v5  }
0x1e4: {  	v24 =	vld [tilespmem:s24+$0x470];
	[tilespmem:s23+$0xC400] =	vst @p3 v23;
	v18 =	vadd.f32 @p3 v18, v1  }
0x1e5: {  	v23 =	vld [tilespmem:s24+$0x0];
	[tilespmem:s23+$0xC410] =	vst @p3 v17;
	v19 =	vadd.f32 @p3 v19, v2  }
0x1e6: {  	v17 =	vld [tilespmem:s24+$0x10];
	[tilespmem:s23+$0xC420] =	vst @p3 v18;
	v20 =	vadd.f32 @p3 v20, v3  }
0x1e7: {  	v18 =	vld [tilespmem:s24+$0x20];
	[tilespmem:s23+$0xC430] =	vst @p3 v19;
	v21 =	vadd.f32 @p3 v21, v4  }
0x1e8: {  	v19 =	vld [tilespmem:s24+$0x30];
	[tilespmem:s23+$0xC440] =	vst @p3 v20;
	v22 =	vadd.f32 @p3 v22, v6  }
0x1e9: {  	v20 =	vld [tilespmem:s24+$0x40];
	[tilespmem:s23+$0xC450] =	vst @p3 v21;
	v16 =	vadd.f32 v24, v16  }
0x1ea: {  	v21 =	vld [tilespmem:s24+$0x50];
	v15 =	vadd.f32 v23, v15;
	[tilespmem:s23+$0xC460] =	vst @p3 v22  }
0x1eb: {  	v14 =	vadd.f32 v17, v14;
	v54 =	vld [tilespmem:s24+$0x60];
	[tilespmem:s24+$0xC470] =	vst v16  }
0x1ec: {  	v55 =	vld [tilespmem:s24+$0x70];
	[tilespmem:s24+$0xC000] =	vst v15;
	v13 =	vadd.f32 v18, v13  }
0x1ed: {  	v56 =	vld [tilespmem:s24+$0x400];
	[tilespmem:s24+$0xC010] =	vst v14;
	v12 =	vadd.f32 v19, v12  }
0x1ee: {  	v57 =	vld [tilespmem:s24+$0x410];
	[tilespmem:s24+$0xC020] =	vst v13;
	v11 =	vadd.f32 v20, v11  }
0x1ef: {  	v58 =	vld [tilespmem:s24+$0x420];
	[tilespmem:s24+$0xC030] =	vst v12;
	v10 =	vadd.f32 v21, v10  }
0x1f0: {  	v59 =	vld [tilespmem:s24+$0x430];
	[tilespmem:s24+$0xC040] =	vst v11;
	v9 =	vadd.f32 v54, v9  }
0x1f1: {  	v60 =	vld [tilespmem:s24+$0x440];
	v8 =	vadd.f32 v55, v8;
	[tilespmem:s24+$0xC050] =	vst v10  }
0x1f2: {  	v61 =	vld [tilespmem:s24+$0x450];
	v7 =	vadd.f32 v56, v7;
	[tilespmem:s24+$0xC060] =	vst v9  }
0x1f3: {  	v63 =	vld [tilespmem:s24+$0x460];
	v62 =	vadd.f32 v57, v5;
	[tilespmem:s24+$0xC070] =	vst v8  }
0x1f4: {  	v1 =	vadd.f32 v58, v1;
	[tilespmem:s24+$0xC400] =	vst v7  }
0x1f5: {  	v2 =	vadd.f32 v59, v2;
	[tilespmem:s24+$0xC410] =	vst v62  }
.Ltmp20:
0x1f6: {  	[tilespmem:s24+$0xC420] =	vst v1;
	v1 =	vadd.f32 v60, v3;
	(pc) =	sbr.rel .LBB2_30-.Ltmp20, $4  }
0x1f7: {  	[tilespmem:s24+$0xC430] =	vst v2;
	v2 =	vadd.f32 v61, v4  }
0x1f8: {  	[tilespmem:s24+$0xC440] =	vst v1;
	v1 =	vadd.f32 v63, v6  }
0x1f9: {  	[tilespmem:s24+$0xC450] =	vst v2  }
0x1fa: {  	[tilespmem:s24+$0xC460] =	vst v1  }
.LBB2_18:
.Ltmp21:
0x1fb: {  	(pc) =	sbr.rel @!p1 .LBB2_30-.Ltmp21, $2  }
0x1fc: {  	_ =	sdelay $0x2  }
0x1fd: {  	s25 =	simm.s32 $0x0  }
0x1fe: {  	p4 =	sne.s32 s19, $0x1  }
.Ltmp22:
0x1ff: {  	_ = 	snop;
	(pc) =	sbr.rel @!p4 .LBB2_20-.Ltmp22, $3  }
0x200: {  	_ =	sdelay $0x1  }
0x201: {  	s28 =	sand.u32 $0xFFFFF800, s25  }
0x202: {  	s29 =	sand.u32 $0x380, s25;
	s26 =	sadd.s32 $0xFFFFFFFF, s19;
	p3 =	por $0x0, $0x0  }
0x203: {  	s23 =	sor.u32 s29, s28  }
0x204: {  	[tilespmem:s23+$0xC470] =	vst v0  }
0x205: {  	[tilespmem:s23+$0xC000] =	vst v0  }
0x206: {  	[tilespmem:s23+$0xC010] =	vst v0  }
0x207: {  	[tilespmem:s23+$0xC020] =	vst v0  }
0x208: {  	[tilespmem:s23+$0xC030] =	vst v0  }
0x209: {  	[tilespmem:s23+$0xC040] =	vst v0  }
0x20a: {  	[tilespmem:s23+$0xC050] =	vst v0  }
0x20b: {  	[tilespmem:s23+$0xC060] =	vst v0  }
0x20c: {  	[tilespmem:s23+$0xC070] =	vst v0  }
0x20d: {  	p4 =	sne.s32 s26, $0x1;
	[tilespmem:s23+$0xC400] =	vst v0  }
.Ltmp23:
0x20e: {  	[tilespmem:s23+$0xC410] =	vst v0;
	(pc) =	sbr.rel @!p4 .LBB2_29-.Ltmp23, $4  }
0x20f: {  	[tilespmem:s23+$0xC420] =	vst v0  }
0x210: {  	[tilespmem:s23+$0xC430] =	vst v0  }
0x211: {  	s24 =	sadd.s32 $0x100, s25;
	s25 =	sadd.s32 $0x80, s25;
	s26 =	sadd.s32 $0xFFFFFFFF, s26;
	[tilespmem:s23+$0xC440] =	vst v0  }
0x212: {  	p3 =	por $0x1, $0x1;
	s28 =	sand.u32 $0xFFFFF800, s24;
	s29 =	sand.u32 $0x380, s25;
	[tilespmem:s23+$0xC450] =	vst v0  }
.LBB2_28:
0x213: {  	p4 =	sne.s32 s26, $0x1;
	[tilespmem:s23+$0xC460] =	vst v0;
	s23 =	sor.u32 s29, s28  }
0x214: {  	[tilespmem:s23+$0xC470] =	vst v0  }
0x215: {  	[tilespmem:s23+$0xC000] =	vst v0  }
0x216: {  	[tilespmem:s23+$0xC010] =	vst v0  }
0x217: {  	[tilespmem:s23+$0xC020] =	vst v0  }
0x218: {  	[tilespmem:s23+$0xC030] =	vst v0  }
0x219: {  	[tilespmem:s23+$0xC040] =	vst v0  }
0x21a: {  	[tilespmem:s23+$0xC050] =	vst v0  }
0x21b: {  	[tilespmem:s23+$0xC060] =	vst v0  }
0x21c: {  	[tilespmem:s23+$0xC070] =	vst v0  }
0x21d: {  	[tilespmem:s23+$0xC400] =	vst v0  }
.Ltmp24:
0x21e: {  	[tilespmem:s23+$0xC410] =	vst v0;
	(pc) =	sbr.rel @p4 .LBB2_28-.Ltmp24, $4  }
0x21f: {  	[tilespmem:s23+$0xC420] =	vst v0  }
0x220: {  	[tilespmem:s23+$0xC430] =	vst v0  }
0x221: {  	s25 =	sadd.s32 $0x80, s25;
	s24 =	sadd.s32 $0x100, s24;
	[tilespmem:s23+$0xC440] =	vst v0  }
0x222: {  	s26 =	sadd.s32 $0xFFFFFFFF, s26;
	s28 =	sand.u32 $0xFFFFF800, s24;
	s29 =	sand.u32 $0x380, s25;
	[tilespmem:s23+$0xC450] =	vst v0  }
.LBB2_29:
0x223: {  	s24 =	sor.u32 s29, s28;
	[tilespmem:s23+$0xC460] =	vst @p3 v0  }
0x224: {  	[tilespmem:s24+$0xC470] =	vst v0  }
0x225: {  	[tilespmem:s24+$0xC000] =	vst v0  }
0x226: {  	[tilespmem:s24+$0xC010] =	vst v0  }
0x227: {  	[tilespmem:s24+$0xC020] =	vst v0  }
0x228: {  	[tilespmem:s24+$0xC030] =	vst v0  }
0x229: {  	[tilespmem:s24+$0xC040] =	vst v0  }
0x22a: {  	[tilespmem:s24+$0xC050] =	vst v0  }
0x22b: {  	[tilespmem:s24+$0xC060] =	vst v0  }
0x22c: {  	[tilespmem:s24+$0xC070] =	vst v0  }
0x22d: {  	[tilespmem:s24+$0xC400] =	vst v0  }
0x22e: {  	[tilespmem:s24+$0xC410] =	vst v0  }
0x22f: {  	[tilespmem:s24+$0xC420] =	vst v0  }
0x230: {  	[tilespmem:s24+$0xC430] =	vst v0  }
0x231: {  	[tilespmem:s24+$0xC440] =	vst v0  }
0x232: {  	[tilespmem:s24+$0xC450] =	vst v0  }
0x233: {  	[tilespmem:s24+$0xC460] =	vst v0  }
.LBB2_30:
0x234: {  	s23 =	sshll.u32 s20, $0x10  }
0x235: {  	s23 =	sadd.s32 s8, s23  }
0x236: {  	s23 =	sor.u32 s7, s23  }
0x237: {  	s23 =	sshrl.u32 s23, $0x3  }
0x238: {  	s24 =	sadd.s32 s1, s23  }
0x239: {  	[hbm4b:s24+s3] =	stream.linear.scatter [tilespmem:s13], [sflag:$0x1], $0x8000, $0x38;
	[tilespmem:$0x18080] =	vst v63  }
0x23a: {  	s24 =	sor.u32 $0x2, s22  }
0x23b: {  	p3 =	slt.s32 s24, s18  }
.Ltmp25:
0x23c: {  	_ = 	snop;
	(pc) =	sbr.rel @!p3 .LBB2_31-.Ltmp25, $4  }
0x23d: {  	s25 =	simm.s32 @!p2 $0x2  }
0x23e: {  	_ =	swait.ge @!p2 [sflag:s25], $0x8000  }
0x23f: {  	[sflag:s25] =	ssyncset.done @!p2 $0x0  }
0x240: {  	[sflag:s25] =	ssyncadd.s32 @!p2 $0xFFFF8000  }
.Ltmp26:
0x241: {  	(pc) =	sbr.rel @p0 .LBB2_43-.Ltmp26, $1  }
0x242: {  	_ =	sdelay $0x3  }
0x243: {  	s24 =	sshll.u32 s24, $0x7  }
0x244: {  	s25 =	sand.u32 $0x3800, s21;
	s24 =	sand.u32 $0x300, s24  }
0x245: {  	s25 =	sor.u32 s24, s25  }
0x246: {  	v15 =	vld [tilespmem:s25+$0x4000]  }
0x247: {  	v14 =	vld [tilespmem:s25+$0x4010]  }
0x248: {  	v13 =	vld [tilespmem:s25+$0x4020]  }
0x249: {  	v12 =	vld [tilespmem:s25+$0x4030]  }
0x24a: {  	v11 =	vld [tilespmem:s25+$0x4040]  }
0x24b: {  	v10 =	vld [tilespmem:s25+$0x4050]  }
0x24c: {  	s24 =	sor.u32 s21, s24;
	v9 =	vld [tilespmem:s25+$0x4060]  }
0x24d: {  	v8 =	vld [tilespmem:s25+$0x4070];
	s31 =	sor.u32 $0x400, s24  }
0x24e: {  	s26 =	sor.u32 $0x410, s24;
	v7 =	vld [tilespmem:s31+$0x4000]  }
0x24f: {  	v5 =	vld [tilespmem:s26+$0x4000];
	s31 =	sor.u32 $0x420, s24  }
0x250: {  	p3 =	seq.s32 s19, $0x1;
	s26 =	sor.u32 $0x430, s24;
	v1 =	vld [tilespmem:s31+$0x4000]  }
.Ltmp27:
0x251: {  	v2 =	vld [tilespmem:s26+$0x4000];
	s31 =	sor.u32 $0x440, s24;
	(pc) =	sbr.rel @p3 .LBB2_36-.Ltmp27, $4  }
0x252: {  	s26 =	sor.u32 $0x450, s24;
	v3 =	vld [tilespmem:s31+$0x4000]  }
0x253: {  	v4 =	vld [tilespmem:s26+$0x4000];
	s31 =	sor.u32 $0x460, s24  }
0x254: {  	s28 =	sadd.s32 $0xFFFFFFFF, s19;
	s26 =	simm.s32 $0x0;
	s24 =	sor.u32 $0x470, s24;
	v6 =	vld [tilespmem:s31+$0x4000]  }
0x255: {  	p2 =	por $0x0, $0x0;
	s29 =	sand.u32 $0xFFFFF800, s26;
	v16 =	vld [tilespmem:s24+$0x4000];
	s30 =	sand.u32 $0x380, s26  }
0x256: {  	s24 =	sor.u32 s30, s29  }
0x257: {  	v17 =	vld [tilespmem:s24+$0x470]  }
0x258: {  	v18 =	vld [tilespmem:s24+$0x0]  }
0x259: {  	v19 =	vld [tilespmem:s24+$0x10]  }
0x25a: {  	v20 =	vld [tilespmem:s24+$0x20]  }
0x25b: {  	v21 =	vld [tilespmem:s24+$0x30]  }
0x25c: {  	v22 =	vld [tilespmem:s24+$0x40];
	v17 =	vadd.f32 v17, v16  }
0x25d: {  	v24 =	vld [tilespmem:s24+$0x60];
	v18 =	vadd.f32 v18, v15  }
0x25e: {  	v23 =	vld [tilespmem:s24+$0x50];
	[tilespmem:s24+$0x10470] =	vst v17;
	v17 =	vadd.f32 v19, v14  }
0x25f: {  	v25 =	vld [tilespmem:s24+$0x70];
	[tilespmem:s24+$0x10000] =	vst v18;
	v18 =	vadd.f32 v20, v13  }
0x260: {  	p3 =	seq.s32 s28, $0x1;
	v26 =	vld [tilespmem:s24+$0x400];
	v19 =	vadd.f32 v21, v12;
	[tilespmem:s24+$0x10010] =	vst v17  }
.Ltmp28:
0x261: {  	v20 =	vadd.f32 v22, v11;
	[tilespmem:s24+$0x10020] =	vst v18;
	v17 =	vld [tilespmem:s24+$0x410];
	(pc) =	sbr.rel @p3 .LBB2_39-.Ltmp28, $4  }
0x262: {  	v22 =	vadd.f32 v24, v9;
	[tilespmem:s24+$0x10030] =	vst v19;
	v18 =	vld [tilespmem:s24+$0x420]  }
0x263: {  	v21 =	vadd.f32 v23, v10;
	[tilespmem:s24+$0x10040] =	vst v20;
	v19 =	vld [tilespmem:s24+$0x430]  }
0x264: {  	s25 =	simm.s32 $0x100;
	s26 =	simm.s32 $0x80;
	s28 =	sadd.s32 $0xFFFFFFFF, s28;
	v20 =	vld [tilespmem:s24+$0x440];
	[tilespmem:s24+$0x10060] =	vst v22;
	v22 =	vadd.f32 v25, v8  }
0x265: {  	p2 =	por $0x1, $0x1;
	s29 =	sand.u32 $0xFFFFF800, s25;
	s30 =	sand.u32 $0x380, s26;
	v23 =	vadd.f32 v26, v7;
	[tilespmem:s24+$0x10050] =	vst v21;
	v21 =	vld [tilespmem:s24+$0x450]  }
.LBB2_38:
0x266: {  	p3 =	seq.s32 s28, $0x1;
	s29 =	sor.u32 s30, s29;
	[tilespmem:s24+$0x10070] =	vst v22;
	v17 =	vadd.f32 v17, v5;
	v22 =	vld [tilespmem:s24+$0x460]  }
0x267: {  	v24 =	vld [tilespmem:s29+$0x470];
	[tilespmem:s24+$0x10400] =	vst v23;
	v18 =	vadd.f32 v18, v1  }
0x268: {  	v23 =	vld [tilespmem:s29+$0x0];
	[tilespmem:s24+$0x10410] =	vst v17;
	v17 =	vadd.f32 v19, v2  }
0x269: {  	v19 =	vld [tilespmem:s29+$0x10];
	[tilespmem:s24+$0x10420] =	vst v18;
	v18 =	vadd.f32 v20, v3  }
0x26a: {  	v20 =	vld [tilespmem:s29+$0x20];
	[tilespmem:s24+$0x10430] =	vst v17;
	v17 =	vadd.f32 v21, v4  }
0x26b: {  	v21 =	vld [tilespmem:s29+$0x30];
	[tilespmem:s24+$0x10440] =	vst v18;
	v18 =	vadd.f32 v22, v6  }
0x26c: {  	v22 =	vld [tilespmem:s29+$0x40];
	v24 =	vadd.f32 v24, v16;
	[tilespmem:s24+$0x10450] =	vst v17  }
0x26d: {  	v17 =	vadd.f32 v23, v15;
	v23 =	vld [tilespmem:s29+$0x50];
	[tilespmem:s24+$0x10460] =	vst v18;
	s24 =	smov.u32 s29  }
0x26e: {  	v18 =	vadd.f32 v19, v14;
	v19 =	vld [tilespmem:s24+$0x60];
	[tilespmem:s24+$0x10470] =	vst v24  }
0x26f: {  	[tilespmem:s24+$0x10000] =	vst v17;
	v17 =	vadd.f32 v20, v13;
	v20 =	vld [tilespmem:s24+$0x70]  }
0x270: {  	[tilespmem:s24+$0x10010] =	vst v18;
	v18 =	vadd.f32 v21, v12;
	v21 =	vld [tilespmem:s24+$0x400]  }
.Ltmp29:
0x271: {  	[tilespmem:s24+$0x10020] =	vst v17;
	v22 =	vadd.f32 v22, v11;
	v17 =	vld [tilespmem:s24+$0x410];
	(pc) =	sbr.rel @!p3 .LBB2_38-.Ltmp29, $4  }
0x272: {  	[tilespmem:s24+$0x10030] =	vst v18;
	v23 =	vadd.f32 v23, v10;
	v18 =	vld [tilespmem:s24+$0x420]  }
0x273: {  	[tilespmem:s24+$0x10040] =	vst v22;
	v24 =	vadd.f32 v19, v9;
	v19 =	vld [tilespmem:s24+$0x430]  }
0x274: {  	s26 =	sadd.s32 $0x80, s26;
	s25 =	sadd.s32 $0x100, s25;
	[tilespmem:s24+$0x10050] =	vst v23;
	v22 =	vadd.f32 v20, v8;
	v20 =	vld [tilespmem:s24+$0x440]  }
0x275: {  	s28 =	sadd.s32 $0xFFFFFFFF, s28;
	s30 =	sand.u32 $0x380, s26;
	s29 =	sand.u32 $0xFFFFF800, s25;
	[tilespmem:s24+$0x10060] =	vst v24;
	v23 =	vadd.f32 v21, v7;
	v21 =	vld [tilespmem:s24+$0x450]  }
.LBB2_39:
0x276: {  	[tilespmem:s24+$0x10070] =	vst @p2 v22;
	s25 =	sor.u32 s30, s29;
	v22 =	vld @p2 [tilespmem:s24+$0x460];
	v17 =	vadd.f32 @p2 v17, v5  }
0x277: {  	v24 =	vld [tilespmem:s25+$0x470];
	[tilespmem:s24+$0x10400] =	vst @p2 v23;
	v18 =	vadd.f32 @p2 v18, v1  }
0x278: {  	v23 =	vld [tilespmem:s25+$0x0];
	[tilespmem:s24+$0x10410] =	vst @p2 v17;
	v19 =	vadd.f32 @p2 v19, v2  }
0x279: {  	v17 =	vld [tilespmem:s25+$0x10];
	[tilespmem:s24+$0x10420] =	vst @p2 v18;
	v20 =	vadd.f32 @p2 v20, v3  }
0x27a: {  	v18 =	vld [tilespmem:s25+$0x20];
	[tilespmem:s24+$0x10430] =	vst @p2 v19;
	v21 =	vadd.f32 @p2 v21, v4  }
0x27b: {  	v19 =	vld [tilespmem:s25+$0x30];
	[tilespmem:s24+$0x10440] =	vst @p2 v20;
	v22 =	vadd.f32 @p2 v22, v6  }
0x27c: {  	v20 =	vld [tilespmem:s25+$0x40];
	[tilespmem:s24+$0x10450] =	vst @p2 v21;
	v16 =	vadd.f32 v24, v16  }
0x27d: {  	v21 =	vld [tilespmem:s25+$0x50];
	v15 =	vadd.f32 v23, v15;
	[tilespmem:s24+$0x10460] =	vst @p2 v22  }
0x27e: {  	v14 =	vadd.f32 v17, v14;
	v54 =	vld [tilespmem:s25+$0x60];
	[tilespmem:s25+$0x10470] =	vst v16  }
0x27f: {  	v55 =	vld [tilespmem:s25+$0x70];
	[tilespmem:s25+$0x10000] =	vst v15;
	v13 =	vadd.f32 v18, v13  }
0x280: {  	v56 =	vld [tilespmem:s25+$0x400];
	[tilespmem:s25+$0x10010] =	vst v14;
	v12 =	vadd.f32 v19, v12  }
0x281: {  	v57 =	vld [tilespmem:s25+$0x410];
	[tilespmem:s25+$0x10020] =	vst v13;
	v11 =	vadd.f32 v20, v11  }
0x282: {  	v58 =	vld [tilespmem:s25+$0x420];
	[tilespmem:s25+$0x10030] =	vst v12;
	v10 =	vadd.f32 v21, v10  }
0x283: {  	v59 =	vld [tilespmem:s25+$0x430];
	[tilespmem:s25+$0x10040] =	vst v11;
	v9 =	vadd.f32 v54, v9  }
0x284: {  	v60 =	vld [tilespmem:s25+$0x440];
	v8 =	vadd.f32 v55, v8;
	[tilespmem:s25+$0x10050] =	vst v10  }
0x285: {  	v61 =	vld [tilespmem:s25+$0x450];
	v7 =	vadd.f32 v56, v7;
	[tilespmem:s25+$0x10060] =	vst v9  }
0x286: {  	v63 =	vld [tilespmem:s25+$0x460];
	v62 =	vadd.f32 v57, v5;
	[tilespmem:s25+$0x10070] =	vst v8  }
0x287: {  	v1 =	vadd.f32 v58, v1;
	[tilespmem:s25+$0x10400] =	vst v7  }
0x288: {  	v2 =	vadd.f32 v59, v2;
	[tilespmem:s25+$0x10410] =	vst v62  }
.Ltmp30:
0x289: {  	[tilespmem:s25+$0x10420] =	vst v1;
	v1 =	vadd.f32 v60, v3;
	(pc) =	sbr.rel .LBB2_43-.Ltmp30, $4  }
0x28a: {  	[tilespmem:s25+$0x10430] =	vst v2;
	v2 =	vadd.f32 v61, v4  }
0x28b: {  	[tilespmem:s25+$0x10440] =	vst v1;
	v1 =	vadd.f32 v63, v6  }
0x28c: {  	[tilespmem:s25+$0x10450] =	vst v2  }
0x28d: {  	[tilespmem:s25+$0x10460] =	vst v1  }
.LBB2_31:
.Ltmp31:
0x28e: {  	(pc) =	sbr.rel @!p1 .LBB2_43-.Ltmp31, $2  }
0x28f: {  	_ =	sdelay $0x2  }
0x290: {  	s26 =	simm.s32 $0x0  }
0x291: {  	p3 =	sne.s32 s19, $0x1  }
.Ltmp32:
0x292: {  	_ = 	snop;
	(pc) =	sbr.rel @!p3 .LBB2_33-.Ltmp32, $3  }
0x293: {  	_ =	sdelay $0x1  }
0x294: {  	s29 =	sand.u32 $0xFFFFF800, s26  }
0x295: {  	s30 =	sand.u32 $0x380, s26;
	s28 =	sadd.s32 $0xFFFFFFFF, s19;
	p2 =	por $0x0, $0x0  }
0x296: {  	s25 =	sor.u32 s30, s29  }
0x297: {  	s24 =	sadd.s32 $0x10000, s25;
	[tilespmem:s25+$0x10000] =	vst v0  }
0x298: {  	[tilespmem:s24+$0x10] =	vst v0  }
0x299: {  	[tilespmem:s24+$0x20] =	vst v0  }
0x29a: {  	[tilespmem:s24+$0x30] =	vst v0  }
0x29b: {  	[tilespmem:s24+$0x40] =	vst v0  }
0x29c: {  	[tilespmem:s24+$0x50] =	vst v0  }
0x29d: {  	[tilespmem:s24+$0x60] =	vst v0  }
0x29e: {  	[tilespmem:s24+$0x70] =	vst v0  }
0x29f: {  	[tilespmem:s24+$0x400] =	vst v0  }
0x2a0: {  	p3 =	sne.s32 s28, $0x1;
	[tilespmem:s24+$0x410] =	vst v0  }
.Ltmp33:
0x2a1: {  	[tilespmem:s24+$0x420] =	vst v0;
	(pc) =	sbr.rel @!p3 .LBB2_42-.Ltmp33, $4  }
0x2a2: {  	[tilespmem:s24+$0x430] =	vst v0  }
0x2a3: {  	[tilespmem:s24+$0x440] =	vst v0  }
0x2a4: {  	s28 =	sadd.s32 $0xFFFFFFFF, s28;
	s25 =	sadd.s32 $0x100, s26;
	s26 =	sadd.s32 $0x80, s26;
	[tilespmem:s24+$0x450] =	vst v0  }
0x2a5: {  	p2 =	por $0x1, $0x1;
	s29 =	sand.u32 $0xFFFFF800, s25;
	s30 =	sand.u32 $0x380, s26;
	[tilespmem:s24+$0x460] =	vst v0  }
.LBB2_41:
0x2a6: {  	p3 =	sne.s32 s28, $0x1;
	s29 =	sor.u32 s30, s29;
	[tilespmem:s24+$0x470] =	vst v0  }
0x2a7: {  	s24 =	sadd.s32 $0x10000, s29;
	[tilespmem:s29+$0x10000] =	vst v0  }
0x2a8: {  	[tilespmem:s24+$0x10] =	vst v0  }
0x2a9: {  	[tilespmem:s24+$0x20] =	vst v0  }
0x2aa: {  	[tilespmem:s24+$0x30] =	vst v0  }
0x2ab: {  	[tilespmem:s24+$0x40] =	vst v0  }
0x2ac: {  	[tilespmem:s24+$0x50] =	vst v0  }
0x2ad: {  	[tilespmem:s24+$0x60] =	vst v0  }
0x2ae: {  	[tilespmem:s24+$0x70] =	vst v0  }
0x2af: {  	[tilespmem:s24+$0x400] =	vst v0  }
0x2b0: {  	[tilespmem:s24+$0x410] =	vst v0  }
.Ltmp34:
0x2b1: {  	[tilespmem:s24+$0x420] =	vst v0;
	(pc) =	sbr.rel @p3 .LBB2_41-.Ltmp34, $4  }
0x2b2: {  	[tilespmem:s24+$0x430] =	vst v0  }
0x2b3: {  	[tilespmem:s24+$0x440] =	vst v0  }
0x2b4: {  	s26 =	sadd.s32 $0x80, s26;
	s25 =	sadd.s32 $0x100, s25;
	[tilespmem:s24+$0x450] =	vst v0  }
0x2b5: {  	s28 =	sadd.s32 $0xFFFFFFFF, s28;
	s29 =	sand.u32 $0xFFFFF800, s25;
	s30 =	sand.u32 $0x380, s26;
	[tilespmem:s24+$0x460] =	vst v0  }
.LBB2_42:
0x2b6: {  	s25 =	sor.u32 s30, s29;
	[tilespmem:s24+$0x470] =	vst @p2 v0  }
0x2b7: {  	s31 =	sadd.s32 $0x10000, s25;
	[tilespmem:s25+$0x10000] =	vst v0  }
0x2b8: {  	[tilespmem:s31+$0x10] =	vst v0  }
0x2b9: {  	[tilespmem:s31+$0x20] =	vst v0  }
0x2ba: {  	[tilespmem:s31+$0x30] =	vst v0  }
0x2bb: {  	[tilespmem:s31+$0x40] =	vst v0  }
0x2bc: {  	[tilespmem:s31+$0x50] =	vst v0  }
0x2bd: {  	[tilespmem:s31+$0x60] =	vst v0  }
0x2be: {  	[tilespmem:s31+$0x70] =	vst v0  }
0x2bf: {  	[tilespmem:s31+$0x400] =	vst v0  }
0x2c0: {  	[tilespmem:s31+$0x410] =	vst v0  }
0x2c1: {  	[tilespmem:s31+$0x420] =	vst v0  }
0x2c2: {  	[tilespmem:s31+$0x430] =	vst v0  }
0x2c3: {  	[tilespmem:s31+$0x440] =	vst v0  }
0x2c4: {  	[tilespmem:s31+$0x450] =	vst v0  }
0x2c5: {  	[tilespmem:s31+$0x460] =	vst v0  }
0x2c6: {  	[tilespmem:s31+$0x470] =	vst v0  }
.LBB2_43:
0x2c7: {  	s22 =	sor.u32 $0x3, s22  }
0x2c8: {  	p2 =	slt.s32 s22, s18  }
.Ltmp35:
0x2c9: {  	_ = 	snop;
	(pc) =	sbr.rel @!p2 .LBB2_44-.Ltmp35, $1  }
0x2ca: {  	_ =	sdelay $0x3  }
.Ltmp36:
0x2cb: {  	(pc) =	sbr.rel @p0 .LBB2_54-.Ltmp36, $1  }
0x2cc: {  	_ =	sdelay $0x3  }
0x2cd: {  	s22 =	sshll.u32 s22, $0x7  }
0x2ce: {  	s24 =	sand.u32 $0x3800, s21;
	s22 =	sand.u32 $0x380, s22  }
0x2cf: {  	s24 =	sor.u32 s22, s24  }
0x2d0: {  	v15 =	vld [tilespmem:s24+$0x4000]  }
0x2d1: {  	v16 =	vld [tilespmem:s24+$0x4010]  }
0x2d2: {  	v14 =	vld [tilespmem:s24+$0x4020]  }
0x2d3: {  	v13 =	vld [tilespmem:s24+$0x4030]  }
0x2d4: {  	v12 =	vld [tilespmem:s24+$0x4040]  }
0x2d5: {  	v11 =	vld [tilespmem:s24+$0x4050]  }
0x2d6: {  	s21 =	sor.u32 s21, s22;
	v10 =	vld [tilespmem:s24+$0x4060]  }
0x2d7: {  	v9 =	vld [tilespmem:s24+$0x4070];
	s22 =	sor.u32 $0x400, s21  }
0x2d8: {  	s30 =	sor.u32 $0x410, s21;
	v7 =	vld [tilespmem:s22+$0x4000]  }
0x2d9: {  	s31 =	sor.u32 $0x420, s21;
	v8 =	vld [tilespmem:s30+$0x4000]  }
0x2da: {  	p3 =	seq.s32 s19, $0x1;
	s24 =	sor.u32 $0x430, s21;
	v6 =	vld [tilespmem:s31+$0x4000]  }
.Ltmp37:
0x2db: {  	s25 =	sor.u32 $0x440, s21;
	v5 =	vld [tilespmem:s24+$0x4000];
	(pc) =	sbr.rel @p3 .LBB2_50-.Ltmp37, $4  }
0x2dc: {  	s26 =	sor.u32 $0x450, s21;
	v3 =	vld [tilespmem:s25+$0x4000]  }
0x2dd: {  	s29 =	sor.u32 $0x460, s21;
	v1 =	vld [tilespmem:s26+$0x4000]  }
0x2de: {  	p2 =	por $0x0, $0x0;
	s30 =	sor.u32 $0x470, s21;
	v2 =	vld [tilespmem:s29+$0x4000];
	s31 =	simm.s32 $0x0  }
0x2df: {  	s21 =	sadd.s32 $0xFFFFFFFF, s19;
	v4 =	vld [tilespmem:s30+$0x4000];
	s25 =	sand.u32 $0xFFFFF800, s31;
	s28 =	sand.u32 $0x380, s31  }
0x2e0: {  	s22 =	sor.u32 s28, s25  }
0x2e1: {  	v17 =	vld [tilespmem:s22+$0x0]  }
0x2e2: {  	v18 =	vld [tilespmem:s22+$0x10];
	_ =	sdelay $0x3  }
0x2e3: {  	v17 =	vadd.f32 v17, v15  }
0x2e4: {  	v18 =	vadd.f32 v18, v16  }
0x2e5: {  	s24 =	sadd.s32 $0x14000, s22;
	[tilespmem:s22+$0x14000] =	vst v17  }
0x2e6: {  	[tilespmem:s24+$0x10] =	vst v18  }
0x2e7: {  	v17 =	vld [tilespmem:s22+$0x20];
	_ =	sdelay $0x4  }
0x2e8: {  	v17 =	vadd.f32 v17, v14;
	_ =	sdelay $0x1  }
0x2e9: {  	[tilespmem:s24+$0x20] =	vst v17  }
0x2ea: {  	v17 =	vld [tilespmem:s22+$0x30];
	_ =	sdelay $0x4  }
0x2eb: {  	v17 =	vadd.f32 v17, v13;
	_ =	sdelay $0x1  }
0x2ec: {  	[tilespmem:s24+$0x30] =	vst v17  }
0x2ed: {  	v17 =	vld [tilespmem:s22+$0x40];
	_ =	sdelay $0x4  }
0x2ee: {  	v17 =	vadd.f32 v17, v12;
	_ =	sdelay $0x1  }
0x2ef: {  	[tilespmem:s24+$0x40] =	vst v17  }
0x2f0: {  	v17 =	vld [tilespmem:s22+$0x50];
	_ =	sdelay $0x4  }
0x2f1: {  	v17 =	vadd.f32 v17, v11;
	_ =	sdelay $0x1  }
0x2f2: {  	[tilespmem:s24+$0x50] =	vst v17  }
0x2f3: {  	v17 =	vld [tilespmem:s22+$0x60];
	_ =	sdelay $0x4  }
0x2f4: {  	v17 =	vadd.f32 v17, v10;
	_ =	sdelay $0x1  }
0x2f5: {  	[tilespmem:s24+$0x60] =	vst v17  }
0x2f6: {  	v17 =	vld [tilespmem:s22+$0x70];
	_ =	sdelay $0x4  }
0x2f7: {  	v17 =	vadd.f32 v17, v9;
	_ =	sdelay $0x1  }
0x2f8: {  	[tilespmem:s24+$0x70] =	vst v17  }
0x2f9: {  	v17 =	vld [tilespmem:s22+$0x400]  }
0x2fa: {  	v18 =	vld [tilespmem:s22+$0x410];
	_ =	sdelay $0x3  }
0x2fb: {  	v17 =	vadd.f32 v17, v7  }
0x2fc: {  	v18 =	vadd.f32 v18, v8  }
0x2fd: {  	s26 =	sadd.s32 $0x14400, s22;
	[tilespmem:s22+$0x14400] =	vst v17  }
0x2fe: {  	[tilespmem:s26+$0x10] =	vst v18  }
0x2ff: {  	v17 =	vld [tilespmem:s22+$0x420];
	_ =	sdelay $0x4  }
0x300: {  	v17 =	vadd.f32 v17, v6;
	_ =	sdelay $0x1  }
0x301: {  	[tilespmem:s26+$0x20] =	vst v17  }
0x302: {  	v17 =	vld [tilespmem:s22+$0x430];
	_ =	sdelay $0x4  }
0x303: {  	v17 =	vadd.f32 v17, v5;
	_ =	sdelay $0x1  }
0x304: {  	[tilespmem:s26+$0x30] =	vst v17  }
0x305: {  	v17 =	vld [tilespmem:s22+$0x440];
	_ =	sdelay $0x4  }
0x306: {  	v17 =	vadd.f32 v17, v3;
	_ =	sdelay $0x1  }
0x307: {  	[tilespmem:s26+$0x40] =	vst v17  }
0x308: {  	v17 =	vld [tilespmem:s22+$0x450];
	_ =	sdelay $0x4  }
0x309: {  	v17 =	vadd.f32 v17, v1;
	_ =	sdelay $0x1  }
0x30a: {  	[tilespmem:s26+$0x50] =	vst v17  }
0x30b: {  	v17 =	vld [tilespmem:s22+$0x460];
	_ =	sdelay $0x4  }
0x30c: {  	v17 =	vadd.f32 v17, v2;
	_ =	sdelay $0x1  }
0x30d: {  	[tilespmem:s26+$0x60] =	vst v17  }
0x30e: {  	v17 =	vld [tilespmem:s22+$0x470]  }
0x30f: {  	p3 =	seq.s32 s21, $0x1  }
.Ltmp38:
0x310: {  	_ = 	snop;
	(pc) =	sbr.rel @p3 .LBB2_53-.Ltmp38, $3  }
0x311: {  	_ =	sdelay $0x1  }
0x312: {  	s21 =	sadd.s32 $0xFFFFFFFF, s21;
	s24 =	simm.s32 $0x100;
	s22 =	simm.s32 $0x80;
	v17 =	vadd.f32 v17, v4  }
0x313: {  	p2 =	por $0x1, $0x1;
	s25 =	sand.u32 $0xFFFFF800, s24;
	s28 =	sand.u32 $0x380, s22  }
.LBB2_52:
0x314: {  	p3 =	seq.s32 s21, $0x1;
	s21 =	sadd.s32 $0xFFFFFFFF, s21;
	s25 =	sor.u32 s28, s25;
	[tilespmem:s26+$0x70] =	vst v17  }
0x315: {  	v17 =	vld [tilespmem:s25+$0x0]  }
0x316: {  	v18 =	vld [tilespmem:s25+$0x10];
	_ =	sdelay $0x3  }
0x317: {  	v17 =	vadd.f32 v17, v15  }
0x318: {  	v18 =	vadd.f32 v18, v16  }
0x319: {  	s26 =	sadd.s32 $0x14000, s25;
	[tilespmem:s25+$0x14000] =	vst v17  }
0x31a: {  	[tilespmem:s26+$0x10] =	vst v18  }
0x31b: {  	v17 =	vld [tilespmem:s25+$0x20];
	_ =	sdelay $0x4  }
0x31c: {  	v17 =	vadd.f32 v17, v14;
	_ =	sdelay $0x1  }
0x31d: {  	[tilespmem:s26+$0x20] =	vst v17  }
0x31e: {  	v17 =	vld [tilespmem:s25+$0x30];
	_ =	sdelay $0x4  }
0x31f: {  	v17 =	vadd.f32 v17, v13;
	_ =	sdelay $0x1  }
0x320: {  	[tilespmem:s26+$0x30] =	vst v17  }
0x321: {  	v17 =	vld [tilespmem:s25+$0x40];
	_ =	sdelay $0x4  }
0x322: {  	v17 =	vadd.f32 v17, v12;
	_ =	sdelay $0x1  }
0x323: {  	[tilespmem:s26+$0x40] =	vst v17  }
0x324: {  	v17 =	vld [tilespmem:s25+$0x50];
	_ =	sdelay $0x4  }
0x325: {  	v17 =	vadd.f32 v17, v11;
	_ =	sdelay $0x1  }
0x326: {  	[tilespmem:s26+$0x50] =	vst v17  }
0x327: {  	v17 =	vld [tilespmem:s25+$0x60];
	_ =	sdelay $0x4  }
0x328: {  	v17 =	vadd.f32 v17, v10;
	_ =	sdelay $0x1  }
0x329: {  	[tilespmem:s26+$0x60] =	vst v17  }
0x32a: {  	v17 =	vld [tilespmem:s25+$0x70];
	_ =	sdelay $0x4  }
0x32b: {  	v17 =	vadd.f32 v17, v9;
	_ =	sdelay $0x1  }
0x32c: {  	[tilespmem:s26+$0x70] =	vst v17  }
0x32d: {  	v17 =	vld [tilespmem:s25+$0x400]  }
0x32e: {  	v18 =	vld [tilespmem:s25+$0x410];
	_ =	sdelay $0x3  }
0x32f: {  	v17 =	vadd.f32 v17, v7  }
0x330: {  	v18 =	vadd.f32 v18, v8  }
0x331: {  	s26 =	sadd.s32 $0x14400, s25;
	[tilespmem:s25+$0x14400] =	vst v17  }
0x332: {  	[tilespmem:s26+$0x10] =	vst v18  }
0x333: {  	v17 =	vld [tilespmem:s25+$0x420];
	_ =	sdelay $0x4  }
0x334: {  	v17 =	vadd.f32 v17, v6;
	_ =	sdelay $0x1  }
0x335: {  	[tilespmem:s26+$0x20] =	vst v17  }
0x336: {  	v17 =	vld [tilespmem:s25+$0x430];
	_ =	sdelay $0x4  }
0x337: {  	v17 =	vadd.f32 v17, v5;
	_ =	sdelay $0x1  }
0x338: {  	[tilespmem:s26+$0x30] =	vst v17  }
0x339: {  	v17 =	vld [tilespmem:s25+$0x440];
	_ =	sdelay $0x4  }
0x33a: {  	v17 =	vadd.f32 v17, v3;
	_ =	sdelay $0x1  }
0x33b: {  	[tilespmem:s26+$0x40] =	vst v17  }
0x33c: {  	v17 =	vld [tilespmem:s25+$0x450];
	_ =	sdelay $0x4  }
0x33d: {  	v17 =	vadd.f32 v17, v1;
	_ =	sdelay $0x1  }
0x33e: {  	[tilespmem:s26+$0x50] =	vst v17  }
0x33f: {  	v17 =	vld [tilespmem:s25+$0x460];
	_ =	sdelay $0x4  }
0x340: {  	v17 =	vadd.f32 v17, v2;
	_ =	sdelay $0x1  }
0x341: {  	[tilespmem:s26+$0x60] =	vst v17  }
0x342: {  	v17 =	vld [tilespmem:s25+$0x470];
	_ =	sdelay $0x1  }
.Ltmp39:
0x343: {  	(pc) =	sbr.rel @!p3 .LBB2_52-.Ltmp39, $3  }
0x344: {  	_ =	sdelay $0x1  }
0x345: {  	s22 =	sadd.s32 $0x80, s22;
	s24 =	sadd.s32 $0x100, s24;
	v17 =	vadd.f32 v17, v4  }
0x346: {  	s28 =	sand.u32 $0x380, s22;
	s25 =	sand.u32 $0xFFFFF800, s24  }
.Ltmp40:
0x347: {  	_ = 	snop;
	(pc) =	sbr.rel .LBB2_53-.Ltmp40, $1  }
0x348: {  	_ =	sdelay $0x3  }
.LBB2_44:
.Ltmp41:
0x349: {  	(pc) =	sbr.rel @!p1 .LBB2_54-.Ltmp41, $2  }
0x34a: {  	_ =	sdelay $0x2  }
0x34b: {  	s24 =	simm.s32 $0x0  }
0x34c: {  	s21 =	sand.u32 $0xFFFFF800, s24;
	s22 =	sand.u32 $0x380, s24  }
0x34d: {  	s21 =	sor.u32 s22, s21  }
0x34e: {  	s22 =	sadd.s32 $0x14000, s21;
	[tilespmem:s21+$0x14000] =	vst v0  }
0x34f: {  	[tilespmem:s22+$0x60] =	vst v0  }
0x350: {  	[tilespmem:s22+$0x70] =	vst v0  }
0x351: {  	[tilespmem:s22+$0x40] =	vst v0  }
0x352: {  	[tilespmem:s22+$0x30] =	vst v0  }
0x353: {  	[tilespmem:s22+$0x20] =	vst v0  }
0x354: {  	[tilespmem:s22+$0x10] =	vst v0  }
0x355: {  	s25 =	sadd.s32 $0x14400, s21;
	[tilespmem:s22+$0x50] =	vst v0  }
0x356: {  	p2 =	sne.s32 s19, $0x1;
	[tilespmem:s25+$0x60] =	vst v0  }
.Ltmp42:
0x357: {  	[tilespmem:s25+$0x50] =	vst v0;
	(pc) =	sbr.rel @!p2 .LBB2_47-.Ltmp42, $4  }
0x358: {  	[tilespmem:s25+$0x40] =	vst v0  }
0x359: {  	[tilespmem:s21+$0x14400] =	vst v0  }
0x35a: {  	[tilespmem:s25+$0x30] =	vst v0  }
0x35b: {  	s22 =	sadd.s32 $0x80, s24;
	s24 =	sadd.s32 $0x100, s24;
	s21 =	sadd.s32 $0xFFFFFFFF, s19;
	[tilespmem:s25+$0x20] =	vst v0  }
.LBB2_46:
0x35c: {  	s26 =	sand.u32 $0xFFFFF800, s24;
	s28 =	sand.u32 $0x380, s22;
	p2 =	sne.s32 s21, $0x1;
	[tilespmem:s25+$0x10] =	vst v0  }
0x35d: {  	s21 =	sadd.s32 $0xFFFFFFFF, s21;
	s26 =	sor.u32 s28, s26;
	[tilespmem:s25+$0x70] =	vst v0  }
0x35e: {  	s25 =	sadd.s32 $0x14000, s26;
	[tilespmem:s26+$0x14000] =	vst v0  }
0x35f: {  	[tilespmem:s25+$0x60] =	vst v0  }
0x360: {  	[tilespmem:s25+$0x70] =	vst v0  }
0x361: {  	[tilespmem:s25+$0x40] =	vst v0  }
0x362: {  	[tilespmem:s25+$0x30] =	vst v0  }
0x363: {  	[tilespmem:s25+$0x20] =	vst v0  }
0x364: {  	[tilespmem:s25+$0x10] =	vst v0  }
0x365: {  	[tilespmem:s25+$0x50] =	vst v0;
	s25 =	sadd.s32 $0x14400, s26  }
0x366: {  	[tilespmem:s25+$0x60] =	vst v0  }
.Ltmp43:
0x367: {  	[tilespmem:s25+$0x50] =	vst v0;
	(pc) =	sbr.rel @p2 .LBB2_46-.Ltmp43, $4  }
0x368: {  	[tilespmem:s25+$0x40] =	vst v0  }
0x369: {  	[tilespmem:s26+$0x14400] =	vst v0  }
0x36a: {  	[tilespmem:s25+$0x30] =	vst v0  }
0x36b: {  	s22 =	sadd.s32 $0x80, s22;
	s24 =	sadd.s32 $0x100, s24;
	[tilespmem:s25+$0x20] =	vst v0  }
.LBB2_47:
.Ltmp44:
0x36c: {  	(pc) =	sbr.rel .LBB2_54-.Ltmp44, $3  }
0x36d: {  	_ =	sdelay $0x1  }
0x36e: {  	[tilespmem:s25+$0x10] =	vst v0  }
0x36f: {  	[tilespmem:s25+$0x70] =	vst v0  }
.LBB2_10:
.Ltmp45:
0x370: {  	(pc) =	sbr.rel .LBB2_13-.Ltmp45, $2  }
0x371: {  	_ =	sdelay $0x2  }
0x372: {  	_ = 	snop  }
.LBB2_7:
.Ltmp46:
0x373: {  	(pc) =	sbr.rel .LBB2_16-.Ltmp46, $2  }
0x374: {  	_ =	sdelay $0x2  }
0x375: {  	_ = 	snop  }
.LBB2_23:
.Ltmp47:
0x376: {  	(pc) =	sbr.rel .LBB2_26-.Ltmp47, $2  }
0x377: {  	_ =	sdelay $0x2  }
0x378: {  	_ = 	snop  }
.LBB2_20:
.Ltmp48:
0x379: {  	(pc) =	sbr.rel .LBB2_29-.Ltmp48, $2  }
0x37a: {  	_ =	sdelay $0x2  }
0x37b: {  	_ = 	snop  }
.LBB2_36:
.Ltmp49:
0x37c: {  	(pc) =	sbr.rel .LBB2_39-.Ltmp49, $2  }
0x37d: {  	_ =	sdelay $0x2  }
0x37e: {  	_ = 	snop  }
.LBB2_33:
.Ltmp50:
0x37f: {  	(pc) =	sbr.rel .LBB2_42-.Ltmp50, $2  }
0x380: {  	_ =	sdelay $0x2  }
0x381: {  	_ = 	snop  }
.LBB2_56:
0x382: {  	_ =	sfence.sel $0x180000  }
0x383: {  	[bflag:$0x0] =	sbarrier.arrive $0xFFFF  }
0x384: {  	p0 =	sne.s32 s2, $0x0;
	_ =	strace $0x90000047  }
0x385: {  	s0 =	sadd.s32 @!p0 $0x100000, s0;
	[bflag:$0x2] =	sbarrier.arrive $0xFFFF  }
0x386: {  	[sflag:s0] =	ssyncadd.tile.s32 @!p0 $0x1;
	_ =	shalt  }
.Lfunc_end2:
_tile_overlayer_lowered:
.L_overlay_start_2:
0x387: {  	(tag) =	ssettag $0x2  }
0x388: {  	s0 =	rddreg [dreg:$0x0];
	s2 =	stileid.u32  }
0x389: {  	s1 =	rddreg [dreg:$0x1];
	p0 =	sne.s32 s2, $0x0  }
0x38a: {  	s3 =	rddreg [dreg:$0x2];
	[bflag:$0x3] =	sbarrier.arrive $0xFFFF;
	s2 =	simm.s32 @!p0 $0x1C03  }
0x38b: {  	[timem:s3], [sflag:s2] =	dma.local @!p0 [hbm:s0], s1  }
0x38c: {  	s0 =	simm.s32 @!p0 $0x3  }
0x38d: {  	_ =	swait.ge @!p0 [sflag:s0], s1  }
0x38e: {  	s1 =	ssub.s32 @!p0 $0x0, s1;
	[sflag:s0] =	ssyncset.done @!p0 $0x0  }
0x38f: {  	[sflag:s0] =	ssyncadd.s32 @!p0 s1  }
0x390: {  	[bflag:$0x3] =	sbarrier.arrive $0xFFFF  }
0x391: {  	_ =	shalt  }

</sc_bundles>
